<compile_context>
chip_gen: v7x
topology: tpu7x:2x2x1
jax: 0.10.2.dev20260603
libtpu: 0.0.44.dev20260713+nightly
codegen_flags: <defaults>
</compile_context>

<pallas_src>
import functools

import jax
import jax.numpy as jnp
from jax import lax
from jax.experimental import pallas as pl
from jax.experimental.pallas import tpu as pltpu
from jax.experimental.pallas import tpu_sc as plsc

B, S, D = 4, 4096, 1024
NC, NS = 2, 16
NW = NC * NS
ROWS_PER_W = S // NW
LANES = 16
DV = D // LANES
_SHIFT_DV = DV.bit_length() - 1

_sc_mesh = plsc.VectorSubcoreMesh(core_axis_name="c", subcore_axis_name="s")


def _make_sc_add(nb: int, b0: int, c_rows: int):
    nch = ROWS_PER_W // c_rows

    @functools.partial(
        pl.kernel,
        out_type=jax.ShapeDtypeStruct((nb, S, D), jnp.float32),
        mesh=_sc_mesh,
        scratch_types=[
            pltpu.VMEM((3, c_rows, D), jnp.float32),
            pltpu.VMEM((3, nb, c_rows, D), jnp.float32),
            pltpu.SemaphoreType.DMA,
            pltpu.SemaphoreType.DMA,
            pltpu.SemaphoreType.DMA,
            pltpu.SemaphoreType.DMA,
            pltpu.SemaphoreType.DMA,
            pltpu.SemaphoreType.DMA,
        ],
    )
    def sc_add(x_hbm, emb_hbm, out_hbm, ebuf, xbuf,
               isem0, isem1, isem2, osem0, osem1, osem2):
        cid = lax.axis_index("c")
        sid = lax.axis_index("s")
        wid = sid * NC + cid
        row_base = wid * ROWS_PER_W
        isems = (isem0, isem1, isem2)
        osems = (osem0, osem1, osem2)

        def in_cps(k, p):
            r0 = row_base + k * c_rows
            return [
                pltpu.make_async_copy(
                    emb_hbm.at[pl.ds(r0, c_rows)], ebuf.at[p], isems[p]),
                pltpu.make_async_copy(
                    x_hbm.at[pl.ds(b0, nb), pl.ds(r0, c_rows)], xbuf.at[p],
                    isems[p]),
            ]

        def out_cp(k, p):
            r0 = row_base + k * c_rows
            return pltpu.make_async_copy(
                xbuf.at[p], out_hbm.at[:, pl.ds(r0, c_rows)], osems[p])

        def compute(p):
            @plsc.parallel_loop(0, c_rows * DV, unroll=8)
            def _(i):
                r = lax.shift_right_logical(i, _SHIFT_DV)
                sl = pl.ds((i & (DV - 1)) * LANES, LANES)
                e = ebuf[p, r, sl]
                for b in range(nb):
                    xbuf[p, b, r, sl] = xbuf[p, b, r, sl] + e

        for cp in in_cps(0, 0):
            cp.start()
        for k in range(nch):
            p = k % 3
            nxt = k + 1
            if nxt < nch:
                q = nxt % 3
                if k >= 2:
                    out_cp(k - 2, q).wait()
                for cp in in_cps(nxt, q):
                    cp.start()
            for cp in in_cps(k, p):
                cp.wait()
            compute(p)
            out_cp(k, p).start()
        for j in range(max(0, nch - 3), nch):
            out_cp(j, j % 3).wait()

    return sc_add


_sc_add_full = _make_sc_add(B, 0, 8)


def kernel(x, emb_table):
    return _sc_add_full(x, emb_table)

# --- scband reference (transcript-rebuilt; emitter-appended) ---
"""Pipeline reference for scband-abs-pos-embedding-17781164605696 (READ-ONLY COPY).

The authoritative reference and input builder live on the scoring server;
editing this copy changes nothing except your own understanding.
"""

import jax, jax.numpy as jnp
import numpy as np

MAX_SEQ_LEN = 8192
DIM = 1024
BATCH = 4
SEQ_LEN = 4096


def setup_inputs(seed: int = 0) -> dict:
    key = jax.random.key(seed)
    kx, kemb = jax.random.split(key)
    x = jax.random.normal(kx, (BATCH, SEQ_LEN, DIM), dtype=jnp.float32)
    # nn.Embedding default init: N(0, 1)
    emb_table = jax.random.normal(kemb, (MAX_SEQ_LEN, DIM), dtype=jnp.float32)
    return {"x": x, "emb_table": emb_table}


def reference(x, emb_table):
    # pos_ids = arange(max_seq_len)[None, :] sliced to x_len
    x_len = x.shape[1]
    pos_ids = jnp.arange(MAX_SEQ_LEN)[None, :][:, :x_len]  # [1, x_len]
    pos_emb = jnp.take(emb_table, pos_ids, axis=0)  # [1, x_len, dim]
    return x + pos_emb

if __name__ == "__main__":
    import jax
    _d = setup_inputs()
    print(jax.jit(kernel)(*tuple(_d.values())))

</pallas_src>

<mosaic_0001>
#map = affine_map<(d0, d1) -> (0, 0, 0)>
#map1 = affine_map<(d0, d1) -> (0, 0)>
module attributes {stable_mosaic.version = 14 : i64} {
  func.func @sc_add(%arg0: i32, %arg1: i32, %arg2: memref<4x4096x1024xf32, #tpu.memory_space<hbm>>, %arg3: memref<8192x1024xf32, #tpu.memory_space<hbm>>, %arg4: memref<4x4096x1024xf32, #tpu.memory_space<hbm>>, %arg5: memref<3x8x1024xf32, #tpu.memory_space<vmem>>, %arg6: memref<3x4x8x1024xf32, #tpu.memory_space<vmem>>, %arg7: memref<!tpu.dma_semaphore, #tpu.memory_space<semaphore_mem>>, %arg8: memref<!tpu.dma_semaphore, #tpu.memory_space<semaphore_mem>>, %arg9: memref<!tpu.dma_semaphore, #tpu.memory_space<semaphore_mem>>, %arg10: memref<!tpu.dma_semaphore, #tpu.memory_space<semaphore_mem>>, %arg11: memref<!tpu.dma_semaphore, #tpu.memory_space<semaphore_mem>>, %arg12: memref<!tpu.dma_semaphore, #tpu.memory_space<semaphore_mem>>) attributes {dimension_semantics = [#tpu.dimension_semantics<core_parallel>, #tpu.dimension_semantics<subcore_parallel>], iteration_bounds = array<i64: 2, 16>, scalar_prefetch = 0 : i64, scratch_operands = 8 : i64, tpu.core_type = #tpu.core_type<sc_vector_subcore>, window_params = [{transform_indices = #map}, {transform_indices = #map1}, {transform_indices = #map}]} {
    %mul3A = arith.constant 2 : i32
    %mul3A_0 = arith.muli %arg1, %mul3A : i32
    %add3A = arith.addi %mul3A_0, %arg0 : i32
    %mul3A_1 = arith.constant 128 : i32
    %mul3A_2 = arith.muli %add3A, %mul3A_1 : i32
    %add3A_3 = arith.constant 0 : i32
    %add3A_4 = arith.addi %mul3A_2, %add3A_3 : i32
    %dma_start3A = arith.constant 0 : i32
    %dma_start3A_5 = arith.constant 0 : i32
    %dma_start3A_6 = arith.constant 0 : i32
    %dma_start3A_7 = tpu.memref_slice %arg5[%dma_start3A, %dma_start3A_5, %dma_start3A_6] : memref<3x8x1024xf32, #tpu.memory_space<vmem>> -> memref<1x8x1024xf32, #tpu.memory_space<vmem>>
    %dma_start3A_8 = tpu.memref_squeeze %dma_start3A_7 : memref<1x8x1024xf32, #tpu.memory_space<vmem>> -> memref<8x1024xf32, #tpu.memory_space<vmem>>
    %dma_start3A_9 = arith.constant 0 : i32
    %dma_start3A_10 = tpu.memref_slice %arg3[%add3A_4, %dma_start3A_9] : memref<8192x1024xf32, #tpu.memory_space<hbm>> -> memref<8x1024xf32, #tpu.memory_space<hbm>>
    %dma_start3A_11 = arith.constant 0 : i32
    %dma_start3A_12 = arith.constant 0 : i32
    %dma_start3A_13 = tpu.memref_slice %arg5[%dma_start3A, %dma_start3A_11, %dma_start3A_12] : memref<3x8x1024xf32, #tpu.memory_space<vmem>> -> memref<1x8x1024xf32, #tpu.memory_space<vmem>>
    %dma_start3A_14 = tpu.memref_squeeze %dma_start3A_13 : memref<1x8x1024xf32, #tpu.memory_space<vmem>> -> memref<8x1024xf32, #tpu.memory_space<vmem>>
    %dma_start3A_15 = arith.constant 0 : i32
    %dma_start3A_16 = tpu.memref_slice %arg3[%add3A_4, %dma_start3A_15] : memref<8192x1024xf32, #tpu.memory_space<hbm>> -> memref<8x1024xf32, #tpu.memory_space<hbm>>
    tpu.enqueue_dma source(%dma_start3A_16 : memref<8x1024xf32, #tpu.memory_space<hbm>>) target(%dma_start3A_14 : memref<8x1024xf32, #tpu.memory_space<vmem>>) target_semaphore(%arg7 : memref<!tpu.dma_semaphore, #tpu.memory_space<semaphore_mem>>)
    %dma_start3A_17 = arith.constant 0 : i32
    %dma_start3A_18 = arith.constant 0 : i32
    %dma_start3A_19 = arith.constant 0 : i32
    %dma_start3A_20 = arith.constant 0 : i32
    %dma_start3A_21 = tpu.memref_slice %arg6[%dma_start3A_17, %dma_start3A_18, %dma_start3A_19, %dma_start3A_20] : memref<3x4x8x1024xf32, #tpu.memory_space<vmem>> -> memref<1x4x8x1024xf32, #tpu.memory_space<vmem>>
    %dma_start3A_22 = tpu.memref_squeeze %dma_start3A_21 : memref<1x4x8x1024xf32, #tpu.memory_space<vmem>> -> memref<4x8x1024xf32, #tpu.memory_space<vmem>>
    %dma_start3A_23 = arith.constant 0 : i32
    %dma_start3A_24 = arith.constant 0 : i32
    %dma_start3A_25 = tpu.memref_slice %arg2[%dma_start3A_23, %add3A_4, %dma_start3A_24] : memref<4x4096x1024xf32, #tpu.memory_space<hbm>> -> memref<4x8x1024xf32, #tpu.memory_space<hbm>>
    %dma_start3A_26 = arith.constant 0 : i32
    %dma_start3A_27 = arith.constant 0 : i32
    %dma_start3A_28 = arith.constant 0 : i32
    %dma_start3A_29 = tpu.memref_slice %arg6[%dma_start3A_17, %dma_start3A_26, %dma_start3A_27, %dma_start3A_28] : memref<3x4x8x1024xf32, #tpu.memory_space<vmem>> -> memref<1x4x8x1024xf32, #tpu.memory_space<vmem>>
    %dma_start3A_30 = tpu.memref_squeeze %dma_start3A_29 : memref<1x4x8x1024xf32, #tpu.memory_space<vmem>> -> memref<4x8x1024xf32, #tpu.memory_space<vmem>>
    %dma_start3A_31 = arith.constant 0 : i32
    %dma_start3A_32 = arith.constant 0 : i32
    %dma_start3A_33 = tpu.memref_slice %arg2[%dma_start3A_31, %add3A_4, %dma_start3A_32] : memref<4x4096x1024xf32, #tpu.memory_space<hbm>> -> memref<4x8x1024xf32, #tpu.memory_space<hbm>>
    tpu.enqueue_dma source(%dma_start3A_33 : memref<4x8x1024xf32, #tpu.memory_space<hbm>>) target(%dma_start3A_30 : memref<4x8x1024xf32, #tpu.memory_space<vmem>>) target_semaphore(%arg7 : memref<!tpu.dma_semaphore, #tpu.memory_space<semaphore_mem>>)
    %add3A_34 = arith.constant 8 : i32
    %add3A_35 = arith.addi %mul3A_2, %add3A_34 : i32
    %dma_start3A_36 = arith.constant 1 : i32
    %dma_start3A_37 = arith.constant 0 : i32
    %dma_start3A_38 = arith.constant 0 : i32
    %dma_start3A_39 = tpu.memref_slice %arg5[%dma_start3A_36, %dma_start3A_37, %dma_start3A_38] : memref<3x8x1024xf32, #tpu.memory_space<vmem>> -> memref<1x8x1024xf32, #tpu.memory_space<vmem>>
    %dma_start3A_40 = tpu.memref_squeeze %dma_start3A_39 : memref<1x8x1024xf32, #tpu.memory_space<vmem>> -> memref<8x1024xf32, #tpu.memory_space<vmem>>
    %dma_start3A_41 = arith.constant 0 : i32
    %dma_start3A_42 = tpu.memref_slice %arg3[%add3A_35, %dma_start3A_41] : memref<8192x1024xf32, #tpu.memory_space<hbm>> -> memref<8x1024xf32, #tpu.memory_space<hbm>>
    %dma_start3A_43 = arith.constant 0 : i32
    %dma_start3A_44 = arith.constant 0 : i32
    %dma_start3A_45 = tpu.memref_slice %arg5[%dma_start3A_36, %dma_start3A_43, %dma_start3A_44] : memref<3x8x1024xf32, #tpu.memory_space<vmem>> -> memref<1x8x1024xf32, #tpu.memory_space<vmem>>
    %dma_start3A_46 = tpu.memref_squeeze %dma_start3A_45 : memref<1x8x1024xf32, #tpu.memory_space<vmem>> -> memref<8x1024xf32, #tpu.memory_space<vmem>>
    %dma_start3A_47 = arith.constant 0 : i32
    %dma_start3A_48 = tpu.memref_slice %arg3[%add3A_35, %dma_start3A_47] : memref<8192x1024xf32, #tpu.memory_space<hbm>> -> memref<8x1024xf32, #tpu.memory_space<hbm>>
    tpu.enqueue_dma source(%dma_start3A_48 : memref<8x1024xf32, #tpu.memory_space<hbm>>) target(%dma_start3A_46 : memref<8x1024xf32, #tpu.memory_space<vmem>>) target_semaphore(%arg8 : memref<!tpu.dma_semaphore, #tpu.memory_space<semaphore_mem>>)
    %dma_start3A_49 = arith.constant 1 : i32
    %dma_start3A_50 = arith.constant 0 : i32
    %dma_start3A_51 = arith.constant 0 : i32
    %dma_start3A_52 = arith.constant 0 : i32
    %dma_start3A_53 = tpu.memref_slice %arg6[%dma_start3A_49, %dma_start3A_50, %dma_start3A_51, %dma_start3A_52] : memref<3x4x8x1024xf32, #tpu.memory_space<vmem>> -> memref<1x4x8x1024xf32, #tpu.memory_space<vmem>>
    %dma_start3A_54 = tpu.memref_squeeze %dma_start3A_53 : memref<1x4x8x1024xf32, #tpu.memory_space<vmem>> -> memref<4x8x1024xf32, #tpu.memory_space<vmem>>
    %dma_start3A_55 = arith.constant 0 : i32
    %dma_start3A_56 = arith.constant 0 : i32
    %dma_start3A_57 = tpu.memref_slice %arg2[%dma_start3A_55, %add3A_35, %dma_start3A_56] : memref<4x4096x1024xf32, #tpu.memory_space<hbm>> -> memref<4x8x1024xf32, #tpu.memory_space<hbm>>
    %dma_start3A_58 = arith.constant 0 : i32
    %dma_start3A_59 = arith.constant 0 : i32
    %dma_start3A_60 = arith.constant 0 : i32
    %dma_start3A_61 = tpu.memref_slice %arg6[%dma_start3A_49, %dma_start3A_58, %dma_start3A_59, %dma_start3A_60] : memref<3x4x8x1024xf32, #tpu.memory_space<vmem>> -> memref<1x4x8x1024xf32, #tpu.memory_space<vmem>>
    %dma_start3A_62 = tpu.memref_squeeze %dma_start3A_61 : memref<1x4x8x1024xf32, #tpu.memory_space<vmem>> -> memref<4x8x1024xf32, #tpu.memory_space<vmem>>
    %dma_start3A_63 = arith.constant 0 : i32
    %dma_start3A_64 = arith.constant 0 : i32
    %dma_start3A_65 = tpu.memref_slice %arg2[%dma_start3A_63, %add3A_35, %dma_start3A_64] : memref<4x4096x1024xf32, #tpu.memory_space<hbm>> -> memref<4x8x1024xf32, #tpu.memory_space<hbm>>
    tpu.enqueue_dma source(%dma_start3A_65 : memref<4x8x1024xf32, #tpu.memory_space<hbm>>) target(%dma_start3A_62 : memref<4x8x1024xf32, #tpu.memory_space<vmem>>) target_semaphore(%arg8 : memref<!tpu.dma_semaphore, #tpu.memory_space<semaphore_mem>>)
    %add3A_66 = arith.constant 0 : i32
    %add3A_67 = arith.addi %mul3A_2, %add3A_66 : i32
    %dma_wait3A = arith.constant 0 : i32
    %dma_wait3A_68 = arith.constant 0 : i32
    %dma_wait3A_69 = arith.constant 0 : i32
    %dma_wait3A_70 = tpu.memref_slice %arg5[%dma_wait3A, %dma_wait3A_68, %dma_wait3A_69] : memref<3x8x1024xf32, #tpu.memory_space<vmem>> -> memref<1x8x1024xf32, #tpu.memory_space<vmem>>
    %dma_wait3A_71 = tpu.memref_squeeze %dma_wait3A_70 : memref<1x8x1024xf32, #tpu.memory_space<vmem>> -> memref<8x1024xf32, #tpu.memory_space<vmem>>
    %dma_wait3A_72 = arith.constant 0 : i32
    %dma_wait3A_73 = tpu.memref_slice %arg3[%add3A_67, %dma_wait3A_72] : memref<8192x1024xf32, #tpu.memory_space<hbm>> -> memref<8x1024xf32, #tpu.memory_space<hbm>>
    %dma_wait3A_74 = arith.constant 0 : i32
    %dma_wait3A_75 = arith.constant 0 : i32
    %dma_wait3A_76 = tpu.memref_slice %arg5[%dma_wait3A, %dma_wait3A_74, %dma_wait3A_75] : memref<3x8x1024xf32, #tpu.memory_space<vmem>> -> memref<1x8x1024xf32, #tpu.memory_space<vmem>>
    %dma_wait3A_77 = tpu.memref_squeeze %dma_wait3A_76 : memref<1x8x1024xf32, #tpu.memory_space<vmem>> -> memref<8x1024xf32, #tpu.memory_space<vmem>>
    %dma_wait3A_78 = arith.constant 0 : i32
    %dma_wait3A_79 = tpu.memref_slice %arg3[%add3A_67, %dma_wait3A_78] : memref<8192x1024xf32, #tpu.memory_space<hbm>> -> memref<8x1024xf32, #tpu.memory_space<hbm>>
    tpu.wait_dma2 semaphore(%arg7 : memref<!tpu.dma_semaphore, #tpu.memory_space<semaphore_mem>>) src(%dma_wait3A_79 : memref<8x1024xf32, #tpu.memory_space<hbm>>) dst(%dma_wait3A_77 : memref<8x1024xf32, #tpu.memory_space<vmem>>)
    %dma_wait3A_80 = arith.constant 0 : i32
    %dma_wait3A_81 = arith.constant 0 : i32
    %dma_wait3A_82 = arith.constant 0 : i32
    %dma_wait3A_83 = arith.constant 0 : i32
    %dma_wait3A_84 = tpu.memref_slice %arg6[%dma_wait3A_80, %dma_wait3A_81, %dma_wait3A_82, %dma_wait3A_83] : memref<3x4x8x1024xf32, #tpu.memory_space<vmem>> -> memref<1x4x8x1024xf32, #tpu.memory_space<vmem>>
    %dma_wait3A_85 = tpu.memref_squeeze %dma_wait3A_84 : memref<1x4x8x1024xf32, #tpu.memory_space<vmem>> -> memref<4x8x1024xf32, #tpu.memory_space<vmem>>
    %dma_wait3A_86 = arith.constant 0 : i32
    %dma_wait3A_87 = arith.constant 0 : i32
    %dma_wait3A_88 = tpu.memref_slice %arg2[%dma_wait3A_86, %add3A_67, %dma_wait3A_87] : memref<4x4096x1024xf32, #tpu.memory_space<hbm>> -> memref<4x8x1024xf32, #tpu.memory_space<hbm>>
    %dma_wait3A_89 = arith.constant 0 : i32
    %dma_wait3A_90 = arith.constant 0 : i32
    %dma_wait3A_91 = arith.constant 0 : i32
    %dma_wait3A_92 = tpu.memref_slice %arg6[%dma_wait3A_80, %dma_wait3A_89, %dma_wait3A_90, %dma_wait3A_91] : memref<3x4x8x1024xf32, #tpu.memory_space<vmem>> -> memref<1x4x8x1024xf32, #tpu.memory_space<vmem>>
    %dma_wait3A_93 = tpu.memref_squeeze %dma_wait3A_92 : memref<1x4x8x1024xf32, #tpu.memory_space<vmem>> -> memref<4x8x1024xf32, #tpu.memory_space<vmem>>
    %dma_wait3A_94 = arith.constant 0 : i32
    %dma_wait3A_95 = arith.constant 0 : i32
    %dma_wait3A_96 = tpu.memref_slice %arg2[%dma_wait3A_94, %add3A_67, %dma_wait3A_95] : memref<4x4096x1024xf32, #tpu.memory_space<hbm>> -> memref<4x8x1024xf32, #tpu.memory_space<hbm>>
    tpu.wait_dma2 semaphore(%arg7 : memref<!tpu.dma_semaphore, #tpu.memory_space<semaphore_mem>>) src(%dma_wait3A_96 : memref<4x8x1024xf32, #tpu.memory_space<hbm>>) dst(%dma_wait3A_93 : memref<4x8x1024xf32, #tpu.memory_space<vmem>>)
    %parallel_loop3A = arith.constant 0 : i32
    %parallel_loop3A_97 = arith.constant 512 : i32
    %parallel_loop3A_98 = arith.constant 1 : i32
    scf.for %parallel_loop3A_1680 = %parallel_loop3A to %parallel_loop3A_97 step %parallel_loop3A_98  : i32 {
      %parallel_loop3A_1681 = arith.constant 6 : i32
      %parallel_loop3A_1682 = arith.shrui %parallel_loop3A_1680, %parallel_loop3A_1681 : i32
      %parallel_loop3A_1683 = arith.constant 63 : i32
      %parallel_loop3A_1684 = arith.andi %parallel_loop3A_1680, %parallel_loop3A_1683 : i32
      %parallel_loop3A_1685 = arith.constant 16 : i32
      %parallel_loop3A_1686 = arith.muli %parallel_loop3A_1684, %parallel_loop3A_1685 : i32
      %parallel_loop3A_1687 = arith.constant 0 : i32
      %parallel_loop3A_1688 = arith.index_cast %parallel_loop3A_1687 : i32 to index
      %parallel_loop3A_1689 = arith.index_cast %parallel_loop3A_1682 : i32 to index
      %parallel_loop3A_1690 = arith.index_cast %parallel_loop3A_1686 : i32 to index
      %parallel_loop3A_1691 = tpu.vector_load %arg5[%parallel_loop3A_1688, %parallel_loop3A_1689, %parallel_loop3A_1690] {strides = array<i32>} : memref<3x8x1024xf32, #tpu.memory_space<vmem>>, vector<1x1x16xf32>,
      %parallel_loop3A_1692 = vector.shape_cast %parallel_loop3A_1691 : vector<1x1x16xf32> to vector<16xf32>
      %parallel_loop3A_1693 = arith.constant 0 : i32
      %parallel_loop3A_1694 = arith.constant 0 : i32
      %parallel_loop3A_1695 = arith.index_cast %parallel_loop3A_1693 : i32 to index
      %parallel_loop3A_1696 = arith.index_cast %parallel_loop3A_1694 : i32 to index
      %parallel_loop3A_1697 = arith.index_cast %parallel_loop3A_1682 : i32 to index
      %parallel_loop3A_1698 = arith.index_cast %parallel_loop3A_1686 : i32 to index
      %parallel_loop3A_1699 = tpu.vector_load %arg6[%parallel_loop3A_1695, %parallel_loop3A_1696, %parallel_loop3A_1697, %parallel_loop3A_1698] {strides = array<i32>} : memref<3x4x8x1024xf32, #tpu.memory_space<vmem>>, vector<1x1x1x16xf32>,
      %parallel_loop3A_1700 = vector.shape_cast %parallel_loop3A_1699 : vector<1x1x1x16xf32> to vector<16xf32>
      %parallel_loop3A_1701 = arith.addf %parallel_loop3A_1700, %parallel_loop3A_1692 : vector<16xf32>
      %parallel_loop3A_1702 = arith.constant 0 : i32
      %parallel_loop3A_1703 = arith.constant 0 : i32
      %parallel_loop3A_1704 = arith.index_cast %parallel_loop3A_1702 : i32 to index
      %parallel_loop3A_1705 = arith.index_cast %parallel_loop3A_1703 : i32 to index
      %parallel_loop3A_1706 = arith.index_cast %parallel_loop3A_1682 : i32 to index
      %parallel_loop3A_1707 = arith.index_cast %parallel_loop3A_1686 : i32 to index
      %parallel_loop3A_1708 = tpu.vector_load %arg6[%parallel_loop3A_1704, %parallel_loop3A_1705, %parallel_loop3A_1706, %parallel_loop3A_1707] {strides = array<i32>} : memref<3x4x8x1024xf32, #tpu.memory_space<vmem>>, vector<1x1x1x16xf32>,
      %parallel_loop3A_1709 = vector.shape_cast %parallel_loop3A_1708 : vector<1x1x1x16xf32> to vector<16xf32>
      %parallel_loop3A_1710 = vector.shape_cast %parallel_loop3A_1701 : vector<16xf32> to vector<1x1x1x16xf32>
      tpu.vector_store %arg6[%parallel_loop3A_1704, %parallel_loop3A_1705, %parallel_loop3A_1706, %parallel_loop3A_1707], %parallel_loop3A_1710 {strides = array<i32>} : memref<3x4x8x1024xf32, #tpu.memory_space<vmem>>, vector<1x1x1x16xf32>,
      %parallel_loop3A_1711 = arith.constant 0 : i32
      %parallel_loop3A_1712 = arith.constant 1 : i32
      %parallel_loop3A_1713 = arith.index_cast %parallel_loop3A_1711 : i32 to index
      %parallel_loop3A_1714 = arith.index_cast %parallel_loop3A_1712 : i32 to index
      %parallel_loop3A_1715 = arith.index_cast %parallel_loop3A_1682 : i32 to index
      %parallel_loop3A_1716 = arith.index_cast %parallel_loop3A_1686 : i32 to index
      %parallel_loop3A_1717 = tpu.vector_load %arg6[%parallel_loop3A_1713, %parallel_loop3A_1714, %parallel_loop3A_1715, %parallel_loop3A_1716] {strides = array<i32>} : memref<3x4x8x1024xf32, #tpu.memory_space<vmem>>, vector<1x1x1x16xf32>,
      %parallel_loop3A_1718 = vector.shape_cast %parallel_loop3A_1717 : vector<1x1x1x16xf32> to vector<16xf32>
      %parallel_loop3A_1719 = arith.addf %parallel_loop3A_1718, %parallel_loop3A_1692 : vector<16xf32>
      %parallel_loop3A_1720 = arith.constant 0 : i32
      %parallel_loop3A_1721 = arith.constant 1 : i32
      %parallel_loop3A_1722 = arith.index_cast %parallel_loop3A_1720 : i32 to index
      %parallel_loop3A_1723 = arith.index_cast %parallel_loop3A_1721 : i32 to index
      %parallel_loop3A_1724 = arith.index_cast %parallel_loop3A_1682 : i32 to index
      %parallel_loop3A_1725 = arith.index_cast %parallel_loop3A_1686 : i32 to index
      %parallel_loop3A_1726 = tpu.vector_load %arg6[%parallel_loop3A_1722, %parallel_loop3A_1723, %parallel_loop3A_1724, %parallel_loop3A_1725] {strides = array<i32>} : memref<3x4x8x1024xf32, #tpu.memory_space<vmem>>, vector<1x1x1x16xf32>,
      %parallel_loop3A_1727 = vector.shape_cast %parallel_loop3A_1726 : vector<1x1x1x16xf32> to vector<16xf32>
      %parallel_loop3A_1728 = vector.shape_cast %parallel_loop3A_1719 : vector<16xf32> to vector<1x1x1x16xf32>
      tpu.vector_store %arg6[%parallel_loop3A_1722, %parallel_loop3A_1723, %parallel_loop3A_1724, %parallel_loop3A_1725], %parallel_loop3A_1728 {strides = array<i32>} : memref<3x4x8x1024xf32, #tpu.memory_space<vmem>>, vector<1x1x1x16xf32>,
      %parallel_loop3A_1729 = arith.constant 0 : i32
      %parallel_loop3A_1730 = arith.constant 2 : i32
      %parallel_loop3A_1731 = arith.index_cast %parallel_loop3A_1729 : i32 to index
      %parallel_loop3A_1732 = arith.index_cast %parallel_loop3A_1730 : i32 to index
      %parallel_loop3A_1733 = arith.index_cast %parallel_loop3A_1682 : i32 to index
      %parallel_loop3A_1734 = arith.index_cast %parallel_loop3A_1686 : i32 to index
      %parallel_loop3A_1735 = tpu.vector_load %arg6[%parallel_loop3A_1731, %parallel_loop3A_1732, %parallel_loop3A_1733, %parallel_loop3A_1734] {strides = array<i32>} : memref<3x4x8x1024xf32, #tpu.memory_space<vmem>>, vector<1x1x1x16xf32>,
      %parallel_loop3A_1736 = vector.shape_cast %parallel_loop3A_1735 : vector<1x1x1x16xf32> to vector<16xf32>
      %parallel_loop3A_1737 = arith.addf %parallel_loop3A_1736, %parallel_loop3A_1692 : vector<16xf32>
      %parallel_loop3A_1738 = arith.constant 0 : i32
      %parallel_loop3A_1739 = arith.constant 2 : i32
      %parallel_loop3A_1740 = arith.index_cast %parallel_loop3A_1738 : i32 to index
      %parallel_loop3A_1741 = arith.index_cast %parallel_loop3A_1739 : i32 to index
      %parallel_loop3A_1742 = arith.index_cast %parallel_loop3A_1682 : i32 to index
      %parallel_loop3A_1743 = arith.index_cast %parallel_loop3A_1686 : i32 to index
      %parallel_loop3A_1744 = tpu.vector_load %arg6[%parallel_loop3A_1740, %parallel_loop3A_1741, %parallel_loop3A_1742, %parallel_loop3A_1743] {strides = array<i32>} : memref<3x4x8x1024xf32, #tpu.memory_space<vmem>>, vector<1x1x1x16xf32>,
      %parallel_loop3A_1745 = vector.shape_cast %parallel_loop3A_1744 : vector<1x1x1x16xf32> to vector<16xf32>
      %parallel_loop3A_1746 = vector.shape_cast %parallel_loop3A_1737 : vector<16xf32> to vector<1x1x1x16xf32>
      tpu.vector_store %arg6[%parallel_loop3A_1740, %parallel_loop3A_1741, %parallel_loop3A_1742, %parallel_loop3A_1743], %parallel_loop3A_1746 {strides = array<i32>} : memref<3x4x8x1024xf32, #tpu.memory_space<vmem>>, vector<1x1x1x16xf32>,
      %parallel_loop3A_1747 = arith.constant 0 : i32
      %parallel_loop3A_1748 = arith.constant 3 : i32
      %parallel_loop3A_1749 = arith.index_cast %parallel_loop3A_1747 : i32 to index
      %parallel_loop3A_1750 = arith.index_cast %parallel_loop3A_1748 : i32 to index
      %parallel_loop3A_1751 = arith.index_cast %parallel_loop3A_1682 : i32 to index
      %parallel_loop3A_1752 = arith.index_cast %parallel_loop3A_1686 : i32 to index
      %parallel_loop3A_1753 = tpu.vector_load %arg6[%parallel_loop3A_1749, %parallel_loop3A_1750, %parallel_loop3A_1751, %parallel_loop3A_1752] {strides = array<i32>} : memref<3x4x8x1024xf32, #tpu.memory_space<vmem>>, vector<1x1x1x16xf32>,
      %parallel_loop3A_1754 = vector.shape_cast %parallel_loop3A_1753 : vector<1x1x1x16xf32> to vector<16xf32>
      %parallel_loop3A_1755 = arith.addf %parallel_loop3A_1754, %parallel_loop3A_1692 : vector<16xf32>
      %parallel_loop3A_1756 = arith.constant 0 : i32
      %parallel_loop3A_1757 = arith.constant 3 : i32
      %parallel_loop3A_1758 = arith.index_cast %parallel_loop3A_1756 : i32 to index
      %parallel_loop3A_1759 = arith.index_cast %parallel_loop3A_1757 : i32 to index
      %parallel_loop3A_1760 = arith.index_cast %parallel_loop3A_1682 : i32 to index
      %parallel_loop3A_1761 = arith.index_cast %parallel_loop3A_1686 : i32 to index
      %parallel_loop3A_1762 = tpu.vector_load %arg6[%parallel_loop3A_1758, %parallel_loop3A_1759, %parallel_loop3A_1760, %parallel_loop3A_1761] {strides = array<i32>} : memref<3x4x8x1024xf32, #tpu.memory_space<vmem>>, vector<1x1x1x16xf32>,
      %parallel_loop3A_1763 = vector.shape_cast %parallel_loop3A_1762 : vector<1x1x1x16xf32> to vector<16xf32>
      %parallel_loop3A_1764 = vector.shape_cast %parallel_loop3A_1755 : vector<16xf32> to vector<1x1x1x16xf32>
      tpu.vector_store %arg6[%parallel_loop3A_1758, %parallel_loop3A_1759, %parallel_loop3A_1760, %parallel_loop3A_1761], %parallel_loop3A_1764 {strides = array<i32>} : memref<3x4x8x1024xf32, #tpu.memory_space<vmem>>, vector<1x1x1x16xf32>,
    } {sc.loop_unroll_factor = 8 : i64, sc.parallel_access}
    %add3A_99 = arith.constant 0 : i32
    %add3A_100 = arith.addi %mul3A_2, %add3A_99 : i32
    %dma_start3A_101 = arith.constant 0 : i32
    %dma_start3A_102 = arith.constant 0 : i32
    %dma_start3A_103 = arith.constant 0 : i32
    %dma_start3A_104 = arith.constant 0 : i32
    %dma_start3A_105 = tpu.memref_slice %arg6[%dma_start3A_101, %dma_start3A_102, %dma_start3A_103, %dma_start3A_104] : memref<3x4x8x1024xf32, #tpu.memory_space<vmem>> -> memref<1x4x8x1024xf32, #tpu.memory_space<vmem>>
    %dma_start3A_106 = tpu.memref_squeeze %dma_start3A_105 : memref<1x4x8x1024xf32, #tpu.memory_space<vmem>> -> memref<4x8x1024xf32, #tpu.memory_space<vmem>>
    %dma_start3A_107 = arith.constant 0 : i32
    %dma_start3A_108 = arith.constant 0 : i32
    %dma_start3A_109 = tpu.memref_slice %arg4[%dma_start3A_107, %add3A_100, %dma_start3A_108] : memref<4x4096x1024xf32, #tpu.memory_space<hbm>> -> memref<4x8x1024xf32, #tpu.memory_space<hbm>>
    %dma_start3A_110 = arith.constant 0 : i32
    %dma_start3A_111 = arith.constant 0 : i32
    %dma_start3A_112 = tpu.memref_slice %arg4[%dma_start3A_110, %add3A_100, %dma_start3A_111] : memref<4x4096x1024xf32, #tpu.memory_space<hbm>> -> memref<4x8x1024xf32, #tpu.memory_space<hbm>>
    %dma_start3A_113 = arith.constant 0 : i32
    %dma_start3A_114 = arith.constant 0 : i32
    %dma_start3A_115 = arith.constant 0 : i32
    %dma_start3A_116 = tpu.memref_slice %arg6[%dma_start3A_101, %dma_start3A_113, %dma_start3A_114, %dma_start3A_115] : memref<3x4x8x1024xf32, #tpu.memory_space<vmem>> -> memref<1x4x8x1024xf32, #tpu.memory_space<vmem>>
    %dma_start3A_117 = tpu.memref_squeeze %dma_start3A_116 : memref<1x4x8x1024xf32, #tpu.memory_space<vmem>> -> memref<4x8x1024xf32, #tpu.memory_space<vmem>>
    tpu.enqueue_dma source(%dma_start3A_117 : memref<4x8x1024xf32, #tpu.memory_space<vmem>>) target(%dma_start3A_112 : memref<4x8x1024xf32, #tpu.memory_space<hbm>>) target_semaphore(%arg10 : memref<!tpu.dma_semaphore, #tpu.memory_space<semaphore_mem>>)
    %add3A_118 = arith.constant 16 : i32
    %add3A_119 = arith.addi %mul3A_2, %add3A_118 : i32
    %dma_start3A_120 = arith.constant 2 : i32
    %dma_start3A_121 = arith.constant 0 : i32
    %dma_start3A_122 = arith.constant 0 : i32
    %dma_start3A_123 = tpu.memref_slice %arg5[%dma_start3A_120, %dma_start3A_121, %dma_start3A_122] : memref<3x8x1024xf32, #tpu.memory_space<vmem>> -> memref<1x8x1024xf32, #tpu.memory_space<vmem>>
    %dma_start3A_124 = tpu.memref_squeeze %dma_start3A_123 : memref<1x8x1024xf32, #tpu.memory_space<vmem>> -> memref<8x1024xf32, #tpu.memory_space<vmem>>
    %dma_start3A_125 = arith.constant 0 : i32
    %dma_start3A_126 = tpu.memref_slice %arg3[%add3A_119, %dma_start3A_125] : memref<8192x1024xf32, #tpu.memory_space<hbm>> -> memref<8x1024xf32, #tpu.memory_space<hbm>>
    %dma_start3A_127 = arith.constant 0 : i32
    %dma_start3A_128 = arith.constant 0 : i32
    %dma_start3A_129 = tpu.memref_slice %arg5[%dma_start3A_120, %dma_start3A_127, %dma_start3A_128] : memref<3x8x1024xf32, #tpu.memory_space<vmem>> -> memref<1x8x1024xf32, #tpu.memory_space<vmem>>
    %dma_start3A_130 = tpu.memref_squeeze %dma_start3A_129 : memref<1x8x1024xf32, #tpu.memory_space<vmem>> -> memref<8x1024xf32, #tpu.memory_space<vmem>>
    %dma_start3A_131 = arith.constant 0 : i32
    %dma_start3A_132 = tpu.memref_slice %arg3[%add3A_119, %dma_start3A_131] : memref<8192x1024xf32, #tpu.memory_space<hbm>> -> memref<8x1024xf32, #tpu.memory_space<hbm>>
    tpu.enqueue_dma source(%dma_start3A_132 : memref<8x1024xf32, #tpu.memory_space<hbm>>) target(%dma_start3A_130 : memref<8x1024xf32, #tpu.memory_space<vmem>>) target_semaphore(%arg9 : memref<!tpu.dma_semaphore, #tpu.memory_space<semaphore_mem>>)
    %dma_start3A_133 = arith.constant 2 : i32
    %dma_start3A_134 = arith.constant 0 : i32
    %dma_start3A_135 = arith.constant 0 : i32
    %dma_start3A_136 = arith.constant 0 : i32
    %dma_start3A_137 = tpu.memref_slice %arg6[%dma_start3A_133, %dma_start3A_134, %dma_start3A_135, %dma_start3A_136] : memref<3x4x8x1024xf32, #tpu.memory_space<vmem>> -> memref<1x4x8x1024xf32, #tpu.memory_space<vmem>>
    %dma_start3A_138 = tpu.memref_squeeze %dma_start3A_137 : memref<1x4x8x1024xf32, #tpu.memory_space<vmem>> -> memref<4x8x1024xf32, #tpu.memory_space<vmem>>
    %dma_start3A_139 = arith.constant 0 : i32
    %dma_start3A_140 = arith.constant 0 : i32
    %dma_start3A_141 = tpu.memref_slice %arg2[%dma_start3A_139, %add3A_119, %dma_start3A_140] : memref<4x4096x1024xf32, #tpu.memory_space<hbm>> -> memref<4x8x1024xf32, #tpu.memory_space<hbm>>
    %dma_start3A_142 = arith.constant 0 : i32
    %dma_start3A_143 = arith.constant 0 : i32
    %dma_start3A_144 = arith.constant 0 : i32
    %dma_start3A_145 = tpu.memref_slice %arg6[%dma_start3A_133, %dma_start3A_142, %dma_start3A_143, %dma_start3A_144] : memref<3x4x8x1024xf32, #tpu.memory_space<vmem>> -> memref<1x4x8x1024xf32, #tpu.memory_space<vmem>>
    %dma_start3A_146 = tpu.memref_squeeze %dma_start3A_145 : memref<1x4x8x1024xf32, #tpu.memory_space<vmem>> -> memref<4x8x1024xf32, #tpu.memory_space<vmem>>
    %dma_start3A_147 = arith.constant 0 : i32
    %dma_start3A_148 = arith.constant 0 : i32
    %dma_start3A_149 = tpu.memref_slice %arg2[%dma_start3A_147, %add3A_119, %dma_start3A_148] : memref<4x4096x1024xf32, #tpu.memory_space<hbm>> -> memref<4x8x1024xf32, #tpu.memory_space<hbm>>
    tpu.enqueue_dma source(%dma_start3A_149 : memref<4x8x1024xf32, #tpu.memory_space<hbm>>) target(%dma_start3A_146 : memref<4x8x1024xf32, #tpu.memory_space<vmem>>) target_semaphore(%arg9 : memref<!tpu.dma_semaphore, #tpu.memory_space<semaphore_mem>>)
    %add3A_150 = arith.constant 8 : i32
    %add3A_151 = arith.addi %mul3A_2, %add3A_150 : i32
    %dma_wait3A_152 = arith.constant 1 : i32
    %dma_wait3A_153 = arith.constant 0 : i32
    %dma_wait3A_154 = arith.constant 0 : i32
    %dma_wait3A_155 = tpu.memref_slice %arg5[%dma_wait3A_152, %dma_wait3A_153, %dma_wait3A_154] : memref<3x8x1024xf32, #tpu.memory_space<vmem>> -> memref<1x8x1024xf32, #tpu.memory_space<vmem>>
    %dma_wait3A_156 = tpu.memref_squeeze %dma_wait3A_155 : memref<1x8x1024xf32, #tpu.memory_space<vmem>> -> memref<8x1024xf32, #tpu.memory_space<vmem>>
    %dma_wait3A_157 = arith.constant 0 : i32
    %dma_wait3A_158 = tpu.memref_slice %arg3[%add3A_151, %dma_wait3A_157] : memref<8192x1024xf32, #tpu.memory_space<hbm>> -> memref<8x1024xf32, #tpu.memory_space<hbm>>
    %dma_wait3A_159 = arith.constant 0 : i32
    %dma_wait3A_160 = arith.constant 0 : i32
    %dma_wait3A_161 = tpu.memref_slice %arg5[%dma_wait3A_152, %dma_wait3A_159, %dma_wait3A_160] : memref<3x8x1024xf32, #tpu.memory_space<vmem>> -> memref<1x8x1024xf32, #tpu.memory_space<vmem>>
    %dma_wait3A_162 = tpu.memref_squeeze %dma_wait3A_161 : memref<1x8x1024xf32, #tpu.memory_space<vmem>> -> memref<8x1024xf32, #tpu.memory_space<vmem>>
    %dma_wait3A_163 = arith.constant 0 : i32
    %dma_wait3A_164 = tpu.memref_slice %arg3[%add3A_151, %dma_wait3A_163] : memref<8192x1024xf32, #tpu.memory_space<hbm>> -> memref<8x1024xf32, #tpu.memory_space<hbm>>
    tpu.wait_dma2 semaphore(%arg8 : memref<!tpu.dma_semaphore, #tpu.memory_space<semaphore_mem>>) src(%dma_wait3A_164 : memref<8x1024xf32, #tpu.memory_space<hbm>>) dst(%dma_wait3A_162 : memref<8x1024xf32, #tpu.memory_space<vmem>>)
    %dma_wait3A_165 = arith.constant 1 : i32
    %dma_wait3A_166 = arith.constant 0 : i32
    %dma_wait3A_167 = arith.constant 0 : i32
    %dma_wait3A_168 = arith.constant 0 : i32
    %dma_wait3A_169 = tpu.memref_slice %arg6[%dma_wait3A_165, %dma_wait3A_166, %dma_wait3A_167, %dma_wait3A_168] : memref<3x4x8x1024xf32, #tpu.memory_space<vmem>> -> memref<1x4x8x1024xf32, #tpu.memory_space<vmem>>
    %dma_wait3A_170 = tpu.memref_squeeze %dma_wait3A_169 : memref<1x4x8x1024xf32, #tpu.memory_space<vmem>> -> memref<4x8x1024xf32, #tpu.memory_space<vmem>>
    %dma_wait3A_171 = arith.constant 0 : i32
    %dma_wait3A_172 = arith.constant 0 : i32
    %dma_wait3A_173 = tpu.memref_slice %arg2[%dma_wait3A_171, %add3A_151, %dma_wait3A_172] : memref<4x4096x1024xf32, #tpu.memory_space<hbm>> -> memref<4x8x1024xf32, #tpu.memory_space<hbm>>
    %dma_wait3A_174 = arith.constant 0 : i32
    %dma_wait3A_175 = arith.constant 0 : i32
    %dma_wait3A_176 = arith.constant 0 : i32
    %dma_wait3A_177 = tpu.memref_slice %arg6[%dma_wait3A_165, %dma_wait3A_174, %dma_wait3A_175, %dma_wait3A_176] : memref<3x4x8x1024xf32, #tpu.memory_space<vmem>> -> memref<1x4x8x1024xf32, #tpu.memory_space<vmem>>
    %dma_wait3A_178 = tpu.memref_squeeze %dma_wait3A_177 : memref<1x4x8x1024xf32, #tpu.memory_space<vmem>> -> memref<4x8x1024xf32, #tpu.memory_space<vmem>>
    %dma_wait3A_179 = arith.constant 0 : i32
    %dma_wait3A_180 = arith.constant 0 : i32
    %dma_wait3A_181 = tpu.memref_slice %arg2[%dma_wait3A_179, %add3A_151, %dma_wait3A_180] : memref<4x4096x1024xf32, #tpu.memory_space<hbm>> -> memref<4x8x1024xf32, #tpu.memory_space<hbm>>
    tpu.wait_dma2 semaphore(%arg8 : memref<!tpu.dma_semaphore, #tpu.memory_space<semaphore_mem>>) src(%dma_wait3A_181 : memref<4x8x1024xf32, #tpu.memory_space<hbm>>) dst(%dma_wait3A_178 : memref<4x8x1024xf32, #tpu.memory_space<vmem>>)
    %parallel_loop3A_182 = arith.constant 0 : i32
    %parallel_loop3A_183 = arith.constant 512 : i32
    %parallel_loop3A_184 = arith.constant 1 : i32
    scf.for %parallel_loop3A_1680 = %parallel_loop3A_182 to %parallel_loop3A_183 step %parallel_loop3A_184  : i32 {
      %parallel_loop3A_1681 = arith.constant 6 : i32
      %parallel_loop3A_1682 = arith.shrui %parallel_loop3A_1680, %parallel_loop3A_1681 : i32
      %parallel_loop3A_1683 = arith.constant 63 : i32
      %parallel_loop3A_1684 = arith.andi %parallel_loop3A_1680, %parallel_loop3A_1683 : i32
      %parallel_loop3A_1685 = arith.constant 16 : i32
      %parallel_loop3A_1686 = arith.muli %parallel_loop3A_1684, %parallel_loop3A_1685 : i32
      %parallel_loop3A_1687 = arith.constant 1 : i32
      %parallel_loop3A_1688 = arith.index_cast %parallel_loop3A_1687 : i32 to index
      %parallel_loop3A_1689 = arith.index_cast %parallel_loop3A_1682 : i32 to index
      %parallel_loop3A_1690 = arith.index_cast %parallel_loop3A_1686 : i32 to index
      %parallel_loop3A_1691 = tpu.vector_load %arg5[%parallel_loop3A_1688, %parallel_loop3A_1689, %parallel_loop3A_1690] {strides = array<i32>} : memref<3x8x1024xf32, #tpu.memory_space<vmem>>, vector<1x1x16xf32>,
      %parallel_loop3A_1692 = vector.shape_cast %parallel_loop3A_1691 : vector<1x1x16xf32> to vector<16xf32>
      %parallel_loop3A_1693 = arith.constant 1 : i32
      %parallel_loop3A_1694 = arith.constant 0 : i32
      %parallel_loop3A_1695 = arith.index_cast %parallel_loop3A_1693 : i32 to index
      %parallel_loop3A_1696 = arith.index_cast %parallel_loop3A_1694 : i32 to index
      %parallel_loop3A_1697 = arith.index_cast %parallel_loop3A_1682 : i32 to index
      %parallel_loop3A_1698 = arith.index_cast %parallel_loop3A_1686 : i32 to index
      %parallel_loop3A_1699 = tpu.vector_load %arg6[%parallel_loop3A_1695, %parallel_loop3A_1696, %parallel_loop3A_1697, %parallel_loop3A_1698] {strides = array<i32>} : memref<3x4x8x1024xf32, #tpu.memory_space<vmem>>, vector<1x1x1x16xf32>,
      %parallel_loop3A_1700 = vector.shape_cast %parallel_loop3A_1699 : vector<1x1x1x16xf32> to vector<16xf32>
      %parallel_loop3A_1701 = arith.addf %parallel_loop3A_1700, %parallel_loop3A_1692 : vector<16xf32>
      %parallel_loop3A_1702 = arith.constant 1 : i32
      %parallel_loop3A_1703 = arith.constant 0 : i32
      %parallel_loop3A_1704 = arith.index_cast %parallel_loop3A_1702 : i32 to index
      %parallel_loop3A_1705 = arith.index_cast %parallel_loop3A_1703 : i32 to index
      %parallel_loop3A_1706 = arith.index_cast %parallel_loop3A_1682 : i32 to index
      %parallel_loop3A_1707 = arith.index_cast %parallel_loop3A_1686 : i32 to index
      %parallel_loop3A_1708 = tpu.vector_load %arg6[%parallel_loop3A_1704, %parallel_loop3A_1705, %parallel_loop3A_1706, %parallel_loop3A_1707] {strides = array<i32>} : memref<3x4x8x1024xf32, #tpu.memory_space<vmem>>, vector<1x1x1x16xf32>,
      %parallel_loop3A_1709 = vector.shape_cast %parallel_loop3A_1708 : vector<1x1x1x16xf32> to vector<16xf32>
      %parallel_loop3A_1710 = vector.shape_cast %parallel_loop3A_1701 : vector<16xf32> to vector<1x1x1x16xf32>
      tpu.vector_store %arg6[%parallel_loop3A_1704, %parallel_loop3A_1705, %parallel_loop3A_1706, %parallel_loop3A_1707], %parallel_loop3A_1710 {strides = array<i32>} : memref<3x4x8x1024xf32, #tpu.memory_space<vmem>>, vector<1x1x1x16xf32>,
      %parallel_loop3A_1711 = arith.constant 1 : i32
      %parallel_loop3A_1712 = arith.constant 1 : i32
      %parallel_loop3A_1713 = arith.index_cast %parallel_loop3A_1711 : i32 to index
      %parallel_loop3A_1714 = arith.index_cast %parallel_loop3A_1712 : i32 to index
      %parallel_loop3A_1715 = arith.index_cast %parallel_loop3A_1682 : i32 to index
      %parallel_loop3A_1716 = arith.index_cast %parallel_loop3A_1686 : i32 to index
      %parallel_loop3A_1717 = tpu.vector_load %arg6[%parallel_loop3A_1713, %parallel_loop3A_1714, %parallel_loop3A_1715, %parallel_loop3A_1716] {strides = array<i32>} : memref<3x4x8x1024xf32, #tpu.memory_space<vmem>>, vector<1x1x1x16xf32>,
      %parallel_loop3A_1718 = vector.shape_cast %parallel_loop3A_1717 : vector<1x1x1x16xf32> to vector<16xf32>
      %parallel_loop3A_1719 = arith.addf %parallel_loop3A_1718, %parallel_loop3A_1692 : vector<16xf32>
      %parallel_loop3A_1720 = arith.constant 1 : i32
      %parallel_loop3A_1721 = arith.constant 1 : i32
      %parallel_loop3A_1722 = arith.index_cast %parallel_loop3A_1720 : i32 to index
      %parallel_loop3A_1723 = arith.index_cast %parallel_loop3A_1721 : i32 to index
      %parallel_loop3A_1724 = arith.index_cast %parallel_loop3A_1682 : i32 to index
      %parallel_loop3A_1725 = arith.index_cast %parallel_loop3A_1686 : i32 to index
      %parallel_loop3A_1726 = tpu.vector_load %arg6[%parallel_loop3A_1722, %parallel_loop3A_1723, %parallel_loop3A_1724, %parallel_loop3A_1725] {strides = array<i32>} : memref<3x4x8x1024xf32, #tpu.memory_space<vmem>>, vector<1x1x1x16xf32>,
      %parallel_loop3A_1727 = vector.shape_cast %parallel_loop3A_1726 : vector<1x1x1x16xf32> to vector<16xf32>
      %parallel_loop3A_1728 = vector.shape_cast %parallel_loop3A_1719 : vector<16xf32> to vector<1x1x1x16xf32>
      tpu.vector_store %arg6[%parallel_loop3A_1722, %parallel_loop3A_1723, %parallel_loop3A_1724, %parallel_loop3A_1725], %parallel_loop3A_1728 {strides = array<i32>} : memref<3x4x8x1024xf32, #tpu.memory_space<vmem>>, vector<1x1x1x16xf32>,
      %parallel_loop3A_1729 = arith.constant 1 : i32
      %parallel_loop3A_1730 = arith.constant 2 : i32
      %parallel_loop3A_1731 = arith.index_cast %parallel_loop3A_1729 : i32 to index
      %parallel_loop3A_1732 = arith.index_cast %parallel_loop3A_1730 : i32 to index
      %parallel_loop3A_1733 = arith.index_cast %parallel_loop3A_1682 : i32 to index
      %parallel_loop3A_1734 = arith.index_cast %parallel_loop3A_1686 : i32 to index
      %parallel_loop3A_1735 = tpu.vector_load %arg6[%parallel_loop3A_1731, %parallel_loop3A_1732, %parallel_loop3A_1733, %parallel_loop3A_1734] {strides = array<i32>} : memref<3x4x8x1024xf32, #tpu.memory_space<vmem>>, vector<1x1x1x16xf32>,
      %parallel_loop3A_1736 = vector.shape_cast %parallel_loop3A_1735 : vector<1x1x1x16xf32> to vector<16xf32>
      %parallel_loop3A_1737 = arith.addf %parallel_loop3A_1736, %parallel_loop3A_1692 : vector<16xf32>
      %parallel_loop3A_1738 = arith.constant 1 : i32
      %parallel_loop3A_1739 = arith.constant 2 : i32
      %parallel_loop3A_1740 = arith.index_cast %parallel_loop3A_1738 : i32 to index
      %parallel_loop3A_1741 = arith.index_cast %parallel_loop3A_1739 : i32 to index
      %parallel_loop3A_1742 = arith.index_cast %parallel_loop3A_1682 : i32 to index
      %parallel_loop3A_1743 = arith.index_cast %parallel_loop3A_1686 : i32 to index
      %parallel_loop3A_1744 = tpu.vector_load %arg6[%parallel_loop3A_1740, %parallel_loop3A_1741, %parallel_loop3A_1742, %parallel_loop3A_1743] {strides = array<i32>} : memref<3x4x8x1024xf32, #tpu.memory_space<vmem>>, vector<1x1x1x16xf32>,
      %parallel_loop3A_1745 = vector.shape_cast %parallel_loop3A_1744 : vector<1x1x1x16xf32> to vector<16xf32>
      %parallel_loop3A_1746 = vector.shape_cast %parallel_loop3A_1737 : vector<16xf32> to vector<1x1x1x16xf32>
      tpu.vector_store %arg6[%parallel_loop3A_1740, %parallel_loop3A_1741, %parallel_loop3A_1742, %parallel_loop3A_1743], %parallel_loop3A_1746 {strides = array<i32>} : memref<3x4x8x1024xf32, #tpu.memory_space<vmem>>, vector<1x1x1x16xf32>,
      %parallel_loop3A_1747 = arith.constant 1 : i32
      %parallel_loop3A_1748 = arith.constant 3 : i32
      %parallel_loop3A_1749 = arith.index_cast %parallel_loop3A_1747 : i32 to index
      %parallel_loop3A_1750 = arith.index_cast %parallel_loop3A_1748 : i32 to index
      %parallel_loop3A_1751 = arith.index_cast %parallel_loop3A_1682 : i32 to index
      %parallel_loop3A_1752 = arith.index_cast %parallel_loop3A_1686 : i32 to index
      %parallel_loop3A_1753 = tpu.vector_load %arg6[%parallel_loop3A_1749, %parallel_loop3A_1750, %parallel_loop3A_1751, %parallel_loop3A_1752] {strides = array<i32>} : memref<3x4x8x1024xf32, #tpu.memory_space<vmem>>, vector<1x1x1x16xf32>,
      %parallel_loop3A_1754 = vector.shape_cast %parallel_loop3A_1753 : vector<1x1x1x16xf32> to vector<16xf32>
      %parallel_loop3A_1755 = arith.addf %parallel_loop3A_1754, %parallel_loop3A_1692 : vector<16xf32>
      %parallel_loop3A_1756 = arith.constant 1 : i32
      %parallel_loop3A_1757 = arith.constant 3 : i32
      %parallel_loop3A_1758 = arith.index_cast %parallel_loop3A_1756 : i32 to index
      %parallel_loop3A_1759 = arith.index_cast %parallel_loop3A_1757 : i32 to index
      %parallel_loop3A_1760 = arith.index_cast %parallel_loop3A_1682 : i32 to index
      %parallel_loop3A_1761 = arith.index_cast %parallel_loop3A_1686 : i32 to index
      %parallel_loop3A_1762 = tpu.vector_load %arg6[%parallel_loop3A_1758, %parallel_loop3A_1759, %parallel_loop3A_1760, %parallel_loop3A_1761] {strides = array<i32>} : memref<3x4x8x1024xf32, #tpu.memory_space<vmem>>, vector<1x1x1x16xf32>,
      %parallel_loop3A_1763 = vector.shape_cast %parallel_loop3A_1762 : vector<1x1x1x16xf32> to vector<16xf32>
      %parallel_loop3A_1764 = vector.shape_cast %parallel_loop3A_1755 : vector<16xf32> to vector<1x1x1x16xf32>
      tpu.vector_store %arg6[%parallel_loop3A_1758, %parallel_loop3A_1759, %parallel_loop3A_1760, %parallel_loop3A_1761], %parallel_loop3A_1764 {strides = array<i32>} : memref<3x4x8x1024xf32, #tpu.memory_space<vmem>>, vector<1x1x1x16xf32>,
    } {sc.loop_unroll_factor = 8 : i64, sc.parallel_access}
    %add3A_185 = arith.constant 8 : i32
    %add3A_186 = arith.addi %mul3A_2, %add3A_185 : i32
    %dma_start3A_187 = arith.constant 1 : i32
    %dma_start3A_188 = arith.constant 0 : i32
    %dma_start3A_189 = arith.constant 0 : i32
    %dma_start3A_190 = arith.constant 0 : i32
    %dma_start3A_191 = tpu.memref_slice %arg6[%dma_start3A_187, %dma_start3A_188, %dma_start3A_189, %dma_start3A_190] : memref<3x4x8x1024xf32, #tpu.memory_space<vmem>> -> memref<1x4x8x1024xf32, #tpu.memory_space<vmem>>
    %dma_start3A_192 = tpu.memref_squeeze %dma_start3A_191 : memref<1x4x8x1024xf32, #tpu.memory_space<vmem>> -> memref<4x8x1024xf32, #tpu.memory_space<vmem>>
    %dma_start3A_193 = arith.constant 0 : i32
    %dma_start3A_194 = arith.constant 0 : i32
    %dma_start3A_195 = tpu.memref_slice %arg4[%dma_start3A_193, %add3A_186, %dma_start3A_194] : memref<4x4096x1024xf32, #tpu.memory_space<hbm>> -> memref<4x8x1024xf32, #tpu.memory_space<hbm>>
    %dma_start3A_196 = arith.constant 0 : i32
    %dma_start3A_197 = arith.constant 0 : i32
    %dma_start3A_198 = tpu.memref_slice %arg4[%dma_start3A_196, %add3A_186, %dma_start3A_197] : memref<4x4096x1024xf32, #tpu.memory_space<hbm>> -> memref<4x8x1024xf32, #tpu.memory_space<hbm>>
    %dma_start3A_199 = arith.constant 0 : i32
    %dma_start3A_200 = arith.constant 0 : i32
    %dma_start3A_201 = arith.constant 0 : i32
    %dma_start3A_202 = tpu.memref_slice %arg6[%dma_start3A_187, %dma_start3A_199, %dma_start3A_200, %dma_start3A_201] : memref<3x4x8x1024xf32, #tpu.memory_space<vmem>> -> memref<1x4x8x1024xf32, #tpu.memory_space<vmem>>
    %dma_start3A_203 = tpu.memref_squeeze %dma_start3A_202 : memref<1x4x8x1024xf32, #tpu.memory_space<vmem>> -> memref<4x8x1024xf32, #tpu.memory_space<vmem>>
    tpu.enqueue_dma source(%dma_start3A_203 : memref<4x8x1024xf32, #tpu.memory_space<vmem>>) target(%dma_start3A_198 : memref<4x8x1024xf32, #tpu.memory_space<hbm>>) target_semaphore(%arg11 : memref<!tpu.dma_semaphore, #tpu.memory_space<semaphore_mem>>)
    %add3A_204 = arith.constant 0 : i32
    %add3A_205 = arith.addi %mul3A_2, %add3A_204 : i32
    %dma_wait3A_206 = arith.constant 0 : i32
    %dma_wait3A_207 = arith.constant 0 : i32
    %dma_wait3A_208 = arith.constant 0 : i32
    %dma_wait3A_209 = arith.constant 0 : i32
    %dma_wait3A_210 = tpu.memref_slice %arg6[%dma_wait3A_206, %dma_wait3A_207, %dma_wait3A_208, %dma_wait3A_209] : memref<3x4x8x1024xf32, #tpu.memory_space<vmem>> -> memref<1x4x8x1024xf32, #tpu.memory_space<vmem>>
    %dma_wait3A_211 = tpu.memref_squeeze %dma_wait3A_210 : memref<1x4x8x1024xf32, #tpu.memory_space<vmem>> -> memref<4x8x1024xf32, #tpu.memory_space<vmem>>
    %dma_wait3A_212 = arith.constant 0 : i32
    %dma_wait3A_213 = arith.constant 0 : i32
    %dma_wait3A_214 = tpu.memref_slice %arg4[%dma_wait3A_212, %add3A_205, %dma_wait3A_213] : memref<4x4096x1024xf32, #tpu.memory_space<hbm>> -> memref<4x8x1024xf32, #tpu.memory_space<hbm>>
    %dma_wait3A_215 = arith.constant 0 : i32
    %dma_wait3A_216 = arith.constant 0 : i32
    %dma_wait3A_217 = tpu.memref_slice %arg4[%dma_wait3A_215, %add3A_205, %dma_wait3A_216] : memref<4x4096x1024xf32, #tpu.memory_space<hbm>> -> memref<4x8x1024xf32, #tpu.memory_space<hbm>>
    %dma_wait3A_218 = arith.constant 0 : i32
    %dma_wait3A_219 = arith.constant 0 : i32
    %dma_wait3A_220 = arith.constant 0 : i32
    %dma_wait3A_221 = tpu.memref_slice %arg6[%dma_wait3A_206, %dma_wait3A_218, %dma_wait3A_219, %dma_wait3A_220] : memref<3x4x8x1024xf32, #tpu.memory_space<vmem>> -> memref<1x4x8x1024xf32, #tpu.memory_space<vmem>>
    %dma_wait3A_222 = tpu.memref_squeeze %dma_wait3A_221 : memref<1x4x8x1024xf32, #tpu.memory_space<vmem>> -> memref<4x8x1024xf32, #tpu.memory_space<vmem>>
    tpu.wait_dma2 semaphore(%arg10 : memref<!tpu.dma_semaphore, #tpu.memory_space<semaphore_mem>>) src(%dma_wait3A_222 : memref<4x8x1024xf32, #tpu.memory_space<vmem>>) dst(%dma_wait3A_217 : memref<4x8x1024xf32, #tpu.memory_space<hbm>>)
    %add3A_223 = arith.constant 24 : i32
    %add3A_224 = arith.addi %mul3A_2, %add3A_223 : i32
    %dma_start3A_225 = arith.constant 0 : i32
    %dma_start3A_226 = arith.constant 0 : i32
    %dma_start3A_227 = arith.constant 0 : i32
    %dma_start3A_228 = tpu.memref_slice %arg5[%dma_start3A_225, %dma_start3A_226, %dma_start3A_227] : memref<3x8x1024xf32, #tpu.memory_space<vmem>> -> memref<1x8x1024xf32, #tpu.memory_space<vmem>>
    %dma_start3A_229 = tpu.memref_squeeze %dma_start3A_228 : memref<1x8x1024xf32, #tpu.memory_space<vmem>> -> memref<8x1024xf32, #tpu.memory_space<vmem>>
    %dma_start3A_230 = arith.constant 0 : i32
    %dma_start3A_231 = tpu.memref_slice %arg3[%add3A_224, %dma_start3A_230] : memref<8192x1024xf32, #tpu.memory_space<hbm>> -> memref<8x1024xf32, #tpu.memory_space<hbm>>
    %dma_start3A_232 = arith.constant 0 : i32
    %dma_start3A_233 = arith.constant 0 : i32
    %dma_start3A_234 = tpu.memref_slice %arg5[%dma_start3A_225, %dma_start3A_232, %dma_start3A_233] : memref<3x8x1024xf32, #tpu.memory_space<vmem>> -> memref<1x8x1024xf32, #tpu.memory_space<vmem>>
    %dma_start3A_235 = tpu.memref_squeeze %dma_start3A_234 : memref<1x8x1024xf32, #tpu.memory_space<vmem>> -> memref<8x1024xf32, #tpu.memory_space<vmem>>
    %dma_start3A_236 = arith.constant 0 : i32
    %dma_start3A_237 = tpu.memref_slice %arg3[%add3A_224, %dma_start3A_236] : memref<8192x1024xf32, #tpu.memory_space<hbm>> -> memref<8x1024xf32, #tpu.memory_space<hbm>>
    tpu.enqueue_dma source(%dma_start3A_237 : memref<8x1024xf32, #tpu.memory_space<hbm>>) target(%dma_start3A_235 : memref<8x1024xf32, #tpu.memory_space<vmem>>) target_semaphore(%arg7 : memref<!tpu.dma_semaphore, #tpu.memory_space<semaphore_mem>>)
    %dma_start3A_238 = arith.constant 0 : i32
    %dma_start3A_239 = arith.constant 0 : i32
    %dma_start3A_240 = arith.constant 0 : i32
    %dma_start3A_241 = arith.constant 0 : i32
    %dma_start3A_242 = tpu.memref_slice %arg6[%dma_start3A_238, %dma_start3A_239, %dma_start3A_240, %dma_start3A_241] : memref<3x4x8x1024xf32, #tpu.memory_space<vmem>> -> memref<1x4x8x1024xf32, #tpu.memory_space<vmem>>
    %dma_start3A_243 = tpu.memref_squeeze %dma_start3A_242 : memref<1x4x8x1024xf32, #tpu.memory_space<vmem>> -> memref<4x8x1024xf32, #tpu.memory_space<vmem>>
    %dma_start3A_244 = arith.constant 0 : i32
    %dma_start3A_245 = arith.constant 0 : i32
    %dma_start3A_246 = tpu.memref_slice %arg2[%dma_start3A_244, %add3A_224, %dma_start3A_245] : memref<4x4096x1024xf32, #tpu.memory_space<hbm>> -> memref<4x8x1024xf32, #tpu.memory_space<hbm>>
    %dma_start3A_247 = arith.constant 0 : i32
    %dma_start3A_248 = arith.constant 0 : i32
    %dma_start3A_249 = arith.constant 0 : i32
    %dma_start3A_250 = tpu.memref_slice %arg6[%dma_start3A_238, %dma_start3A_247, %dma_start3A_248, %dma_start3A_249] : memref<3x4x8x1024xf32, #tpu.memory_space<vmem>> -> memref<1x4x8x1024xf32, #tpu.memory_space<vmem>>
    %dma_start3A_251 = tpu.memref_squeeze %dma_start3A_250 : memref<1x4x8x1024xf32, #tpu.memory_space<vmem>> -> memref<4x8x1024xf32, #tpu.memory_space<vmem>>
    %dma_start3A_252 = arith.constant 0 : i32
    %dma_start3A_253 = arith.constant 0 : i32
    %dma_start3A_254 = tpu.memref_slice %arg2[%dma_start3A_252, %add3A_224, %dma_start3A_253] : memref<4x4096x1024xf32, #tpu.memory_space<hbm>> -> memref<4x8x1024xf32, #tpu.memory_space<hbm>>
    tpu.enqueue_dma source(%dma_start3A_254 : memref<4x8x1024xf32, #tpu.memory_space<hbm>>) target(%dma_start3A_251 : memref<4x8x1024xf32, #tpu.memory_space<vmem>>) target_semaphore(%arg7 : memref<!tpu.dma_semaphore, #tpu.memory_space<semaphore_mem>>)
    %add3A_255 = arith.constant 16 : i32
    %add3A_256 = arith.addi %mul3A_2, %add3A_255 : i32
    %dma_wait3A_257 = arith.constant 2 : i32
    %dma_wait3A_258 = arith.constant 0 : i32
    %dma_wait3A_259 = arith.constant 0 : i32
    %dma_wait3A_260 = tpu.memref_slice %arg5[%dma_wait3A_257, %dma_wait3A_258, %dma_wait3A_259] : memref<3x8x1024xf32, #tpu.memory_space<vmem>> -> memref<1x8x1024xf32, #tpu.memory_space<vmem>>
    %dma_wait3A_261 = tpu.memref_squeeze %dma_wait3A_260 : memref<1x8x1024xf32, #tpu.memory_space<vmem>> -> memref<8x1024xf32, #tpu.memory_space<vmem>>
    %dma_wait3A_262 = arith.constant 0 : i32
    %dma_wait3A_263 = tpu.memref_slice %arg3[%add3A_256, %dma_wait3A_262] : memref<8192x1024xf32, #tpu.memory_space<hbm>> -> memref<8x1024xf32, #tpu.memory_space<hbm>>
    %dma_wait3A_264 = arith.constant 0 : i32
    %dma_wait3A_265 = arith.constant 0 : i32
    %dma_wait3A_266 = tpu.memref_slice %arg5[%dma_wait3A_257, %dma_wait3A_264, %dma_wait3A_265] : memref<3x8x1024xf32, #tpu.memory_space<vmem>> -> memref<1x8x1024xf32, #tpu.memory_space<vmem>>
    %dma_wait3A_267 = tpu.memref_squeeze %dma_wait3A_266 : memref<1x8x1024xf32, #tpu.memory_space<vmem>> -> memref<8x1024xf32, #tpu.memory_space<vmem>>
    %dma_wait3A_268 = arith.constant 0 : i32
    %dma_wait3A_269 = tpu.memref_slice %arg3[%add3A_256, %dma_wait3A_268] : memref<8192x1024xf32, #tpu.memory_space<hbm>> -> memref<8x1024xf32, #tpu.memory_space<hbm>>
    tpu.wait_dma2 semaphore(%arg9 : memref<!tpu.dma_semaphore, #tpu.memory_space<semaphore_mem>>) src(%dma_wait3A_269 : memref<8x1024xf32, #tpu.memory_space<hbm>>) dst(%dma_wait3A_267 : memref<8x1024xf32, #tpu.memory_space<vmem>>)
    %dma_wait3A_270 = arith.constant 2 : i32
    %dma_wait3A_271 = arith.constant 0 : i32
    %dma_wait3A_272 = arith.constant 0 : i32
    %dma_wait3A_273 = arith.constant 0 : i32
    %dma_wait3A_274 = tpu.memref_slice %arg6[%dma_wait3A_270, %dma_wait3A_271, %dma_wait3A_272, %dma_wait3A_273] : memref<3x4x8x1024xf32, #tpu.memory_space<vmem>> -> memref<1x4x8x1024xf32, #tpu.memory_space<vmem>>
    %dma_wait3A_275 = tpu.memref_squeeze %dma_wait3A_274 : memref<1x4x8x1024xf32, #tpu.memory_space<vmem>> -> memref<4x8x1024xf32, #tpu.memory_space<vmem>>
    %dma_wait3A_276 = arith.constant 0 : i32
    %dma_wait3A_277 = arith.constant 0 : i32
    %dma_wait3A_278 = tpu.memref_slice %arg2[%dma_wait3A_276, %add3A_256, %dma_wait3A_277] : memref<4x4096x1024xf32, #tpu.memory_space<hbm>> -> memref<4x8x1024xf32, #tpu.memory_space<hbm>>
    %dma_wait3A_279 = arith.constant 0 : i32
    %dma_wait3A_280 = arith.constant 0 : i32
    %dma_wait3A_281 = arith.constant 0 : i32
    %dma_wait3A_282 = tpu.memref_slice %arg6[%dma_wait3A_270, %dma_wait3A_279, %dma_wait3A_280, %dma_wait3A_281] : memref<3x4x8x1024xf32, #tpu.memory_space<vmem>> -> memref<1x4x8x1024xf32, #tpu.memory_space<vmem>>
    %dma_wait3A_283 = tpu.memref_squeeze %dma_wait3A_282 : memref<1x4x8x1024xf32, #tpu.memory_space<vmem>> -> memref<4x8x1024xf32, #tpu.memory_space<vmem>>
    %dma_wait3A_284 = arith.constant 0 : i32
    %dma_wait3A_285 = arith.constant 0 : i32
    %dma_wait3A_286 = tpu.memref_slice %arg2[%dma_wait3A_284, %add3A_256, %dma_wait3A_285] : memref<4x4096x1024xf32, #tpu.memory_space<hbm>> -> memref<4x8x1024xf32, #tpu.memory_space<hbm>>
    tpu.wait_dma2 semaphore(%arg9 : memref<!tpu.dma_semaphore, #tpu.memory_space<semaphore_mem>>) src(%dma_wait3A_286 : memref<4x8x1024xf32, #tpu.memory_space<hbm>>) dst(%dma_wait3A_283 : memref<4x8x1024xf32, #tpu.memory_space<vmem>>)
    %parallel_loop3A_287 = arith.constant 0 : i32
    %parallel_loop3A_288 = arith.constant 512 : i32
    %parallel_loop3A_289 = arith.constant 1 : i32
    scf.for %parallel_loop3A_1680 = %parallel_loop3A_287 to %parallel_loop3A_288 step %parallel_loop3A_289  : i32 {
      %parallel_loop3A_1681 = arith.constant 6 : i32
      %parallel_loop3A_1682 = arith.shrui %parallel_loop3A_1680, %parallel_loop3A_1681 : i32
      %parallel_loop3A_1683 = arith.constant 63 : i32
      %parallel_loop3A_1684 = arith.andi %parallel_loop3A_1680, %parallel_loop3A_1683 : i32
      %parallel_loop3A_1685 = arith.constant 16 : i32
      %parallel_loop3A_1686 = arith.muli %parallel_loop3A_1684, %parallel_loop3A_1685 : i32
      %parallel_loop3A_1687 = arith.constant 2 : i32
      %parallel_loop3A_1688 = arith.index_cast %parallel_loop3A_1687 : i32 to index
      %parallel_loop3A_1689 = arith.index_cast %parallel_loop3A_1682 : i32 to index
      %parallel_loop3A_1690 = arith.index_cast %parallel_loop3A_1686 : i32 to index
      %parallel_loop3A_1691 = tpu.vector_load %arg5[%parallel_loop3A_1688, %parallel_loop3A_1689, %parallel_loop3A_1690] {strides = array<i32>} : memref<3x8x1024xf32, #tpu.memory_space<vmem>>, vector<1x1x16xf32>,
      %parallel_loop3A_1692 = vector.shape_cast %parallel_loop3A_1691 : vector<1x1x16xf32> to vector<16xf32>
      %parallel_loop3A_1693 = arith.constant 2 : i32
      %parallel_loop3A_1694 = arith.constant 0 : i32
      %parallel_loop3A_1695 = arith.index_cast %parallel_loop3A_1693 : i32 to index
      %parallel_loop3A_1696 = arith.index_cast %parallel_loop3A_1694 : i32 to index
      %parallel_loop3A_1697 = arith.index_cast %parallel_loop3A_1682 : i32 to index
      %parallel_loop3A_1698 = arith.index_cast %parallel_loop3A_1686 : i32 to index
      %parallel_loop3A_1699 = tpu.vector_load %arg6[%parallel_loop3A_1695, %parallel_loop3A_1696, %parallel_loop3A_1697, %parallel_loop3A_1698] {strides = array<i32>} : memref<3x4x8x1024xf32, #tpu.memory_space<vmem>>, vector<1x1x1x16xf32>,
      %parallel_loop3A_1700 = vector.shape_cast %parallel_loop3A_1699 : vector<1x1x1x16xf32> to vector<16xf32>
      %parallel_loop3A_1701 = arith.addf %parallel_loop3A_1700, %parallel_loop3A_1692 : vector<16xf32>
      %parallel_loop3A_1702 = arith.constant 2 : i32
      %parallel_loop3A_1703 = arith.constant 0 : i32
      %parallel_loop3A_1704 = arith.index_cast %parallel_loop3A_1702 : i32 to index
      %parallel_loop3A_1705 = arith.index_cast %parallel_loop3A_1703 : i32 to index
      %parallel_loop3A_1706 = arith.index_cast %parallel_loop3A_1682 : i32 to index
      %parallel_loop3A_1707 = arith.index_cast %parallel_loop3A_1686 : i32 to index
      %parallel_loop3A_1708 = tpu.vector_load %arg6[%parallel_loop3A_1704, %parallel_loop3A_1705, %parallel_loop3A_1706, %parallel_loop3A_1707] {strides = array<i32>} : memref<3x4x8x1024xf32, #tpu.memory_space<vmem>>, vector<1x1x1x16xf32>,
      %parallel_loop3A_1709 = vector.shape_cast %parallel_loop3A_1708 : vector<1x1x1x16xf32> to vector<16xf32>
      %parallel_loop3A_1710 = vector.shape_cast %parallel_loop3A_1701 : vector<16xf32> to vector<1x1x1x16xf32>
      tpu.vector_store %arg6[%parallel_loop3A_1704, %parallel_loop3A_1705, %parallel_loop3A_1706, %parallel_loop3A_1707], %parallel_loop3A_1710 {strides = array<i32>} : memref<3x4x8x1024xf32, #tpu.memory_space<vmem>>, vector<1x1x1x16xf32>,
      %parallel_loop3A_1711 = arith.constant 2 : i32
      %parallel_loop3A_1712 = arith.constant 1 : i32
      %parallel_loop3A_1713 = arith.index_cast %parallel_loop3A_1711 : i32 to index
      %parallel_loop3A_1714 = arith.index_cast %parallel_loop3A_1712 : i32 to index
      %parallel_loop3A_1715 = arith.index_cast %parallel_loop3A_1682 : i32 to index
      %parallel_loop3A_1716 = arith.index_cast %parallel_loop3A_1686 : i32 to index
      %parallel_loop3A_1717 = tpu.vector_load %arg6[%parallel_loop3A_1713, %parallel_loop3A_1714, %parallel_loop3A_1715, %parallel_loop3A_1716] {strides = array<i32>} : memref<3x4x8x1024xf32, #tpu.memory_space<vmem>>, vector<1x1x1x16xf32>,
      %parallel_loop3A_1718 = vector.shape_cast %parallel_loop3A_1717 : vector<1x1x1x16xf32> to vector<16xf32>
      %parallel_loop3A_1719 = arith.addf %parallel_loop3A_1718, %parallel_loop3A_1692 : vector<16xf32>
      %parallel_loop3A_1720 = arith.constant 2 : i32
      %parallel_loop3A_1721 = arith.constant 1 : i32
      %parallel_loop3A_1722 = arith.index_cast %parallel_loop3A_1720 : i32 to index
      %parallel_loop3A_1723 = arith.index_cast %parallel_loop3A_1721 : i32 to index
      %parallel_loop3A_1724 = arith.index_cast %parallel_loop3A_1682 : i32 to index
      %parallel_loop3A_1725 = arith.index_cast %parallel_loop3A_1686 : i32 to index
      %parallel_loop3A_1726 = tpu.vector_load %arg6[%parallel_loop3A_1722, %parallel_loop3A_1723, %parallel_loop3A_1724, %parallel_loop3A_1725] {strides = array<i32>} : memref<3x4x8x1024xf32, #tpu.memory_space<vmem>>, vector<1x1x1x16xf32>,
      %parallel_loop3A_1727 = vector.shape_cast %parallel_loop3A_1726 : vector<1x1x1x16xf32> to vector<16xf32>
      %parallel_loop3A_1728 = vector.shape_cast %parallel_loop3A_1719 : vector<16xf32> to vector<1x1x1x16xf32>
      tpu.vector_store %arg6[%parallel_loop3A_1722, %parallel_loop3A_1723, %parallel_loop3A_1724, %parallel_loop3A_1725], %parallel_loop3A_1728 {strides = array<i32>} : memref<3x4x8x1024xf32, #tpu.memory_space<vmem>>, vector<1x1x1x16xf32>,
      %parallel_loop3A_1729 = arith.constant 2 : i32
      %parallel_loop3A_1730 = arith.constant 2 : i32
      %parallel_loop3A_1731 = arith.index_cast %parallel_loop3A_1729 : i32 to index
      %parallel_loop3A_1732 = arith.index_cast %parallel_loop3A_1730 : i32 to index
      %parallel_loop3A_1733 = arith.index_cast %parallel_loop3A_1682 : i32 to index
      %parallel_loop3A_1734 = arith.index_cast %parallel_loop3A_1686 : i32 to index
      %parallel_loop3A_1735 = tpu.vector_load %arg6[%parallel_loop3A_1731, %parallel_loop3A_1732, %parallel_loop3A_1733, %parallel_loop3A_1734] {strides = array<i32>} : memref<3x4x8x1024xf32, #tpu.memory_space<vmem>>, vector<1x1x1x16xf32>,
      %parallel_loop3A_1736 = vector.shape_cast %parallel_loop3A_1735 : vector<1x1x1x16xf32> to vector<16xf32>
      %parallel_loop3A_1737 = arith.addf %parallel_loop3A_1736, %parallel_loop3A_1692 : vector<16xf32>
      %parallel_loop3A_1738 = arith.constant 2 : i32
      %parallel_loop3A_1739 = arith.constant 2 : i32
      %parallel_loop3A_1740 = arith.index_cast %parallel_loop3A_1738 : i32 to index
      %parallel_loop3A_1741 = arith.index_cast %parallel_loop3A_1739 : i32 to index
      %parallel_loop3A_1742 = arith.index_cast %parallel_loop3A_1682 : i32 to index
      %parallel_loop3A_1743 = arith.index_cast %parallel_loop3A_1686 : i32 to index
      %parallel_loop3A_1744 = tpu.vector_load %arg6[%parallel_loop3A_1740, %parallel_loop3A_1741, %parallel_loop3A_1742, %parallel_loop3A_1743] {strides = array<i32>} : memref<3x4x8x1024xf32, #tpu.memory_space<vmem>>, vector<1x1x1x16xf32>,
      %parallel_loop3A_1745 = vector.shape_cast %parallel_loop3A_1744 : vector<1x1x1x16xf32> to vector<16xf32>
      %parallel_loop3A_1746 = vector.shape_cast %parallel_loop3A_1737 : vector<16xf32> to vector<1x1x1x16xf32>
      tpu.vector_store %arg6[%parallel_loop3A_1740, %parallel_loop3A_1741, %parallel_loop3A_1742, %parallel_loop3A_1743], %parallel_loop3A_1746 {strides = array<i32>} : memref<3x4x8x1024xf32, #tpu.memory_space<vmem>>, vector<1x1x1x16xf32>,
      %parallel_loop3A_1747 = arith.constant 2 : i32
      %parallel_loop3A_1748 = arith.constant 3 : i32
      %parallel_loop3A_1749 = arith.index_cast %parallel_loop3A_1747 : i32 to index
      %parallel_loop3A_1750 = arith.index_cast %parallel_loop3A_1748 : i32 to index
      %parallel_loop3A_1751 = arith.index_cast %parallel_loop3A_1682 : i32 to index
      %parallel_loop3A_1752 = arith.index_cast %parallel_loop3A_1686 : i32 to index
      %parallel_loop3A_1753 = tpu.vector_load %arg6[%parallel_loop3A_1749, %parallel_loop3A_1750, %parallel_loop3A_1751, %parallel_loop3A_1752] {strides = array<i32>} : memref<3x4x8x1024xf32, #tpu.memory_space<vmem>>, vector<1x1x1x16xf32>,
      %parallel_loop3A_1754 = vector.shape_cast %parallel_loop3A_1753 : vector<1x1x1x16xf32> to vector<16xf32>
      %parallel_loop3A_1755 = arith.addf %parallel_loop3A_1754, %parallel_loop3A_1692 : vector<16xf32>
      %parallel_loop3A_1756 = arith.constant 2 : i32
      %parallel_loop3A_1757 = arith.constant 3 : i32
      %parallel_loop3A_1758 = arith.index_cast %parallel_loop3A_1756 : i32 to index
      %parallel_loop3A_1759 = arith.index_cast %parallel_loop3A_1757 : i32 to index
      %parallel_loop3A_1760 = arith.index_cast %parallel_loop3A_1682 : i32 to index
      %parallel_loop3A_1761 = arith.index_cast %parallel_loop3A_1686 : i32 to index
      %parallel_loop3A_1762 = tpu.vector_load %arg6[%parallel_loop3A_1758, %parallel_loop3A_1759, %parallel_loop3A_1760, %parallel_loop3A_1761] {strides = array<i32>} : memref<3x4x8x1024xf32, #tpu.memory_space<vmem>>, vector<1x1x1x16xf32>,
      %parallel_loop3A_1763 = vector.shape_cast %parallel_loop3A_1762 : vector<1x1x1x16xf32> to vector<16xf32>
      %parallel_loop3A_1764 = vector.shape_cast %parallel_loop3A_1755 : vector<16xf32> to vector<1x1x1x16xf32>
      tpu.vector_store %arg6[%parallel_loop3A_1758, %parallel_loop3A_1759, %parallel_loop3A_1760, %parallel_loop3A_1761], %parallel_loop3A_1764 {strides = array<i32>} : memref<3x4x8x1024xf32, #tpu.memory_space<vmem>>, vector<1x1x1x16xf32>,
    } {sc.loop_unroll_factor = 8 : i64, sc.parallel_access}
    %add3A_290 = arith.constant 16 : i32
    %add3A_291 = arith.addi %mul3A_2, %add3A_290 : i32
    %dma_start3A_292 = arith.constant 2 : i32
    %dma_start3A_293 = arith.constant 0 : i32
    %dma_start3A_294 = arith.constant 0 : i32
    %dma_start3A_295 = arith.constant 0 : i32
    %dma_start3A_296 = tpu.memref_slice %arg6[%dma_start3A_292, %dma_start3A_293, %dma_start3A_294, %dma_start3A_295] : memref<3x4x8x1024xf32, #tpu.memory_space<vmem>> -> memref<1x4x8x1024xf32, #tpu.memory_space<vmem>>
    %dma_start3A_297 = tpu.memref_squeeze %dma_start3A_296 : memref<1x4x8x1024xf32, #tpu.memory_space<vmem>> -> memref<4x8x1024xf32, #tpu.memory_space<vmem>>
    %dma_start3A_298 = arith.constant 0 : i32
    %dma_start3A_299 = arith.constant 0 : i32
    %dma_start3A_300 = tpu.memref_slice %arg4[%dma_start3A_298, %add3A_291, %dma_start3A_299] : memref<4x4096x1024xf32, #tpu.memory_space<hbm>> -> memref<4x8x1024xf32, #tpu.memory_space<hbm>>
    %dma_start3A_301 = arith.constant 0 : i32
    %dma_start3A_302 = arith.constant 0 : i32
    %dma_start3A_303 = tpu.memref_slice %arg4[%dma_start3A_301, %add3A_291, %dma_start3A_302] : memref<4x4096x1024xf32, #tpu.memory_space<hbm>> -> memref<4x8x1024xf32, #tpu.memory_space<hbm>>
    %dma_start3A_304 = arith.constant 0 : i32
    %dma_start3A_305 = arith.constant 0 : i32
    %dma_start3A_306 = arith.constant 0 : i32
    %dma_start3A_307 = tpu.memref_slice %arg6[%dma_start3A_292, %dma_start3A_304, %dma_start3A_305, %dma_start3A_306] : memref<3x4x8x1024xf32, #tpu.memory_space<vmem>> -> memref<1x4x8x1024xf32, #tpu.memory_space<vmem>>
    %dma_start3A_308 = tpu.memref_squeeze %dma_start3A_307 : memref<1x4x8x1024xf32, #tpu.memory_space<vmem>> -> memref<4x8x1024xf32, #tpu.memory_space<vmem>>
    tpu.enqueue_dma source(%dma_start3A_308 : memref<4x8x1024xf32, #tpu.memory_space<vmem>>) target(%dma_start3A_303 : memref<4x8x1024xf32, #tpu.memory_space<hbm>>) target_semaphore(%arg12 : memref<!tpu.dma_semaphore, #tpu.memory_space<semaphore_mem>>)
    %add3A_309 = arith.constant 8 : i32
    %add3A_310 = arith.addi %mul3A_2, %add3A_309 : i32
    %dma_wait3A_311 = arith.constant 1 : i32
    %dma_wait3A_312 = arith.constant 0 : i32
    %dma_wait3A_313 = arith.constant 0 : i32
    %dma_wait3A_314 = arith.constant 0 : i32
    %dma_wait3A_315 = tpu.memref_slice %arg6[%dma_wait3A_311, %dma_wait3A_312, %dma_wait3A_313, %dma_wait3A_314] : memref<3x4x8x1024xf32, #tpu.memory_space<vmem>> -> memref<1x4x8x1024xf32, #tpu.memory_space<vmem>>
    %dma_wait3A_316 = tpu.memref_squeeze %dma_wait3A_315 : memref<1x4x8x1024xf32, #tpu.memory_space<vmem>> -> memref<4x8x1024xf32, #tpu.memory_space<vmem>>
    %dma_wait3A_317 = arith.constant 0 : i32
    %dma_wait3A_318 = arith.constant 0 : i32
    %dma_wait3A_319 = tpu.memref_slice %arg4[%dma_wait3A_317, %add3A_310, %dma_wait3A_318] : memref<4x4096x1024xf32, #tpu.memory_space<hbm>> -> memref<4x8x1024xf32, #tpu.memory_space<hbm>>
    %dma_wait3A_320 = arith.constant 0 : i32
    %dma_wait3A_321 = arith.constant 0 : i32
    %dma_wait3A_322 = tpu.memref_slice %arg4[%dma_wait3A_320, %add3A_310, %dma_wait3A_321] : memref<4x4096x1024xf32, #tpu.memory_space<hbm>> -> memref<4x8x1024xf32, #tpu.memory_space<hbm>>
    %dma_wait3A_323 = arith.constant 0 : i32
    %dma_wait3A_324 = arith.constant 0 : i32
    %dma_wait3A_325 = arith.constant 0 : i32
    %dma_wait3A_326 = tpu.memref_slice %arg6[%dma_wait3A_311, %dma_wait3A_323, %dma_wait3A_324, %dma_wait3A_325] : memref<3x4x8x1024xf32, #tpu.memory_space<vmem>> -> memref<1x4x8x1024xf32, #tpu.memory_space<vmem>>
    %dma_wait3A_327 = tpu.memref_squeeze %dma_wait3A_326 : memref<1x4x8x1024xf32, #tpu.memory_space<vmem>> -> memref<4x8x1024xf32, #tpu.memory_space<vmem>>
    tpu.wait_dma2 semaphore(%arg11 : memref<!tpu.dma_semaphore, #tpu.memory_space<semaphore_mem>>) src(%dma_wait3A_327 : memref<4x8x1024xf32, #tpu.memory_space<vmem>>) dst(%dma_wait3A_322 : memref<4x8x1024xf32, #tpu.memory_space<hbm>>)
    %add3A_328 = arith.constant 32 : i32
    %add3A_329 = arith.addi %mul3A_2, %add3A_328 : i32
    %dma_start3A_330 = arith.constant 1 : i32
    %dma_start3A_331 = arith.constant 0 : i32
    %dma_start3A_332 = arith.constant 0 : i32
    %dma_start3A_333 = tpu.memref_slice %arg5[%dma_start3A_330, %dma_start3A_331, %dma_start3A_332] : memref<3x8x1024xf32, #tpu.memory_space<vmem>> -> memref<1x8x1024xf32, #tpu.memory_space<vmem>>
    %dma_start3A_334 = tpu.memref_squeeze %dma_start3A_333 : memref<1x8x1024xf32, #tpu.memory_space<vmem>> -> memref<8x1024xf32, #tpu.memory_space<vmem>>
    %dma_start3A_335 = arith.constant 0 : i32
    %dma_start3A_336 = tpu.memref_slice %arg3[%add3A_329, %dma_start3A_335] : memref<8192x1024xf32, #tpu.memory_space<hbm>> -> memref<8x1024xf32, #tpu.memory_space<hbm>>
    %dma_start3A_337 = arith.constant 0 : i32
    %dma_start3A_338 = arith.constant 0 : i32
    %dma_start3A_339 = tpu.memref_slice %arg5[%dma_start3A_330, %dma_start3A_337, %dma_start3A_338] : memref<3x8x1024xf32, #tpu.memory_space<vmem>> -> memref<1x8x1024xf32, #tpu.memory_space<vmem>>
    %dma_start3A_340 = tpu.memref_squeeze %dma_start3A_339 : memref<1x8x1024xf32, #tpu.memory_space<vmem>> -> memref<8x1024xf32, #tpu.memory_space<vmem>>
    %dma_start3A_341 = arith.constant 0 : i32
    %dma_start3A_342 = tpu.memref_slice %arg3[%add3A_329, %dma_start3A_341] : memref<8192x1024xf32, #tpu.memory_space<hbm>> -> memref<8x1024xf32, #tpu.memory_space<hbm>>
    tpu.enqueue_dma source(%dma_start3A_342 : memref<8x1024xf32, #tpu.memory_space<hbm>>) target(%dma_start3A_340 : memref<8x1024xf32, #tpu.memory_space<vmem>>) target_semaphore(%arg8 : memref<!tpu.dma_semaphore, #tpu.memory_space<semaphore_mem>>)
    %dma_start3A_343 = arith.constant 1 : i32
    %dma_start3A_344 = arith.constant 0 : i32
    %dma_start3A_345 = arith.constant 0 : i32
    %dma_start3A_346 = arith.constant 0 : i32
    %dma_start3A_347 = tpu.memref_slice %arg6[%dma_start3A_343, %dma_start3A_344, %dma_start3A_345, %dma_start3A_346] : memref<3x4x8x1024xf32, #tpu.memory_space<vmem>> -> memref<1x4x8x1024xf32, #tpu.memory_space<vmem>>
    %dma_start3A_348 = tpu.memref_squeeze %dma_start3A_347 : memref<1x4x8x1024xf32, #tpu.memory_space<vmem>> -> memref<4x8x1024xf32, #tpu.memory_space<vmem>>
    %dma_start3A_349 = arith.constant 0 : i32
    %dma_start3A_350 = arith.constant 0 : i32
    %dma_start3A_351 = tpu.memref_slice %arg2[%dma_start3A_349, %add3A_329, %dma_start3A_350] : memref<4x4096x1024xf32, #tpu.memory_space<hbm>> -> memref<4x8x1024xf32, #tpu.memory_space<hbm>>
    %dma_start3A_352 = arith.constant 0 : i32
    %dma_start3A_353 = arith.constant 0 : i32
    %dma_start3A_354 = arith.constant 0 : i32
    %dma_start3A_355 = tpu.memref_slice %arg6[%dma_start3A_343, %dma_start3A_352, %dma_start3A_353, %dma_start3A_354] : memref<3x4x8x1024xf32, #tpu.memory_space<vmem>> -> memref<1x4x8x1024xf32, #tpu.memory_space<vmem>>
    %dma_start3A_356 = tpu.memref_squeeze %dma_start3A_355 : memref<1x4x8x1024xf32, #tpu.memory_space<vmem>> -> memref<4x8x1024xf32, #tpu.memory_space<vmem>>
    %dma_start3A_357 = arith.constant 0 : i32
    %dma_start3A_358 = arith.constant 0 : i32
    %dma_start3A_359 = tpu.memref_slice %arg2[%dma_start3A_357, %add3A_329, %dma_start3A_358] : memref<4x4096x1024xf32, #tpu.memory_space<hbm>> -> memref<4x8x1024xf32, #tpu.memory_space<hbm>>
    tpu.enqueue_dma source(%dma_start3A_359 : memref<4x8x1024xf32, #tpu.memory_space<hbm>>) target(%dma_start3A_356 : memref<4x8x1024xf32, #tpu.memory_space<vmem>>) target_semaphore(%arg8 : memref<!tpu.dma_semaphore, #tpu.memory_space<semaphore_mem>>)
    %add3A_360 = arith.constant 24 : i32
    %add3A_361 = arith.addi %mul3A_2, %add3A_360 : i32
    %dma_wait3A_362 = arith.constant 0 : i32
    %dma_wait3A_363 = arith.constant 0 : i32
    %dma_wait3A_364 = arith.constant 0 : i32
    %dma_wait3A_365 = tpu.memref_slice %arg5[%dma_wait3A_362, %dma_wait3A_363, %dma_wait3A_364] : memref<3x8x1024xf32, #tpu.memory_space<vmem>> -> memref<1x8x1024xf32, #tpu.memory_space<vmem>>
    %dma_wait3A_366 = tpu.memref_squeeze %dma_wait3A_365 : memref<1x8x1024xf32, #tpu.memory_space<vmem>> -> memref<8x1024xf32, #tpu.memory_space<vmem>>
    %dma_wait3A_367 = arith.constant 0 : i32
    %dma_wait3A_368 = tpu.memref_slice %arg3[%add3A_361, %dma_wait3A_367] : memref<8192x1024xf32, #tpu.memory_space<hbm>> -> memref<8x1024xf32, #tpu.memory_space<hbm>>
    %dma_wait3A_369 = arith.constant 0 : i32
    %dma_wait3A_370 = arith.constant 0 : i32
    %dma_wait3A_371 = tpu.memref_slice %arg5[%dma_wait3A_362, %dma_wait3A_369, %dma_wait3A_370] : memref<3x8x1024xf32, #tpu.memory_space<vmem>> -> memref<1x8x1024xf32, #tpu.memory_space<vmem>>
    %dma_wait3A_372 = tpu.memref_squeeze %dma_wait3A_371 : memref<1x8x1024xf32, #tpu.memory_space<vmem>> -> memref<8x1024xf32, #tpu.memory_space<vmem>>
    %dma_wait3A_373 = arith.constant 0 : i32
    %dma_wait3A_374 = tpu.memref_slice %arg3[%add3A_361, %dma_wait3A_373] : memref<8192x1024xf32, #tpu.memory_space<hbm>> -> memref<8x1024xf32, #tpu.memory_space<hbm>>
    tpu.wait_dma2 semaphore(%arg7 : memref<!tpu.dma_semaphore, #tpu.memory_space<semaphore_mem>>) src(%dma_wait3A_374 : memref<8x1024xf32, #tpu.memory_space<hbm>>) dst(%dma_wait3A_372 : memref<8x1024xf32, #tpu.memory_space<vmem>>)
    %dma_wait3A_375 = arith.constant 0 : i32
    %dma_wait3A_376 = arith.constant 0 : i32
    %dma_wait3A_377 = arith.constant 0 : i32
    %dma_wait3A_378 = arith.constant 0 : i32
    %dma_wait3A_379 = tpu.memref_slice %arg6[%dma_wait3A_375, %dma_wait3A_376, %dma_wait3A_377, %dma_wait3A_378] : memref<3x4x8x1024xf32, #tpu.memory_space<vmem>> -> memref<1x4x8x1024xf32, #tpu.memory_space<vmem>>
    %dma_wait3A_380 = tpu.memref_squeeze %dma_wait3A_379 : memref<1x4x8x1024xf32, #tpu.memory_space<vmem>> -> memref<4x8x1024xf32, #tpu.memory_space<vmem>>
    %dma_wait3A_381 = arith.constant 0 : i32
    %dma_wait3A_382 = arith.constant 0 : i32
    %dma_wait3A_383 = tpu.memref_slice %arg2[%dma_wait3A_381, %add3A_361, %dma_wait3A_382] : memref<4x4096x1024xf32, #tpu.memory_space<hbm>> -> memref<4x8x1024xf32, #tpu.memory_space<hbm>>
    %dma_wait3A_384 = arith.constant 0 : i32
    %dma_wait3A_385 = arith.constant 0 : i32
    %dma_wait3A_386 = arith.constant 0 : i32
    %dma_wait3A_387 = tpu.memref_slice %arg6[%dma_wait3A_375, %dma_wait3A_384, %dma_wait3A_385, %dma_wait3A_386] : memref<3x4x8x1024xf32, #tpu.memory_space<vmem>> -> memref<1x4x8x1024xf32, #tpu.memory_space<vmem>>
    %dma_wait3A_388 = tpu.memref_squeeze %dma_wait3A_387 : memref<1x4x8x1024xf32, #tpu.memory_space<vmem>> -> memref<4x8x1024xf32, #tpu.memory_space<vmem>>
    %dma_wait3A_389 = arith.constant 0 : i32
    %dma_wait3A_390 = arith.constant 0 : i32
    %dma_wait3A_391 = tpu.memref_slice %arg2[%dma_wait3A_389, %add3A_361, %dma_wait3A_390] : memref<4x4096x1024xf32, #tpu.memory_space<hbm>> -> memref<4x8x1024xf32, #tpu.memory_space<hbm>>
    tpu.wait_dma2 semaphore(%arg7 : memref<!tpu.dma_semaphore, #tpu.memory_space<semaphore_mem>>) src(%dma_wait3A_391 : memref<4x8x1024xf32, #tpu.memory_space<hbm>>) dst(%dma_wait3A_388 : memref<4x8x1024xf32, #tpu.memory_space<vmem>>)
    %parallel_loop3A_392 = arith.constant 0 : i32
    %parallel_loop3A_393 = arith.constant 512 : i32
    %parallel_loop3A_394 = arith.constant 1 : i32
    scf.for %parallel_loop3A_1680 = %parallel_loop3A_392 to %parallel_loop3A_393 step %parallel_loop3A_394  : i32 {
      %parallel_loop3A_1681 = arith.constant 6 : i32
      %parallel_loop3A_1682 = arith.shrui %parallel_loop3A_1680, %parallel_loop3A_1681 : i32
      %parallel_loop3A_1683 = arith.constant 63 : i32
      %parallel_loop3A_1684 = arith.andi %parallel_loop3A_1680, %parallel_loop3A_1683 : i32
      %parallel_loop3A_1685 = arith.constant 16 : i32
      %parallel_loop3A_1686 = arith.muli %parallel_loop3A_1684, %parallel_loop3A_1685 : i32
      %parallel_loop3A_1687 = arith.constant 0 : i32
      %parallel_loop3A_1688 = arith.index_cast %parallel_loop3A_1687 : i32 to index
      %parallel_loop3A_1689 = arith.index_cast %parallel_loop3A_1682 : i32 to index
      %parallel_loop3A_1690 = arith.index_cast %parallel_loop3A_1686 : i32 to index
      %parallel_loop3A_1691 = tpu.vector_load %arg5[%parallel_loop3A_1688, %parallel_loop3A_1689, %parallel_loop3A_1690] {strides = array<i32>} : memref<3x8x1024xf32, #tpu.memory_space<vmem>>, vector<1x1x16xf32>,
      %parallel_loop3A_1692 = vector.shape_cast %parallel_loop3A_1691 : vector<1x1x16xf32> to vector<16xf32>
      %parallel_loop3A_1693 = arith.constant 0 : i32
      %parallel_loop3A_1694 = arith.constant 0 : i32
      %parallel_loop3A_1695 = arith.index_cast %parallel_loop3A_1693 : i32 to index
      %parallel_loop3A_1696 = arith.index_cast %parallel_loop3A_1694 : i32 to index
      %parallel_loop3A_1697 = arith.index_cast %parallel_loop3A_1682 : i32 to index
      %parallel_loop3A_1698 = arith.index_cast %parallel_loop3A_1686 : i32 to index
      %parallel_loop3A_1699 = tpu.vector_load %arg6[%parallel_loop3A_1695, %parallel_loop3A_1696, %parallel_loop3A_1697, %parallel_loop3A_1698] {strides = array<i32>} : memref<3x4x8x1024xf32, #tpu.memory_space<vmem>>, vector<1x1x1x16xf32>,
      %parallel_loop3A_1700 = vector.shape_cast %parallel_loop3A_1699 : vector<1x1x1x16xf32> to vector<16xf32>
      %parallel_loop3A_1701 = arith.addf %parallel_loop3A_1700, %parallel_loop3A_1692 : vector<16xf32>
      %parallel_loop3A_1702 = arith.constant 0 : i32
      %parallel_loop3A_1703 = arith.constant 0 : i32
      %parallel_loop3A_1704 = arith.index_cast %parallel_loop3A_1702 : i32 to index
      %parallel_loop3A_1705 = arith.index_cast %parallel_loop3A_1703 : i32 to index
      %parallel_loop3A_1706 = arith.index_cast %parallel_loop3A_1682 : i32 to index
      %parallel_loop3A_1707 = arith.index_cast %parallel_loop3A_1686 : i32 to index
      %parallel_loop3A_1708 = tpu.vector_load %arg6[%parallel_loop3A_1704, %parallel_loop3A_1705, %parallel_loop3A_1706, %parallel_loop3A_1707] {strides = array<i32>} : memref<3x4x8x1024xf32, #tpu.memory_space<vmem>>, vector<1x1x1x16xf32>,
      %parallel_loop3A_1709 = vector.shape_cast %parallel_loop3A_1708 : vector<1x1x1x16xf32> to vector<16xf32>
      %parallel_loop3A_1710 = vector.shape_cast %parallel_loop3A_1701 : vector<16xf32> to vector<1x1x1x16xf32>
      tpu.vector_store %arg6[%parallel_loop3A_1704, %parallel_loop3A_1705, %parallel_loop3A_1706, %parallel_loop3A_1707], %parallel_loop3A_1710 {strides = array<i32>} : memref<3x4x8x1024xf32, #tpu.memory_space<vmem>>, vector<1x1x1x16xf32>,
      %parallel_loop3A_1711 = arith.constant 0 : i32
      %parallel_loop3A_1712 = arith.constant 1 : i32
      %parallel_loop3A_1713 = arith.index_cast %parallel_loop3A_1711 : i32 to index
      %parallel_loop3A_1714 = arith.index_cast %parallel_loop3A_1712 : i32 to index
      %parallel_loop3A_1715 = arith.index_cast %parallel_loop3A_1682 : i32 to index
      %parallel_loop3A_1716 = arith.index_cast %parallel_loop3A_1686 : i32 to index
      %parallel_loop3A_1717 = tpu.vector_load %arg6[%parallel_loop3A_1713, %parallel_loop3A_1714, %parallel_loop3A_1715, %parallel_loop3A_1716] {strides = array<i32>} : memref<3x4x8x1024xf32, #tpu.memory_space<vmem>>, vector<1x1x1x16xf32>,
      %parallel_loop3A_1718 = vector.shape_cast %parallel_loop3A_1717 : vector<1x1x1x16xf32> to vector<16xf32>
      %parallel_loop3A_1719 = arith.addf %parallel_loop3A_1718, %parallel_loop3A_1692 : vector<16xf32>
      %parallel_loop3A_1720 = arith.constant 0 : i32
      %parallel_loop3A_1721 = arith.constant 1 : i32
      %parallel_loop3A_1722 = arith.index_cast %parallel_loop3A_1720 : i32 to index
      %parallel_loop3A_1723 = arith.index_cast %parallel_loop3A_1721 : i32 to index
      %parallel_loop3A_1724 = arith.index_cast %parallel_loop3A_1682 : i32 to index
      %parallel_loop3A_1725 = arith.index_cast %parallel_loop3A_1686 : i32 to index
      %parallel_loop3A_1726 = tpu.vector_load %arg6[%parallel_loop3A_1722, %parallel_loop3A_1723, %parallel_loop3A_1724, %parallel_loop3A_1725] {strides = array<i32>} : memref<3x4x8x1024xf32, #tpu.memory_space<vmem>>, vector<1x1x1x16xf32>,
      %parallel_loop3A_1727 = vector.shape_cast %parallel_loop3A_1726 : vector<1x1x1x16xf32> to vector<16xf32>
      %parallel_loop3A_1728 = vector.shape_cast %parallel_loop3A_1719 : vector<16xf32> to vector<1x1x1x16xf32>
      tpu.vector_store %arg6[%parallel_loop3A_1722, %parallel_loop3A_1723, %parallel_loop3A_1724, %parallel_loop3A_1725], %parallel_loop3A_1728 {strides = array<i32>} : memref<3x4x8x1024xf32, #tpu.memory_space<vmem>>, vector<1x1x1x16xf32>,
      %parallel_loop3A_1729 = arith.constant 0 : i32
      %parallel_loop3A_1730 = arith.constant 2 : i32
      %parallel_loop3A_1731 = arith.index_cast %parallel_loop3A_1729 : i32 to index
      %parallel_loop3A_1732 = arith.index_cast %parallel_loop3A_1730 : i32 to index
      %parallel_loop3A_1733 = arith.index_cast %parallel_loop3A_1682 : i32 to index
      %parallel_loop3A_1734 = arith.index_cast %parallel_loop3A_1686 : i32 to index
      %parallel_loop3A_1735 = tpu.vector_load %arg6[%parallel_loop3A_1731, %parallel_loop3A_1732, %parallel_loop3A_1733, %parallel_loop3A_1734] {strides = array<i32>} : memref<3x4x8x1024xf32, #tpu.memory_space<vmem>>, vector<1x1x1x16xf32>,
      %parallel_loop3A_1736 = vector.shape_cast %parallel_loop3A_1735 : vector<1x1x1x16xf32> to vector<16xf32>
      %parallel_loop3A_1737 = arith.addf %parallel_loop3A_1736, %parallel_loop3A_1692 : vector<16xf32>
      %parallel_loop3A_1738 = arith.constant 0 : i32
      %parallel_loop3A_1739 = arith.constant 2 : i32
      %parallel_loop3A_1740 = arith.index_cast %parallel_loop3A_1738 : i32 to index
      %parallel_loop3A_1741 = arith.index_cast %parallel_loop3A_1739 : i32 to index
      %parallel_loop3A_1742 = arith.index_cast %parallel_loop3A_1682 : i32 to index
      %parallel_loop3A_1743 = arith.index_cast %parallel_loop3A_1686 : i32 to index
      %parallel_loop3A_1744 = tpu.vector_load %arg6[%parallel_loop3A_1740, %parallel_loop3A_1741, %parallel_loop3A_1742, %parallel_loop3A_1743] {strides = array<i32>} : memref<3x4x8x1024xf32, #tpu.memory_space<vmem>>, vector<1x1x1x16xf32>,
      %parallel_loop3A_1745 = vector.shape_cast %parallel_loop3A_1744 : vector<1x1x1x16xf32> to vector<16xf32>
      %parallel_loop3A_1746 = vector.shape_cast %parallel_loop3A_1737 : vector<16xf32> to vector<1x1x1x16xf32>
      tpu.vector_store %arg6[%parallel_loop3A_1740, %parallel_loop3A_1741, %parallel_loop3A_1742, %parallel_loop3A_1743], %parallel_loop3A_1746 {strides = array<i32>} : memref<3x4x8x1024xf32, #tpu.memory_space<vmem>>, vector<1x1x1x16xf32>,
      %parallel_loop3A_1747 = arith.constant 0 : i32
      %parallel_loop3A_1748 = arith.constant 3 : i32
      %parallel_loop3A_1749 = arith.index_cast %parallel_loop3A_1747 : i32 to index
      %parallel_loop3A_1750 = arith.index_cast %parallel_loop3A_1748 : i32 to index
      %parallel_loop3A_1751 = arith.index_cast %parallel_loop3A_1682 : i32 to index
      %parallel_loop3A_1752 = arith.index_cast %parallel_loop3A_1686 : i32 to index
      %parallel_loop3A_1753 = tpu.vector_load %arg6[%parallel_loop3A_1749, %parallel_loop3A_1750, %parallel_loop3A_1751, %parallel_loop3A_1752] {strides = array<i32>} : memref<3x4x8x1024xf32, #tpu.memory_space<vmem>>, vector<1x1x1x16xf32>,
      %parallel_loop3A_1754 = vector.shape_cast %parallel_loop3A_1753 : vector<1x1x1x16xf32> to vector<16xf32>
      %parallel_loop3A_1755 = arith.addf %parallel_loop3A_1754, %parallel_loop3A_1692 : vector<16xf32>
      %parallel_loop3A_1756 = arith.constant 0 : i32
      %parallel_loop3A_1757 = arith.constant 3 : i32
      %parallel_loop3A_1758 = arith.index_cast %parallel_loop3A_1756 : i32 to index
      %parallel_loop3A_1759 = arith.index_cast %parallel_loop3A_1757 : i32 to index
      %parallel_loop3A_1760 = arith.index_cast %parallel_loop3A_1682 : i32 to index
      %parallel_loop3A_1761 = arith.index_cast %parallel_loop3A_1686 : i32 to index
      %parallel_loop3A_1762 = tpu.vector_load %arg6[%parallel_loop3A_1758, %parallel_loop3A_1759, %parallel_loop3A_1760, %parallel_loop3A_1761] {strides = array<i32>} : memref<3x4x8x1024xf32, #tpu.memory_space<vmem>>, vector<1x1x1x16xf32>,
      %parallel_loop3A_1763 = vector.shape_cast %parallel_loop3A_1762 : vector<1x1x1x16xf32> to vector<16xf32>
      %parallel_loop3A_1764 = vector.shape_cast %parallel_loop3A_1755 : vector<16xf32> to vector<1x1x1x16xf32>
      tpu.vector_store %arg6[%parallel_loop3A_1758, %parallel_loop3A_1759, %parallel_loop3A_1760, %parallel_loop3A_1761], %parallel_loop3A_1764 {strides = array<i32>} : memref<3x4x8x1024xf32, #tpu.memory_space<vmem>>, vector<1x1x1x16xf32>,
    } {sc.loop_unroll_factor = 8 : i64, sc.parallel_access}
    %add3A_395 = arith.constant 24 : i32
    %add3A_396 = arith.addi %mul3A_2, %add3A_395 : i32
    %dma_start3A_397 = arith.constant 0 : i32
    %dma_start3A_398 = arith.constant 0 : i32
    %dma_start3A_399 = arith.constant 0 : i32
    %dma_start3A_400 = arith.constant 0 : i32
    %dma_start3A_401 = tpu.memref_slice %arg6[%dma_start3A_397, %dma_start3A_398, %dma_start3A_399, %dma_start3A_400] : memref<3x4x8x1024xf32, #tpu.memory_space<vmem>> -> memref<1x4x8x1024xf32, #tpu.memory_space<vmem>>
    %dma_start3A_402 = tpu.memref_squeeze %dma_start3A_401 : memref<1x4x8x1024xf32, #tpu.memory_space<vmem>> -> memref<4x8x1024xf32, #tpu.memory_space<vmem>>
    %dma_start3A_403 = arith.constant 0 : i32
    %dma_start3A_404 = arith.constant 0 : i32
    %dma_start3A_405 = tpu.memref_slice %arg4[%dma_start3A_403, %add3A_396, %dma_start3A_404] : memref<4x4096x1024xf32, #tpu.memory_space<hbm>> -> memref<4x8x1024xf32, #tpu.memory_space<hbm>>
    %dma_start3A_406 = arith.constant 0 : i32
    %dma_start3A_407 = arith.constant 0 : i32
    %dma_start3A_408 = tpu.memref_slice %arg4[%dma_start3A_406, %add3A_396, %dma_start3A_407] : memref<4x4096x1024xf32, #tpu.memory_space<hbm>> -> memref<4x8x1024xf32, #tpu.memory_space<hbm>>
    %dma_start3A_409 = arith.constant 0 : i32
    %dma_start3A_410 = arith.constant 0 : i32
    %dma_start3A_411 = arith.constant 0 : i32
    %dma_start3A_412 = tpu.memref_slice %arg6[%dma_start3A_397, %dma_start3A_409, %dma_start3A_410, %dma_start3A_411] : memref<3x4x8x1024xf32, #tpu.memory_space<vmem>> -> memref<1x4x8x1024xf32, #tpu.memory_space<vmem>>
    %dma_start3A_413 = tpu.memref_squeeze %dma_start3A_412 : memref<1x4x8x1024xf32, #tpu.memory_space<vmem>> -> memref<4x8x1024xf32, #tpu.memory_space<vmem>>
    tpu.enqueue_dma source(%dma_start3A_413 : memref<4x8x1024xf32, #tpu.memory_space<vmem>>) target(%dma_start3A_408 : memref<4x8x1024xf32, #tpu.memory_space<hbm>>) target_semaphore(%arg10 : memref<!tpu.dma_semaphore, #tpu.memory_space<semaphore_mem>>)
    %add3A_414 = arith.constant 16 : i32
    %add3A_415 = arith.addi %mul3A_2, %add3A_414 : i32
    %dma_wait3A_416 = arith.constant 2 : i32
    %dma_wait3A_417 = arith.constant 0 : i32
    %dma_wait3A_418 = arith.constant 0 : i32
    %dma_wait3A_419 = arith.constant 0 : i32
    %dma_wait3A_420 = tpu.memref_slice %arg6[%dma_wait3A_416, %dma_wait3A_417, %dma_wait3A_418, %dma_wait3A_419] : memref<3x4x8x1024xf32, #tpu.memory_space<vmem>> -> memref<1x4x8x1024xf32, #tpu.memory_space<vmem>>
    %dma_wait3A_421 = tpu.memref_squeeze %dma_wait3A_420 : memref<1x4x8x1024xf32, #tpu.memory_space<vmem>> -> memref<4x8x1024xf32, #tpu.memory_space<vmem>>
    %dma_wait3A_422 = arith.constant 0 : i32
    %dma_wait3A_423 = arith.constant 0 : i32
    %dma_wait3A_424 = tpu.memref_slice %arg4[%dma_wait3A_422, %add3A_415, %dma_wait3A_423] : memref<4x4096x1024xf32, #tpu.memory_space<hbm>> -> memref<4x8x1024xf32, #tpu.memory_space<hbm>>
    %dma_wait3A_425 = arith.constant 0 : i32
    %dma_wait3A_426 = arith.constant 0 : i32
    %dma_wait3A_427 = tpu.memref_slice %arg4[%dma_wait3A_425, %add3A_415, %dma_wait3A_426] : memref<4x4096x1024xf32, #tpu.memory_space<hbm>> -> memref<4x8x1024xf32, #tpu.memory_space<hbm>>
    %dma_wait3A_428 = arith.constant 0 : i32
    %dma_wait3A_429 = arith.constant 0 : i32
    %dma_wait3A_430 = arith.constant 0 : i32
    %dma_wait3A_431 = tpu.memref_slice %arg6[%dma_wait3A_416, %dma_wait3A_428, %dma_wait3A_429, %dma_wait3A_430] : memref<3x4x8x1024xf32, #tpu.memory_space<vmem>> -> memref<1x4x8x1024xf32, #tpu.memory_space<vmem>>
    %dma_wait3A_432 = tpu.memref_squeeze %dma_wait3A_431 : memref<1x4x8x1024xf32, #tpu.memory_space<vmem>> -> memref<4x8x1024xf32, #tpu.memory_space<vmem>>
    tpu.wait_dma2 semaphore(%arg12 : memref<!tpu.dma_semaphore, #tpu.memory_space<semaphore_mem>>) src(%dma_wait3A_432 : memref<4x8x1024xf32, #tpu.memory_space<vmem>>) dst(%dma_wait3A_427 : memref<4x8x1024xf32, #tpu.memory_space<hbm>>)
    %add3A_433 = arith.constant 40 : i32
    %add3A_434 = arith.addi %mul3A_2, %add3A_433 : i32
    %dma_start3A_435 = arith.constant 2 : i32
    %dma_start3A_436 = arith.constant 0 : i32
    %dma_start3A_437 = arith.constant 0 : i32
    %dma_start3A_438 = tpu.memref_slice %arg5[%dma_start3A_435, %dma_start3A_436, %dma_start3A_437] : memref<3x8x1024xf32, #tpu.memory_space<vmem>> -> memref<1x8x1024xf32, #tpu.memory_space<vmem>>
    %dma_start3A_439 = tpu.memref_squeeze %dma_start3A_438 : memref<1x8x1024xf32, #tpu.memory_space<vmem>> -> memref<8x1024xf32, #tpu.memory_space<vmem>>
    %dma_start3A_440 = arith.constant 0 : i32
    %dma_start3A_441 = tpu.memref_slice %arg3[%add3A_434, %dma_start3A_440] : memref<8192x1024xf32, #tpu.memory_space<hbm>> -> memref<8x1024xf32, #tpu.memory_space<hbm>>
    %dma_start3A_442 = arith.constant 0 : i32
    %dma_start3A_443 = arith.constant 0 : i32
    %dma_start3A_444 = tpu.memref_slice %arg5[%dma_start3A_435, %dma_start3A_442, %dma_start3A_443] : memref<3x8x1024xf32, #tpu.memory_space<vmem>> -> memref<1x8x1024xf32, #tpu.memory_space<vmem>>
    %dma_start3A_445 = tpu.memref_squeeze %dma_start3A_444 : memref<1x8x1024xf32, #tpu.memory_space<vmem>> -> memref<8x1024xf32, #tpu.memory_space<vmem>>
    %dma_start3A_446 = arith.constant 0 : i32
    %dma_start3A_447 = tpu.memref_slice %arg3[%add3A_434, %dma_start3A_446] : memref<8192x1024xf32, #tpu.memory_space<hbm>> -> memref<8x1024xf32, #tpu.memory_space<hbm>>
    tpu.enqueue_dma source(%dma_start3A_447 : memref<8x1024xf32, #tpu.memory_space<hbm>>) target(%dma_start3A_445 : memref<8x1024xf32, #tpu.memory_space<vmem>>) target_semaphore(%arg9 : memref<!tpu.dma_semaphore, #tpu.memory_space<semaphore_mem>>)
    %dma_start3A_448 = arith.constant 2 : i32
    %dma_start3A_449 = arith.constant 0 : i32
    %dma_start3A_450 = arith.constant 0 : i32
    %dma_start3A_451 = arith.constant 0 : i32
    %dma_start3A_452 = tpu.memref_slice %arg6[%dma_start3A_448, %dma_start3A_449, %dma_start3A_450, %dma_start3A_451] : memref<3x4x8x1024xf32, #tpu.memory_space<vmem>> -> memref<1x4x8x1024xf32, #tpu.memory_space<vmem>>
    %dma_start3A_453 = tpu.memref_squeeze %dma_start3A_452 : memref<1x4x8x1024xf32, #tpu.memory_space<vmem>> -> memref<4x8x1024xf32, #tpu.memory_space<vmem>>
    %dma_start3A_454 = arith.constant 0 : i32
    %dma_start3A_455 = arith.constant 0 : i32
    %dma_start3A_456 = tpu.memref_slice %arg2[%dma_start3A_454, %add3A_434, %dma_start3A_455] : memref<4x4096x1024xf32, #tpu.memory_space<hbm>> -> memref<4x8x1024xf32, #tpu.memory_space<hbm>>
    %dma_start3A_457 = arith.constant 0 : i32
    %dma_start3A_458 = arith.constant 0 : i32
    %dma_start3A_459 = arith.constant 0 : i32
    %dma_start3A_460 = tpu.memref_slice %arg6[%dma_start3A_448, %dma_start3A_457, %dma_start3A_458, %dma_start3A_459] : memref<3x4x8x1024xf32, #tpu.memory_space<vmem>> -> memref<1x4x8x1024xf32, #tpu.memory_space<vmem>>
    %dma_start3A_461 = tpu.memref_squeeze %dma_start3A_460 : memref<1x4x8x1024xf32, #tpu.memory_space<vmem>> -> memref<4x8x1024xf32, #tpu.memory_space<vmem>>
    %dma_start3A_462 = arith.constant 0 : i32
    %dma_start3A_463 = arith.constant 0 : i32
    %dma_start3A_464 = tpu.memref_slice %arg2[%dma_start3A_462, %add3A_434, %dma_start3A_463] : memref<4x4096x1024xf32, #tpu.memory_space<hbm>> -> memref<4x8x1024xf32, #tpu.memory_space<hbm>>
    tpu.enqueue_dma source(%dma_start3A_464 : memref<4x8x1024xf32, #tpu.memory_space<hbm>>) target(%dma_start3A_461 : memref<4x8x1024xf32, #tpu.memory_space<vmem>>) target_semaphore(%arg9 : memref<!tpu.dma_semaphore, #tpu.memory_space<semaphore_mem>>)
    %add3A_465 = arith.constant 32 : i32
    %add3A_466 = arith.addi %mul3A_2, %add3A_465 : i32
    %dma_wait3A_467 = arith.constant 1 : i32
    %dma_wait3A_468 = arith.constant 0 : i32
    %dma_wait3A_469 = arith.constant 0 : i32
    %dma_wait3A_470 = tpu.memref_slice %arg5[%dma_wait3A_467, %dma_wait3A_468, %dma_wait3A_469] : memref<3x8x1024xf32, #tpu.memory_space<vmem>> -> memref<1x8x1024xf32, #tpu.memory_space<vmem>>
    %dma_wait3A_471 = tpu.memref_squeeze %dma_wait3A_470 : memref<1x8x1024xf32, #tpu.memory_space<vmem>> -> memref<8x1024xf32, #tpu.memory_space<vmem>>
    %dma_wait3A_472 = arith.constant 0 : i32
    %dma_wait3A_473 = tpu.memref_slice %arg3[%add3A_466, %dma_wait3A_472] : memref<8192x1024xf32, #tpu.memory_space<hbm>> -> memref<8x1024xf32, #tpu.memory_space<hbm>>
    %dma_wait3A_474 = arith.constant 0 : i32
    %dma_wait3A_475 = arith.constant 0 : i32
    %dma_wait3A_476 = tpu.memref_slice %arg5[%dma_wait3A_467, %dma_wait3A_474, %dma_wait3A_475] : memref<3x8x1024xf32, #tpu.memory_space<vmem>> -> memref<1x8x1024xf32, #tpu.memory_space<vmem>>
    %dma_wait3A_477 = tpu.memref_squeeze %dma_wait3A_476 : memref<1x8x1024xf32, #tpu.memory_space<vmem>> -> memref<8x1024xf32, #tpu.memory_space<vmem>>
    %dma_wait3A_478 = arith.constant 0 : i32
    %dma_wait3A_479 = tpu.memref_slice %arg3[%add3A_466, %dma_wait3A_478] : memref<8192x1024xf32, #tpu.memory_space<hbm>> -> memref<8x1024xf32, #tpu.memory_space<hbm>>
    tpu.wait_dma2 semaphore(%arg8 : memref<!tpu.dma_semaphore, #tpu.memory_space<semaphore_mem>>) src(%dma_wait3A_479 : memref<8x1024xf32, #tpu.memory_space<hbm>>) dst(%dma_wait3A_477 : memref<8x1024xf32, #tpu.memory_space<vmem>>)
    %dma_wait3A_480 = arith.constant 1 : i32
    %dma_wait3A_481 = arith.constant 0 : i32
    %dma_wait3A_482 = arith.constant 0 : i32
    %dma_wait3A_483 = arith.constant 0 : i32
    %dma_wait3A_484 = tpu.memref_slice %arg6[%dma_wait3A_480, %dma_wait3A_481, %dma_wait3A_482, %dma_wait3A_483] : memref<3x4x8x1024xf32, #tpu.memory_space<vmem>> -> memref<1x4x8x1024xf32, #tpu.memory_space<vmem>>
    %dma_wait3A_485 = tpu.memref_squeeze %dma_wait3A_484 : memref<1x4x8x1024xf32, #tpu.memory_space<vmem>> -> memref<4x8x1024xf32, #tpu.memory_space<vmem>>
    %dma_wait3A_486 = arith.constant 0 : i32
    %dma_wait3A_487 = arith.constant 0 : i32
    %dma_wait3A_488 = tpu.memref_slice %arg2[%dma_wait3A_486, %add3A_466, %dma_wait3A_487] : memref<4x4096x1024xf32, #tpu.memory_space<hbm>> -> memref<4x8x1024xf32, #tpu.memory_space<hbm>>
    %dma_wait3A_489 = arith.constant 0 : i32
    %dma_wait3A_490 = arith.constant 0 : i32
    %dma_wait3A_491 = arith.constant 0 : i32
    %dma_wait3A_492 = tpu.memref_slice %arg6[%dma_wait3A_480, %dma_wait3A_489, %dma_wait3A_490, %dma_wait3A_491] : memref<3x4x8x1024xf32, #tpu.memory_space<vmem>> -> memref<1x4x8x1024xf32, #tpu.memory_space<vmem>>
    %dma_wait3A_493 = tpu.memref_squeeze %dma_wait3A_492 : memref<1x4x8x1024xf32, #tpu.memory_space<vmem>> -> memref<4x8x1024xf32, #tpu.memory_space<vmem>>
    %dma_wait3A_494 = arith.constant 0 : i32
    %dma_wait3A_495 = arith.constant 0 : i32
    %dma_wait3A_496 = tpu.memref_slice %arg2[%dma_wait3A_494, %add3A_466, %dma_wait3A_495] : memref<4x4096x1024xf32, #tpu.memory_space<hbm>> -> memref<4x8x1024xf32, #tpu.memory_space<hbm>>
    tpu.wait_dma2 semaphore(%arg8 : memref<!tpu.dma_semaphore, #tpu.memory_space<semaphore_mem>>) src(%dma_wait3A_496 : memref<4x8x1024xf32, #tpu.memory_space<hbm>>) dst(%dma_wait3A_493 : memref<4x8x1024xf32, #tpu.memory_space<vmem>>)
    %parallel_loop3A_497 = arith.constant 0 : i32
    %parallel_loop3A_498 = arith.constant 512 : i32
    %parallel_loop3A_499 = arith.constant 1 : i32
    scf.for %parallel_loop3A_1680 = %parallel_loop3A_497 to %parallel_loop3A_498 step %parallel_loop3A_499  : i32 {
      %parallel_loop3A_1681 = arith.constant 6 : i32
      %parallel_loop3A_1682 = arith.shrui %parallel_loop3A_1680, %parallel_loop3A_1681 : i32
      %parallel_loop3A_1683 = arith.constant 63 : i32
      %parallel_loop3A_1684 = arith.andi %parallel_loop3A_1680, %parallel_loop3A_1683 : i32
      %parallel_loop3A_1685 = arith.constant 16 : i32
      %parallel_loop3A_1686 = arith.muli %parallel_loop3A_1684, %parallel_loop3A_1685 : i32
      %parallel_loop3A_1687 = arith.constant 1 : i32
      %parallel_loop3A_1688 = arith.index_cast %parallel_loop3A_1687 : i32 to index
      %parallel_loop3A_1689 = arith.index_cast %parallel_loop3A_1682 : i32 to index
      %parallel_loop3A_1690 = arith.index_cast %parallel_loop3A_1686 : i32 to index
      %parallel_loop3A_1691 = tpu.vector_load %arg5[%parallel_loop3A_1688, %parallel_loop3A_1689, %parallel_loop3A_1690] {strides = array<i32>} : memref<3x8x1024xf32, #tpu.memory_space<vmem>>, vector<1x1x16xf32>,
      %parallel_loop3A_1692 = vector.shape_cast %parallel_loop3A_1691 : vector<1x1x16xf32> to vector<16xf32>
      %parallel_loop3A_1693 = arith.constant 1 : i32
      %parallel_loop3A_1694 = arith.constant 0 : i32
      %parallel_loop3A_1695 = arith.index_cast %parallel_loop3A_1693 : i32 to index
      %parallel_loop3A_1696 = arith.index_cast %parallel_loop3A_1694 : i32 to index
      %parallel_loop3A_1697 = arith.index_cast %parallel_loop3A_1682 : i32 to index
      %parallel_loop3A_1698 = arith.index_cast %parallel_loop3A_1686 : i32 to index
      %parallel_loop3A_1699 = tpu.vector_load %arg6[%parallel_loop3A_1695, %parallel_loop3A_1696, %parallel_loop3A_1697, %parallel_loop3A_1698] {strides = array<i32>} : memref<3x4x8x1024xf32, #tpu.memory_space<vmem>>, vector<1x1x1x16xf32>,
      %parallel_loop3A_1700 = vector.shape_cast %parallel_loop3A_1699 : vector<1x1x1x16xf32> to vector<16xf32>
      %parallel_loop3A_1701 = arith.addf %parallel_loop3A_1700, %parallel_loop3A_1692 : vector<16xf32>
      %parallel_loop3A_1702 = arith.constant 1 : i32
      %parallel_loop3A_1703 = arith.constant 0 : i32
      %parallel_loop3A_1704 = arith.index_cast %parallel_loop3A_1702 : i32 to index
      %parallel_loop3A_1705 = arith.index_cast %parallel_loop3A_1703 : i32 to index
      %parallel_loop3A_1706 = arith.index_cast %parallel_loop3A_1682 : i32 to index
      %parallel_loop3A_1707 = arith.index_cast %parallel_loop3A_1686 : i32 to index
      %parallel_loop3A_1708 = tpu.vector_load %arg6[%parallel_loop3A_1704, %parallel_loop3A_1705, %parallel_loop3A_1706, %parallel_loop3A_1707] {strides = array<i32>} : memref<3x4x8x1024xf32, #tpu.memory_space<vmem>>, vector<1x1x1x16xf32>,
      %parallel_loop3A_1709 = vector.shape_cast %parallel_loop3A_1708 : vector<1x1x1x16xf32> to vector<16xf32>
      %parallel_loop3A_1710 = vector.shape_cast %parallel_loop3A_1701 : vector<16xf32> to vector<1x1x1x16xf32>
      tpu.vector_store %arg6[%parallel_loop3A_1704, %parallel_loop3A_1705, %parallel_loop3A_1706, %parallel_loop3A_1707], %parallel_loop3A_1710 {strides = array<i32>} : memref<3x4x8x1024xf32, #tpu.memory_space<vmem>>, vector<1x1x1x16xf32>,
      %parallel_loop3A_1711 = arith.constant 1 : i32
      %parallel_loop3A_1712 = arith.constant 1 : i32
      %parallel_loop3A_1713 = arith.index_cast %parallel_loop3A_1711 : i32 to index
      %parallel_loop3A_1714 = arith.index_cast %parallel_loop3A_1712 : i32 to index
      %parallel_loop3A_1715 = arith.index_cast %parallel_loop3A_1682 : i32 to index
      %parallel_loop3A_1716 = arith.index_cast %parallel_loop3A_1686 : i32 to index
      %parallel_loop3A_1717 = tpu.vector_load %arg6[%parallel_loop3A_1713, %parallel_loop3A_1714, %parallel_loop3A_1715, %parallel_loop3A_1716] {strides = array<i32>} : memref<3x4x8x1024xf32, #tpu.memory_space<vmem>>, vector<1x1x1x16xf32>,
      %parallel_loop3A_1718 = vector.shape_cast %parallel_loop3A_1717 : vector<1x1x1x16xf32> to vector<16xf32>
      %parallel_loop3A_1719 = arith.addf %parallel_loop3A_1718, %parallel_loop3A_1692 : vector<16xf32>
      %parallel_loop3A_1720 = arith.constant 1 : i32
      %parallel_loop3A_1721 = arith.constant 1 : i32
      %parallel_loop3A_1722 = arith.index_cast %parallel_loop3A_1720 : i32 to index
      %parallel_loop3A_1723 = arith.index_cast %parallel_loop3A_1721 : i32 to index
      %parallel_loop3A_1724 = arith.index_cast %parallel_loop3A_1682 : i32 to index
      %parallel_loop3A_1725 = arith.index_cast %parallel_loop3A_1686 : i32 to index
      %parallel_loop3A_1726 = tpu.vector_load %arg6[%parallel_loop3A_1722, %parallel_loop3A_1723, %parallel_loop3A_1724, %parallel_loop3A_1725] {strides = array<i32>} : memref<3x4x8x1024xf32, #tpu.memory_space<vmem>>, vector<1x1x1x16xf32>,
      %parallel_loop3A_1727 = vector.shape_cast %parallel_loop3A_1726 : vector<1x1x1x16xf32> to vector<16xf32>
      %parallel_loop3A_1728 = vector.shape_cast %parallel_loop3A_1719 : vector<16xf32> to vector<1x1x1x16xf32>
      tpu.vector_store %arg6[%parallel_loop3A_1722, %parallel_loop3A_1723, %parallel_loop3A_1724, %parallel_loop3A_1725], %parallel_loop3A_1728 {strides = array<i32>} : memref<3x4x8x1024xf32, #tpu.memory_space<vmem>>, vector<1x1x1x16xf32>,
      %parallel_loop3A_1729 = arith.constant 1 : i32
      %parallel_loop3A_1730 = arith.constant 2 : i32
      %parallel_loop3A_1731 = arith.index_cast %parallel_loop3A_1729 : i32 to index
      %parallel_loop3A_1732 = arith.index_cast %parallel_loop3A_1730 : i32 to index
      %parallel_loop3A_1733 = arith.index_cast %parallel_loop3A_1682 : i32 to index
      %parallel_loop3A_1734 = arith.index_cast %parallel_loop3A_1686 : i32 to index
      %parallel_loop3A_1735 = tpu.vector_load %arg6[%parallel_loop3A_1731, %parallel_loop3A_1732, %parallel_loop3A_1733, %parallel_loop3A_1734] {strides = array<i32>} : memref<3x4x8x1024xf32, #tpu.memory_space<vmem>>, vector<1x1x1x16xf32>,
      %parallel_loop3A_1736 = vector.shape_cast %parallel_loop3A_1735 : vector<1x1x1x16xf32> to vector<16xf32>
      %parallel_loop3A_1737 = arith.addf %parallel_loop3A_1736, %parallel_loop3A_1692 : vector<16xf32>
      %parallel_loop3A_1738 = arith.constant 1 : i32
      %parallel_loop3A_1739 = arith.constant 2 : i32
      %parallel_loop3A_1740 = arith.index_cast %parallel_loop3A_1738 : i32 to index
      %parallel_loop3A_1741 = arith.index_cast %parallel_loop3A_1739 : i32 to index
      %parallel_loop3A_1742 = arith.index_cast %parallel_loop3A_1682 : i32 to index
      %parallel_loop3A_1743 = arith.index_cast %parallel_loop3A_1686 : i32 to index
      %parallel_loop3A_1744 = tpu.vector_load %arg6[%parallel_loop3A_1740, %parallel_loop3A_1741, %parallel_loop3A_1742, %parallel_loop3A_1743] {strides = array<i32>} : memref<3x4x8x1024xf32, #tpu.memory_space<vmem>>, vector<1x1x1x16xf32>,
      %parallel_loop3A_1745 = vector.shape_cast %parallel_loop3A_1744 : vector<1x1x1x16xf32> to vector<16xf32>
      %parallel_loop3A_1746 = vector.shape_cast %parallel_loop3A_1737 : vector<16xf32> to vector<1x1x1x16xf32>
      tpu.vector_store %arg6[%parallel_loop3A_1740, %parallel_loop3A_1741, %parallel_loop3A_1742, %parallel_loop3A_1743], %parallel_loop3A_1746 {strides = array<i32>} : memref<3x4x8x1024xf32, #tpu.memory_space<vmem>>, vector<1x1x1x16xf32>,
      %parallel_loop3A_1747 = arith.constant 1 : i32
      %parallel_loop3A_1748 = arith.constant 3 : i32
      %parallel_loop3A_1749 = arith.index_cast %parallel_loop3A_1747 : i32 to index
      %parallel_loop3A_1750 = arith.index_cast %parallel_loop3A_1748 : i32 to index
      %parallel_loop3A_1751 = arith.index_cast %parallel_loop3A_1682 : i32 to index
      %parallel_loop3A_1752 = arith.index_cast %parallel_loop3A_1686 : i32 to index
      %parallel_loop3A_1753 = tpu.vector_load %arg6[%parallel_loop3A_1749, %parallel_loop3A_1750, %parallel_loop3A_1751, %parallel_loop3A_1752] {strides = array<i32>} : memref<3x4x8x1024xf32, #tpu.memory_space<vmem>>, vector<1x1x1x16xf32>,
      %parallel_loop3A_1754 = vector.shape_cast %parallel_loop3A_1753 : vector<1x1x1x16xf32> to vector<16xf32>
      %parallel_loop3A_1755 = arith.addf %parallel_loop3A_1754, %parallel_loop3A_1692 : vector<16xf32>
      %parallel_loop3A_1756 = arith.constant 1 : i32
      %parallel_loop3A_1757 = arith.constant 3 : i32
      %parallel_loop3A_1758 = arith.index_cast %parallel_loop3A_1756 : i32 to index
      %parallel_loop3A_1759 = arith.index_cast %parallel_loop3A_1757 : i32 to index
      %parallel_loop3A_1760 = arith.index_cast %parallel_loop3A_1682 : i32 to index
      %parallel_loop3A_1761 = arith.index_cast %parallel_loop3A_1686 : i32 to index
      %parallel_loop3A_1762 = tpu.vector_load %arg6[%parallel_loop3A_1758, %parallel_loop3A_1759, %parallel_loop3A_1760, %parallel_loop3A_1761] {strides = array<i32>} : memref<3x4x8x1024xf32, #tpu.memory_space<vmem>>, vector<1x1x1x16xf32>,
      %parallel_loop3A_1763 = vector.shape_cast %parallel_loop3A_1762 : vector<1x1x1x16xf32> to vector<16xf32>
      %parallel_loop3A_1764 = vector.shape_cast %parallel_loop3A_1755 : vector<16xf32> to vector<1x1x1x16xf32>
      tpu.vector_store %arg6[%parallel_loop3A_1758, %parallel_loop3A_1759, %parallel_loop3A_1760, %parallel_loop3A_1761], %parallel_loop3A_1764 {strides = array<i32>} : memref<3x4x8x1024xf32, #tpu.memory_space<vmem>>, vector<1x1x1x16xf32>,
    } {sc.loop_unroll_factor = 8 : i64, sc.parallel_access}
    %add3A_500 = arith.constant 32 : i32
    %add3A_501 = arith.addi %mul3A_2, %add3A_500 : i32
    %dma_start3A_502 = arith.constant 1 : i32
    %dma_start3A_503 = arith.constant 0 : i32
    %dma_start3A_504 = arith.constant 0 : i32
    %dma_start3A_505 = arith.constant 0 : i32
    %dma_start3A_506 = tpu.memref_slice %arg6[%dma_start3A_502, %dma_start3A_503, %dma_start3A_504, %dma_start3A_505] : memref<3x4x8x1024xf32, #tpu.memory_space<vmem>> -> memref<1x4x8x1024xf32, #tpu.memory_space<vmem>>
    %dma_start3A_507 = tpu.memref_squeeze %dma_start3A_506 : memref<1x4x8x1024xf32, #tpu.memory_space<vmem>> -> memref<4x8x1024xf32, #tpu.memory_space<vmem>>
    %dma_start3A_508 = arith.constant 0 : i32
    %dma_start3A_509 = arith.constant 0 : i32
    %dma_start3A_510 = tpu.memref_slice %arg4[%dma_start3A_508, %add3A_501, %dma_start3A_509] : memref<4x4096x1024xf32, #tpu.memory_space<hbm>> -> memref<4x8x1024xf32, #tpu.memory_space<hbm>>
    %dma_start3A_511 = arith.constant 0 : i32
    %dma_start3A_512 = arith.constant 0 : i32
    %dma_start3A_513 = tpu.memref_slice %arg4[%dma_start3A_511, %add3A_501, %dma_start3A_512] : memref<4x4096x1024xf32, #tpu.memory_space<hbm>> -> memref<4x8x1024xf32, #tpu.memory_space<hbm>>
    %dma_start3A_514 = arith.constant 0 : i32
    %dma_start3A_515 = arith.constant 0 : i32
    %dma_start3A_516 = arith.constant 0 : i32
    %dma_start3A_517 = tpu.memref_slice %arg6[%dma_start3A_502, %dma_start3A_514, %dma_start3A_515, %dma_start3A_516] : memref<3x4x8x1024xf32, #tpu.memory_space<vmem>> -> memref<1x4x8x1024xf32, #tpu.memory_space<vmem>>
    %dma_start3A_518 = tpu.memref_squeeze %dma_start3A_517 : memref<1x4x8x1024xf32, #tpu.memory_space<vmem>> -> memref<4x8x1024xf32, #tpu.memory_space<vmem>>
    tpu.enqueue_dma source(%dma_start3A_518 : memref<4x8x1024xf32, #tpu.memory_space<vmem>>) target(%dma_start3A_513 : memref<4x8x1024xf32, #tpu.memory_space<hbm>>) target_semaphore(%arg11 : memref<!tpu.dma_semaphore, #tpu.memory_space<semaphore_mem>>)
    %add3A_519 = arith.constant 24 : i32
    %add3A_520 = arith.addi %mul3A_2, %add3A_519 : i32
    %dma_wait3A_521 = arith.constant 0 : i32
    %dma_wait3A_522 = arith.constant 0 : i32
    %dma_wait3A_523 = arith.constant 0 : i32
    %dma_wait3A_524 = arith.constant 0 : i32
    %dma_wait3A_525 = tpu.memref_slice %arg6[%dma_wait3A_521, %dma_wait3A_522, %dma_wait3A_523, %dma_wait3A_524] : memref<3x4x8x1024xf32, #tpu.memory_space<vmem>> -> memref<1x4x8x1024xf32, #tpu.memory_space<vmem>>
    %dma_wait3A_526 = tpu.memref_squeeze %dma_wait3A_525 : memref<1x4x8x1024xf32, #tpu.memory_space<vmem>> -> memref<4x8x1024xf32, #tpu.memory_space<vmem>>
    %dma_wait3A_527 = arith.constant 0 : i32
    %dma_wait3A_528 = arith.constant 0 : i32
    %dma_wait3A_529 = tpu.memref_slice %arg4[%dma_wait3A_527, %add3A_520, %dma_wait3A_528] : memref<4x4096x1024xf32, #tpu.memory_space<hbm>> -> memref<4x8x1024xf32, #tpu.memory_space<hbm>>
    %dma_wait3A_530 = arith.constant 0 : i32
    %dma_wait3A_531 = arith.constant 0 : i32
    %dma_wait3A_532 = tpu.memref_slice %arg4[%dma_wait3A_530, %add3A_520, %dma_wait3A_531] : memref<4x4096x1024xf32, #tpu.memory_space<hbm>> -> memref<4x8x1024xf32, #tpu.memory_space<hbm>>
    %dma_wait3A_533 = arith.constant 0 : i32
    %dma_wait3A_534 = arith.constant 0 : i32
    %dma_wait3A_535 = arith.constant 0 : i32
    %dma_wait3A_536 = tpu.memref_slice %arg6[%dma_wait3A_521, %dma_wait3A_533, %dma_wait3A_534, %dma_wait3A_535] : memref<3x4x8x1024xf32, #tpu.memory_space<vmem>> -> memref<1x4x8x1024xf32, #tpu.memory_space<vmem>>
    %dma_wait3A_537 = tpu.memref_squeeze %dma_wait3A_536 : memref<1x4x8x1024xf32, #tpu.memory_space<vmem>> -> memref<4x8x1024xf32, #tpu.memory_space<vmem>>
    tpu.wait_dma2 semaphore(%arg10 : memref<!tpu.dma_semaphore, #tpu.memory_space<semaphore_mem>>) src(%dma_wait3A_537 : memref<4x8x1024xf32, #tpu.memory_space<vmem>>) dst(%dma_wait3A_532 : memref<4x8x1024xf32, #tpu.memory_space<hbm>>)
    %add3A_538 = arith.constant 48 : i32
    %add3A_539 = arith.addi %mul3A_2, %add3A_538 : i32
    %dma_start3A_540 = arith.constant 0 : i32
    %dma_start3A_541 = arith.constant 0 : i32
    %dma_start3A_542 = arith.constant 0 : i32
    %dma_start3A_543 = tpu.memref_slice %arg5[%dma_start3A_540, %dma_start3A_541, %dma_start3A_542] : memref<3x8x1024xf32, #tpu.memory_space<vmem>> -> memref<1x8x1024xf32, #tpu.memory_space<vmem>>
    %dma_start3A_544 = tpu.memref_squeeze %dma_start3A_543 : memref<1x8x1024xf32, #tpu.memory_space<vmem>> -> memref<8x1024xf32, #tpu.memory_space<vmem>>
    %dma_start3A_545 = arith.constant 0 : i32
    %dma_start3A_546 = tpu.memref_slice %arg3[%add3A_539, %dma_start3A_545] : memref<8192x1024xf32, #tpu.memory_space<hbm>> -> memref<8x1024xf32, #tpu.memory_space<hbm>>
    %dma_start3A_547 = arith.constant 0 : i32
    %dma_start3A_548 = arith.constant 0 : i32
    %dma_start3A_549 = tpu.memref_slice %arg5[%dma_start3A_540, %dma_start3A_547, %dma_start3A_548] : memref<3x8x1024xf32, #tpu.memory_space<vmem>> -> memref<1x8x1024xf32, #tpu.memory_space<vmem>>
    %dma_start3A_550 = tpu.memref_squeeze %dma_start3A_549 : memref<1x8x1024xf32, #tpu.memory_space<vmem>> -> memref<8x1024xf32, #tpu.memory_space<vmem>>
    %dma_start3A_551 = arith.constant 0 : i32
    %dma_start3A_552 = tpu.memref_slice %arg3[%add3A_539, %dma_start3A_551] : memref<8192x1024xf32, #tpu.memory_space<hbm>> -> memref<8x1024xf32, #tpu.memory_space<hbm>>
    tpu.enqueue_dma source(%dma_start3A_552 : memref<8x1024xf32, #tpu.memory_space<hbm>>) target(%dma_start3A_550 : memref<8x1024xf32, #tpu.memory_space<vmem>>) target_semaphore(%arg7 : memref<!tpu.dma_semaphore, #tpu.memory_space<semaphore_mem>>)
    %dma_start3A_553 = arith.constant 0 : i32
    %dma_start3A_554 = arith.constant 0 : i32
    %dma_start3A_555 = arith.constant 0 : i32
    %dma_start3A_556 = arith.constant 0 : i32
    %dma_start3A_557 = tpu.memref_slice %arg6[%dma_start3A_553, %dma_start3A_554, %dma_start3A_555, %dma_start3A_556] : memref<3x4x8x1024xf32, #tpu.memory_space<vmem>> -> memref<1x4x8x1024xf32, #tpu.memory_space<vmem>>
    %dma_start3A_558 = tpu.memref_squeeze %dma_start3A_557 : memref<1x4x8x1024xf32, #tpu.memory_space<vmem>> -> memref<4x8x1024xf32, #tpu.memory_space<vmem>>
    %dma_start3A_559 = arith.constant 0 : i32
    %dma_start3A_560 = arith.constant 0 : i32
    %dma_start3A_561 = tpu.memref_slice %arg2[%dma_start3A_559, %add3A_539, %dma_start3A_560] : memref<4x4096x1024xf32, #tpu.memory_space<hbm>> -> memref<4x8x1024xf32, #tpu.memory_space<hbm>>
    %dma_start3A_562 = arith.constant 0 : i32
    %dma_start3A_563 = arith.constant 0 : i32
    %dma_start3A_564 = arith.constant 0 : i32
    %dma_start3A_565 = tpu.memref_slice %arg6[%dma_start3A_553, %dma_start3A_562, %dma_start3A_563, %dma_start3A_564] : memref<3x4x8x1024xf32, #tpu.memory_space<vmem>> -> memref<1x4x8x1024xf32, #tpu.memory_space<vmem>>
    %dma_start3A_566 = tpu.memref_squeeze %dma_start3A_565 : memref<1x4x8x1024xf32, #tpu.memory_space<vmem>> -> memref<4x8x1024xf32, #tpu.memory_space<vmem>>
    %dma_start3A_567 = arith.constant 0 : i32
    %dma_start3A_568 = arith.constant 0 : i32
    %dma_start3A_569 = tpu.memref_slice %arg2[%dma_start3A_567, %add3A_539, %dma_start3A_568] : memref<4x4096x1024xf32, #tpu.memory_space<hbm>> -> memref<4x8x1024xf32, #tpu.memory_space<hbm>>
    tpu.enqueue_dma source(%dma_start3A_569 : memref<4x8x1024xf32, #tpu.memory_space<hbm>>) target(%dma_start3A_566 : memref<4x8x1024xf32, #tpu.memory_space<vmem>>) target_semaphore(%arg7 : memref<!tpu.dma_semaphore, #tpu.memory_space<semaphore_mem>>)
    %add3A_570 = arith.constant 40 : i32
    %add3A_571 = arith.addi %mul3A_2, %add3A_570 : i32
    %dma_wait3A_572 = arith.constant 2 : i32
    %dma_wait3A_573 = arith.constant 0 : i32
    %dma_wait3A_574 = arith.constant 0 : i32
    %dma_wait3A_575 = tpu.memref_slice %arg5[%dma_wait3A_572, %dma_wait3A_573, %dma_wait3A_574] : memref<3x8x1024xf32, #tpu.memory_space<vmem>> -> memref<1x8x1024xf32, #tpu.memory_space<vmem>>
    %dma_wait3A_576 = tpu.memref_squeeze %dma_wait3A_575 : memref<1x8x1024xf32, #tpu.memory_space<vmem>> -> memref<8x1024xf32, #tpu.memory_space<vmem>>
    %dma_wait3A_577 = arith.constant 0 : i32
    %dma_wait3A_578 = tpu.memref_slice %arg3[%add3A_571, %dma_wait3A_577] : memref<8192x1024xf32, #tpu.memory_space<hbm>> -> memref<8x1024xf32, #tpu.memory_space<hbm>>
    %dma_wait3A_579 = arith.constant 0 : i32
    %dma_wait3A_580 = arith.constant 0 : i32
    %dma_wait3A_581 = tpu.memref_slice %arg5[%dma_wait3A_572, %dma_wait3A_579, %dma_wait3A_580] : memref<3x8x1024xf32, #tpu.memory_space<vmem>> -> memref<1x8x1024xf32, #tpu.memory_space<vmem>>
    %dma_wait3A_582 = tpu.memref_squeeze %dma_wait3A_581 : memref<1x8x1024xf32, #tpu.memory_space<vmem>> -> memref<8x1024xf32, #tpu.memory_space<vmem>>
    %dma_wait3A_583 = arith.constant 0 : i32
    %dma_wait3A_584 = tpu.memref_slice %arg3[%add3A_571, %dma_wait3A_583] : memref<8192x1024xf32, #tpu.memory_space<hbm>> -> memref<8x1024xf32, #tpu.memory_space<hbm>>
    tpu.wait_dma2 semaphore(%arg9 : memref<!tpu.dma_semaphore, #tpu.memory_space<semaphore_mem>>) src(%dma_wait3A_584 : memref<8x1024xf32, #tpu.memory_space<hbm>>) dst(%dma_wait3A_582 : memref<8x1024xf32, #tpu.memory_space<vmem>>)
    %dma_wait3A_585 = arith.constant 2 : i32
    %dma_wait3A_586 = arith.constant 0 : i32
    %dma_wait3A_587 = arith.constant 0 : i32
    %dma_wait3A_588 = arith.constant 0 : i32
    %dma_wait3A_589 = tpu.memref_slice %arg6[%dma_wait3A_585, %dma_wait3A_586, %dma_wait3A_587, %dma_wait3A_588] : memref<3x4x8x1024xf32, #tpu.memory_space<vmem>> -> memref<1x4x8x1024xf32, #tpu.memory_space<vmem>>
    %dma_wait3A_590 = tpu.memref_squeeze %dma_wait3A_589 : memref<1x4x8x1024xf32, #tpu.memory_space<vmem>> -> memref<4x8x1024xf32, #tpu.memory_space<vmem>>
    %dma_wait3A_591 = arith.constant 0 : i32
    %dma_wait3A_592 = arith.constant 0 : i32
    %dma_wait3A_593 = tpu.memref_slice %arg2[%dma_wait3A_591, %add3A_571, %dma_wait3A_592] : memref<4x4096x1024xf32, #tpu.memory_space<hbm>> -> memref<4x8x1024xf32, #tpu.memory_space<hbm>>
    %dma_wait3A_594 = arith.constant 0 : i32
    %dma_wait3A_595 = arith.constant 0 : i32
    %dma_wait3A_596 = arith.constant 0 : i32
    %dma_wait3A_597 = tpu.memref_slice %arg6[%dma_wait3A_585, %dma_wait3A_594, %dma_wait3A_595, %dma_wait3A_596] : memref<3x4x8x1024xf32, #tpu.memory_space<vmem>> -> memref<1x4x8x1024xf32, #tpu.memory_space<vmem>>
    %dma_wait3A_598 = tpu.memref_squeeze %dma_wait3A_597 : memref<1x4x8x1024xf32, #tpu.memory_space<vmem>> -> memref<4x8x1024xf32, #tpu.memory_space<vmem>>
    %dma_wait3A_599 = arith.constant 0 : i32
    %dma_wait3A_600 = arith.constant 0 : i32
    %dma_wait3A_601 = tpu.memref_slice %arg2[%dma_wait3A_599, %add3A_571, %dma_wait3A_600] : memref<4x4096x1024xf32, #tpu.memory_space<hbm>> -> memref<4x8x1024xf32, #tpu.memory_space<hbm>>
    tpu.wait_dma2 semaphore(%arg9 : memref<!tpu.dma_semaphore, #tpu.memory_space<semaphore_mem>>) src(%dma_wait3A_601 : memref<4x8x1024xf32, #tpu.memory_space<hbm>>) dst(%dma_wait3A_598 : memref<4x8x1024xf32, #tpu.memory_space<vmem>>)
    %parallel_loop3A_602 = arith.constant 0 : i32
    %parallel_loop3A_603 = arith.constant 512 : i32
    %parallel_loop3A_604 = arith.constant 1 : i32
    scf.for %parallel_loop3A_1680 = %parallel_loop3A_602 to %parallel_loop3A_603 step %parallel_loop3A_604  : i32 {
      %parallel_loop3A_1681 = arith.constant 6 : i32
      %parallel_loop3A_1682 = arith.shrui %parallel_loop3A_1680, %parallel_loop3A_1681 : i32
      %parallel_loop3A_1683 = arith.constant 63 : i32
      %parallel_loop3A_1684 = arith.andi %parallel_loop3A_1680, %parallel_loop3A_1683 : i32
      %parallel_loop3A_1685 = arith.constant 16 : i32
      %parallel_loop3A_1686 = arith.muli %parallel_loop3A_1684, %parallel_loop3A_1685 : i32
      %parallel_loop3A_1687 = arith.constant 2 : i32
      %parallel_loop3A_1688 = arith.index_cast %parallel_loop3A_1687 : i32 to index
      %parallel_loop3A_1689 = arith.index_cast %parallel_loop3A_1682 : i32 to index
      %parallel_loop3A_1690 = arith.index_cast %parallel_loop3A_1686 : i32 to index
      %parallel_loop3A_1691 = tpu.vector_load %arg5[%parallel_loop3A_1688, %parallel_loop3A_1689, %parallel_loop3A_1690] {strides = array<i32>} : memref<3x8x1024xf32, #tpu.memory_space<vmem>>, vector<1x1x16xf32>,
      %parallel_loop3A_1692 = vector.shape_cast %parallel_loop3A_1691 : vector<1x1x16xf32> to vector<16xf32>
      %parallel_loop3A_1693 = arith.constant 2 : i32
      %parallel_loop3A_1694 = arith.constant 0 : i32
      %parallel_loop3A_1695 = arith.index_cast %parallel_loop3A_1693 : i32 to index
      %parallel_loop3A_1696 = arith.index_cast %parallel_loop3A_1694 : i32 to index
      %parallel_loop3A_1697 = arith.index_cast %parallel_loop3A_1682 : i32 to index
      %parallel_loop3A_1698 = arith.index_cast %parallel_loop3A_1686 : i32 to index
      %parallel_loop3A_1699 = tpu.vector_load %arg6[%parallel_loop3A_1695, %parallel_loop3A_1696, %parallel_loop3A_1697, %parallel_loop3A_1698] {strides = array<i32>} : memref<3x4x8x1024xf32, #tpu.memory_space<vmem>>, vector<1x1x1x16xf32>,
      %parallel_loop3A_1700 = vector.shape_cast %parallel_loop3A_1699 : vector<1x1x1x16xf32> to vector<16xf32>
      %parallel_loop3A_1701 = arith.addf %parallel_loop3A_1700, %parallel_loop3A_1692 : vector<16xf32>
      %parallel_loop3A_1702 = arith.constant 2 : i32
      %parallel_loop3A_1703 = arith.constant 0 : i32
      %parallel_loop3A_1704 = arith.index_cast %parallel_loop3A_1702 : i32 to index
      %parallel_loop3A_1705 = arith.index_cast %parallel_loop3A_1703 : i32 to index
      %parallel_loop3A_1706 = arith.index_cast %parallel_loop3A_1682 : i32 to index
      %parallel_loop3A_1707 = arith.index_cast %parallel_loop3A_1686 : i32 to index
      %parallel_loop3A_1708 = tpu.vector_load %arg6[%parallel_loop3A_1704, %parallel_loop3A_1705, %parallel_loop3A_1706, %parallel_loop3A_1707] {strides = array<i32>} : memref<3x4x8x1024xf32, #tpu.memory_space<vmem>>, vector<1x1x1x16xf32>,
      %parallel_loop3A_1709 = vector.shape_cast %parallel_loop3A_1708 : vector<1x1x1x16xf32> to vector<16xf32>
      %parallel_loop3A_1710 = vector.shape_cast %parallel_loop3A_1701 : vector<16xf32> to vector<1x1x1x16xf32>
      tpu.vector_store %arg6[%parallel_loop3A_1704, %parallel_loop3A_1705, %parallel_loop3A_1706, %parallel_loop3A_1707], %parallel_loop3A_1710 {strides = array<i32>} : memref<3x4x8x1024xf32, #tpu.memory_space<vmem>>, vector<1x1x1x16xf32>,
      %parallel_loop3A_1711 = arith.constant 2 : i32
      %parallel_loop3A_1712 = arith.constant 1 : i32
      %parallel_loop3A_1713 = arith.index_cast %parallel_loop3A_1711 : i32 to index
      %parallel_loop3A_1714 = arith.index_cast %parallel_loop3A_1712 : i32 to index
      %parallel_loop3A_1715 = arith.index_cast %parallel_loop3A_1682 : i32 to index
      %parallel_loop3A_1716 = arith.index_cast %parallel_loop3A_1686 : i32 to index
      %parallel_loop3A_1717 = tpu.vector_load %arg6[%parallel_loop3A_1713, %parallel_loop3A_1714, %parallel_loop3A_1715, %parallel_loop3A_1716] {strides = array<i32>} : memref<3x4x8x1024xf32, #tpu.memory_space<vmem>>, vector<1x1x1x16xf32>,
      %parallel_loop3A_1718 = vector.shape_cast %parallel_loop3A_1717 : vector<1x1x1x16xf32> to vector<16xf32>
      %parallel_loop3A_1719 = arith.addf %parallel_loop3A_1718, %parallel_loop3A_1692 : vector<16xf32>
      %parallel_loop3A_1720 = arith.constant 2 : i32
      %parallel_loop3A_1721 = arith.constant 1 : i32
      %parallel_loop3A_1722 = arith.index_cast %parallel_loop3A_1720 : i32 to index
      %parallel_loop3A_1723 = arith.index_cast %parallel_loop3A_1721 : i32 to index
      %parallel_loop3A_1724 = arith.index_cast %parallel_loop3A_1682 : i32 to index
      %parallel_loop3A_1725 = arith.index_cast %parallel_loop3A_1686 : i32 to index
      %parallel_loop3A_1726 = tpu.vector_load %arg6[%parallel_loop3A_1722, %parallel_loop3A_1723, %parallel_loop3A_1724, %parallel_loop3A_1725] {strides = array<i32>} : memref<3x4x8x1024xf32, #tpu.memory_space<vmem>>, vector<1x1x1x16xf32>,
      %parallel_loop3A_1727 = vector.shape_cast %parallel_loop3A_1726 : vector<1x1x1x16xf32> to vector<16xf32>
      %parallel_loop3A_1728 = vector.shape_cast %parallel_loop3A_1719 : vector<16xf32> to vector<1x1x1x16xf32>
      tpu.vector_store %arg6[%parallel_loop3A_1722, %parallel_loop3A_1723, %parallel_loop3A_1724, %parallel_loop3A_1725], %parallel_loop3A_1728 {strides = array<i32>} : memref<3x4x8x1024xf32, #tpu.memory_space<vmem>>, vector<1x1x1x16xf32>,
      %parallel_loop3A_1729 = arith.constant 2 : i32
      %parallel_loop3A_1730 = arith.constant 2 : i32
      %parallel_loop3A_1731 = arith.index_cast %parallel_loop3A_1729 : i32 to index
      %parallel_loop3A_1732 = arith.index_cast %parallel_loop3A_1730 : i32 to index
      %parallel_loop3A_1733 = arith.index_cast %parallel_loop3A_1682 : i32 to index
      %parallel_loop3A_1734 = arith.index_cast %parallel_loop3A_1686 : i32 to index
      %parallel_loop3A_1735 = tpu.vector_load %arg6[%parallel_loop3A_1731, %parallel_loop3A_1732, %parallel_loop3A_1733, %parallel_loop3A_1734] {strides = array<i32>} : memref<3x4x8x1024xf32, #tpu.memory_space<vmem>>, vector<1x1x1x16xf32>,
      %parallel_loop3A_1736 = vector.shape_cast %parallel_loop3A_1735 : vector<1x1x1x16xf32> to vector<16xf32>
      %parallel_loop3A_1737 = arith.addf %parallel_loop3A_1736, %parallel_loop3A_1692 : vector<16xf32>
      %parallel_loop3A_1738 = arith.constant 2 : i32
      %parallel_loop3A_1739 = arith.constant 2 : i32
      %parallel_loop3A_1740 = arith.index_cast %parallel_loop3A_1738 : i32 to index
      %parallel_loop3A_1741 = arith.index_cast %parallel_loop3A_1739 : i32 to index
      %parallel_loop3A_1742 = arith.index_cast %parallel_loop3A_1682 : i32 to index
      %parallel_loop3A_1743 = arith.index_cast %parallel_loop3A_1686 : i32 to index
      %parallel_loop3A_1744 = tpu.vector_load %arg6[%parallel_loop3A_1740, %parallel_loop3A_1741, %parallel_loop3A_1742, %parallel_loop3A_1743] {strides = array<i32>} : memref<3x4x8x1024xf32, #tpu.memory_space<vmem>>, vector<1x1x1x16xf32>,
      %parallel_loop3A_1745 = vector.shape_cast %parallel_loop3A_1744 : vector<1x1x1x16xf32> to vector<16xf32>
      %parallel_loop3A_1746 = vector.shape_cast %parallel_loop3A_1737 : vector<16xf32> to vector<1x1x1x16xf32>
      tpu.vector_store %arg6[%parallel_loop3A_1740, %parallel_loop3A_1741, %parallel_loop3A_1742, %parallel_loop3A_1743], %parallel_loop3A_1746 {strides = array<i32>} : memref<3x4x8x1024xf32, #tpu.memory_space<vmem>>, vector<1x1x1x16xf32>,
      %parallel_loop3A_1747 = arith.constant 2 : i32
      %parallel_loop3A_1748 = arith.constant 3 : i32
      %parallel_loop3A_1749 = arith.index_cast %parallel_loop3A_1747 : i32 to index
      %parallel_loop3A_1750 = arith.index_cast %parallel_loop3A_1748 : i32 to index
      %parallel_loop3A_1751 = arith.index_cast %parallel_loop3A_1682 : i32 to index
      %parallel_loop3A_1752 = arith.index_cast %parallel_loop3A_1686 : i32 to index
      %parallel_loop3A_1753 = tpu.vector_load %arg6[%parallel_loop3A_1749, %parallel_loop3A_1750, %parallel_loop3A_1751, %parallel_loop3A_1752] {strides = array<i32>} : memref<3x4x8x1024xf32, #tpu.memory_space<vmem>>, vector<1x1x1x16xf32>,
      %parallel_loop3A_1754 = vector.shape_cast %parallel_loop3A_1753 : vector<1x1x1x16xf32> to vector<16xf32>
      %parallel_loop3A_1755 = arith.addf %parallel_loop3A_1754, %parallel_loop3A_1692 : vector<16xf32>
      %parallel_loop3A_1756 = arith.constant 2 : i32
      %parallel_loop3A_1757 = arith.constant 3 : i32
      %parallel_loop3A_1758 = arith.index_cast %parallel_loop3A_1756 : i32 to index
      %parallel_loop3A_1759 = arith.index_cast %parallel_loop3A_1757 : i32 to index
      %parallel_loop3A_1760 = arith.index_cast %parallel_loop3A_1682 : i32 to index
      %parallel_loop3A_1761 = arith.index_cast %parallel_loop3A_1686 : i32 to index
      %parallel_loop3A_1762 = tpu.vector_load %arg6[%parallel_loop3A_1758, %parallel_loop3A_1759, %parallel_loop3A_1760, %parallel_loop3A_1761] {strides = array<i32>} : memref<3x4x8x1024xf32, #tpu.memory_space<vmem>>, vector<1x1x1x16xf32>,
      %parallel_loop3A_1763 = vector.shape_cast %parallel_loop3A_1762 : vector<1x1x1x16xf32> to vector<16xf32>
      %parallel_loop3A_1764 = vector.shape_cast %parallel_loop3A_1755 : vector<16xf32> to vector<1x1x1x16xf32>
      tpu.vector_store %arg6[%parallel_loop3A_1758, %parallel_loop3A_1759, %parallel_loop3A_1760, %parallel_loop3A_1761], %parallel_loop3A_1764 {strides = array<i32>} : memref<3x4x8x1024xf32, #tpu.memory_space<vmem>>, vector<1x1x1x16xf32>,
    } {sc.loop_unroll_factor = 8 : i64, sc.parallel_access}
    %add3A_605 = arith.constant 40 : i32
    %add3A_606 = arith.addi %mul3A_2, %add3A_605 : i32
    %dma_start3A_607 = arith.constant 2 : i32
    %dma_start3A_608 = arith.constant 0 : i32
    %dma_start3A_609 = arith.constant 0 : i32
    %dma_start3A_610 = arith.constant 0 : i32
    %dma_start3A_611 = tpu.memref_slice %arg6[%dma_start3A_607, %dma_start3A_608, %dma_start3A_609, %dma_start3A_610] : memref<3x4x8x1024xf32, #tpu.memory_space<vmem>> -> memref<1x4x8x1024xf32, #tpu.memory_space<vmem>>
    %dma_start3A_612 = tpu.memref_squeeze %dma_start3A_611 : memref<1x4x8x1024xf32, #tpu.memory_space<vmem>> -> memref<4x8x1024xf32, #tpu.memory_space<vmem>>
    %dma_start3A_613 = arith.constant 0 : i32
    %dma_start3A_614 = arith.constant 0 : i32
    %dma_start3A_615 = tpu.memref_slice %arg4[%dma_start3A_613, %add3A_606, %dma_start3A_614] : memref<4x4096x1024xf32, #tpu.memory_space<hbm>> -> memref<4x8x1024xf32, #tpu.memory_space<hbm>>
    %dma_start3A_616 = arith.constant 0 : i32
    %dma_start3A_617 = arith.constant 0 : i32
    %dma_start3A_618 = tpu.memref_slice %arg4[%dma_start3A_616, %add3A_606, %dma_start3A_617] : memref<4x4096x1024xf32, #tpu.memory_space<hbm>> -> memref<4x8x1024xf32, #tpu.memory_space<hbm>>
    %dma_start3A_619 = arith.constant 0 : i32
    %dma_start3A_620 = arith.constant 0 : i32
    %dma_start3A_621 = arith.constant 0 : i32
    %dma_start3A_622 = tpu.memref_slice %arg6[%dma_start3A_607, %dma_start3A_619, %dma_start3A_620, %dma_start3A_621] : memref<3x4x8x1024xf32, #tpu.memory_space<vmem>> -> memref<1x4x8x1024xf32, #tpu.memory_space<vmem>>
    %dma_start3A_623 = tpu.memref_squeeze %dma_start3A_622 : memref<1x4x8x1024xf32, #tpu.memory_space<vmem>> -> memref<4x8x1024xf32, #tpu.memory_space<vmem>>
    tpu.enqueue_dma source(%dma_start3A_623 : memref<4x8x1024xf32, #tpu.memory_space<vmem>>) target(%dma_start3A_618 : memref<4x8x1024xf32, #tpu.memory_space<hbm>>) target_semaphore(%arg12 : memref<!tpu.dma_semaphore, #tpu.memory_space<semaphore_mem>>)
    %add3A_624 = arith.constant 32 : i32
    %add3A_625 = arith.addi %mul3A_2, %add3A_624 : i32
    %dma_wait3A_626 = arith.constant 1 : i32
    %dma_wait3A_627 = arith.constant 0 : i32
    %dma_wait3A_628 = arith.constant 0 : i32
    %dma_wait3A_629 = arith.constant 0 : i32
    %dma_wait3A_630 = tpu.memref_slice %arg6[%dma_wait3A_626, %dma_wait3A_627, %dma_wait3A_628, %dma_wait3A_629] : memref<3x4x8x1024xf32, #tpu.memory_space<vmem>> -> memref<1x4x8x1024xf32, #tpu.memory_space<vmem>>
    %dma_wait3A_631 = tpu.memref_squeeze %dma_wait3A_630 : memref<1x4x8x1024xf32, #tpu.memory_space<vmem>> -> memref<4x8x1024xf32, #tpu.memory_space<vmem>>
    %dma_wait3A_632 = arith.constant 0 : i32
    %dma_wait3A_633 = arith.constant 0 : i32
    %dma_wait3A_634 = tpu.memref_slice %arg4[%dma_wait3A_632, %add3A_625, %dma_wait3A_633] : memref<4x4096x1024xf32, #tpu.memory_space<hbm>> -> memref<4x8x1024xf32, #tpu.memory_space<hbm>>
    %dma_wait3A_635 = arith.constant 0 : i32
    %dma_wait3A_636 = arith.constant 0 : i32
    %dma_wait3A_637 = tpu.memref_slice %arg4[%dma_wait3A_635, %add3A_625, %dma_wait3A_636] : memref<4x4096x1024xf32, #tpu.memory_space<hbm>> -> memref<4x8x1024xf32, #tpu.memory_space<hbm>>
    %dma_wait3A_638 = arith.constant 0 : i32
    %dma_wait3A_639 = arith.constant 0 : i32
    %dma_wait3A_640 = arith.constant 0 : i32
    %dma_wait3A_641 = tpu.memref_slice %arg6[%dma_wait3A_626, %dma_wait3A_638, %dma_wait3A_639, %dma_wait3A_640] : memref<3x4x8x1024xf32, #tpu.memory_space<vmem>> -> memref<1x4x8x1024xf32, #tpu.memory_space<vmem>>
    %dma_wait3A_642 = tpu.memref_squeeze %dma_wait3A_641 : memref<1x4x8x1024xf32, #tpu.memory_space<vmem>> -> memref<4x8x1024xf32, #tpu.memory_space<vmem>>
    tpu.wait_dma2 semaphore(%arg11 : memref<!tpu.dma_semaphore, #tpu.memory_space<semaphore_mem>>) src(%dma_wait3A_642 : memref<4x8x1024xf32, #tpu.memory_space<vmem>>) dst(%dma_wait3A_637 : memref<4x8x1024xf32, #tpu.memory_space<hbm>>)
    %add3A_643 = arith.constant 56 : i32
    %add3A_644 = arith.addi %mul3A_2, %add3A_643 : i32
    %dma_start3A_645 = arith.constant 1 : i32
    %dma_start3A_646 = arith.constant 0 : i32
    %dma_start3A_647 = arith.constant 0 : i32
    %dma_start3A_648 = tpu.memref_slice %arg5[%dma_start3A_645, %dma_start3A_646, %dma_start3A_647] : memref<3x8x1024xf32, #tpu.memory_space<vmem>> -> memref<1x8x1024xf32, #tpu.memory_space<vmem>>
    %dma_start3A_649 = tpu.memref_squeeze %dma_start3A_648 : memref<1x8x1024xf32, #tpu.memory_space<vmem>> -> memref<8x1024xf32, #tpu.memory_space<vmem>>
    %dma_start3A_650 = arith.constant 0 : i32
    %dma_start3A_651 = tpu.memref_slice %arg3[%add3A_644, %dma_start3A_650] : memref<8192x1024xf32, #tpu.memory_space<hbm>> -> memref<8x1024xf32, #tpu.memory_space<hbm>>
    %dma_start3A_652 = arith.constant 0 : i32
    %dma_start3A_653 = arith.constant 0 : i32
    %dma_start3A_654 = tpu.memref_slice %arg5[%dma_start3A_645, %dma_start3A_652, %dma_start3A_653] : memref<3x8x1024xf32, #tpu.memory_space<vmem>> -> memref<1x8x1024xf32, #tpu.memory_space<vmem>>
    %dma_start3A_655 = tpu.memref_squeeze %dma_start3A_654 : memref<1x8x1024xf32, #tpu.memory_space<vmem>> -> memref<8x1024xf32, #tpu.memory_space<vmem>>
    %dma_start3A_656 = arith.constant 0 : i32
    %dma_start3A_657 = tpu.memref_slice %arg3[%add3A_644, %dma_start3A_656] : memref<8192x1024xf32, #tpu.memory_space<hbm>> -> memref<8x1024xf32, #tpu.memory_space<hbm>>
    tpu.enqueue_dma source(%dma_start3A_657 : memref<8x1024xf32, #tpu.memory_space<hbm>>) target(%dma_start3A_655 : memref<8x1024xf32, #tpu.memory_space<vmem>>) target_semaphore(%arg8 : memref<!tpu.dma_semaphore, #tpu.memory_space<semaphore_mem>>)
    %dma_start3A_658 = arith.constant 1 : i32
    %dma_start3A_659 = arith.constant 0 : i32
    %dma_start3A_660 = arith.constant 0 : i32
    %dma_start3A_661 = arith.constant 0 : i32
    %dma_start3A_662 = tpu.memref_slice %arg6[%dma_start3A_658, %dma_start3A_659, %dma_start3A_660, %dma_start3A_661] : memref<3x4x8x1024xf32, #tpu.memory_space<vmem>> -> memref<1x4x8x1024xf32, #tpu.memory_space<vmem>>
    %dma_start3A_663 = tpu.memref_squeeze %dma_start3A_662 : memref<1x4x8x1024xf32, #tpu.memory_space<vmem>> -> memref<4x8x1024xf32, #tpu.memory_space<vmem>>
    %dma_start3A_664 = arith.constant 0 : i32
    %dma_start3A_665 = arith.constant 0 : i32
    %dma_start3A_666 = tpu.memref_slice %arg2[%dma_start3A_664, %add3A_644, %dma_start3A_665] : memref<4x4096x1024xf32, #tpu.memory_space<hbm>> -> memref<4x8x1024xf32, #tpu.memory_space<hbm>>
    %dma_start3A_667 = arith.constant 0 : i32
    %dma_start3A_668 = arith.constant 0 : i32
    %dma_start3A_669 = arith.constant 0 : i32
    %dma_start3A_670 = tpu.memref_slice %arg6[%dma_start3A_658, %dma_start3A_667, %dma_start3A_668, %dma_start3A_669] : memref<3x4x8x1024xf32, #tpu.memory_space<vmem>> -> memref<1x4x8x1024xf32, #tpu.memory_space<vmem>>
    %dma_start3A_671 = tpu.memref_squeeze %dma_start3A_670 : memref<1x4x8x1024xf32, #tpu.memory_space<vmem>> -> memref<4x8x1024xf32, #tpu.memory_space<vmem>>
    %dma_start3A_672 = arith.constant 0 : i32
    %dma_start3A_673 = arith.constant 0 : i32
    %dma_start3A_674 = tpu.memref_slice %arg2[%dma_start3A_672, %add3A_644, %dma_start3A_673] : memref<4x4096x1024xf32, #tpu.memory_space<hbm>> -> memref<4x8x1024xf32, #tpu.memory_space<hbm>>
    tpu.enqueue_dma source(%dma_start3A_674 : memref<4x8x1024xf32, #tpu.memory_space<hbm>>) target(%dma_start3A_671 : memref<4x8x1024xf32, #tpu.memory_space<vmem>>) target_semaphore(%arg8 : memref<!tpu.dma_semaphore, #tpu.memory_space<semaphore_mem>>)
    %add3A_675 = arith.constant 48 : i32
    %add3A_676 = arith.addi %mul3A_2, %add3A_675 : i32
    %dma_wait3A_677 = arith.constant 0 : i32
    %dma_wait3A_678 = arith.constant 0 : i32
    %dma_wait3A_679 = arith.constant 0 : i32
    %dma_wait3A_680 = tpu.memref_slice %arg5[%dma_wait3A_677, %dma_wait3A_678, %dma_wait3A_679] : memref<3x8x1024xf32, #tpu.memory_space<vmem>> -> memref<1x8x1024xf32, #tpu.memory_space<vmem>>
    %dma_wait3A_681 = tpu.memref_squeeze %dma_wait3A_680 : memref<1x8x1024xf32, #tpu.memory_space<vmem>> -> memref<8x1024xf32, #tpu.memory_space<vmem>>
    %dma_wait3A_682 = arith.constant 0 : i32
    %dma_wait3A_683 = tpu.memref_slice %arg3[%add3A_676, %dma_wait3A_682] : memref<8192x1024xf32, #tpu.memory_space<hbm>> -> memref<8x1024xf32, #tpu.memory_space<hbm>>
    %dma_wait3A_684 = arith.constant 0 : i32
    %dma_wait3A_685 = arith.constant 0 : i32
    %dma_wait3A_686 = tpu.memref_slice %arg5[%dma_wait3A_677, %dma_wait3A_684, %dma_wait3A_685] : memref<3x8x1024xf32, #tpu.memory_space<vmem>> -> memref<1x8x1024xf32, #tpu.memory_space<vmem>>
    %dma_wait3A_687 = tpu.memref_squeeze %dma_wait3A_686 : memref<1x8x1024xf32, #tpu.memory_space<vmem>> -> memref<8x1024xf32, #tpu.memory_space<vmem>>
    %dma_wait3A_688 = arith.constant 0 : i32
    %dma_wait3A_689 = tpu.memref_slice %arg3[%add3A_676, %dma_wait3A_688] : memref<8192x1024xf32, #tpu.memory_space<hbm>> -> memref<8x1024xf32, #tpu.memory_space<hbm>>
    tpu.wait_dma2 semaphore(%arg7 : memref<!tpu.dma_semaphore, #tpu.memory_space<semaphore_mem>>) src(%dma_wait3A_689 : memref<8x1024xf32, #tpu.memory_space<hbm>>) dst(%dma_wait3A_687 : memref<8x1024xf32, #tpu.memory_space<vmem>>)
    %dma_wait3A_690 = arith.constant 0 : i32
    %dma_wait3A_691 = arith.constant 0 : i32
    %dma_wait3A_692 = arith.constant 0 : i32
    %dma_wait3A_693 = arith.constant 0 : i32
    %dma_wait3A_694 = tpu.memref_slice %arg6[%dma_wait3A_690, %dma_wait3A_691, %dma_wait3A_692, %dma_wait3A_693] : memref<3x4x8x1024xf32, #tpu.memory_space<vmem>> -> memref<1x4x8x1024xf32, #tpu.memory_space<vmem>>
    %dma_wait3A_695 = tpu.memref_squeeze %dma_wait3A_694 : memref<1x4x8x1024xf32, #tpu.memory_space<vmem>> -> memref<4x8x1024xf32, #tpu.memory_space<vmem>>
    %dma_wait3A_696 = arith.constant 0 : i32
    %dma_wait3A_697 = arith.constant 0 : i32
    %dma_wait3A_698 = tpu.memref_slice %arg2[%dma_wait3A_696, %add3A_676, %dma_wait3A_697] : memref<4x4096x1024xf32, #tpu.memory_space<hbm>> -> memref<4x8x1024xf32, #tpu.memory_space<hbm>>
    %dma_wait3A_699 = arith.constant 0 : i32
    %dma_wait3A_700 = arith.constant 0 : i32
    %dma_wait3A_701 = arith.constant 0 : i32
    %dma_wait3A_702 = tpu.memref_slice %arg6[%dma_wait3A_690, %dma_wait3A_699, %dma_wait3A_700, %dma_wait3A_701] : memref<3x4x8x1024xf32, #tpu.memory_space<vmem>> -> memref<1x4x8x1024xf32, #tpu.memory_space<vmem>>
    %dma_wait3A_703 = tpu.memref_squeeze %dma_wait3A_702 : memref<1x4x8x1024xf32, #tpu.memory_space<vmem>> -> memref<4x8x1024xf32, #tpu.memory_space<vmem>>
    %dma_wait3A_704 = arith.constant 0 : i32
    %dma_wait3A_705 = arith.constant 0 : i32
    %dma_wait3A_706 = tpu.memref_slice %arg2[%dma_wait3A_704, %add3A_676, %dma_wait3A_705] : memref<4x4096x1024xf32, #tpu.memory_space<hbm>> -> memref<4x8x1024xf32, #tpu.memory_space<hbm>>
    tpu.wait_dma2 semaphore(%arg7 : memref<!tpu.dma_semaphore, #tpu.memory_space<semaphore_mem>>) src(%dma_wait3A_706 : memref<4x8x1024xf32, #tpu.memory_space<hbm>>) dst(%dma_wait3A_703 : memref<4x8x1024xf32, #tpu.memory_space<vmem>>)
    %parallel_loop3A_707 = arith.constant 0 : i32
    %parallel_loop3A_708 = arith.constant 512 : i32
    %parallel_loop3A_709 = arith.constant 1 : i32
    scf.for %parallel_loop3A_1680 = %parallel_loop3A_707 to %parallel_loop3A_708 step %parallel_loop3A_709  : i32 {
      %parallel_loop3A_1681 = arith.constant 6 : i32
      %parallel_loop3A_1682 = arith.shrui %parallel_loop3A_1680, %parallel_loop3A_1681 : i32
      %parallel_loop3A_1683 = arith.constant 63 : i32
      %parallel_loop3A_1684 = arith.andi %parallel_loop3A_1680, %parallel_loop3A_1683 : i32
      %parallel_loop3A_1685 = arith.constant 16 : i32
      %parallel_loop3A_1686 = arith.muli %parallel_loop3A_1684, %parallel_loop3A_1685 : i32
      %parallel_loop3A_1687 = arith.constant 0 : i32
      %parallel_loop3A_1688 = arith.index_cast %parallel_loop3A_1687 : i32 to index
      %parallel_loop3A_1689 = arith.index_cast %parallel_loop3A_1682 : i32 to index
      %parallel_loop3A_1690 = arith.index_cast %parallel_loop3A_1686 : i32 to index
      %parallel_loop3A_1691 = tpu.vector_load %arg5[%parallel_loop3A_1688, %parallel_loop3A_1689, %parallel_loop3A_1690] {strides = array<i32>} : memref<3x8x1024xf32, #tpu.memory_space<vmem>>, vector<1x1x16xf32>,
      %parallel_loop3A_1692 = vector.shape_cast %parallel_loop3A_1691 : vector<1x1x16xf32> to vector<16xf32>
      %parallel_loop3A_1693 = arith.constant 0 : i32
      %parallel_loop3A_1694 = arith.constant 0 : i32
      %parallel_loop3A_1695 = arith.index_cast %parallel_loop3A_1693 : i32 to index
      %parallel_loop3A_1696 = arith.index_cast %parallel_loop3A_1694 : i32 to index
      %parallel_loop3A_1697 = arith.index_cast %parallel_loop3A_1682 : i32 to index
      %parallel_loop3A_1698 = arith.index_cast %parallel_loop3A_1686 : i32 to index
      %parallel_loop3A_1699 = tpu.vector_load %arg6[%parallel_loop3A_1695, %parallel_loop3A_1696, %parallel_loop3A_1697, %parallel_loop3A_1698] {strides = array<i32>} : memref<3x4x8x1024xf32, #tpu.memory_space<vmem>>, vector<1x1x1x16xf32>,
      %parallel_loop3A_1700 = vector.shape_cast %parallel_loop3A_1699 : vector<1x1x1x16xf32> to vector<16xf32>
      %parallel_loop3A_1701 = arith.addf %parallel_loop3A_1700, %parallel_loop3A_1692 : vector<16xf32>
      %parallel_loop3A_1702 = arith.constant 0 : i32
      %parallel_loop3A_1703 = arith.constant 0 : i32
      %parallel_loop3A_1704 = arith.index_cast %parallel_loop3A_1702 : i32 to index
      %parallel_loop3A_1705 = arith.index_cast %parallel_loop3A_1703 : i32 to index
      %parallel_loop3A_1706 = arith.index_cast %parallel_loop3A_1682 : i32 to index
      %parallel_loop3A_1707 = arith.index_cast %parallel_loop3A_1686 : i32 to index
      %parallel_loop3A_1708 = tpu.vector_load %arg6[%parallel_loop3A_1704, %parallel_loop3A_1705, %parallel_loop3A_1706, %parallel_loop3A_1707] {strides = array<i32>} : memref<3x4x8x1024xf32, #tpu.memory_space<vmem>>, vector<1x1x1x16xf32>,
      %parallel_loop3A_1709 = vector.shape_cast %parallel_loop3A_1708 : vector<1x1x1x16xf32> to vector<16xf32>
      %parallel_loop3A_1710 = vector.shape_cast %parallel_loop3A_1701 : vector<16xf32> to vector<1x1x1x16xf32>
      tpu.vector_store %arg6[%parallel_loop3A_1704, %parallel_loop3A_1705, %parallel_loop3A_1706, %parallel_loop3A_1707], %parallel_loop3A_1710 {strides = array<i32>} : memref<3x4x8x1024xf32, #tpu.memory_space<vmem>>, vector<1x1x1x16xf32>,
      %parallel_loop3A_1711 = arith.constant 0 : i32
      %parallel_loop3A_1712 = arith.constant 1 : i32
      %parallel_loop3A_1713 = arith.index_cast %parallel_loop3A_1711 : i32 to index
      %parallel_loop3A_1714 = arith.index_cast %parallel_loop3A_1712 : i32 to index
      %parallel_loop3A_1715 = arith.index_cast %parallel_loop3A_1682 : i32 to index
      %parallel_loop3A_1716 = arith.index_cast %parallel_loop3A_1686 : i32 to index
      %parallel_loop3A_1717 = tpu.vector_load %arg6[%parallel_loop3A_1713, %parallel_loop3A_1714, %parallel_loop3A_1715, %parallel_loop3A_1716] {strides = array<i32>} : memref<3x4x8x1024xf32, #tpu.memory_space<vmem>>, vector<1x1x1x16xf32>,
      %parallel_loop3A_1718 = vector.shape_cast %parallel_loop3A_1717 : vector<1x1x1x16xf32> to vector<16xf32>
      %parallel_loop3A_1719 = arith.addf %parallel_loop3A_1718, %parallel_loop3A_1692 : vector<16xf32>
      %parallel_loop3A_1720 = arith.constant 0 : i32
      %parallel_loop3A_1721 = arith.constant 1 : i32
      %parallel_loop3A_1722 = arith.index_cast %parallel_loop3A_1720 : i32 to index
      %parallel_loop3A_1723 = arith.index_cast %parallel_loop3A_1721 : i32 to index
      %parallel_loop3A_1724 = arith.index_cast %parallel_loop3A_1682 : i32 to index
      %parallel_loop3A_1725 = arith.index_cast %parallel_loop3A_1686 : i32 to index
      %parallel_loop3A_1726 = tpu.vector_load %arg6[%parallel_loop3A_1722, %parallel_loop3A_1723, %parallel_loop3A_1724, %parallel_loop3A_1725] {strides = array<i32>} : memref<3x4x8x1024xf32, #tpu.memory_space<vmem>>, vector<1x1x1x16xf32>,
      %parallel_loop3A_1727 = vector.shape_cast %parallel_loop3A_1726 : vector<1x1x1x16xf32> to vector<16xf32>
      %parallel_loop3A_1728 = vector.shape_cast %parallel_loop3A_1719 : vector<16xf32> to vector<1x1x1x16xf32>
      tpu.vector_store %arg6[%parallel_loop3A_1722, %parallel_loop3A_1723, %parallel_loop3A_1724, %parallel_loop3A_1725], %parallel_loop3A_1728 {strides = array<i32>} : memref<3x4x8x1024xf32, #tpu.memory_space<vmem>>, vector<1x1x1x16xf32>,
      %parallel_loop3A_1729 = arith.constant 0 : i32
      %parallel_loop3A_1730 = arith.constant 2 : i32
      %parallel_loop3A_1731 = arith.index_cast %parallel_loop3A_1729 : i32 to index
      %parallel_loop3A_1732 = arith.index_cast %parallel_loop3A_1730 : i32 to index
      %parallel_loop3A_1733 = arith.index_cast %parallel_loop3A_1682 : i32 to index
      %parallel_loop3A_1734 = arith.index_cast %parallel_loop3A_1686 : i32 to index
      %parallel_loop3A_1735 = tpu.vector_load %arg6[%parallel_loop3A_1731, %parallel_loop3A_1732, %parallel_loop3A_1733, %parallel_loop3A_1734] {strides = array<i32>} : memref<3x4x8x1024xf32, #tpu.memory_space<vmem>>, vector<1x1x1x16xf32>,
      %parallel_loop3A_1736 = vector.shape_cast %parallel_loop3A_1735 : vector<1x1x1x16xf32> to vector<16xf32>
      %parallel_loop3A_1737 = arith.addf %parallel_loop3A_1736, %parallel_loop3A_1692 : vector<16xf32>
      %parallel_loop3A_1738 = arith.constant 0 : i32
      %parallel_loop3A_1739 = arith.constant 2 : i32
      %parallel_loop3A_1740 = arith.index_cast %parallel_loop3A_1738 : i32 to index
      %parallel_loop3A_1741 = arith.index_cast %parallel_loop3A_1739 : i32 to index
      %parallel_loop3A_1742 = arith.index_cast %parallel_loop3A_1682 : i32 to index
      %parallel_loop3A_1743 = arith.index_cast %parallel_loop3A_1686 : i32 to index
      %parallel_loop3A_1744 = tpu.vector_load %arg6[%parallel_loop3A_1740, %parallel_loop3A_1741, %parallel_loop3A_1742, %parallel_loop3A_1743] {strides = array<i32>} : memref<3x4x8x1024xf32, #tpu.memory_space<vmem>>, vector<1x1x1x16xf32>,
      %parallel_loop3A_1745 = vector.shape_cast %parallel_loop3A_1744 : vector<1x1x1x16xf32> to vector<16xf32>
      %parallel_loop3A_1746 = vector.shape_cast %parallel_loop3A_1737 : vector<16xf32> to vector<1x1x1x16xf32>
      tpu.vector_store %arg6[%parallel_loop3A_1740, %parallel_loop3A_1741, %parallel_loop3A_1742, %parallel_loop3A_1743], %parallel_loop3A_1746 {strides = array<i32>} : memref<3x4x8x1024xf32, #tpu.memory_space<vmem>>, vector<1x1x1x16xf32>,
      %parallel_loop3A_1747 = arith.constant 0 : i32
      %parallel_loop3A_1748 = arith.constant 3 : i32
      %parallel_loop3A_1749 = arith.index_cast %parallel_loop3A_1747 : i32 to index
      %parallel_loop3A_1750 = arith.index_cast %parallel_loop3A_1748 : i32 to index
      %parallel_loop3A_1751 = arith.index_cast %parallel_loop3A_1682 : i32 to index
      %parallel_loop3A_1752 = arith.index_cast %parallel_loop3A_1686 : i32 to index
      %parallel_loop3A_1753 = tpu.vector_load %arg6[%parallel_loop3A_1749, %parallel_loop3A_1750, %parallel_loop3A_1751, %parallel_loop3A_1752] {strides = array<i32>} : memref<3x4x8x1024xf32, #tpu.memory_space<vmem>>, vector<1x1x1x16xf32>,
      %parallel_loop3A_1754 = vector.shape_cast %parallel_loop3A_1753 : vector<1x1x1x16xf32> to vector<16xf32>
      %parallel_loop3A_1755 = arith.addf %parallel_loop3A_1754, %parallel_loop3A_1692 : vector<16xf32>
      %parallel_loop3A_1756 = arith.constant 0 : i32
      %parallel_loop3A_1757 = arith.constant 3 : i32
      %parallel_loop3A_1758 = arith.index_cast %parallel_loop3A_1756 : i32 to index
      %parallel_loop3A_1759 = arith.index_cast %parallel_loop3A_1757 : i32 to index
      %parallel_loop3A_1760 = arith.index_cast %parallel_loop3A_1682 : i32 to index
      %parallel_loop3A_1761 = arith.index_cast %parallel_loop3A_1686 : i32 to index
      %parallel_loop3A_1762 = tpu.vector_load %arg6[%parallel_loop3A_1758, %parallel_loop3A_1759, %parallel_loop3A_1760, %parallel_loop3A_1761] {strides = array<i32>} : memref<3x4x8x1024xf32, #tpu.memory_space<vmem>>, vector<1x1x1x16xf32>,
      %parallel_loop3A_1763 = vector.shape_cast %parallel_loop3A_1762 : vector<1x1x1x16xf32> to vector<16xf32>
      %parallel_loop3A_1764 = vector.shape_cast %parallel_loop3A_1755 : vector<16xf32> to vector<1x1x1x16xf32>
      tpu.vector_store %arg6[%parallel_loop3A_1758, %parallel_loop3A_1759, %parallel_loop3A_1760, %parallel_loop3A_1761], %parallel_loop3A_1764 {strides = array<i32>} : memref<3x4x8x1024xf32, #tpu.memory_space<vmem>>, vector<1x1x1x16xf32>,
    } {sc.loop_unroll_factor = 8 : i64, sc.parallel_access}
    %add3A_710 = arith.constant 48 : i32
    %add3A_711 = arith.addi %mul3A_2, %add3A_710 : i32
    %dma_start3A_712 = arith.constant 0 : i32
    %dma_start3A_713 = arith.constant 0 : i32
    %dma_start3A_714 = arith.constant 0 : i32
    %dma_start3A_715 = arith.constant 0 : i32
    %dma_start3A_716 = tpu.memref_slice %arg6[%dma_start3A_712, %dma_start3A_713, %dma_start3A_714, %dma_start3A_715] : memref<3x4x8x1024xf32, #tpu.memory_space<vmem>> -> memref<1x4x8x1024xf32, #tpu.memory_space<vmem>>
    %dma_start3A_717 = tpu.memref_squeeze %dma_start3A_716 : memref<1x4x8x1024xf32, #tpu.memory_space<vmem>> -> memref<4x8x1024xf32, #tpu.memory_space<vmem>>
    %dma_start3A_718 = arith.constant 0 : i32
    %dma_start3A_719 = arith.constant 0 : i32
    %dma_start3A_720 = tpu.memref_slice %arg4[%dma_start3A_718, %add3A_711, %dma_start3A_719] : memref<4x4096x1024xf32, #tpu.memory_space<hbm>> -> memref<4x8x1024xf32, #tpu.memory_space<hbm>>
    %dma_start3A_721 = arith.constant 0 : i32
    %dma_start3A_722 = arith.constant 0 : i32
    %dma_start3A_723 = tpu.memref_slice %arg4[%dma_start3A_721, %add3A_711, %dma_start3A_722] : memref<4x4096x1024xf32, #tpu.memory_space<hbm>> -> memref<4x8x1024xf32, #tpu.memory_space<hbm>>
    %dma_start3A_724 = arith.constant 0 : i32
    %dma_start3A_725 = arith.constant 0 : i32
    %dma_start3A_726 = arith.constant 0 : i32
    %dma_start3A_727 = tpu.memref_slice %arg6[%dma_start3A_712, %dma_start3A_724, %dma_start3A_725, %dma_start3A_726] : memref<3x4x8x1024xf32, #tpu.memory_space<vmem>> -> memref<1x4x8x1024xf32, #tpu.memory_space<vmem>>
    %dma_start3A_728 = tpu.memref_squeeze %dma_start3A_727 : memref<1x4x8x1024xf32, #tpu.memory_space<vmem>> -> memref<4x8x1024xf32, #tpu.memory_space<vmem>>
    tpu.enqueue_dma source(%dma_start3A_728 : memref<4x8x1024xf32, #tpu.memory_space<vmem>>) target(%dma_start3A_723 : memref<4x8x1024xf32, #tpu.memory_space<hbm>>) target_semaphore(%arg10 : memref<!tpu.dma_semaphore, #tpu.memory_space<semaphore_mem>>)
    %add3A_729 = arith.constant 40 : i32
    %add3A_730 = arith.addi %mul3A_2, %add3A_729 : i32
    %dma_wait3A_731 = arith.constant 2 : i32
    %dma_wait3A_732 = arith.constant 0 : i32
    %dma_wait3A_733 = arith.constant 0 : i32
    %dma_wait3A_734 = arith.constant 0 : i32
    %dma_wait3A_735 = tpu.memref_slice %arg6[%dma_wait3A_731, %dma_wait3A_732, %dma_wait3A_733, %dma_wait3A_734] : memref<3x4x8x1024xf32, #tpu.memory_space<vmem>> -> memref<1x4x8x1024xf32, #tpu.memory_space<vmem>>
    %dma_wait3A_736 = tpu.memref_squeeze %dma_wait3A_735 : memref<1x4x8x1024xf32, #tpu.memory_space<vmem>> -> memref<4x8x1024xf32, #tpu.memory_space<vmem>>
    %dma_wait3A_737 = arith.constant 0 : i32
    %dma_wait3A_738 = arith.constant 0 : i32
    %dma_wait3A_739 = tpu.memref_slice %arg4[%dma_wait3A_737, %add3A_730, %dma_wait3A_738] : memref<4x4096x1024xf32, #tpu.memory_space<hbm>> -> memref<4x8x1024xf32, #tpu.memory_space<hbm>>
    %dma_wait3A_740 = arith.constant 0 : i32
    %dma_wait3A_741 = arith.constant 0 : i32
    %dma_wait3A_742 = tpu.memref_slice %arg4[%dma_wait3A_740, %add3A_730, %dma_wait3A_741] : memref<4x4096x1024xf32, #tpu.memory_space<hbm>> -> memref<4x8x1024xf32, #tpu.memory_space<hbm>>
    %dma_wait3A_743 = arith.constant 0 : i32
    %dma_wait3A_744 = arith.constant 0 : i32
    %dma_wait3A_745 = arith.constant 0 : i32
    %dma_wait3A_746 = tpu.memref_slice %arg6[%dma_wait3A_731, %dma_wait3A_743, %dma_wait3A_744, %dma_wait3A_745] : memref<3x4x8x1024xf32, #tpu.memory_space<vmem>> -> memref<1x4x8x1024xf32, #tpu.memory_space<vmem>>
    %dma_wait3A_747 = tpu.memref_squeeze %dma_wait3A_746 : memref<1x4x8x1024xf32, #tpu.memory_space<vmem>> -> memref<4x8x1024xf32, #tpu.memory_space<vmem>>
    tpu.wait_dma2 semaphore(%arg12 : memref<!tpu.dma_semaphore, #tpu.memory_space<semaphore_mem>>) src(%dma_wait3A_747 : memref<4x8x1024xf32, #tpu.memory_space<vmem>>) dst(%dma_wait3A_742 : memref<4x8x1024xf32, #tpu.memory_space<hbm>>)
    %add3A_748 = arith.constant 64 : i32
    %add3A_749 = arith.addi %mul3A_2, %add3A_748 : i32
    %dma_start3A_750 = arith.constant 2 : i32
    %dma_start3A_751 = arith.constant 0 : i32
    %dma_start3A_752 = arith.constant 0 : i32
    %dma_start3A_753 = tpu.memref_slice %arg5[%dma_start3A_750, %dma_start3A_751, %dma_start3A_752] : memref<3x8x1024xf32, #tpu.memory_space<vmem>> -> memref<1x8x1024xf32, #tpu.memory_space<vmem>>
    %dma_start3A_754 = tpu.memref_squeeze %dma_start3A_753 : memref<1x8x1024xf32, #tpu.memory_space<vmem>> -> memref<8x1024xf32, #tpu.memory_space<vmem>>
    %dma_start3A_755 = arith.constant 0 : i32
    %dma_start3A_756 = tpu.memref_slice %arg3[%add3A_749, %dma_start3A_755] : memref<8192x1024xf32, #tpu.memory_space<hbm>> -> memref<8x1024xf32, #tpu.memory_space<hbm>>
    %dma_start3A_757 = arith.constant 0 : i32
    %dma_start3A_758 = arith.constant 0 : i32
    %dma_start3A_759 = tpu.memref_slice %arg5[%dma_start3A_750, %dma_start3A_757, %dma_start3A_758] : memref<3x8x1024xf32, #tpu.memory_space<vmem>> -> memref<1x8x1024xf32, #tpu.memory_space<vmem>>
    %dma_start3A_760 = tpu.memref_squeeze %dma_start3A_759 : memref<1x8x1024xf32, #tpu.memory_space<vmem>> -> memref<8x1024xf32, #tpu.memory_space<vmem>>
    %dma_start3A_761 = arith.constant 0 : i32
    %dma_start3A_762 = tpu.memref_slice %arg3[%add3A_749, %dma_start3A_761] : memref<8192x1024xf32, #tpu.memory_space<hbm>> -> memref<8x1024xf32, #tpu.memory_space<hbm>>
    tpu.enqueue_dma source(%dma_start3A_762 : memref<8x1024xf32, #tpu.memory_space<hbm>>) target(%dma_start3A_760 : memref<8x1024xf32, #tpu.memory_space<vmem>>) target_semaphore(%arg9 : memref<!tpu.dma_semaphore, #tpu.memory_space<semaphore_mem>>)
    %dma_start3A_763 = arith.constant 2 : i32
    %dma_start3A_764 = arith.constant 0 : i32
    %dma_start3A_765 = arith.constant 0 : i32
    %dma_start3A_766 = arith.constant 0 : i32
    %dma_start3A_767 = tpu.memref_slice %arg6[%dma_start3A_763, %dma_start3A_764, %dma_start3A_765, %dma_start3A_766] : memref<3x4x8x1024xf32, #tpu.memory_space<vmem>> -> memref<1x4x8x1024xf32, #tpu.memory_space<vmem>>
    %dma_start3A_768 = tpu.memref_squeeze %dma_start3A_767 : memref<1x4x8x1024xf32, #tpu.memory_space<vmem>> -> memref<4x8x1024xf32, #tpu.memory_space<vmem>>
    %dma_start3A_769 = arith.constant 0 : i32
    %dma_start3A_770 = arith.constant 0 : i32
    %dma_start3A_771 = tpu.memref_slice %arg2[%dma_start3A_769, %add3A_749, %dma_start3A_770] : memref<4x4096x1024xf32, #tpu.memory_space<hbm>> -> memref<4x8x1024xf32, #tpu.memory_space<hbm>>
    %dma_start3A_772 = arith.constant 0 : i32
    %dma_start3A_773 = arith.constant 0 : i32
    %dma_start3A_774 = arith.constant 0 : i32
    %dma_start3A_775 = tpu.memref_slice %arg6[%dma_start3A_763, %dma_start3A_772, %dma_start3A_773, %dma_start3A_774] : memref<3x4x8x1024xf32, #tpu.memory_space<vmem>> -> memref<1x4x8x1024xf32, #tpu.memory_space<vmem>>
    %dma_start3A_776 = tpu.memref_squeeze %dma_start3A_775 : memref<1x4x8x1024xf32, #tpu.memory_space<vmem>> -> memref<4x8x1024xf32, #tpu.memory_space<vmem>>
    %dma_start3A_777 = arith.constant 0 : i32
    %dma_start3A_778 = arith.constant 0 : i32
    %dma_start3A_779 = tpu.memref_slice %arg2[%dma_start3A_777, %add3A_749, %dma_start3A_778] : memref<4x4096x1024xf32, #tpu.memory_space<hbm>> -> memref<4x8x1024xf32, #tpu.memory_space<hbm>>
    tpu.enqueue_dma source(%dma_start3A_779 : memref<4x8x1024xf32, #tpu.memory_space<hbm>>) target(%dma_start3A_776 : memref<4x8x1024xf32, #tpu.memory_space<vmem>>) target_semaphore(%arg9 : memref<!tpu.dma_semaphore, #tpu.memory_space<semaphore_mem>>)
    %add3A_780 = arith.constant 56 : i32
    %add3A_781 = arith.addi %mul3A_2, %add3A_780 : i32
    %dma_wait3A_782 = arith.constant 1 : i32
    %dma_wait3A_783 = arith.constant 0 : i32
    %dma_wait3A_784 = arith.constant 0 : i32
    %dma_wait3A_785 = tpu.memref_slice %arg5[%dma_wait3A_782, %dma_wait3A_783, %dma_wait3A_784] : memref<3x8x1024xf32, #tpu.memory_space<vmem>> -> memref<1x8x1024xf32, #tpu.memory_space<vmem>>
    %dma_wait3A_786 = tpu.memref_squeeze %dma_wait3A_785 : memref<1x8x1024xf32, #tpu.memory_space<vmem>> -> memref<8x1024xf32, #tpu.memory_space<vmem>>
    %dma_wait3A_787 = arith.constant 0 : i32
    %dma_wait3A_788 = tpu.memref_slice %arg3[%add3A_781, %dma_wait3A_787] : memref<8192x1024xf32, #tpu.memory_space<hbm>> -> memref<8x1024xf32, #tpu.memory_space<hbm>>
    %dma_wait3A_789 = arith.constant 0 : i32
    %dma_wait3A_790 = arith.constant 0 : i32
    %dma_wait3A_791 = tpu.memref_slice %arg5[%dma_wait3A_782, %dma_wait3A_789, %dma_wait3A_790] : memref<3x8x1024xf32, #tpu.memory_space<vmem>> -> memref<1x8x1024xf32, #tpu.memory_space<vmem>>
    %dma_wait3A_792 = tpu.memref_squeeze %dma_wait3A_791 : memref<1x8x1024xf32, #tpu.memory_space<vmem>> -> memref<8x1024xf32, #tpu.memory_space<vmem>>
    %dma_wait3A_793 = arith.constant 0 : i32
    %dma_wait3A_794 = tpu.memref_slice %arg3[%add3A_781, %dma_wait3A_793] : memref<8192x1024xf32, #tpu.memory_space<hbm>> -> memref<8x1024xf32, #tpu.memory_space<hbm>>
    tpu.wait_dma2 semaphore(%arg8 : memref<!tpu.dma_semaphore, #tpu.memory_space<semaphore_mem>>) src(%dma_wait3A_794 : memref<8x1024xf32, #tpu.memory_space<hbm>>) dst(%dma_wait3A_792 : memref<8x1024xf32, #tpu.memory_space<vmem>>)
    %dma_wait3A_795 = arith.constant 1 : i32
    %dma_wait3A_796 = arith.constant 0 : i32
    %dma_wait3A_797 = arith.constant 0 : i32
    %dma_wait3A_798 = arith.constant 0 : i32
    %dma_wait3A_799 = tpu.memref_slice %arg6[%dma_wait3A_795, %dma_wait3A_796, %dma_wait3A_797, %dma_wait3A_798] : memref<3x4x8x1024xf32, #tpu.memory_space<vmem>> -> memref<1x4x8x1024xf32, #tpu.memory_space<vmem>>
    %dma_wait3A_800 = tpu.memref_squeeze %dma_wait3A_799 : memref<1x4x8x1024xf32, #tpu.memory_space<vmem>> -> memref<4x8x1024xf32, #tpu.memory_space<vmem>>
    %dma_wait3A_801 = arith.constant 0 : i32
    %dma_wait3A_802 = arith.constant 0 : i32
    %dma_wait3A_803 = tpu.memref_slice %arg2[%dma_wait3A_801, %add3A_781, %dma_wait3A_802] : memref<4x4096x1024xf32, #tpu.memory_space<hbm>> -> memref<4x8x1024xf32, #tpu.memory_space<hbm>>
    %dma_wait3A_804 = arith.constant 0 : i32
    %dma_wait3A_805 = arith.constant 0 : i32
    %dma_wait3A_806 = arith.constant 0 : i32
    %dma_wait3A_807 = tpu.memref_slice %arg6[%dma_wait3A_795, %dma_wait3A_804, %dma_wait3A_805, %dma_wait3A_806] : memref<3x4x8x1024xf32, #tpu.memory_space<vmem>> -> memref<1x4x8x1024xf32, #tpu.memory_space<vmem>>
    %dma_wait3A_808 = tpu.memref_squeeze %dma_wait3A_807 : memref<1x4x8x1024xf32, #tpu.memory_space<vmem>> -> memref<4x8x1024xf32, #tpu.memory_space<vmem>>
    %dma_wait3A_809 = arith.constant 0 : i32
    %dma_wait3A_810 = arith.constant 0 : i32
    %dma_wait3A_811 = tpu.memref_slice %arg2[%dma_wait3A_809, %add3A_781, %dma_wait3A_810] : memref<4x4096x1024xf32, #tpu.memory_space<hbm>> -> memref<4x8x1024xf32, #tpu.memory_space<hbm>>
    tpu.wait_dma2 semaphore(%arg8 : memref<!tpu.dma_semaphore, #tpu.memory_space<semaphore_mem>>) src(%dma_wait3A_811 : memref<4x8x1024xf32, #tpu.memory_space<hbm>>) dst(%dma_wait3A_808 : memref<4x8x1024xf32, #tpu.memory_space<vmem>>)
    %parallel_loop3A_812 = arith.constant 0 : i32
    %parallel_loop3A_813 = arith.constant 512 : i32
    %parallel_loop3A_814 = arith.constant 1 : i32
    scf.for %parallel_loop3A_1680 = %parallel_loop3A_812 to %parallel_loop3A_813 step %parallel_loop3A_814  : i32 {
      %parallel_loop3A_1681 = arith.constant 6 : i32
      %parallel_loop3A_1682 = arith.shrui %parallel_loop3A_1680, %parallel_loop3A_1681 : i32
      %parallel_loop3A_1683 = arith.constant 63 : i32
      %parallel_loop3A_1684 = arith.andi %parallel_loop3A_1680, %parallel_loop3A_1683 : i32
      %parallel_loop3A_1685 = arith.constant 16 : i32
      %parallel_loop3A_1686 = arith.muli %parallel_loop3A_1684, %parallel_loop3A_1685 : i32
      %parallel_loop3A_1687 = arith.constant 1 : i32
      %parallel_loop3A_1688 = arith.index_cast %parallel_loop3A_1687 : i32 to index
      %parallel_loop3A_1689 = arith.index_cast %parallel_loop3A_1682 : i32 to index
      %parallel_loop3A_1690 = arith.index_cast %parallel_loop3A_1686 : i32 to index
      %parallel_loop3A_1691 = tpu.vector_load %arg5[%parallel_loop3A_1688, %parallel_loop3A_1689, %parallel_loop3A_1690] {strides = array<i32>} : memref<3x8x1024xf32, #tpu.memory_space<vmem>>, vector<1x1x16xf32>,
      %parallel_loop3A_1692 = vector.shape_cast %parallel_loop3A_1691 : vector<1x1x16xf32> to vector<16xf32>
      %parallel_loop3A_1693 = arith.constant 1 : i32
      %parallel_loop3A_1694 = arith.constant 0 : i32
      %parallel_loop3A_1695 = arith.index_cast %parallel_loop3A_1693 : i32 to index
      %parallel_loop3A_1696 = arith.index_cast %parallel_loop3A_1694 : i32 to index
      %parallel_loop3A_1697 = arith.index_cast %parallel_loop3A_1682 : i32 to index
      %parallel_loop3A_1698 = arith.index_cast %parallel_loop3A_1686 : i32 to index
      %parallel_loop3A_1699 = tpu.vector_load %arg6[%parallel_loop3A_1695, %parallel_loop3A_1696, %parallel_loop3A_1697, %parallel_loop3A_1698] {strides = array<i32>} : memref<3x4x8x1024xf32, #tpu.memory_space<vmem>>, vector<1x1x1x16xf32>,
      %parallel_loop3A_1700 = vector.shape_cast %parallel_loop3A_1699 : vector<1x1x1x16xf32> to vector<16xf32>
      %parallel_loop3A_1701 = arith.addf %parallel_loop3A_1700, %parallel_loop3A_1692 : vector<16xf32>
      %parallel_loop3A_1702 = arith.constant 1 : i32
      %parallel_loop3A_1703 = arith.constant 0 : i32
      %parallel_loop3A_1704 = arith.index_cast %parallel_loop3A_1702 : i32 to index
      %parallel_loop3A_1705 = arith.index_cast %parallel_loop3A_1703 : i32 to index
      %parallel_loop3A_1706 = arith.index_cast %parallel_loop3A_1682 : i32 to index
      %parallel_loop3A_1707 = arith.index_cast %parallel_loop3A_1686 : i32 to index
      %parallel_loop3A_1708 = tpu.vector_load %arg6[%parallel_loop3A_1704, %parallel_loop3A_1705, %parallel_loop3A_1706, %parallel_loop3A_1707] {strides = array<i32>} : memref<3x4x8x1024xf32, #tpu.memory_space<vmem>>, vector<1x1x1x16xf32>,
      %parallel_loop3A_1709 = vector.shape_cast %parallel_loop3A_1708 : vector<1x1x1x16xf32> to vector<16xf32>
      %parallel_loop3A_1710 = vector.shape_cast %parallel_loop3A_1701 : vector<16xf32> to vector<1x1x1x16xf32>
      tpu.vector_store %arg6[%parallel_loop3A_1704, %parallel_loop3A_1705, %parallel_loop3A_1706, %parallel_loop3A_1707], %parallel_loop3A_1710 {strides = array<i32>} : memref<3x4x8x1024xf32, #tpu.memory_space<vmem>>, vector<1x1x1x16xf32>,
      %parallel_loop3A_1711 = arith.constant 1 : i32
      %parallel_loop3A_1712 = arith.constant 1 : i32
      %parallel_loop3A_1713 = arith.index_cast %parallel_loop3A_1711 : i32 to index
      %parallel_loop3A_1714 = arith.index_cast %parallel_loop3A_1712 : i32 to index
      %parallel_loop3A_1715 = arith.index_cast %parallel_loop3A_1682 : i32 to index
      %parallel_loop3A_1716 = arith.index_cast %parallel_loop3A_1686 : i32 to index
      %parallel_loop3A_1717 = tpu.vector_load %arg6[%parallel_loop3A_1713, %parallel_loop3A_1714, %parallel_loop3A_1715, %parallel_loop3A_1716] {strides = array<i32>} : memref<3x4x8x1024xf32, #tpu.memory_space<vmem>>, vector<1x1x1x16xf32>,
      %parallel_loop3A_1718 = vector.shape_cast %parallel_loop3A_1717 : vector<1x1x1x16xf32> to vector<16xf32>
      %parallel_loop3A_1719 = arith.addf %parallel_loop3A_1718, %parallel_loop3A_1692 : vector<16xf32>
      %parallel_loop3A_1720 = arith.constant 1 : i32
      %parallel_loop3A_1721 = arith.constant 1 : i32
      %parallel_loop3A_1722 = arith.index_cast %parallel_loop3A_1720 : i32 to index
      %parallel_loop3A_1723 = arith.index_cast %parallel_loop3A_1721 : i32 to index
      %parallel_loop3A_1724 = arith.index_cast %parallel_loop3A_1682 : i32 to index
      %parallel_loop3A_1725 = arith.index_cast %parallel_loop3A_1686 : i32 to index
      %parallel_loop3A_1726 = tpu.vector_load %arg6[%parallel_loop3A_1722, %parallel_loop3A_1723, %parallel_loop3A_1724, %parallel_loop3A_1725] {strides = array<i32>} : memref<3x4x8x1024xf32, #tpu.memory_space<vmem>>, vector<1x1x1x16xf32>,
      %parallel_loop3A_1727 = vector.shape_cast %parallel_loop3A_1726 : vector<1x1x1x16xf32> to vector<16xf32>
      %parallel_loop3A_1728 = vector.shape_cast %parallel_loop3A_1719 : vector<16xf32> to vector<1x1x1x16xf32>
      tpu.vector_store %arg6[%parallel_loop3A_1722, %parallel_loop3A_1723, %parallel_loop3A_1724, %parallel_loop3A_1725], %parallel_loop3A_1728 {strides = array<i32>} : memref<3x4x8x1024xf32, #tpu.memory_space<vmem>>, vector<1x1x1x16xf32>,
      %parallel_loop3A_1729 = arith.constant 1 : i32
      %parallel_loop3A_1730 = arith.constant 2 : i32
      %parallel_loop3A_1731 = arith.index_cast %parallel_loop3A_1729 : i32 to index
      %parallel_loop3A_1732 = arith.index_cast %parallel_loop3A_1730 : i32 to index
      %parallel_loop3A_1733 = arith.index_cast %parallel_loop3A_1682 : i32 to index
      %parallel_loop3A_1734 = arith.index_cast %parallel_loop3A_1686 : i32 to index
      %parallel_loop3A_1735 = tpu.vector_load %arg6[%parallel_loop3A_1731, %parallel_loop3A_1732, %parallel_loop3A_1733, %parallel_loop3A_1734] {strides = array<i32>} : memref<3x4x8x1024xf32, #tpu.memory_space<vmem>>, vector<1x1x1x16xf32>,
      %parallel_loop3A_1736 = vector.shape_cast %parallel_loop3A_1735 : vector<1x1x1x16xf32> to vector<16xf32>
      %parallel_loop3A_1737 = arith.addf %parallel_loop3A_1736, %parallel_loop3A_1692 : vector<16xf32>
      %parallel_loop3A_1738 = arith.constant 1 : i32
      %parallel_loop3A_1739 = arith.constant 2 : i32
      %parallel_loop3A_1740 = arith.index_cast %parallel_loop3A_1738 : i32 to index
      %parallel_loop3A_1741 = arith.index_cast %parallel_loop3A_1739 : i32 to index
      %parallel_loop3A_1742 = arith.index_cast %parallel_loop3A_1682 : i32 to index
      %parallel_loop3A_1743 = arith.index_cast %parallel_loop3A_1686 : i32 to index
      %parallel_loop3A_1744 = tpu.vector_load %arg6[%parallel_loop3A_1740, %parallel_loop3A_1741, %parallel_loop3A_1742, %parallel_loop3A_1743] {strides = array<i32>} : memref<3x4x8x1024xf32, #tpu.memory_space<vmem>>, vector<1x1x1x16xf32>,
      %parallel_loop3A_1745 = vector.shape_cast %parallel_loop3A_1744 : vector<1x1x1x16xf32> to vector<16xf32>
      %parallel_loop3A_1746 = vector.shape_cast %parallel_loop3A_1737 : vector<16xf32> to vector<1x1x1x16xf32>
      tpu.vector_store %arg6[%parallel_loop3A_1740, %parallel_loop3A_1741, %parallel_loop3A_1742, %parallel_loop3A_1743], %parallel_loop3A_1746 {strides = array<i32>} : memref<3x4x8x1024xf32, #tpu.memory_space<vmem>>, vector<1x1x1x16xf32>,
      %parallel_loop3A_1747 = arith.constant 1 : i32
      %parallel_loop3A_1748 = arith.constant 3 : i32
      %parallel_loop3A_1749 = arith.index_cast %parallel_loop3A_1747 : i32 to index
      %parallel_loop3A_1750 = arith.index_cast %parallel_loop3A_1748 : i32 to index
      %parallel_loop3A_1751 = arith.index_cast %parallel_loop3A_1682 : i32 to index
      %parallel_loop3A_1752 = arith.index_cast %parallel_loop3A_1686 : i32 to index
      %parallel_loop3A_1753 = tpu.vector_load %arg6[%parallel_loop3A_1749, %parallel_loop3A_1750, %parallel_loop3A_1751, %parallel_loop3A_1752] {strides = array<i32>} : memref<3x4x8x1024xf32, #tpu.memory_space<vmem>>, vector<1x1x1x16xf32>,
      %parallel_loop3A_1754 = vector.shape_cast %parallel_loop3A_1753 : vector<1x1x1x16xf32> to vector<16xf32>
      %parallel_loop3A_1755 = arith.addf %parallel_loop3A_1754, %parallel_loop3A_1692 : vector<16xf32>
      %parallel_loop3A_1756 = arith.constant 1 : i32
      %parallel_loop3A_1757 = arith.constant 3 : i32
      %parallel_loop3A_1758 = arith.index_cast %parallel_loop3A_1756 : i32 to index
      %parallel_loop3A_1759 = arith.index_cast %parallel_loop3A_1757 : i32 to index
      %parallel_loop3A_1760 = arith.index_cast %parallel_loop3A_1682 : i32 to index
      %parallel_loop3A_1761 = arith.index_cast %parallel_loop3A_1686 : i32 to index
      %parallel_loop3A_1762 = tpu.vector_load %arg6[%parallel_loop3A_1758, %parallel_loop3A_1759, %parallel_loop3A_1760, %parallel_loop3A_1761] {strides = array<i32>} : memref<3x4x8x1024xf32, #tpu.memory_space<vmem>>, vector<1x1x1x16xf32>,
      %parallel_loop3A_1763 = vector.shape_cast %parallel_loop3A_1762 : vector<1x1x1x16xf32> to vector<16xf32>
      %parallel_loop3A_1764 = vector.shape_cast %parallel_loop3A_1755 : vector<16xf32> to vector<1x1x1x16xf32>
      tpu.vector_store %arg6[%parallel_loop3A_1758, %parallel_loop3A_1759, %parallel_loop3A_1760, %parallel_loop3A_1761], %parallel_loop3A_1764 {strides = array<i32>} : memref<3x4x8x1024xf32, #tpu.memory_space<vmem>>, vector<1x1x1x16xf32>,
    } {sc.loop_unroll_factor = 8 : i64, sc.parallel_access}
    %add3A_815 = arith.constant 56 : i32
    %add3A_816 = arith.addi %mul3A_2, %add3A_815 : i32
    %dma_start3A_817 = arith.constant 1 : i32
    %dma_start3A_818 = arith.constant 0 : i32
    %dma_start3A_819 = arith.constant 0 : i32
    %dma_start3A_820 = arith.constant 0 : i32
    %dma_start3A_821 = tpu.memref_slice %arg6[%dma_start3A_817, %dma_start3A_818, %dma_start3A_819, %dma_start3A_820] : memref<3x4x8x1024xf32, #tpu.memory_space<vmem>> -> memref<1x4x8x1024xf32, #tpu.memory_space<vmem>>
    %dma_start3A_822 = tpu.memref_squeeze %dma_start3A_821 : memref<1x4x8x1024xf32, #tpu.memory_space<vmem>> -> memref<4x8x1024xf32, #tpu.memory_space<vmem>>
    %dma_start3A_823 = arith.constant 0 : i32
    %dma_start3A_824 = arith.constant 0 : i32
    %dma_start3A_825 = tpu.memref_slice %arg4[%dma_start3A_823, %add3A_816, %dma_start3A_824] : memref<4x4096x1024xf32, #tpu.memory_space<hbm>> -> memref<4x8x1024xf32, #tpu.memory_space<hbm>>
    %dma_start3A_826 = arith.constant 0 : i32
    %dma_start3A_827 = arith.constant 0 : i32
    %dma_start3A_828 = tpu.memref_slice %arg4[%dma_start3A_826, %add3A_816, %dma_start3A_827] : memref<4x4096x1024xf32, #tpu.memory_space<hbm>> -> memref<4x8x1024xf32, #tpu.memory_space<hbm>>
    %dma_start3A_829 = arith.constant 0 : i32
    %dma_start3A_830 = arith.constant 0 : i32
    %dma_start3A_831 = arith.constant 0 : i32
    %dma_start3A_832 = tpu.memref_slice %arg6[%dma_start3A_817, %dma_start3A_829, %dma_start3A_830, %dma_start3A_831] : memref<3x4x8x1024xf32, #tpu.memory_space<vmem>> -> memref<1x4x8x1024xf32, #tpu.memory_space<vmem>>
    %dma_start3A_833 = tpu.memref_squeeze %dma_start3A_832 : memref<1x4x8x1024xf32, #tpu.memory_space<vmem>> -> memref<4x8x1024xf32, #tpu.memory_space<vmem>>
    tpu.enqueue_dma source(%dma_start3A_833 : memref<4x8x1024xf32, #tpu.memory_space<vmem>>) target(%dma_start3A_828 : memref<4x8x1024xf32, #tpu.memory_space<hbm>>) target_semaphore(%arg11 : memref<!tpu.dma_semaphore, #tpu.memory_space<semaphore_mem>>)
    %add3A_834 = arith.constant 48 : i32
    %add3A_835 = arith.addi %mul3A_2, %add3A_834 : i32
    %dma_wait3A_836 = arith.constant 0 : i32
    %dma_wait3A_837 = arith.constant 0 : i32
    %dma_wait3A_838 = arith.constant 0 : i32
    %dma_wait3A_839 = arith.constant 0 : i32
    %dma_wait3A_840 = tpu.memref_slice %arg6[%dma_wait3A_836, %dma_wait3A_837, %dma_wait3A_838, %dma_wait3A_839] : memref<3x4x8x1024xf32, #tpu.memory_space<vmem>> -> memref<1x4x8x1024xf32, #tpu.memory_space<vmem>>
    %dma_wait3A_841 = tpu.memref_squeeze %dma_wait3A_840 : memref<1x4x8x1024xf32, #tpu.memory_space<vmem>> -> memref<4x8x1024xf32, #tpu.memory_space<vmem>>
    %dma_wait3A_842 = arith.constant 0 : i32
    %dma_wait3A_843 = arith.constant 0 : i32
    %dma_wait3A_844 = tpu.memref_slice %arg4[%dma_wait3A_842, %add3A_835, %dma_wait3A_843] : memref<4x4096x1024xf32, #tpu.memory_space<hbm>> -> memref<4x8x1024xf32, #tpu.memory_space<hbm>>
    %dma_wait3A_845 = arith.constant 0 : i32
    %dma_wait3A_846 = arith.constant 0 : i32
    %dma_wait3A_847 = tpu.memref_slice %arg4[%dma_wait3A_845, %add3A_835, %dma_wait3A_846] : memref<4x4096x1024xf32, #tpu.memory_space<hbm>> -> memref<4x8x1024xf32, #tpu.memory_space<hbm>>
    %dma_wait3A_848 = arith.constant 0 : i32
    %dma_wait3A_849 = arith.constant 0 : i32
    %dma_wait3A_850 = arith.constant 0 : i32
    %dma_wait3A_851 = tpu.memref_slice %arg6[%dma_wait3A_836, %dma_wait3A_848, %dma_wait3A_849, %dma_wait3A_850] : memref<3x4x8x1024xf32, #tpu.memory_space<vmem>> -> memref<1x4x8x1024xf32, #tpu.memory_space<vmem>>
    %dma_wait3A_852 = tpu.memref_squeeze %dma_wait3A_851 : memref<1x4x8x1024xf32, #tpu.memory_space<vmem>> -> memref<4x8x1024xf32, #tpu.memory_space<vmem>>
    tpu.wait_dma2 semaphore(%arg10 : memref<!tpu.dma_semaphore, #tpu.memory_space<semaphore_mem>>) src(%dma_wait3A_852 : memref<4x8x1024xf32, #tpu.memory_space<vmem>>) dst(%dma_wait3A_847 : memref<4x8x1024xf32, #tpu.memory_space<hbm>>)
    %add3A_853 = arith.constant 72 : i32
    %add3A_854 = arith.addi %mul3A_2, %add3A_853 : i32
    %dma_start3A_855 = arith.constant 0 : i32
    %dma_start3A_856 = arith.constant 0 : i32
    %dma_start3A_857 = arith.constant 0 : i32
    %dma_start3A_858 = tpu.memref_slice %arg5[%dma_start3A_855, %dma_start3A_856, %dma_start3A_857] : memref<3x8x1024xf32, #tpu.memory_space<vmem>> -> memref<1x8x1024xf32, #tpu.memory_space<vmem>>
    %dma_start3A_859 = tpu.memref_squeeze %dma_start3A_858 : memref<1x8x1024xf32, #tpu.memory_space<vmem>> -> memref<8x1024xf32, #tpu.memory_space<vmem>>
    %dma_start3A_860 = arith.constant 0 : i32
    %dma_start3A_861 = tpu.memref_slice %arg3[%add3A_854, %dma_start3A_860] : memref<8192x1024xf32, #tpu.memory_space<hbm>> -> memref<8x1024xf32, #tpu.memory_space<hbm>>
    %dma_start3A_862 = arith.constant 0 : i32
    %dma_start3A_863 = arith.constant 0 : i32
    %dma_start3A_864 = tpu.memref_slice %arg5[%dma_start3A_855, %dma_start3A_862, %dma_start3A_863] : memref<3x8x1024xf32, #tpu.memory_space<vmem>> -> memref<1x8x1024xf32, #tpu.memory_space<vmem>>
    %dma_start3A_865 = tpu.memref_squeeze %dma_start3A_864 : memref<1x8x1024xf32, #tpu.memory_space<vmem>> -> memref<8x1024xf32, #tpu.memory_space<vmem>>
    %dma_start3A_866 = arith.constant 0 : i32
    %dma_start3A_867 = tpu.memref_slice %arg3[%add3A_854, %dma_start3A_866] : memref<8192x1024xf32, #tpu.memory_space<hbm>> -> memref<8x1024xf32, #tpu.memory_space<hbm>>
    tpu.enqueue_dma source(%dma_start3A_867 : memref<8x1024xf32, #tpu.memory_space<hbm>>) target(%dma_start3A_865 : memref<8x1024xf32, #tpu.memory_space<vmem>>) target_semaphore(%arg7 : memref<!tpu.dma_semaphore, #tpu.memory_space<semaphore_mem>>)
    %dma_start3A_868 = arith.constant 0 : i32
    %dma_start3A_869 = arith.constant 0 : i32
    %dma_start3A_870 = arith.constant 0 : i32
    %dma_start3A_871 = arith.constant 0 : i32
    %dma_start3A_872 = tpu.memref_slice %arg6[%dma_start3A_868, %dma_start3A_869, %dma_start3A_870, %dma_start3A_871] : memref<3x4x8x1024xf32, #tpu.memory_space<vmem>> -> memref<1x4x8x1024xf32, #tpu.memory_space<vmem>>
    %dma_start3A_873 = tpu.memref_squeeze %dma_start3A_872 : memref<1x4x8x1024xf32, #tpu.memory_space<vmem>> -> memref<4x8x1024xf32, #tpu.memory_space<vmem>>
    %dma_start3A_874 = arith.constant 0 : i32
    %dma_start3A_875 = arith.constant 0 : i32
    %dma_start3A_876 = tpu.memref_slice %arg2[%dma_start3A_874, %add3A_854, %dma_start3A_875] : memref<4x4096x1024xf32, #tpu.memory_space<hbm>> -> memref<4x8x1024xf32, #tpu.memory_space<hbm>>
    %dma_start3A_877 = arith.constant 0 : i32
    %dma_start3A_878 = arith.constant 0 : i32
    %dma_start3A_879 = arith.constant 0 : i32
    %dma_start3A_880 = tpu.memref_slice %arg6[%dma_start3A_868, %dma_start3A_877, %dma_start3A_878, %dma_start3A_879] : memref<3x4x8x1024xf32, #tpu.memory_space<vmem>> -> memref<1x4x8x1024xf32, #tpu.memory_space<vmem>>
    %dma_start3A_881 = tpu.memref_squeeze %dma_start3A_880 : memref<1x4x8x1024xf32, #tpu.memory_space<vmem>> -> memref<4x8x1024xf32, #tpu.memory_space<vmem>>
    %dma_start3A_882 = arith.constant 0 : i32
    %dma_start3A_883 = arith.constant 0 : i32
    %dma_start3A_884 = tpu.memref_slice %arg2[%dma_start3A_882, %add3A_854, %dma_start3A_883] : memref<4x4096x1024xf32, #tpu.memory_space<hbm>> -> memref<4x8x1024xf32, #tpu.memory_space<hbm>>
    tpu.enqueue_dma source(%dma_start3A_884 : memref<4x8x1024xf32, #tpu.memory_space<hbm>>) target(%dma_start3A_881 : memref<4x8x1024xf32, #tpu.memory_space<vmem>>) target_semaphore(%arg7 : memref<!tpu.dma_semaphore, #tpu.memory_space<semaphore_mem>>)
    %add3A_885 = arith.constant 64 : i32
    %add3A_886 = arith.addi %mul3A_2, %add3A_885 : i32
    %dma_wait3A_887 = arith.constant 2 : i32
    %dma_wait3A_888 = arith.constant 0 : i32
    %dma_wait3A_889 = arith.constant 0 : i32
    %dma_wait3A_890 = tpu.memref_slice %arg5[%dma_wait3A_887, %dma_wait3A_888, %dma_wait3A_889] : memref<3x8x1024xf32, #tpu.memory_space<vmem>> -> memref<1x8x1024xf32, #tpu.memory_space<vmem>>
    %dma_wait3A_891 = tpu.memref_squeeze %dma_wait3A_890 : memref<1x8x1024xf32, #tpu.memory_space<vmem>> -> memref<8x1024xf32, #tpu.memory_space<vmem>>
    %dma_wait3A_892 = arith.constant 0 : i32
    %dma_wait3A_893 = tpu.memref_slice %arg3[%add3A_886, %dma_wait3A_892] : memref<8192x1024xf32, #tpu.memory_space<hbm>> -> memref<8x1024xf32, #tpu.memory_space<hbm>>
    %dma_wait3A_894 = arith.constant 0 : i32
    %dma_wait3A_895 = arith.constant 0 : i32
    %dma_wait3A_896 = tpu.memref_slice %arg5[%dma_wait3A_887, %dma_wait3A_894, %dma_wait3A_895] : memref<3x8x1024xf32, #tpu.memory_space<vmem>> -> memref<1x8x1024xf32, #tpu.memory_space<vmem>>
    %dma_wait3A_897 = tpu.memref_squeeze %dma_wait3A_896 : memref<1x8x1024xf32, #tpu.memory_space<vmem>> -> memref<8x1024xf32, #tpu.memory_space<vmem>>
    %dma_wait3A_898 = arith.constant 0 : i32
    %dma_wait3A_899 = tpu.memref_slice %arg3[%add3A_886, %dma_wait3A_898] : memref<8192x1024xf32, #tpu.memory_space<hbm>> -> memref<8x1024xf32, #tpu.memory_space<hbm>>
    tpu.wait_dma2 semaphore(%arg9 : memref<!tpu.dma_semaphore, #tpu.memory_space<semaphore_mem>>) src(%dma_wait3A_899 : memref<8x1024xf32, #tpu.memory_space<hbm>>) dst(%dma_wait3A_897 : memref<8x1024xf32, #tpu.memory_space<vmem>>)
    %dma_wait3A_900 = arith.constant 2 : i32
    %dma_wait3A_901 = arith.constant 0 : i32
    %dma_wait3A_902 = arith.constant 0 : i32
    %dma_wait3A_903 = arith.constant 0 : i32
    %dma_wait3A_904 = tpu.memref_slice %arg6[%dma_wait3A_900, %dma_wait3A_901, %dma_wait3A_902, %dma_wait3A_903] : memref<3x4x8x1024xf32, #tpu.memory_space<vmem>> -> memref<1x4x8x1024xf32, #tpu.memory_space<vmem>>
    %dma_wait3A_905 = tpu.memref_squeeze %dma_wait3A_904 : memref<1x4x8x1024xf32, #tpu.memory_space<vmem>> -> memref<4x8x1024xf32, #tpu.memory_space<vmem>>
    %dma_wait3A_906 = arith.constant 0 : i32
    %dma_wait3A_907 = arith.constant 0 : i32
    %dma_wait3A_908 = tpu.memref_slice %arg2[%dma_wait3A_906, %add3A_886, %dma_wait3A_907] : memref<4x4096x1024xf32, #tpu.memory_space<hbm>> -> memref<4x8x1024xf32, #tpu.memory_space<hbm>>
    %dma_wait3A_909 = arith.constant 0 : i32
    %dma_wait3A_910 = arith.constant 0 : i32
    %dma_wait3A_911 = arith.constant 0 : i32
    %dma_wait3A_912 = tpu.memref_slice %arg6[%dma_wait3A_900, %dma_wait3A_909, %dma_wait3A_910, %dma_wait3A_911] : memref<3x4x8x1024xf32, #tpu.memory_space<vmem>> -> memref<1x4x8x1024xf32, #tpu.memory_space<vmem>>
    %dma_wait3A_913 = tpu.memref_squeeze %dma_wait3A_912 : memref<1x4x8x1024xf32, #tpu.memory_space<vmem>> -> memref<4x8x1024xf32, #tpu.memory_space<vmem>>
    %dma_wait3A_914 = arith.constant 0 : i32
    %dma_wait3A_915 = arith.constant 0 : i32
    %dma_wait3A_916 = tpu.memref_slice %arg2[%dma_wait3A_914, %add3A_886, %dma_wait3A_915] : memref<4x4096x1024xf32, #tpu.memory_space<hbm>> -> memref<4x8x1024xf32, #tpu.memory_space<hbm>>
    tpu.wait_dma2 semaphore(%arg9 : memref<!tpu.dma_semaphore, #tpu.memory_space<semaphore_mem>>) src(%dma_wait3A_916 : memref<4x8x1024xf32, #tpu.memory_space<hbm>>) dst(%dma_wait3A_913 : memref<4x8x1024xf32, #tpu.memory_space<vmem>>)
    %parallel_loop3A_917 = arith.constant 0 : i32
    %parallel_loop3A_918 = arith.constant 512 : i32
    %parallel_loop3A_919 = arith.constant 1 : i32
    scf.for %parallel_loop3A_1680 = %parallel_loop3A_917 to %parallel_loop3A_918 step %parallel_loop3A_919  : i32 {
      %parallel_loop3A_1681 = arith.constant 6 : i32
      %parallel_loop3A_1682 = arith.shrui %parallel_loop3A_1680, %parallel_loop3A_1681 : i32
      %parallel_loop3A_1683 = arith.constant 63 : i32
      %parallel_loop3A_1684 = arith.andi %parallel_loop3A_1680, %parallel_loop3A_1683 : i32
      %parallel_loop3A_1685 = arith.constant 16 : i32
      %parallel_loop3A_1686 = arith.muli %parallel_loop3A_1684, %parallel_loop3A_1685 : i32
      %parallel_loop3A_1687 = arith.constant 2 : i32
      %parallel_loop3A_1688 = arith.index_cast %parallel_loop3A_1687 : i32 to index
      %parallel_loop3A_1689 = arith.index_cast %parallel_loop3A_1682 : i32 to index
      %parallel_loop3A_1690 = arith.index_cast %parallel_loop3A_1686 : i32 to index
      %parallel_loop3A_1691 = tpu.vector_load %arg5[%parallel_loop3A_1688, %parallel_loop3A_1689, %parallel_loop3A_1690] {strides = array<i32>} : memref<3x8x1024xf32, #tpu.memory_space<vmem>>, vector<1x1x16xf32>,
      %parallel_loop3A_1692 = vector.shape_cast %parallel_loop3A_1691 : vector<1x1x16xf32> to vector<16xf32>
      %parallel_loop3A_1693 = arith.constant 2 : i32
      %parallel_loop3A_1694 = arith.constant 0 : i32
      %parallel_loop3A_1695 = arith.index_cast %parallel_loop3A_1693 : i32 to index
      %parallel_loop3A_1696 = arith.index_cast %parallel_loop3A_1694 : i32 to index
      %parallel_loop3A_1697 = arith.index_cast %parallel_loop3A_1682 : i32 to index
      %parallel_loop3A_1698 = arith.index_cast %parallel_loop3A_1686 : i32 to index
      %parallel_loop3A_1699 = tpu.vector_load %arg6[%parallel_loop3A_1695, %parallel_loop3A_1696, %parallel_loop3A_1697, %parallel_loop3A_1698] {strides = array<i32>} : memref<3x4x8x1024xf32, #tpu.memory_space<vmem>>, vector<1x1x1x16xf32>,
      %parallel_loop3A_1700 = vector.shape_cast %parallel_loop3A_1699 : vector<1x1x1x16xf32> to vector<16xf32>
      %parallel_loop3A_1701 = arith.addf %parallel_loop3A_1700, %parallel_loop3A_1692 : vector<16xf32>
      %parallel_loop3A_1702 = arith.constant 2 : i32
      %parallel_loop3A_1703 = arith.constant 0 : i32
      %parallel_loop3A_1704 = arith.index_cast %parallel_loop3A_1702 : i32 to index
      %parallel_loop3A_1705 = arith.index_cast %parallel_loop3A_1703 : i32 to index
      %parallel_loop3A_1706 = arith.index_cast %parallel_loop3A_1682 : i32 to index
      %parallel_loop3A_1707 = arith.index_cast %parallel_loop3A_1686 : i32 to index
      %parallel_loop3A_1708 = tpu.vector_load %arg6[%parallel_loop3A_1704, %parallel_loop3A_1705, %parallel_loop3A_1706, %parallel_loop3A_1707] {strides = array<i32>} : memref<3x4x8x1024xf32, #tpu.memory_space<vmem>>, vector<1x1x1x16xf32>,
      %parallel_loop3A_1709 = vector.shape_cast %parallel_loop3A_1708 : vector<1x1x1x16xf32> to vector<16xf32>
      %parallel_loop3A_1710 = vector.shape_cast %parallel_loop3A_1701 : vector<16xf32> to vector<1x1x1x16xf32>
      tpu.vector_store %arg6[%parallel_loop3A_1704, %parallel_loop3A_1705, %parallel_loop3A_1706, %parallel_loop3A_1707], %parallel_loop3A_1710 {strides = array<i32>} : memref<3x4x8x1024xf32, #tpu.memory_space<vmem>>, vector<1x1x1x16xf32>,
      %parallel_loop3A_1711 = arith.constant 2 : i32
      %parallel_loop3A_1712 = arith.constant 1 : i32
      %parallel_loop3A_1713 = arith.index_cast %parallel_loop3A_1711 : i32 to index
      %parallel_loop3A_1714 = arith.index_cast %parallel_loop3A_1712 : i32 to index
      %parallel_loop3A_1715 = arith.index_cast %parallel_loop3A_1682 : i32 to index
      %parallel_loop3A_1716 = arith.index_cast %parallel_loop3A_1686 : i32 to index
      %parallel_loop3A_1717 = tpu.vector_load %arg6[%parallel_loop3A_1713, %parallel_loop3A_1714, %parallel_loop3A_1715, %parallel_loop3A_1716] {strides = array<i32>} : memref<3x4x8x1024xf32, #tpu.memory_space<vmem>>, vector<1x1x1x16xf32>,
      %parallel_loop3A_1718 = vector.shape_cast %parallel_loop3A_1717 : vector<1x1x1x16xf32> to vector<16xf32>
      %parallel_loop3A_1719 = arith.addf %parallel_loop3A_1718, %parallel_loop3A_1692 : vector<16xf32>
      %parallel_loop3A_1720 = arith.constant 2 : i32
      %parallel_loop3A_1721 = arith.constant 1 : i32
      %parallel_loop3A_1722 = arith.index_cast %parallel_loop3A_1720 : i32 to index
      %parallel_loop3A_1723 = arith.index_cast %parallel_loop3A_1721 : i32 to index
      %parallel_loop3A_1724 = arith.index_cast %parallel_loop3A_1682 : i32 to index
      %parallel_loop3A_1725 = arith.index_cast %parallel_loop3A_1686 : i32 to index
      %parallel_loop3A_1726 = tpu.vector_load %arg6[%parallel_loop3A_1722, %parallel_loop3A_1723, %parallel_loop3A_1724, %parallel_loop3A_1725] {strides = array<i32>} : memref<3x4x8x1024xf32, #tpu.memory_space<vmem>>, vector<1x1x1x16xf32>,
      %parallel_loop3A_1727 = vector.shape_cast %parallel_loop3A_1726 : vector<1x1x1x16xf32> to vector<16xf32>
      %parallel_loop3A_1728 = vector.shape_cast %parallel_loop3A_1719 : vector<16xf32> to vector<1x1x1x16xf32>
      tpu.vector_store %arg6[%parallel_loop3A_1722, %parallel_loop3A_1723, %parallel_loop3A_1724, %parallel_loop3A_1725], %parallel_loop3A_1728 {strides = array<i32>} : memref<3x4x8x1024xf32, #tpu.memory_space<vmem>>, vector<1x1x1x16xf32>,
      %parallel_loop3A_1729 = arith.constant 2 : i32
      %parallel_loop3A_1730 = arith.constant 2 : i32
      %parallel_loop3A_1731 = arith.index_cast %parallel_loop3A_1729 : i32 to index
      %parallel_loop3A_1732 = arith.index_cast %parallel_loop3A_1730 : i32 to index
      %parallel_loop3A_1733 = arith.index_cast %parallel_loop3A_1682 : i32 to index
      %parallel_loop3A_1734 = arith.index_cast %parallel_loop3A_1686 : i32 to index
      %parallel_loop3A_1735 = tpu.vector_load %arg6[%parallel_loop3A_1731, %parallel_loop3A_1732, %parallel_loop3A_1733, %parallel_loop3A_1734] {strides = array<i32>} : memref<3x4x8x1024xf32, #tpu.memory_space<vmem>>, vector<1x1x1x16xf32>,
      %parallel_loop3A_1736 = vector.shape_cast %parallel_loop3A_1735 : vector<1x1x1x16xf32> to vector<16xf32>
      %parallel_loop3A_1737 = arith.addf %parallel_loop3A_1736, %parallel_loop3A_1692 : vector<16xf32>
      %parallel_loop3A_1738 = arith.constant 2 : i32
      %parallel_loop3A_1739 = arith.constant 2 : i32
      %parallel_loop3A_1740 = arith.index_cast %parallel_loop3A_1738 : i32 to index
      %parallel_loop3A_1741 = arith.index_cast %parallel_loop3A_1739 : i32 to index
      %parallel_loop3A_1742 = arith.index_cast %parallel_loop3A_1682 : i32 to index
      %parallel_loop3A_1743 = arith.index_cast %parallel_loop3A_1686 : i32 to index
      %parallel_loop3A_1744 = tpu.vector_load %arg6[%parallel_loop3A_1740, %parallel_loop3A_1741, %parallel_loop3A_1742, %parallel_loop3A_1743] {strides = array<i32>} : memref<3x4x8x1024xf32, #tpu.memory_space<vmem>>, vector<1x1x1x16xf32>,
      %parallel_loop3A_1745 = vector.shape_cast %parallel_loop3A_1744 : vector<1x1x1x16xf32> to vector<16xf32>
      %parallel_loop3A_1746 = vector.shape_cast %parallel_loop3A_1737 : vector<16xf32> to vector<1x1x1x16xf32>
      tpu.vector_store %arg6[%parallel_loop3A_1740, %parallel_loop3A_1741, %parallel_loop3A_1742, %parallel_loop3A_1743], %parallel_loop3A_1746 {strides = array<i32>} : memref<3x4x8x1024xf32, #tpu.memory_space<vmem>>, vector<1x1x1x16xf32>,
      %parallel_loop3A_1747 = arith.constant 2 : i32
      %parallel_loop3A_1748 = arith.constant 3 : i32
      %parallel_loop3A_1749 = arith.index_cast %parallel_loop3A_1747 : i32 to index
      %parallel_loop3A_1750 = arith.index_cast %parallel_loop3A_1748 : i32 to index
      %parallel_loop3A_1751 = arith.index_cast %parallel_loop3A_1682 : i32 to index
      %parallel_loop3A_1752 = arith.index_cast %parallel_loop3A_1686 : i32 to index
      %parallel_loop3A_1753 = tpu.vector_load %arg6[%parallel_loop3A_1749, %parallel_loop3A_1750, %parallel_loop3A_1751, %parallel_loop3A_1752] {strides = array<i32>} : memref<3x4x8x1024xf32, #tpu.memory_space<vmem>>, vector<1x1x1x16xf32>,
      %parallel_loop3A_1754 = vector.shape_cast %parallel_loop3A_1753 : vector<1x1x1x16xf32> to vector<16xf32>
      %parallel_loop3A_1755 = arith.addf %parallel_loop3A_1754, %parallel_loop3A_1692 : vector<16xf32>
      %parallel_loop3A_1756 = arith.constant 2 : i32
      %parallel_loop3A_1757 = arith.constant 3 : i32
      %parallel_loop3A_1758 = arith.index_cast %parallel_loop3A_1756 : i32 to index
      %parallel_loop3A_1759 = arith.index_cast %parallel_loop3A_1757 : i32 to index
      %parallel_loop3A_1760 = arith.index_cast %parallel_loop3A_1682 : i32 to index
      %parallel_loop3A_1761 = arith.index_cast %parallel_loop3A_1686 : i32 to index
      %parallel_loop3A_1762 = tpu.vector_load %arg6[%parallel_loop3A_1758, %parallel_loop3A_1759, %parallel_loop3A_1760, %parallel_loop3A_1761] {strides = array<i32>} : memref<3x4x8x1024xf32, #tpu.memory_space<vmem>>, vector<1x1x1x16xf32>,
      %parallel_loop3A_1763 = vector.shape_cast %parallel_loop3A_1762 : vector<1x1x1x16xf32> to vector<16xf32>
      %parallel_loop3A_1764 = vector.shape_cast %parallel_loop3A_1755 : vector<16xf32> to vector<1x1x1x16xf32>
      tpu.vector_store %arg6[%parallel_loop3A_1758, %parallel_loop3A_1759, %parallel_loop3A_1760, %parallel_loop3A_1761], %parallel_loop3A_1764 {strides = array<i32>} : memref<3x4x8x1024xf32, #tpu.memory_space<vmem>>, vector<1x1x1x16xf32>,
    } {sc.loop_unroll_factor = 8 : i64, sc.parallel_access}
    %add3A_920 = arith.constant 64 : i32
    %add3A_921 = arith.addi %mul3A_2, %add3A_920 : i32
    %dma_start3A_922 = arith.constant 2 : i32
    %dma_start3A_923 = arith.constant 0 : i32
    %dma_start3A_924 = arith.constant 0 : i32
    %dma_start3A_925 = arith.constant 0 : i32
    %dma_start3A_926 = tpu.memref_slice %arg6[%dma_start3A_922, %dma_start3A_923, %dma_start3A_924, %dma_start3A_925] : memref<3x4x8x1024xf32, #tpu.memory_space<vmem>> -> memref<1x4x8x1024xf32, #tpu.memory_space<vmem>>
    %dma_start3A_927 = tpu.memref_squeeze %dma_start3A_926 : memref<1x4x8x1024xf32, #tpu.memory_space<vmem>> -> memref<4x8x1024xf32, #tpu.memory_space<vmem>>
    %dma_start3A_928 = arith.constant 0 : i32
    %dma_start3A_929 = arith.constant 0 : i32
    %dma_start3A_930 = tpu.memref_slice %arg4[%dma_start3A_928, %add3A_921, %dma_start3A_929] : memref<4x4096x1024xf32, #tpu.memory_space<hbm>> -> memref<4x8x1024xf32, #tpu.memory_space<hbm>>
    %dma_start3A_931 = arith.constant 0 : i32
    %dma_start3A_932 = arith.constant 0 : i32
    %dma_start3A_933 = tpu.memref_slice %arg4[%dma_start3A_931, %add3A_921, %dma_start3A_932] : memref<4x4096x1024xf32, #tpu.memory_space<hbm>> -> memref<4x8x1024xf32, #tpu.memory_space<hbm>>
    %dma_start3A_934 = arith.constant 0 : i32
    %dma_start3A_935 = arith.constant 0 : i32
    %dma_start3A_936 = arith.constant 0 : i32
    %dma_start3A_937 = tpu.memref_slice %arg6[%dma_start3A_922, %dma_start3A_934, %dma_start3A_935, %dma_start3A_936] : memref<3x4x8x1024xf32, #tpu.memory_space<vmem>> -> memref<1x4x8x1024xf32, #tpu.memory_space<vmem>>
    %dma_start3A_938 = tpu.memref_squeeze %dma_start3A_937 : memref<1x4x8x1024xf32, #tpu.memory_space<vmem>> -> memref<4x8x1024xf32, #tpu.memory_space<vmem>>
    tpu.enqueue_dma source(%dma_start3A_938 : memref<4x8x1024xf32, #tpu.memory_space<vmem>>) target(%dma_start3A_933 : memref<4x8x1024xf32, #tpu.memory_space<hbm>>) target_semaphore(%arg12 : memref<!tpu.dma_semaphore, #tpu.memory_space<semaphore_mem>>)
    %add3A_939 = arith.constant 56 : i32
    %add3A_940 = arith.addi %mul3A_2, %add3A_939 : i32
    %dma_wait3A_941 = arith.constant 1 : i32
    %dma_wait3A_942 = arith.constant 0 : i32
    %dma_wait3A_943 = arith.constant 0 : i32
    %dma_wait3A_944 = arith.constant 0 : i32
    %dma_wait3A_945 = tpu.memref_slice %arg6[%dma_wait3A_941, %dma_wait3A_942, %dma_wait3A_943, %dma_wait3A_944] : memref<3x4x8x1024xf32, #tpu.memory_space<vmem>> -> memref<1x4x8x1024xf32, #tpu.memory_space<vmem>>
    %dma_wait3A_946 = tpu.memref_squeeze %dma_wait3A_945 : memref<1x4x8x1024xf32, #tpu.memory_space<vmem>> -> memref<4x8x1024xf32, #tpu.memory_space<vmem>>
    %dma_wait3A_947 = arith.constant 0 : i32
    %dma_wait3A_948 = arith.constant 0 : i32
    %dma_wait3A_949 = tpu.memref_slice %arg4[%dma_wait3A_947, %add3A_940, %dma_wait3A_948] : memref<4x4096x1024xf32, #tpu.memory_space<hbm>> -> memref<4x8x1024xf32, #tpu.memory_space<hbm>>
    %dma_wait3A_950 = arith.constant 0 : i32
    %dma_wait3A_951 = arith.constant 0 : i32
    %dma_wait3A_952 = tpu.memref_slice %arg4[%dma_wait3A_950, %add3A_940, %dma_wait3A_951] : memref<4x4096x1024xf32, #tpu.memory_space<hbm>> -> memref<4x8x1024xf32, #tpu.memory_space<hbm>>
    %dma_wait3A_953 = arith.constant 0 : i32
    %dma_wait3A_954 = arith.constant 0 : i32
    %dma_wait3A_955 = arith.constant 0 : i32
    %dma_wait3A_956 = tpu.memref_slice %arg6[%dma_wait3A_941, %dma_wait3A_953, %dma_wait3A_954, %dma_wait3A_955] : memref<3x4x8x1024xf32, #tpu.memory_space<vmem>> -> memref<1x4x8x1024xf32, #tpu.memory_space<vmem>>
    %dma_wait3A_957 = tpu.memref_squeeze %dma_wait3A_956 : memref<1x4x8x1024xf32, #tpu.memory_space<vmem>> -> memref<4x8x1024xf32, #tpu.memory_space<vmem>>
    tpu.wait_dma2 semaphore(%arg11 : memref<!tpu.dma_semaphore, #tpu.memory_space<semaphore_mem>>) src(%dma_wait3A_957 : memref<4x8x1024xf32, #tpu.memory_space<vmem>>) dst(%dma_wait3A_952 : memref<4x8x1024xf32, #tpu.memory_space<hbm>>)
    %add3A_958 = arith.constant 80 : i32
    %add3A_959 = arith.addi %mul3A_2, %add3A_958 : i32
    %dma_start3A_960 = arith.constant 1 : i32
    %dma_start3A_961 = arith.constant 0 : i32
    %dma_start3A_962 = arith.constant 0 : i32
    %dma_start3A_963 = tpu.memref_slice %arg5[%dma_start3A_960, %dma_start3A_961, %dma_start3A_962] : memref<3x8x1024xf32, #tpu.memory_space<vmem>> -> memref<1x8x1024xf32, #tpu.memory_space<vmem>>
    %dma_start3A_964 = tpu.memref_squeeze %dma_start3A_963 : memref<1x8x1024xf32, #tpu.memory_space<vmem>> -> memref<8x1024xf32, #tpu.memory_space<vmem>>
    %dma_start3A_965 = arith.constant 0 : i32
    %dma_start3A_966 = tpu.memref_slice %arg3[%add3A_959, %dma_start3A_965] : memref<8192x1024xf32, #tpu.memory_space<hbm>> -> memref<8x1024xf32, #tpu.memory_space<hbm>>
    %dma_start3A_967 = arith.constant 0 : i32
    %dma_start3A_968 = arith.constant 0 : i32
    %dma_start3A_969 = tpu.memref_slice %arg5[%dma_start3A_960, %dma_start3A_967, %dma_start3A_968] : memref<3x8x1024xf32, #tpu.memory_space<vmem>> -> memref<1x8x1024xf32, #tpu.memory_space<vmem>>
    %dma_start3A_970 = tpu.memref_squeeze %dma_start3A_969 : memref<1x8x1024xf32, #tpu.memory_space<vmem>> -> memref<8x1024xf32, #tpu.memory_space<vmem>>
    %dma_start3A_971 = arith.constant 0 : i32
    %dma_start3A_972 = tpu.memref_slice %arg3[%add3A_959, %dma_start3A_971] : memref<8192x1024xf32, #tpu.memory_space<hbm>> -> memref<8x1024xf32, #tpu.memory_space<hbm>>
    tpu.enqueue_dma source(%dma_start3A_972 : memref<8x1024xf32, #tpu.memory_space<hbm>>) target(%dma_start3A_970 : memref<8x1024xf32, #tpu.memory_space<vmem>>) target_semaphore(%arg8 : memref<!tpu.dma_semaphore, #tpu.memory_space<semaphore_mem>>)
    %dma_start3A_973 = arith.constant 1 : i32
    %dma_start3A_974 = arith.constant 0 : i32
    %dma_start3A_975 = arith.constant 0 : i32
    %dma_start3A_976 = arith.constant 0 : i32
    %dma_start3A_977 = tpu.memref_slice %arg6[%dma_start3A_973, %dma_start3A_974, %dma_start3A_975, %dma_start3A_976] : memref<3x4x8x1024xf32, #tpu.memory_space<vmem>> -> memref<1x4x8x1024xf32, #tpu.memory_space<vmem>>
    %dma_start3A_978 = tpu.memref_squeeze %dma_start3A_977 : memref<1x4x8x1024xf32, #tpu.memory_space<vmem>> -> memref<4x8x1024xf32, #tpu.memory_space<vmem>>
    %dma_start3A_979 = arith.constant 0 : i32
    %dma_start3A_980 = arith.constant 0 : i32
    %dma_start3A_981 = tpu.memref_slice %arg2[%dma_start3A_979, %add3A_959, %dma_start3A_980] : memref<4x4096x1024xf32, #tpu.memory_space<hbm>> -> memref<4x8x1024xf32, #tpu.memory_space<hbm>>
    %dma_start3A_982 = arith.constant 0 : i32
    %dma_start3A_983 = arith.constant 0 : i32
    %dma_start3A_984 = arith.constant 0 : i32
    %dma_start3A_985 = tpu.memref_slice %arg6[%dma_start3A_973, %dma_start3A_982, %dma_start3A_983, %dma_start3A_984] : memref<3x4x8x1024xf32, #tpu.memory_space<vmem>> -> memref<1x4x8x1024xf32, #tpu.memory_space<vmem>>
    %dma_start3A_986 = tpu.memref_squeeze %dma_start3A_985 : memref<1x4x8x1024xf32, #tpu.memory_space<vmem>> -> memref<4x8x1024xf32, #tpu.memory_space<vmem>>
    %dma_start3A_987 = arith.constant 0 : i32
    %dma_start3A_988 = arith.constant 0 : i32
    %dma_start3A_989 = tpu.memref_slice %arg2[%dma_start3A_987, %add3A_959, %dma_start3A_988] : memref<4x4096x1024xf32, #tpu.memory_space<hbm>> -> memref<4x8x1024xf32, #tpu.memory_space<hbm>>
    tpu.enqueue_dma source(%dma_start3A_989 : memref<4x8x1024xf32, #tpu.memory_space<hbm>>) target(%dma_start3A_986 : memref<4x8x1024xf32, #tpu.memory_space<vmem>>) target_semaphore(%arg8 : memref<!tpu.dma_semaphore, #tpu.memory_space<semaphore_mem>>)
    %add3A_990 = arith.constant 72 : i32
    %add3A_991 = arith.addi %mul3A_2, %add3A_990 : i32
    %dma_wait3A_992 = arith.constant 0 : i32
    %dma_wait3A_993 = arith.constant 0 : i32
    %dma_wait3A_994 = arith.constant 0 : i32
    %dma_wait3A_995 = tpu.memref_slice %arg5[%dma_wait3A_992, %dma_wait3A_993, %dma_wait3A_994] : memref<3x8x1024xf32, #tpu.memory_space<vmem>> -> memref<1x8x1024xf32, #tpu.memory_space<vmem>>
    %dma_wait3A_996 = tpu.memref_squeeze %dma_wait3A_995 : memref<1x8x1024xf32, #tpu.memory_space<vmem>> -> memref<8x1024xf32, #tpu.memory_space<vmem>>
    %dma_wait3A_997 = arith.constant 0 : i32
    %dma_wait3A_998 = tpu.memref_slice %arg3[%add3A_991, %dma_wait3A_997] : memref<8192x1024xf32, #tpu.memory_space<hbm>> -> memref<8x1024xf32, #tpu.memory_space<hbm>>
    %dma_wait3A_999 = arith.constant 0 : i32
    %dma_wait3A_1000 = arith.constant 0 : i32
    %dma_wait3A_1001 = tpu.memref_slice %arg5[%dma_wait3A_992, %dma_wait3A_999, %dma_wait3A_1000] : memref<3x8x1024xf32, #tpu.memory_space<vmem>> -> memref<1x8x1024xf32, #tpu.memory_space<vmem>>
    %dma_wait3A_1002 = tpu.memref_squeeze %dma_wait3A_1001 : memref<1x8x1024xf32, #tpu.memory_space<vmem>> -> memref<8x1024xf32, #tpu.memory_space<vmem>>
    %dma_wait3A_1003 = arith.constant 0 : i32
    %dma_wait3A_1004 = tpu.memref_slice %arg3[%add3A_991, %dma_wait3A_1003] : memref<8192x1024xf32, #tpu.memory_space<hbm>> -> memref<8x1024xf32, #tpu.memory_space<hbm>>
    tpu.wait_dma2 semaphore(%arg7 : memref<!tpu.dma_semaphore, #tpu.memory_space<semaphore_mem>>) src(%dma_wait3A_1004 : memref<8x1024xf32, #tpu.memory_space<hbm>>) dst(%dma_wait3A_1002 : memref<8x1024xf32, #tpu.memory_space<vmem>>)
    %dma_wait3A_1005 = arith.constant 0 : i32
    %dma_wait3A_1006 = arith.constant 0 : i32
    %dma_wait3A_1007 = arith.constant 0 : i32
    %dma_wait3A_1008 = arith.constant 0 : i32
    %dma_wait3A_1009 = tpu.memref_slice %arg6[%dma_wait3A_1005, %dma_wait3A_1006, %dma_wait3A_1007, %dma_wait3A_1008] : memref<3x4x8x1024xf32, #tpu.memory_space<vmem>> -> memref<1x4x8x1024xf32, #tpu.memory_space<vmem>>
    %dma_wait3A_1010 = tpu.memref_squeeze %dma_wait3A_1009 : memref<1x4x8x1024xf32, #tpu.memory_space<vmem>> -> memref<4x8x1024xf32, #tpu.memory_space<vmem>>
    %dma_wait3A_1011 = arith.constant 0 : i32
    %dma_wait3A_1012 = arith.constant 0 : i32
    %dma_wait3A_1013 = tpu.memref_slice %arg2[%dma_wait3A_1011, %add3A_991, %dma_wait3A_1012] : memref<4x4096x1024xf32, #tpu.memory_space<hbm>> -> memref<4x8x1024xf32, #tpu.memory_space<hbm>>
    %dma_wait3A_1014 = arith.constant 0 : i32
    %dma_wait3A_1015 = arith.constant 0 : i32
    %dma_wait3A_1016 = arith.constant 0 : i32
    %dma_wait3A_1017 = tpu.memref_slice %arg6[%dma_wait3A_1005, %dma_wait3A_1014, %dma_wait3A_1015, %dma_wait3A_1016] : memref<3x4x8x1024xf32, #tpu.memory_space<vmem>> -> memref<1x4x8x1024xf32, #tpu.memory_space<vmem>>
    %dma_wait3A_1018 = tpu.memref_squeeze %dma_wait3A_1017 : memref<1x4x8x1024xf32, #tpu.memory_space<vmem>> -> memref<4x8x1024xf32, #tpu.memory_space<vmem>>
    %dma_wait3A_1019 = arith.constant 0 : i32
    %dma_wait3A_1020 = arith.constant 0 : i32
    %dma_wait3A_1021 = tpu.memref_slice %arg2[%dma_wait3A_1019, %add3A_991, %dma_wait3A_1020] : memref<4x4096x1024xf32, #tpu.memory_space<hbm>> -> memref<4x8x1024xf32, #tpu.memory_space<hbm>>
    tpu.wait_dma2 semaphore(%arg7 : memref<!tpu.dma_semaphore, #tpu.memory_space<semaphore_mem>>) src(%dma_wait3A_1021 : memref<4x8x1024xf32, #tpu.memory_space<hbm>>) dst(%dma_wait3A_1018 : memref<4x8x1024xf32, #tpu.memory_space<vmem>>)
    %parallel_loop3A_1022 = arith.constant 0 : i32
    %parallel_loop3A_1023 = arith.constant 512 : i32
    %parallel_loop3A_1024 = arith.constant 1 : i32
    scf.for %parallel_loop3A_1680 = %parallel_loop3A_1022 to %parallel_loop3A_1023 step %parallel_loop3A_1024  : i32 {
      %parallel_loop3A_1681 = arith.constant 6 : i32
      %parallel_loop3A_1682 = arith.shrui %parallel_loop3A_1680, %parallel_loop3A_1681 : i32
      %parallel_loop3A_1683 = arith.constant 63 : i32
      %parallel_loop3A_1684 = arith.andi %parallel_loop3A_1680, %parallel_loop3A_1683 : i32
      %parallel_loop3A_1685 = arith.constant 16 : i32
      %parallel_loop3A_1686 = arith.muli %parallel_loop3A_1684, %parallel_loop3A_1685 : i32
      %parallel_loop3A_1687 = arith.constant 0 : i32
      %parallel_loop3A_1688 = arith.index_cast %parallel_loop3A_1687 : i32 to index
      %parallel_loop3A_1689 = arith.index_cast %parallel_loop3A_1682 : i32 to index
      %parallel_loop3A_1690 = arith.index_cast %parallel_loop3A_1686 : i32 to index
      %parallel_loop3A_1691 = tpu.vector_load %arg5[%parallel_loop3A_1688, %parallel_loop3A_1689, %parallel_loop3A_1690] {strides = array<i32>} : memref<3x8x1024xf32, #tpu.memory_space<vmem>>, vector<1x1x16xf32>,
      %parallel_loop3A_1692 = vector.shape_cast %parallel_loop3A_1691 : vector<1x1x16xf32> to vector<16xf32>
      %parallel_loop3A_1693 = arith.constant 0 : i32
      %parallel_loop3A_1694 = arith.constant 0 : i32
      %parallel_loop3A_1695 = arith.index_cast %parallel_loop3A_1693 : i32 to index
      %parallel_loop3A_1696 = arith.index_cast %parallel_loop3A_1694 : i32 to index
      %parallel_loop3A_1697 = arith.index_cast %parallel_loop3A_1682 : i32 to index
      %parallel_loop3A_1698 = arith.index_cast %parallel_loop3A_1686 : i32 to index
      %parallel_loop3A_1699 = tpu.vector_load %arg6[%parallel_loop3A_1695, %parallel_loop3A_1696, %parallel_loop3A_1697, %parallel_loop3A_1698] {strides = array<i32>} : memref<3x4x8x1024xf32, #tpu.memory_space<vmem>>, vector<1x1x1x16xf32>,
      %parallel_loop3A_1700 = vector.shape_cast %parallel_loop3A_1699 : vector<1x1x1x16xf32> to vector<16xf32>
      %parallel_loop3A_1701 = arith.addf %parallel_loop3A_1700, %parallel_loop3A_1692 : vector<16xf32>
      %parallel_loop3A_1702 = arith.constant 0 : i32
      %parallel_loop3A_1703 = arith.constant 0 : i32
      %parallel_loop3A_1704 = arith.index_cast %parallel_loop3A_1702 : i32 to index
      %parallel_loop3A_1705 = arith.index_cast %parallel_loop3A_1703 : i32 to index
      %parallel_loop3A_1706 = arith.index_cast %parallel_loop3A_1682 : i32 to index
      %parallel_loop3A_1707 = arith.index_cast %parallel_loop3A_1686 : i32 to index
      %parallel_loop3A_1708 = tpu.vector_load %arg6[%parallel_loop3A_1704, %parallel_loop3A_1705, %parallel_loop3A_1706, %parallel_loop3A_1707] {strides = array<i32>} : memref<3x4x8x1024xf32, #tpu.memory_space<vmem>>, vector<1x1x1x16xf32>,
      %parallel_loop3A_1709 = vector.shape_cast %parallel_loop3A_1708 : vector<1x1x1x16xf32> to vector<16xf32>
      %parallel_loop3A_1710 = vector.shape_cast %parallel_loop3A_1701 : vector<16xf32> to vector<1x1x1x16xf32>
      tpu.vector_store %arg6[%parallel_loop3A_1704, %parallel_loop3A_1705, %parallel_loop3A_1706, %parallel_loop3A_1707], %parallel_loop3A_1710 {strides = array<i32>} : memref<3x4x8x1024xf32, #tpu.memory_space<vmem>>, vector<1x1x1x16xf32>,
      %parallel_loop3A_1711 = arith.constant 0 : i32
      %parallel_loop3A_1712 = arith.constant 1 : i32
      %parallel_loop3A_1713 = arith.index_cast %parallel_loop3A_1711 : i32 to index
      %parallel_loop3A_1714 = arith.index_cast %parallel_loop3A_1712 : i32 to index
      %parallel_loop3A_1715 = arith.index_cast %parallel_loop3A_1682 : i32 to index
      %parallel_loop3A_1716 = arith.index_cast %parallel_loop3A_1686 : i32 to index
      %parallel_loop3A_1717 = tpu.vector_load %arg6[%parallel_loop3A_1713, %parallel_loop3A_1714, %parallel_loop3A_1715, %parallel_loop3A_1716] {strides = array<i32>} : memref<3x4x8x1024xf32, #tpu.memory_space<vmem>>, vector<1x1x1x16xf32>,
      %parallel_loop3A_1718 = vector.shape_cast %parallel_loop3A_1717 : vector<1x1x1x16xf32> to vector<16xf32>
      %parallel_loop3A_1719 = arith.addf %parallel_loop3A_1718, %parallel_loop3A_1692 : vector<16xf32>
      %parallel_loop3A_1720 = arith.constant 0 : i32
      %parallel_loop3A_1721 = arith.constant 1 : i32
      %parallel_loop3A_1722 = arith.index_cast %parallel_loop3A_1720 : i32 to index
      %parallel_loop3A_1723 = arith.index_cast %parallel_loop3A_1721 : i32 to index
      %parallel_loop3A_1724 = arith.index_cast %parallel_loop3A_1682 : i32 to index
      %parallel_loop3A_1725 = arith.index_cast %parallel_loop3A_1686 : i32 to index
      %parallel_loop3A_1726 = tpu.vector_load %arg6[%parallel_loop3A_1722, %parallel_loop3A_1723, %parallel_loop3A_1724, %parallel_loop3A_1725] {strides = array<i32>} : memref<3x4x8x1024xf32, #tpu.memory_space<vmem>>, vector<1x1x1x16xf32>,
      %parallel_loop3A_1727 = vector.shape_cast %parallel_loop3A_1726 : vector<1x1x1x16xf32> to vector<16xf32>
      %parallel_loop3A_1728 = vector.shape_cast %parallel_loop3A_1719 : vector<16xf32> to vector<1x1x1x16xf32>
      tpu.vector_store %arg6[%parallel_loop3A_1722, %parallel_loop3A_1723, %parallel_loop3A_1724, %parallel_loop3A_1725], %parallel_loop3A_1728 {strides = array<i32>} : memref<3x4x8x1024xf32, #tpu.memory_space<vmem>>, vector<1x1x1x16xf32>,
      %parallel_loop3A_1729 = arith.constant 0 : i32
      %parallel_loop3A_1730 = arith.constant 2 : i32
      %parallel_loop3A_1731 = arith.index_cast %parallel_loop3A_1729 : i32 to index
      %parallel_loop3A_1732 = arith.index_cast %parallel_loop3A_1730 : i32 to index
      %parallel_loop3A_1733 = arith.index_cast %parallel_loop3A_1682 : i32 to index
      %parallel_loop3A_1734 = arith.index_cast %parallel_loop3A_1686 : i32 to index
      %parallel_loop3A_1735 = tpu.vector_load %arg6[%parallel_loop3A_1731, %parallel_loop3A_1732, %parallel_loop3A_1733, %parallel_loop3A_1734] {strides = array<i32>} : memref<3x4x8x1024xf32, #tpu.memory_space<vmem>>, vector<1x1x1x16xf32>,
      %parallel_loop3A_1736 = vector.shape_cast %parallel_loop3A_1735 : vector<1x1x1x16xf32> to vector<16xf32>
      %parallel_loop3A_1737 = arith.addf %parallel_loop3A_1736, %parallel_loop3A_1692 : vector<16xf32>
      %parallel_loop3A_1738 = arith.constant 0 : i32
      %parallel_loop3A_1739 = arith.constant 2 : i32
      %parallel_loop3A_1740 = arith.index_cast %parallel_loop3A_1738 : i32 to index
      %parallel_loop3A_1741 = arith.index_cast %parallel_loop3A_1739 : i32 to index
      %parallel_loop3A_1742 = arith.index_cast %parallel_loop3A_1682 : i32 to index
      %parallel_loop3A_1743 = arith.index_cast %parallel_loop3A_1686 : i32 to index
      %parallel_loop3A_1744 = tpu.vector_load %arg6[%parallel_loop3A_1740, %parallel_loop3A_1741, %parallel_loop3A_1742, %parallel_loop3A_1743] {strides = array<i32>} : memref<3x4x8x1024xf32, #tpu.memory_space<vmem>>, vector<1x1x1x16xf32>,
      %parallel_loop3A_1745 = vector.shape_cast %parallel_loop3A_1744 : vector<1x1x1x16xf32> to vector<16xf32>
      %parallel_loop3A_1746 = vector.shape_cast %parallel_loop3A_1737 : vector<16xf32> to vector<1x1x1x16xf32>
      tpu.vector_store %arg6[%parallel_loop3A_1740, %parallel_loop3A_1741, %parallel_loop3A_1742, %parallel_loop3A_1743], %parallel_loop3A_1746 {strides = array<i32>} : memref<3x4x8x1024xf32, #tpu.memory_space<vmem>>, vector<1x1x1x16xf32>,
      %parallel_loop3A_1747 = arith.constant 0 : i32
      %parallel_loop3A_1748 = arith.constant 3 : i32
      %parallel_loop3A_1749 = arith.index_cast %parallel_loop3A_1747 : i32 to index
      %parallel_loop3A_1750 = arith.index_cast %parallel_loop3A_1748 : i32 to index
      %parallel_loop3A_1751 = arith.index_cast %parallel_loop3A_1682 : i32 to index
      %parallel_loop3A_1752 = arith.index_cast %parallel_loop3A_1686 : i32 to index
      %parallel_loop3A_1753 = tpu.vector_load %arg6[%parallel_loop3A_1749, %parallel_loop3A_1750, %parallel_loop3A_1751, %parallel_loop3A_1752] {strides = array<i32>} : memref<3x4x8x1024xf32, #tpu.memory_space<vmem>>, vector<1x1x1x16xf32>,
      %parallel_loop3A_1754 = vector.shape_cast %parallel_loop3A_1753 : vector<1x1x1x16xf32> to vector<16xf32>
      %parallel_loop3A_1755 = arith.addf %parallel_loop3A_1754, %parallel_loop3A_1692 : vector<16xf32>
      %parallel_loop3A_1756 = arith.constant 0 : i32
      %parallel_loop3A_1757 = arith.constant 3 : i32
      %parallel_loop3A_1758 = arith.index_cast %parallel_loop3A_1756 : i32 to index
      %parallel_loop3A_1759 = arith.index_cast %parallel_loop3A_1757 : i32 to index
      %parallel_loop3A_1760 = arith.index_cast %parallel_loop3A_1682 : i32 to index
      %parallel_loop3A_1761 = arith.index_cast %parallel_loop3A_1686 : i32 to index
      %parallel_loop3A_1762 = tpu.vector_load %arg6[%parallel_loop3A_1758, %parallel_loop3A_1759, %parallel_loop3A_1760, %parallel_loop3A_1761] {strides = array<i32>} : memref<3x4x8x1024xf32, #tpu.memory_space<vmem>>, vector<1x1x1x16xf32>,
      %parallel_loop3A_1763 = vector.shape_cast %parallel_loop3A_1762 : vector<1x1x1x16xf32> to vector<16xf32>
      %parallel_loop3A_1764 = vector.shape_cast %parallel_loop3A_1755 : vector<16xf32> to vector<1x1x1x16xf32>
      tpu.vector_store %arg6[%parallel_loop3A_1758, %parallel_loop3A_1759, %parallel_loop3A_1760, %parallel_loop3A_1761], %parallel_loop3A_1764 {strides = array<i32>} : memref<3x4x8x1024xf32, #tpu.memory_space<vmem>>, vector<1x1x1x16xf32>,
    } {sc.loop_unroll_factor = 8 : i64, sc.parallel_access}
    %add3A_1025 = arith.constant 72 : i32
    %add3A_1026 = arith.addi %mul3A_2, %add3A_1025 : i32
    %dma_start3A_1027 = arith.constant 0 : i32
    %dma_start3A_1028 = arith.constant 0 : i32
    %dma_start3A_1029 = arith.constant 0 : i32
    %dma_start3A_1030 = arith.constant 0 : i32
    %dma_start3A_1031 = tpu.memref_slice %arg6[%dma_start3A_1027, %dma_start3A_1028, %dma_start3A_1029, %dma_start3A_1030] : memref<3x4x8x1024xf32, #tpu.memory_space<vmem>> -> memref<1x4x8x1024xf32, #tpu.memory_space<vmem>>
    %dma_start3A_1032 = tpu.memref_squeeze %dma_start3A_1031 : memref<1x4x8x1024xf32, #tpu.memory_space<vmem>> -> memref<4x8x1024xf32, #tpu.memory_space<vmem>>
    %dma_start3A_1033 = arith.constant 0 : i32
    %dma_start3A_1034 = arith.constant 0 : i32
    %dma_start3A_1035 = tpu.memref_slice %arg4[%dma_start3A_1033, %add3A_1026, %dma_start3A_1034] : memref<4x4096x1024xf32, #tpu.memory_space<hbm>> -> memref<4x8x1024xf32, #tpu.memory_space<hbm>>
    %dma_start3A_1036 = arith.constant 0 : i32
    %dma_start3A_1037 = arith.constant 0 : i32
    %dma_start3A_1038 = tpu.memref_slice %arg4[%dma_start3A_1036, %add3A_1026, %dma_start3A_1037] : memref<4x4096x1024xf32, #tpu.memory_space<hbm>> -> memref<4x8x1024xf32, #tpu.memory_space<hbm>>
    %dma_start3A_1039 = arith.constant 0 : i32
    %dma_start3A_1040 = arith.constant 0 : i32
    %dma_start3A_1041 = arith.constant 0 : i32
    %dma_start3A_1042 = tpu.memref_slice %arg6[%dma_start3A_1027, %dma_start3A_1039, %dma_start3A_1040, %dma_start3A_1041] : memref<3x4x8x1024xf32, #tpu.memory_space<vmem>> -> memref<1x4x8x1024xf32, #tpu.memory_space<vmem>>
    %dma_start3A_1043 = tpu.memref_squeeze %dma_start3A_1042 : memref<1x4x8x1024xf32, #tpu.memory_space<vmem>> -> memref<4x8x1024xf32, #tpu.memory_space<vmem>>
    tpu.enqueue_dma source(%dma_start3A_1043 : memref<4x8x1024xf32, #tpu.memory_space<vmem>>) target(%dma_start3A_1038 : memref<4x8x1024xf32, #tpu.memory_space<hbm>>) target_semaphore(%arg10 : memref<!tpu.dma_semaphore, #tpu.memory_space<semaphore_mem>>)
    %add3A_1044 = arith.constant 64 : i32
    %add3A_1045 = arith.addi %mul3A_2, %add3A_1044 : i32
    %dma_wait3A_1046 = arith.constant 2 : i32
    %dma_wait3A_1047 = arith.constant 0 : i32
    %dma_wait3A_1048 = arith.constant 0 : i32
    %dma_wait3A_1049 = arith.constant 0 : i32
    %dma_wait3A_1050 = tpu.memref_slice %arg6[%dma_wait3A_1046, %dma_wait3A_1047, %dma_wait3A_1048, %dma_wait3A_1049] : memref<3x4x8x1024xf32, #tpu.memory_space<vmem>> -> memref<1x4x8x1024xf32, #tpu.memory_space<vmem>>
    %dma_wait3A_1051 = tpu.memref_squeeze %dma_wait3A_1050 : memref<1x4x8x1024xf32, #tpu.memory_space<vmem>> -> memref<4x8x1024xf32, #tpu.memory_space<vmem>>
    %dma_wait3A_1052 = arith.constant 0 : i32
    %dma_wait3A_1053 = arith.constant 0 : i32
    %dma_wait3A_1054 = tpu.memref_slice %arg4[%dma_wait3A_1052, %add3A_1045, %dma_wait3A_1053] : memref<4x4096x1024xf32, #tpu.memory_space<hbm>> -> memref<4x8x1024xf32, #tpu.memory_space<hbm>>
    %dma_wait3A_1055 = arith.constant 0 : i32
    %dma_wait3A_1056 = arith.constant 0 : i32
    %dma_wait3A_1057 = tpu.memref_slice %arg4[%dma_wait3A_1055, %add3A_1045, %dma_wait3A_1056] : memref<4x4096x1024xf32, #tpu.memory_space<hbm>> -> memref<4x8x1024xf32, #tpu.memory_space<hbm>>
    %dma_wait3A_1058 = arith.constant 0 : i32
    %dma_wait3A_1059 = arith.constant 0 : i32
    %dma_wait3A_1060 = arith.constant 0 : i32
    %dma_wait3A_1061 = tpu.memref_slice %arg6[%dma_wait3A_1046, %dma_wait3A_1058, %dma_wait3A_1059, %dma_wait3A_1060] : memref<3x4x8x1024xf32, #tpu.memory_space<vmem>> -> memref<1x4x8x1024xf32, #tpu.memory_space<vmem>>
    %dma_wait3A_1062 = tpu.memref_squeeze %dma_wait3A_1061 : memref<1x4x8x1024xf32, #tpu.memory_space<vmem>> -> memref<4x8x1024xf32, #tpu.memory_space<vmem>>
    tpu.wait_dma2 semaphore(%arg12 : memref<!tpu.dma_semaphore, #tpu.memory_space<semaphore_mem>>) src(%dma_wait3A_1062 : memref<4x8x1024xf32, #tpu.memory_space<vmem>>) dst(%dma_wait3A_1057 : memref<4x8x1024xf32, #tpu.memory_space<hbm>>)
    %add3A_1063 = arith.constant 88 : i32
    %add3A_1064 = arith.addi %mul3A_2, %add3A_1063 : i32
    %dma_start3A_1065 = arith.constant 2 : i32
    %dma_start3A_1066 = arith.constant 0 : i32
    %dma_start3A_1067 = arith.constant 0 : i32
    %dma_start3A_1068 = tpu.memref_slice %arg5[%dma_start3A_1065, %dma_start3A_1066, %dma_start3A_1067] : memref<3x8x1024xf32, #tpu.memory_space<vmem>> -> memref<1x8x1024xf32, #tpu.memory_space<vmem>>
    %dma_start3A_1069 = tpu.memref_squeeze %dma_start3A_1068 : memref<1x8x1024xf32, #tpu.memory_space<vmem>> -> memref<8x1024xf32, #tpu.memory_space<vmem>>
    %dma_start3A_1070 = arith.constant 0 : i32
    %dma_start3A_1071 = tpu.memref_slice %arg3[%add3A_1064, %dma_start3A_1070] : memref<8192x1024xf32, #tpu.memory_space<hbm>> -> memref<8x1024xf32, #tpu.memory_space<hbm>>
    %dma_start3A_1072 = arith.constant 0 : i32
    %dma_start3A_1073 = arith.constant 0 : i32
    %dma_start3A_1074 = tpu.memref_slice %arg5[%dma_start3A_1065, %dma_start3A_1072, %dma_start3A_1073] : memref<3x8x1024xf32, #tpu.memory_space<vmem>> -> memref<1x8x1024xf32, #tpu.memory_space<vmem>>
    %dma_start3A_1075 = tpu.memref_squeeze %dma_start3A_1074 : memref<1x8x1024xf32, #tpu.memory_space<vmem>> -> memref<8x1024xf32, #tpu.memory_space<vmem>>
    %dma_start3A_1076 = arith.constant 0 : i32
    %dma_start3A_1077 = tpu.memref_slice %arg3[%add3A_1064, %dma_start3A_1076] : memref<8192x1024xf32, #tpu.memory_space<hbm>> -> memref<8x1024xf32, #tpu.memory_space<hbm>>
    tpu.enqueue_dma source(%dma_start3A_1077 : memref<8x1024xf32, #tpu.memory_space<hbm>>) target(%dma_start3A_1075 : memref<8x1024xf32, #tpu.memory_space<vmem>>) target_semaphore(%arg9 : memref<!tpu.dma_semaphore, #tpu.memory_space<semaphore_mem>>)
    %dma_start3A_1078 = arith.constant 2 : i32
    %dma_start3A_1079 = arith.constant 0 : i32
    %dma_start3A_1080 = arith.constant 0 : i32
    %dma_start3A_1081 = arith.constant 0 : i32
    %dma_start3A_1082 = tpu.memref_slice %arg6[%dma_start3A_1078, %dma_start3A_1079, %dma_start3A_1080, %dma_start3A_1081] : memref<3x4x8x1024xf32, #tpu.memory_space<vmem>> -> memref<1x4x8x1024xf32, #tpu.memory_space<vmem>>
    %dma_start3A_1083 = tpu.memref_squeeze %dma_start3A_1082 : memref<1x4x8x1024xf32, #tpu.memory_space<vmem>> -> memref<4x8x1024xf32, #tpu.memory_space<vmem>>
    %dma_start3A_1084 = arith.constant 0 : i32
    %dma_start3A_1085 = arith.constant 0 : i32
    %dma_start3A_1086 = tpu.memref_slice %arg2[%dma_start3A_1084, %add3A_1064, %dma_start3A_1085] : memref<4x4096x1024xf32, #tpu.memory_space<hbm>> -> memref<4x8x1024xf32, #tpu.memory_space<hbm>>
    %dma_start3A_1087 = arith.constant 0 : i32
    %dma_start3A_1088 = arith.constant 0 : i32
    %dma_start3A_1089 = arith.constant 0 : i32
    %dma_start3A_1090 = tpu.memref_slice %arg6[%dma_start3A_1078, %dma_start3A_1087, %dma_start3A_1088, %dma_start3A_1089] : memref<3x4x8x1024xf32, #tpu.memory_space<vmem>> -> memref<1x4x8x1024xf32, #tpu.memory_space<vmem>>
    %dma_start3A_1091 = tpu.memref_squeeze %dma_start3A_1090 : memref<1x4x8x1024xf32, #tpu.memory_space<vmem>> -> memref<4x8x1024xf32, #tpu.memory_space<vmem>>
    %dma_start3A_1092 = arith.constant 0 : i32
    %dma_start3A_1093 = arith.constant 0 : i32
    %dma_start3A_1094 = tpu.memref_slice %arg2[%dma_start3A_1092, %add3A_1064, %dma_start3A_1093] : memref<4x4096x1024xf32, #tpu.memory_space<hbm>> -> memref<4x8x1024xf32, #tpu.memory_space<hbm>>
    tpu.enqueue_dma source(%dma_start3A_1094 : memref<4x8x1024xf32, #tpu.memory_space<hbm>>) target(%dma_start3A_1091 : memref<4x8x1024xf32, #tpu.memory_space<vmem>>) target_semaphore(%arg9 : memref<!tpu.dma_semaphore, #tpu.memory_space<semaphore_mem>>)
    %add3A_1095 = arith.constant 80 : i32
    %add3A_1096 = arith.addi %mul3A_2, %add3A_1095 : i32
    %dma_wait3A_1097 = arith.constant 1 : i32
    %dma_wait3A_1098 = arith.constant 0 : i32
    %dma_wait3A_1099 = arith.constant 0 : i32
    %dma_wait3A_1100 = tpu.memref_slice %arg5[%dma_wait3A_1097, %dma_wait3A_1098, %dma_wait3A_1099] : memref<3x8x1024xf32, #tpu.memory_space<vmem>> -> memref<1x8x1024xf32, #tpu.memory_space<vmem>>
    %dma_wait3A_1101 = tpu.memref_squeeze %dma_wait3A_1100 : memref<1x8x1024xf32, #tpu.memory_space<vmem>> -> memref<8x1024xf32, #tpu.memory_space<vmem>>
    %dma_wait3A_1102 = arith.constant 0 : i32
    %dma_wait3A_1103 = tpu.memref_slice %arg3[%add3A_1096, %dma_wait3A_1102] : memref<8192x1024xf32, #tpu.memory_space<hbm>> -> memref<8x1024xf32, #tpu.memory_space<hbm>>
    %dma_wait3A_1104 = arith.constant 0 : i32
    %dma_wait3A_1105 = arith.constant 0 : i32
    %dma_wait3A_1106 = tpu.memref_slice %arg5[%dma_wait3A_1097, %dma_wait3A_1104, %dma_wait3A_1105] : memref<3x8x1024xf32, #tpu.memory_space<vmem>> -> memref<1x8x1024xf32, #tpu.memory_space<vmem>>
    %dma_wait3A_1107 = tpu.memref_squeeze %dma_wait3A_1106 : memref<1x8x1024xf32, #tpu.memory_space<vmem>> -> memref<8x1024xf32, #tpu.memory_space<vmem>>
    %dma_wait3A_1108 = arith.constant 0 : i32
    %dma_wait3A_1109 = tpu.memref_slice %arg3[%add3A_1096, %dma_wait3A_1108] : memref<8192x1024xf32, #tpu.memory_space<hbm>> -> memref<8x1024xf32, #tpu.memory_space<hbm>>
    tpu.wait_dma2 semaphore(%arg8 : memref<!tpu.dma_semaphore, #tpu.memory_space<semaphore_mem>>) src(%dma_wait3A_1109 : memref<8x1024xf32, #tpu.memory_space<hbm>>) dst(%dma_wait3A_1107 : memref<8x1024xf32, #tpu.memory_space<vmem>>)
    %dma_wait3A_1110 = arith.constant 1 : i32
    %dma_wait3A_1111 = arith.constant 0 : i32
    %dma_wait3A_1112 = arith.constant 0 : i32
    %dma_wait3A_1113 = arith.constant 0 : i32
    %dma_wait3A_1114 = tpu.memref_slice %arg6[%dma_wait3A_1110, %dma_wait3A_1111, %dma_wait3A_1112, %dma_wait3A_1113] : memref<3x4x8x1024xf32, #tpu.memory_space<vmem>> -> memref<1x4x8x1024xf32, #tpu.memory_space<vmem>>
    %dma_wait3A_1115 = tpu.memref_squeeze %dma_wait3A_1114 : memref<1x4x8x1024xf32, #tpu.memory_space<vmem>> -> memref<4x8x1024xf32, #tpu.memory_space<vmem>>
    %dma_wait3A_1116 = arith.constant 0 : i32
    %dma_wait3A_1117 = arith.constant 0 : i32
    %dma_wait3A_1118 = tpu.memref_slice %arg2[%dma_wait3A_1116, %add3A_1096, %dma_wait3A_1117] : memref<4x4096x1024xf32, #tpu.memory_space<hbm>> -> memref<4x8x1024xf32, #tpu.memory_space<hbm>>
    %dma_wait3A_1119 = arith.constant 0 : i32
    %dma_wait3A_1120 = arith.constant 0 : i32
    %dma_wait3A_1121 = arith.constant 0 : i32
    %dma_wait3A_1122 = tpu.memref_slice %arg6[%dma_wait3A_1110, %dma_wait3A_1119, %dma_wait3A_1120, %dma_wait3A_1121] : memref<3x4x8x1024xf32, #tpu.memory_space<vmem>> -> memref<1x4x8x1024xf32, #tpu.memory_space<vmem>>
    %dma_wait3A_1123 = tpu.memref_squeeze %dma_wait3A_1122 : memref<1x4x8x1024xf32, #tpu.memory_space<vmem>> -> memref<4x8x1024xf32, #tpu.memory_space<vmem>>
    %dma_wait3A_1124 = arith.constant 0 : i32
    %dma_wait3A_1125 = arith.constant 0 : i32
    %dma_wait3A_1126 = tpu.memref_slice %arg2[%dma_wait3A_1124, %add3A_1096, %dma_wait3A_1125] : memref<4x4096x1024xf32, #tpu.memory_space<hbm>> -> memref<4x8x1024xf32, #tpu.memory_space<hbm>>
    tpu.wait_dma2 semaphore(%arg8 : memref<!tpu.dma_semaphore, #tpu.memory_space<semaphore_mem>>) src(%dma_wait3A_1126 : memref<4x8x1024xf32, #tpu.memory_space<hbm>>) dst(%dma_wait3A_1123 : memref<4x8x1024xf32, #tpu.memory_space<vmem>>)
    %parallel_loop3A_1127 = arith.constant 0 : i32
    %parallel_loop3A_1128 = arith.constant 512 : i32
    %parallel_loop3A_1129 = arith.constant 1 : i32
    scf.for %parallel_loop3A_1680 = %parallel_loop3A_1127 to %parallel_loop3A_1128 step %parallel_loop3A_1129  : i32 {
      %parallel_loop3A_1681 = arith.constant 6 : i32
      %parallel_loop3A_1682 = arith.shrui %parallel_loop3A_1680, %parallel_loop3A_1681 : i32
      %parallel_loop3A_1683 = arith.constant 63 : i32
      %parallel_loop3A_1684 = arith.andi %parallel_loop3A_1680, %parallel_loop3A_1683 : i32
      %parallel_loop3A_1685 = arith.constant 16 : i32
      %parallel_loop3A_1686 = arith.muli %parallel_loop3A_1684, %parallel_loop3A_1685 : i32
      %parallel_loop3A_1687 = arith.constant 1 : i32
      %parallel_loop3A_1688 = arith.index_cast %parallel_loop3A_1687 : i32 to index
      %parallel_loop3A_1689 = arith.index_cast %parallel_loop3A_1682 : i32 to index
      %parallel_loop3A_1690 = arith.index_cast %parallel_loop3A_1686 : i32 to index
      %parallel_loop3A_1691 = tpu.vector_load %arg5[%parallel_loop3A_1688, %parallel_loop3A_1689, %parallel_loop3A_1690] {strides = array<i32>} : memref<3x8x1024xf32, #tpu.memory_space<vmem>>, vector<1x1x16xf32>,
      %parallel_loop3A_1692 = vector.shape_cast %parallel_loop3A_1691 : vector<1x1x16xf32> to vector<16xf32>
      %parallel_loop3A_1693 = arith.constant 1 : i32
      %parallel_loop3A_1694 = arith.constant 0 : i32
      %parallel_loop3A_1695 = arith.index_cast %parallel_loop3A_1693 : i32 to index
      %parallel_loop3A_1696 = arith.index_cast %parallel_loop3A_1694 : i32 to index
      %parallel_loop3A_1697 = arith.index_cast %parallel_loop3A_1682 : i32 to index
      %parallel_loop3A_1698 = arith.index_cast %parallel_loop3A_1686 : i32 to index
      %parallel_loop3A_1699 = tpu.vector_load %arg6[%parallel_loop3A_1695, %parallel_loop3A_1696, %parallel_loop3A_1697, %parallel_loop3A_1698] {strides = array<i32>} : memref<3x4x8x1024xf32, #tpu.memory_space<vmem>>, vector<1x1x1x16xf32>,
      %parallel_loop3A_1700 = vector.shape_cast %parallel_loop3A_1699 : vector<1x1x1x16xf32> to vector<16xf32>
      %parallel_loop3A_1701 = arith.addf %parallel_loop3A_1700, %parallel_loop3A_1692 : vector<16xf32>
      %parallel_loop3A_1702 = arith.constant 1 : i32
      %parallel_loop3A_1703 = arith.constant 0 : i32
      %parallel_loop3A_1704 = arith.index_cast %parallel_loop3A_1702 : i32 to index
      %parallel_loop3A_1705 = arith.index_cast %parallel_loop3A_1703 : i32 to index
      %parallel_loop3A_1706 = arith.index_cast %parallel_loop3A_1682 : i32 to index
      %parallel_loop3A_1707 = arith.index_cast %parallel_loop3A_1686 : i32 to index
      %parallel_loop3A_1708 = tpu.vector_load %arg6[%parallel_loop3A_1704, %parallel_loop3A_1705, %parallel_loop3A_1706, %parallel_loop3A_1707] {strides = array<i32>} : memref<3x4x8x1024xf32, #tpu.memory_space<vmem>>, vector<1x1x1x16xf32>,
      %parallel_loop3A_1709 = vector.shape_cast %parallel_loop3A_1708 : vector<1x1x1x16xf32> to vector<16xf32>
      %parallel_loop3A_1710 = vector.shape_cast %parallel_loop3A_1701 : vector<16xf32> to vector<1x1x1x16xf32>
      tpu.vector_store %arg6[%parallel_loop3A_1704, %parallel_loop3A_1705, %parallel_loop3A_1706, %parallel_loop3A_1707], %parallel_loop3A_1710 {strides = array<i32>} : memref<3x4x8x1024xf32, #tpu.memory_space<vmem>>, vector<1x1x1x16xf32>,
      %parallel_loop3A_1711 = arith.constant 1 : i32
      %parallel_loop3A_1712 = arith.constant 1 : i32
      %parallel_loop3A_1713 = arith.index_cast %parallel_loop3A_1711 : i32 to index
      %parallel_loop3A_1714 = arith.index_cast %parallel_loop3A_1712 : i32 to index
      %parallel_loop3A_1715 = arith.index_cast %parallel_loop3A_1682 : i32 to index
      %parallel_loop3A_1716 = arith.index_cast %parallel_loop3A_1686 : i32 to index
      %parallel_loop3A_1717 = tpu.vector_load %arg6[%parallel_loop3A_1713, %parallel_loop3A_1714, %parallel_loop3A_1715, %parallel_loop3A_1716] {strides = array<i32>} : memref<3x4x8x1024xf32, #tpu.memory_space<vmem>>, vector<1x1x1x16xf32>,
      %parallel_loop3A_1718 = vector.shape_cast %parallel_loop3A_1717 : vector<1x1x1x16xf32> to vector<16xf32>
      %parallel_loop3A_1719 = arith.addf %parallel_loop3A_1718, %parallel_loop3A_1692 : vector<16xf32>
      %parallel_loop3A_1720 = arith.constant 1 : i32
      %parallel_loop3A_1721 = arith.constant 1 : i32
      %parallel_loop3A_1722 = arith.index_cast %parallel_loop3A_1720 : i32 to index
      %parallel_loop3A_1723 = arith.index_cast %parallel_loop3A_1721 : i32 to index
      %parallel_loop3A_1724 = arith.index_cast %parallel_loop3A_1682 : i32 to index
      %parallel_loop3A_1725 = arith.index_cast %parallel_loop3A_1686 : i32 to index
      %parallel_loop3A_1726 = tpu.vector_load %arg6[%parallel_loop3A_1722, %parallel_loop3A_1723, %parallel_loop3A_1724, %parallel_loop3A_1725] {strides = array<i32>} : memref<3x4x8x1024xf32, #tpu.memory_space<vmem>>, vector<1x1x1x16xf32>,
      %parallel_loop3A_1727 = vector.shape_cast %parallel_loop3A_1726 : vector<1x1x1x16xf32> to vector<16xf32>
      %parallel_loop3A_1728 = vector.shape_cast %parallel_loop3A_1719 : vector<16xf32> to vector<1x1x1x16xf32>
      tpu.vector_store %arg6[%parallel_loop3A_1722, %parallel_loop3A_1723, %parallel_loop3A_1724, %parallel_loop3A_1725], %parallel_loop3A_1728 {strides = array<i32>} : memref<3x4x8x1024xf32, #tpu.memory_space<vmem>>, vector<1x1x1x16xf32>,
      %parallel_loop3A_1729 = arith.constant 1 : i32
      %parallel_loop3A_1730 = arith.constant 2 : i32
      %parallel_loop3A_1731 = arith.index_cast %parallel_loop3A_1729 : i32 to index
      %parallel_loop3A_1732 = arith.index_cast %parallel_loop3A_1730 : i32 to index
      %parallel_loop3A_1733 = arith.index_cast %parallel_loop3A_1682 : i32 to index
      %parallel_loop3A_1734 = arith.index_cast %parallel_loop3A_1686 : i32 to index
      %parallel_loop3A_1735 = tpu.vector_load %arg6[%parallel_loop3A_1731, %parallel_loop3A_1732, %parallel_loop3A_1733, %parallel_loop3A_1734] {strides = array<i32>} : memref<3x4x8x1024xf32, #tpu.memory_space<vmem>>, vector<1x1x1x16xf32>,
      %parallel_loop3A_1736 = vector.shape_cast %parallel_loop3A_1735 : vector<1x1x1x16xf32> to vector<16xf32>
      %parallel_loop3A_1737 = arith.addf %parallel_loop3A_1736, %parallel_loop3A_1692 : vector<16xf32>
      %parallel_loop3A_1738 = arith.constant 1 : i32
      %parallel_loop3A_1739 = arith.constant 2 : i32
      %parallel_loop3A_1740 = arith.index_cast %parallel_loop3A_1738 : i32 to index
      %parallel_loop3A_1741 = arith.index_cast %parallel_loop3A_1739 : i32 to index
      %parallel_loop3A_1742 = arith.index_cast %parallel_loop3A_1682 : i32 to index
      %parallel_loop3A_1743 = arith.index_cast %parallel_loop3A_1686 : i32 to index
      %parallel_loop3A_1744 = tpu.vector_load %arg6[%parallel_loop3A_1740, %parallel_loop3A_1741, %parallel_loop3A_1742, %parallel_loop3A_1743] {strides = array<i32>} : memref<3x4x8x1024xf32, #tpu.memory_space<vmem>>, vector<1x1x1x16xf32>,
      %parallel_loop3A_1745 = vector.shape_cast %parallel_loop3A_1744 : vector<1x1x1x16xf32> to vector<16xf32>
      %parallel_loop3A_1746 = vector.shape_cast %parallel_loop3A_1737 : vector<16xf32> to vector<1x1x1x16xf32>
      tpu.vector_store %arg6[%parallel_loop3A_1740, %parallel_loop3A_1741, %parallel_loop3A_1742, %parallel_loop3A_1743], %parallel_loop3A_1746 {strides = array<i32>} : memref<3x4x8x1024xf32, #tpu.memory_space<vmem>>, vector<1x1x1x16xf32>,
      %parallel_loop3A_1747 = arith.constant 1 : i32
      %parallel_loop3A_1748 = arith.constant 3 : i32
      %parallel_loop3A_1749 = arith.index_cast %parallel_loop3A_1747 : i32 to index
      %parallel_loop3A_1750 = arith.index_cast %parallel_loop3A_1748 : i32 to index
      %parallel_loop3A_1751 = arith.index_cast %parallel_loop3A_1682 : i32 to index
      %parallel_loop3A_1752 = arith.index_cast %parallel_loop3A_1686 : i32 to index
      %parallel_loop3A_1753 = tpu.vector_load %arg6[%parallel_loop3A_1749, %parallel_loop3A_1750, %parallel_loop3A_1751, %parallel_loop3A_1752] {strides = array<i32>} : memref<3x4x8x1024xf32, #tpu.memory_space<vmem>>, vector<1x1x1x16xf32>,
      %parallel_loop3A_1754 = vector.shape_cast %parallel_loop3A_1753 : vector<1x1x1x16xf32> to vector<16xf32>
      %parallel_loop3A_1755 = arith.addf %parallel_loop3A_1754, %parallel_loop3A_1692 : vector<16xf32>
      %parallel_loop3A_1756 = arith.constant 1 : i32
      %parallel_loop3A_1757 = arith.constant 3 : i32
      %parallel_loop3A_1758 = arith.index_cast %parallel_loop3A_1756 : i32 to index
      %parallel_loop3A_1759 = arith.index_cast %parallel_loop3A_1757 : i32 to index
      %parallel_loop3A_1760 = arith.index_cast %parallel_loop3A_1682 : i32 to index
      %parallel_loop3A_1761 = arith.index_cast %parallel_loop3A_1686 : i32 to index
      %parallel_loop3A_1762 = tpu.vector_load %arg6[%parallel_loop3A_1758, %parallel_loop3A_1759, %parallel_loop3A_1760, %parallel_loop3A_1761] {strides = array<i32>} : memref<3x4x8x1024xf32, #tpu.memory_space<vmem>>, vector<1x1x1x16xf32>,
      %parallel_loop3A_1763 = vector.shape_cast %parallel_loop3A_1762 : vector<1x1x1x16xf32> to vector<16xf32>
      %parallel_loop3A_1764 = vector.shape_cast %parallel_loop3A_1755 : vector<16xf32> to vector<1x1x1x16xf32>
      tpu.vector_store %arg6[%parallel_loop3A_1758, %parallel_loop3A_1759, %parallel_loop3A_1760, %parallel_loop3A_1761], %parallel_loop3A_1764 {strides = array<i32>} : memref<3x4x8x1024xf32, #tpu.memory_space<vmem>>, vector<1x1x1x16xf32>,
    } {sc.loop_unroll_factor = 8 : i64, sc.parallel_access}
    %add3A_1130 = arith.constant 80 : i32
    %add3A_1131 = arith.addi %mul3A_2, %add3A_1130 : i32
    %dma_start3A_1132 = arith.constant 1 : i32
    %dma_start3A_1133 = arith.constant 0 : i32
    %dma_start3A_1134 = arith.constant 0 : i32
    %dma_start3A_1135 = arith.constant 0 : i32
    %dma_start3A_1136 = tpu.memref_slice %arg6[%dma_start3A_1132, %dma_start3A_1133, %dma_start3A_1134, %dma_start3A_1135] : memref<3x4x8x1024xf32, #tpu.memory_space<vmem>> -> memref<1x4x8x1024xf32, #tpu.memory_space<vmem>>
    %dma_start3A_1137 = tpu.memref_squeeze %dma_start3A_1136 : memref<1x4x8x1024xf32, #tpu.memory_space<vmem>> -> memref<4x8x1024xf32, #tpu.memory_space<vmem>>
    %dma_start3A_1138 = arith.constant 0 : i32
    %dma_start3A_1139 = arith.constant 0 : i32
    %dma_start3A_1140 = tpu.memref_slice %arg4[%dma_start3A_1138, %add3A_1131, %dma_start3A_1139] : memref<4x4096x1024xf32, #tpu.memory_space<hbm>> -> memref<4x8x1024xf32, #tpu.memory_space<hbm>>
    %dma_start3A_1141 = arith.constant 0 : i32
    %dma_start3A_1142 = arith.constant 0 : i32
    %dma_start3A_1143 = tpu.memref_slice %arg4[%dma_start3A_1141, %add3A_1131, %dma_start3A_1142] : memref<4x4096x1024xf32, #tpu.memory_space<hbm>> -> memref<4x8x1024xf32, #tpu.memory_space<hbm>>
    %dma_start3A_1144 = arith.constant 0 : i32
    %dma_start3A_1145 = arith.constant 0 : i32
    %dma_start3A_1146 = arith.constant 0 : i32
    %dma_start3A_1147 = tpu.memref_slice %arg6[%dma_start3A_1132, %dma_start3A_1144, %dma_start3A_1145, %dma_start3A_1146] : memref<3x4x8x1024xf32, #tpu.memory_space<vmem>> -> memref<1x4x8x1024xf32, #tpu.memory_space<vmem>>
    %dma_start3A_1148 = tpu.memref_squeeze %dma_start3A_1147 : memref<1x4x8x1024xf32, #tpu.memory_space<vmem>> -> memref<4x8x1024xf32, #tpu.memory_space<vmem>>
    tpu.enqueue_dma source(%dma_start3A_1148 : memref<4x8x1024xf32, #tpu.memory_space<vmem>>) target(%dma_start3A_1143 : memref<4x8x1024xf32, #tpu.memory_space<hbm>>) target_semaphore(%arg11 : memref<!tpu.dma_semaphore, #tpu.memory_space<semaphore_mem>>)
    %add3A_1149 = arith.constant 72 : i32
    %add3A_1150 = arith.addi %mul3A_2, %add3A_1149 : i32
    %dma_wait3A_1151 = arith.constant 0 : i32
    %dma_wait3A_1152 = arith.constant 0 : i32
    %dma_wait3A_1153 = arith.constant 0 : i32
    %dma_wait3A_1154 = arith.constant 0 : i32
    %dma_wait3A_1155 = tpu.memref_slice %arg6[%dma_wait3A_1151, %dma_wait3A_1152, %dma_wait3A_1153, %dma_wait3A_1154] : memref<3x4x8x1024xf32, #tpu.memory_space<vmem>> -> memref<1x4x8x1024xf32, #tpu.memory_space<vmem>>
    %dma_wait3A_1156 = tpu.memref_squeeze %dma_wait3A_1155 : memref<1x4x8x1024xf32, #tpu.memory_space<vmem>> -> memref<4x8x1024xf32, #tpu.memory_space<vmem>>
    %dma_wait3A_1157 = arith.constant 0 : i32
    %dma_wait3A_1158 = arith.constant 0 : i32
    %dma_wait3A_1159 = tpu.memref_slice %arg4[%dma_wait3A_1157, %add3A_1150, %dma_wait3A_1158] : memref<4x4096x1024xf32, #tpu.memory_space<hbm>> -> memref<4x8x1024xf32, #tpu.memory_space<hbm>>
    %dma_wait3A_1160 = arith.constant 0 : i32
    %dma_wait3A_1161 = arith.constant 0 : i32
    %dma_wait3A_1162 = tpu.memref_slice %arg4[%dma_wait3A_1160, %add3A_1150, %dma_wait3A_1161] : memref<4x4096x1024xf32, #tpu.memory_space<hbm>> -> memref<4x8x1024xf32, #tpu.memory_space<hbm>>
    %dma_wait3A_1163 = arith.constant 0 : i32
    %dma_wait3A_1164 = arith.constant 0 : i32
    %dma_wait3A_1165 = arith.constant 0 : i32
    %dma_wait3A_1166 = tpu.memref_slice %arg6[%dma_wait3A_1151, %dma_wait3A_1163, %dma_wait3A_1164, %dma_wait3A_1165] : memref<3x4x8x1024xf32, #tpu.memory_space<vmem>> -> memref<1x4x8x1024xf32, #tpu.memory_space<vmem>>
    %dma_wait3A_1167 = tpu.memref_squeeze %dma_wait3A_1166 : memref<1x4x8x1024xf32, #tpu.memory_space<vmem>> -> memref<4x8x1024xf32, #tpu.memory_space<vmem>>
    tpu.wait_dma2 semaphore(%arg10 : memref<!tpu.dma_semaphore, #tpu.memory_space<semaphore_mem>>) src(%dma_wait3A_1167 : memref<4x8x1024xf32, #tpu.memory_space<vmem>>) dst(%dma_wait3A_1162 : memref<4x8x1024xf32, #tpu.memory_space<hbm>>)
    %add3A_1168 = arith.constant 96 : i32
    %add3A_1169 = arith.addi %mul3A_2, %add3A_1168 : i32
    %dma_start3A_1170 = arith.constant 0 : i32
    %dma_start3A_1171 = arith.constant 0 : i32
    %dma_start3A_1172 = arith.constant 0 : i32
    %dma_start3A_1173 = tpu.memref_slice %arg5[%dma_start3A_1170, %dma_start3A_1171, %dma_start3A_1172] : memref<3x8x1024xf32, #tpu.memory_space<vmem>> -> memref<1x8x1024xf32, #tpu.memory_space<vmem>>
    %dma_start3A_1174 = tpu.memref_squeeze %dma_start3A_1173 : memref<1x8x1024xf32, #tpu.memory_space<vmem>> -> memref<8x1024xf32, #tpu.memory_space<vmem>>
    %dma_start3A_1175 = arith.constant 0 : i32
    %dma_start3A_1176 = tpu.memref_slice %arg3[%add3A_1169, %dma_start3A_1175] : memref<8192x1024xf32, #tpu.memory_space<hbm>> -> memref<8x1024xf32, #tpu.memory_space<hbm>>
    %dma_start3A_1177 = arith.constant 0 : i32
    %dma_start3A_1178 = arith.constant 0 : i32
    %dma_start3A_1179 = tpu.memref_slice %arg5[%dma_start3A_1170, %dma_start3A_1177, %dma_start3A_1178] : memref<3x8x1024xf32, #tpu.memory_space<vmem>> -> memref<1x8x1024xf32, #tpu.memory_space<vmem>>
    %dma_start3A_1180 = tpu.memref_squeeze %dma_start3A_1179 : memref<1x8x1024xf32, #tpu.memory_space<vmem>> -> memref<8x1024xf32, #tpu.memory_space<vmem>>
    %dma_start3A_1181 = arith.constant 0 : i32
    %dma_start3A_1182 = tpu.memref_slice %arg3[%add3A_1169, %dma_start3A_1181] : memref<8192x1024xf32, #tpu.memory_space<hbm>> -> memref<8x1024xf32, #tpu.memory_space<hbm>>
    tpu.enqueue_dma source(%dma_start3A_1182 : memref<8x1024xf32, #tpu.memory_space<hbm>>) target(%dma_start3A_1180 : memref<8x1024xf32, #tpu.memory_space<vmem>>) target_semaphore(%arg7 : memref<!tpu.dma_semaphore, #tpu.memory_space<semaphore_mem>>)
    %dma_start3A_1183 = arith.constant 0 : i32
    %dma_start3A_1184 = arith.constant 0 : i32
    %dma_start3A_1185 = arith.constant 0 : i32
    %dma_start3A_1186 = arith.constant 0 : i32
    %dma_start3A_1187 = tpu.memref_slice %arg6[%dma_start3A_1183, %dma_start3A_1184, %dma_start3A_1185, %dma_start3A_1186] : memref<3x4x8x1024xf32, #tpu.memory_space<vmem>> -> memref<1x4x8x1024xf32, #tpu.memory_space<vmem>>
    %dma_start3A_1188 = tpu.memref_squeeze %dma_start3A_1187 : memref<1x4x8x1024xf32, #tpu.memory_space<vmem>> -> memref<4x8x1024xf32, #tpu.memory_space<vmem>>
    %dma_start3A_1189 = arith.constant 0 : i32
    %dma_start3A_1190 = arith.constant 0 : i32
    %dma_start3A_1191 = tpu.memref_slice %arg2[%dma_start3A_1189, %add3A_1169, %dma_start3A_1190] : memref<4x4096x1024xf32, #tpu.memory_space<hbm>> -> memref<4x8x1024xf32, #tpu.memory_space<hbm>>
    %dma_start3A_1192 = arith.constant 0 : i32
    %dma_start3A_1193 = arith.constant 0 : i32
    %dma_start3A_1194 = arith.constant 0 : i32
    %dma_start3A_1195 = tpu.memref_slice %arg6[%dma_start3A_1183, %dma_start3A_1192, %dma_start3A_1193, %dma_start3A_1194] : memref<3x4x8x1024xf32, #tpu.memory_space<vmem>> -> memref<1x4x8x1024xf32, #tpu.memory_space<vmem>>
    %dma_start3A_1196 = tpu.memref_squeeze %dma_start3A_1195 : memref<1x4x8x1024xf32, #tpu.memory_space<vmem>> -> memref<4x8x1024xf32, #tpu.memory_space<vmem>>
    %dma_start3A_1197 = arith.constant 0 : i32
    %dma_start3A_1198 = arith.constant 0 : i32
    %dma_start3A_1199 = tpu.memref_slice %arg2[%dma_start3A_1197, %add3A_1169, %dma_start3A_1198] : memref<4x4096x1024xf32, #tpu.memory_space<hbm>> -> memref<4x8x1024xf32, #tpu.memory_space<hbm>>
    tpu.enqueue_dma source(%dma_start3A_1199 : memref<4x8x1024xf32, #tpu.memory_space<hbm>>) target(%dma_start3A_1196 : memref<4x8x1024xf32, #tpu.memory_space<vmem>>) target_semaphore(%arg7 : memref<!tpu.dma_semaphore, #tpu.memory_space<semaphore_mem>>)
    %add3A_1200 = arith.constant 88 : i32
    %add3A_1201 = arith.addi %mul3A_2, %add3A_1200 : i32
    %dma_wait3A_1202 = arith.constant 2 : i32
    %dma_wait3A_1203 = arith.constant 0 : i32
    %dma_wait3A_1204 = arith.constant 0 : i32
    %dma_wait3A_1205 = tpu.memref_slice %arg5[%dma_wait3A_1202, %dma_wait3A_1203, %dma_wait3A_1204] : memref<3x8x1024xf32, #tpu.memory_space<vmem>> -> memref<1x8x1024xf32, #tpu.memory_space<vmem>>
    %dma_wait3A_1206 = tpu.memref_squeeze %dma_wait3A_1205 : memref<1x8x1024xf32, #tpu.memory_space<vmem>> -> memref<8x1024xf32, #tpu.memory_space<vmem>>
    %dma_wait3A_1207 = arith.constant 0 : i32
    %dma_wait3A_1208 = tpu.memref_slice %arg3[%add3A_1201, %dma_wait3A_1207] : memref<8192x1024xf32, #tpu.memory_space<hbm>> -> memref<8x1024xf32, #tpu.memory_space<hbm>>
    %dma_wait3A_1209 = arith.constant 0 : i32
    %dma_wait3A_1210 = arith.constant 0 : i32
    %dma_wait3A_1211 = tpu.memref_slice %arg5[%dma_wait3A_1202, %dma_wait3A_1209, %dma_wait3A_1210] : memref<3x8x1024xf32, #tpu.memory_space<vmem>> -> memref<1x8x1024xf32, #tpu.memory_space<vmem>>
    %dma_wait3A_1212 = tpu.memref_squeeze %dma_wait3A_1211 : memref<1x8x1024xf32, #tpu.memory_space<vmem>> -> memref<8x1024xf32, #tpu.memory_space<vmem>>
    %dma_wait3A_1213 = arith.constant 0 : i32
    %dma_wait3A_1214 = tpu.memref_slice %arg3[%add3A_1201, %dma_wait3A_1213] : memref<8192x1024xf32, #tpu.memory_space<hbm>> -> memref<8x1024xf32, #tpu.memory_space<hbm>>
    tpu.wait_dma2 semaphore(%arg9 : memref<!tpu.dma_semaphore, #tpu.memory_space<semaphore_mem>>) src(%dma_wait3A_1214 : memref<8x1024xf32, #tpu.memory_space<hbm>>) dst(%dma_wait3A_1212 : memref<8x1024xf32, #tpu.memory_space<vmem>>)
    %dma_wait3A_1215 = arith.constant 2 : i32
    %dma_wait3A_1216 = arith.constant 0 : i32
    %dma_wait3A_1217 = arith.constant 0 : i32
    %dma_wait3A_1218 = arith.constant 0 : i32
    %dma_wait3A_1219 = tpu.memref_slice %arg6[%dma_wait3A_1215, %dma_wait3A_1216, %dma_wait3A_1217, %dma_wait3A_1218] : memref<3x4x8x1024xf32, #tpu.memory_space<vmem>> -> memref<1x4x8x1024xf32, #tpu.memory_space<vmem>>
    %dma_wait3A_1220 = tpu.memref_squeeze %dma_wait3A_1219 : memref<1x4x8x1024xf32, #tpu.memory_space<vmem>> -> memref<4x8x1024xf32, #tpu.memory_space<vmem>>
    %dma_wait3A_1221 = arith.constant 0 : i32
    %dma_wait3A_1222 = arith.constant 0 : i32
    %dma_wait3A_1223 = tpu.memref_slice %arg2[%dma_wait3A_1221, %add3A_1201, %dma_wait3A_1222] : memref<4x4096x1024xf32, #tpu.memory_space<hbm>> -> memref<4x8x1024xf32, #tpu.memory_space<hbm>>
    %dma_wait3A_1224 = arith.constant 0 : i32
    %dma_wait3A_1225 = arith.constant 0 : i32
    %dma_wait3A_1226 = arith.constant 0 : i32
    %dma_wait3A_1227 = tpu.memref_slice %arg6[%dma_wait3A_1215, %dma_wait3A_1224, %dma_wait3A_1225, %dma_wait3A_1226] : memref<3x4x8x1024xf32, #tpu.memory_space<vmem>> -> memref<1x4x8x1024xf32, #tpu.memory_space<vmem>>
    %dma_wait3A_1228 = tpu.memref_squeeze %dma_wait3A_1227 : memref<1x4x8x1024xf32, #tpu.memory_space<vmem>> -> memref<4x8x1024xf32, #tpu.memory_space<vmem>>
    %dma_wait3A_1229 = arith.constant 0 : i32
    %dma_wait3A_1230 = arith.constant 0 : i32
    %dma_wait3A_1231 = tpu.memref_slice %arg2[%dma_wait3A_1229, %add3A_1201, %dma_wait3A_1230] : memref<4x4096x1024xf32, #tpu.memory_space<hbm>> -> memref<4x8x1024xf32, #tpu.memory_space<hbm>>
    tpu.wait_dma2 semaphore(%arg9 : memref<!tpu.dma_semaphore, #tpu.memory_space<semaphore_mem>>) src(%dma_wait3A_1231 : memref<4x8x1024xf32, #tpu.memory_space<hbm>>) dst(%dma_wait3A_1228 : memref<4x8x1024xf32, #tpu.memory_space<vmem>>)
    %parallel_loop3A_1232 = arith.constant 0 : i32
    %parallel_loop3A_1233 = arith.constant 512 : i32
    %parallel_loop3A_1234 = arith.constant 1 : i32
    scf.for %parallel_loop3A_1680 = %parallel_loop3A_1232 to %parallel_loop3A_1233 step %parallel_loop3A_1234  : i32 {
      %parallel_loop3A_1681 = arith.constant 6 : i32
      %parallel_loop3A_1682 = arith.shrui %parallel_loop3A_1680, %parallel_loop3A_1681 : i32
      %parallel_loop3A_1683 = arith.constant 63 : i32
      %parallel_loop3A_1684 = arith.andi %parallel_loop3A_1680, %parallel_loop3A_1683 : i32
      %parallel_loop3A_1685 = arith.constant 16 : i32
      %parallel_loop3A_1686 = arith.muli %parallel_loop3A_1684, %parallel_loop3A_1685 : i32
      %parallel_loop3A_1687 = arith.constant 2 : i32
      %parallel_loop3A_1688 = arith.index_cast %parallel_loop3A_1687 : i32 to index
      %parallel_loop3A_1689 = arith.index_cast %parallel_loop3A_1682 : i32 to index
      %parallel_loop3A_1690 = arith.index_cast %parallel_loop3A_1686 : i32 to index
      %parallel_loop3A_1691 = tpu.vector_load %arg5[%parallel_loop3A_1688, %parallel_loop3A_1689, %parallel_loop3A_1690] {strides = array<i32>} : memref<3x8x1024xf32, #tpu.memory_space<vmem>>, vector<1x1x16xf32>,
      %parallel_loop3A_1692 = vector.shape_cast %parallel_loop3A_1691 : vector<1x1x16xf32> to vector<16xf32>
      %parallel_loop3A_1693 = arith.constant 2 : i32
      %parallel_loop3A_1694 = arith.constant 0 : i32
      %parallel_loop3A_1695 = arith.index_cast %parallel_loop3A_1693 : i32 to index
      %parallel_loop3A_1696 = arith.index_cast %parallel_loop3A_1694 : i32 to index
      %parallel_loop3A_1697 = arith.index_cast %parallel_loop3A_1682 : i32 to index
      %parallel_loop3A_1698 = arith.index_cast %parallel_loop3A_1686 : i32 to index
      %parallel_loop3A_1699 = tpu.vector_load %arg6[%parallel_loop3A_1695, %parallel_loop3A_1696, %parallel_loop3A_1697, %parallel_loop3A_1698] {strides = array<i32>} : memref<3x4x8x1024xf32, #tpu.memory_space<vmem>>, vector<1x1x1x16xf32>,
      %parallel_loop3A_1700 = vector.shape_cast %parallel_loop3A_1699 : vector<1x1x1x16xf32> to vector<16xf32>
      %parallel_loop3A_1701 = arith.addf %parallel_loop3A_1700, %parallel_loop3A_1692 : vector<16xf32>
      %parallel_loop3A_1702 = arith.constant 2 : i32
      %parallel_loop3A_1703 = arith.constant 0 : i32
      %parallel_loop3A_1704 = arith.index_cast %parallel_loop3A_1702 : i32 to index
      %parallel_loop3A_1705 = arith.index_cast %parallel_loop3A_1703 : i32 to index
      %parallel_loop3A_1706 = arith.index_cast %parallel_loop3A_1682 : i32 to index
      %parallel_loop3A_1707 = arith.index_cast %parallel_loop3A_1686 : i32 to index
      %parallel_loop3A_1708 = tpu.vector_load %arg6[%parallel_loop3A_1704, %parallel_loop3A_1705, %parallel_loop3A_1706, %parallel_loop3A_1707] {strides = array<i32>} : memref<3x4x8x1024xf32, #tpu.memory_space<vmem>>, vector<1x1x1x16xf32>,
      %parallel_loop3A_1709 = vector.shape_cast %parallel_loop3A_1708 : vector<1x1x1x16xf32> to vector<16xf32>
      %parallel_loop3A_1710 = vector.shape_cast %parallel_loop3A_1701 : vector<16xf32> to vector<1x1x1x16xf32>
      tpu.vector_store %arg6[%parallel_loop3A_1704, %parallel_loop3A_1705, %parallel_loop3A_1706, %parallel_loop3A_1707], %parallel_loop3A_1710 {strides = array<i32>} : memref<3x4x8x1024xf32, #tpu.memory_space<vmem>>, vector<1x1x1x16xf32>,
      %parallel_loop3A_1711 = arith.constant 2 : i32
      %parallel_loop3A_1712 = arith.constant 1 : i32
      %parallel_loop3A_1713 = arith.index_cast %parallel_loop3A_1711 : i32 to index
      %parallel_loop3A_1714 = arith.index_cast %parallel_loop3A_1712 : i32 to index
      %parallel_loop3A_1715 = arith.index_cast %parallel_loop3A_1682 : i32 to index
      %parallel_loop3A_1716 = arith.index_cast %parallel_loop3A_1686 : i32 to index
      %parallel_loop3A_1717 = tpu.vector_load %arg6[%parallel_loop3A_1713, %parallel_loop3A_1714, %parallel_loop3A_1715, %parallel_loop3A_1716] {strides = array<i32>} : memref<3x4x8x1024xf32, #tpu.memory_space<vmem>>, vector<1x1x1x16xf32>,
      %parallel_loop3A_1718 = vector.shape_cast %parallel_loop3A_1717 : vector<1x1x1x16xf32> to vector<16xf32>
      %parallel_loop3A_1719 = arith.addf %parallel_loop3A_1718, %parallel_loop3A_1692 : vector<16xf32>
      %parallel_loop3A_1720 = arith.constant 2 : i32
      %parallel_loop3A_1721 = arith.constant 1 : i32
      %parallel_loop3A_1722 = arith.index_cast %parallel_loop3A_1720 : i32 to index
      %parallel_loop3A_1723 = arith.index_cast %parallel_loop3A_1721 : i32 to index
      %parallel_loop3A_1724 = arith.index_cast %parallel_loop3A_1682 : i32 to index
      %parallel_loop3A_1725 = arith.index_cast %parallel_loop3A_1686 : i32 to index
      %parallel_loop3A_1726 = tpu.vector_load %arg6[%parallel_loop3A_1722, %parallel_loop3A_1723, %parallel_loop3A_1724, %parallel_loop3A_1725] {strides = array<i32>} : memref<3x4x8x1024xf32, #tpu.memory_space<vmem>>, vector<1x1x1x16xf32>,
      %parallel_loop3A_1727 = vector.shape_cast %parallel_loop3A_1726 : vector<1x1x1x16xf32> to vector<16xf32>
      %parallel_loop3A_1728 = vector.shape_cast %parallel_loop3A_1719 : vector<16xf32> to vector<1x1x1x16xf32>
      tpu.vector_store %arg6[%parallel_loop3A_1722, %parallel_loop3A_1723, %parallel_loop3A_1724, %parallel_loop3A_1725], %parallel_loop3A_1728 {strides = array<i32>} : memref<3x4x8x1024xf32, #tpu.memory_space<vmem>>, vector<1x1x1x16xf32>,
      %parallel_loop3A_1729 = arith.constant 2 : i32
      %parallel_loop3A_1730 = arith.constant 2 : i32
      %parallel_loop3A_1731 = arith.index_cast %parallel_loop3A_1729 : i32 to index
      %parallel_loop3A_1732 = arith.index_cast %parallel_loop3A_1730 : i32 to index
      %parallel_loop3A_1733 = arith.index_cast %parallel_loop3A_1682 : i32 to index
      %parallel_loop3A_1734 = arith.index_cast %parallel_loop3A_1686 : i32 to index
      %parallel_loop3A_1735 = tpu.vector_load %arg6[%parallel_loop3A_1731, %parallel_loop3A_1732, %parallel_loop3A_1733, %parallel_loop3A_1734] {strides = array<i32>} : memref<3x4x8x1024xf32, #tpu.memory_space<vmem>>, vector<1x1x1x16xf32>,
      %parallel_loop3A_1736 = vector.shape_cast %parallel_loop3A_1735 : vector<1x1x1x16xf32> to vector<16xf32>
      %parallel_loop3A_1737 = arith.addf %parallel_loop3A_1736, %parallel_loop3A_1692 : vector<16xf32>
      %parallel_loop3A_1738 = arith.constant 2 : i32
      %parallel_loop3A_1739 = arith.constant 2 : i32
      %parallel_loop3A_1740 = arith.index_cast %parallel_loop3A_1738 : i32 to index
      %parallel_loop3A_1741 = arith.index_cast %parallel_loop3A_1739 : i32 to index
      %parallel_loop3A_1742 = arith.index_cast %parallel_loop3A_1682 : i32 to index
      %parallel_loop3A_1743 = arith.index_cast %parallel_loop3A_1686 : i32 to index
      %parallel_loop3A_1744 = tpu.vector_load %arg6[%parallel_loop3A_1740, %parallel_loop3A_1741, %parallel_loop3A_1742, %parallel_loop3A_1743] {strides = array<i32>} : memref<3x4x8x1024xf32, #tpu.memory_space<vmem>>, vector<1x1x1x16xf32>,
      %parallel_loop3A_1745 = vector.shape_cast %parallel_loop3A_1744 : vector<1x1x1x16xf32> to vector<16xf32>
      %parallel_loop3A_1746 = vector.shape_cast %parallel_loop3A_1737 : vector<16xf32> to vector<1x1x1x16xf32>
      tpu.vector_store %arg6[%parallel_loop3A_1740, %parallel_loop3A_1741, %parallel_loop3A_1742, %parallel_loop3A_1743], %parallel_loop3A_1746 {strides = array<i32>} : memref<3x4x8x1024xf32, #tpu.memory_space<vmem>>, vector<1x1x1x16xf32>,
      %parallel_loop3A_1747 = arith.constant 2 : i32
      %parallel_loop3A_1748 = arith.constant 3 : i32
      %parallel_loop3A_1749 = arith.index_cast %parallel_loop3A_1747 : i32 to index
      %parallel_loop3A_1750 = arith.index_cast %parallel_loop3A_1748 : i32 to index
      %parallel_loop3A_1751 = arith.index_cast %parallel_loop3A_1682 : i32 to index
      %parallel_loop3A_1752 = arith.index_cast %parallel_loop3A_1686 : i32 to index
      %parallel_loop3A_1753 = tpu.vector_load %arg6[%parallel_loop3A_1749, %parallel_loop3A_1750, %parallel_loop3A_1751, %parallel_loop3A_1752] {strides = array<i32>} : memref<3x4x8x1024xf32, #tpu.memory_space<vmem>>, vector<1x1x1x16xf32>,
      %parallel_loop3A_1754 = vector.shape_cast %parallel_loop3A_1753 : vector<1x1x1x16xf32> to vector<16xf32>
      %parallel_loop3A_1755 = arith.addf %parallel_loop3A_1754, %parallel_loop3A_1692 : vector<16xf32>
      %parallel_loop3A_1756 = arith.constant 2 : i32
      %parallel_loop3A_1757 = arith.constant 3 : i32
      %parallel_loop3A_1758 = arith.index_cast %parallel_loop3A_1756 : i32 to index
      %parallel_loop3A_1759 = arith.index_cast %parallel_loop3A_1757 : i32 to index
      %parallel_loop3A_1760 = arith.index_cast %parallel_loop3A_1682 : i32 to index
      %parallel_loop3A_1761 = arith.index_cast %parallel_loop3A_1686 : i32 to index
      %parallel_loop3A_1762 = tpu.vector_load %arg6[%parallel_loop3A_1758, %parallel_loop3A_1759, %parallel_loop3A_1760, %parallel_loop3A_1761] {strides = array<i32>} : memref<3x4x8x1024xf32, #tpu.memory_space<vmem>>, vector<1x1x1x16xf32>,
      %parallel_loop3A_1763 = vector.shape_cast %parallel_loop3A_1762 : vector<1x1x1x16xf32> to vector<16xf32>
      %parallel_loop3A_1764 = vector.shape_cast %parallel_loop3A_1755 : vector<16xf32> to vector<1x1x1x16xf32>
      tpu.vector_store %arg6[%parallel_loop3A_1758, %parallel_loop3A_1759, %parallel_loop3A_1760, %parallel_loop3A_1761], %parallel_loop3A_1764 {strides = array<i32>} : memref<3x4x8x1024xf32, #tpu.memory_space<vmem>>, vector<1x1x1x16xf32>,
    } {sc.loop_unroll_factor = 8 : i64, sc.parallel_access}
    %add3A_1235 = arith.constant 88 : i32
    %add3A_1236 = arith.addi %mul3A_2, %add3A_1235 : i32
    %dma_start3A_1237 = arith.constant 2 : i32
    %dma_start3A_1238 = arith.constant 0 : i32
    %dma_start3A_1239 = arith.constant 0 : i32
    %dma_start3A_1240 = arith.constant 0 : i32
    %dma_start3A_1241 = tpu.memref_slice %arg6[%dma_start3A_1237, %dma_start3A_1238, %dma_start3A_1239, %dma_start3A_1240] : memref<3x4x8x1024xf32, #tpu.memory_space<vmem>> -> memref<1x4x8x1024xf32, #tpu.memory_space<vmem>>
    %dma_start3A_1242 = tpu.memref_squeeze %dma_start3A_1241 : memref<1x4x8x1024xf32, #tpu.memory_space<vmem>> -> memref<4x8x1024xf32, #tpu.memory_space<vmem>>
    %dma_start3A_1243 = arith.constant 0 : i32
    %dma_start3A_1244 = arith.constant 0 : i32
    %dma_start3A_1245 = tpu.memref_slice %arg4[%dma_start3A_1243, %add3A_1236, %dma_start3A_1244] : memref<4x4096x1024xf32, #tpu.memory_space<hbm>> -> memref<4x8x1024xf32, #tpu.memory_space<hbm>>
    %dma_start3A_1246 = arith.constant 0 : i32
    %dma_start3A_1247 = arith.constant 0 : i32
    %dma_start3A_1248 = tpu.memref_slice %arg4[%dma_start3A_1246, %add3A_1236, %dma_start3A_1247] : memref<4x4096x1024xf32, #tpu.memory_space<hbm>> -> memref<4x8x1024xf32, #tpu.memory_space<hbm>>
    %dma_start3A_1249 = arith.constant 0 : i32
    %dma_start3A_1250 = arith.constant 0 : i32
    %dma_start3A_1251 = arith.constant 0 : i32
    %dma_start3A_1252 = tpu.memref_slice %arg6[%dma_start3A_1237, %dma_start3A_1249, %dma_start3A_1250, %dma_start3A_1251] : memref<3x4x8x1024xf32, #tpu.memory_space<vmem>> -> memref<1x4x8x1024xf32, #tpu.memory_space<vmem>>
    %dma_start3A_1253 = tpu.memref_squeeze %dma_start3A_1252 : memref<1x4x8x1024xf32, #tpu.memory_space<vmem>> -> memref<4x8x1024xf32, #tpu.memory_space<vmem>>
    tpu.enqueue_dma source(%dma_start3A_1253 : memref<4x8x1024xf32, #tpu.memory_space<vmem>>) target(%dma_start3A_1248 : memref<4x8x1024xf32, #tpu.memory_space<hbm>>) target_semaphore(%arg12 : memref<!tpu.dma_semaphore, #tpu.memory_space<semaphore_mem>>)
    %add3A_1254 = arith.constant 80 : i32
    %add3A_1255 = arith.addi %mul3A_2, %add3A_1254 : i32
    %dma_wait3A_1256 = arith.constant 1 : i32
    %dma_wait3A_1257 = arith.constant 0 : i32
    %dma_wait3A_1258 = arith.constant 0 : i32
    %dma_wait3A_1259 = arith.constant 0 : i32
    %dma_wait3A_1260 = tpu.memref_slice %arg6[%dma_wait3A_1256, %dma_wait3A_1257, %dma_wait3A_1258, %dma_wait3A_1259] : memref<3x4x8x1024xf32, #tpu.memory_space<vmem>> -> memref<1x4x8x1024xf32, #tpu.memory_space<vmem>>
    %dma_wait3A_1261 = tpu.memref_squeeze %dma_wait3A_1260 : memref<1x4x8x1024xf32, #tpu.memory_space<vmem>> -> memref<4x8x1024xf32, #tpu.memory_space<vmem>>
    %dma_wait3A_1262 = arith.constant 0 : i32
    %dma_wait3A_1263 = arith.constant 0 : i32
    %dma_wait3A_1264 = tpu.memref_slice %arg4[%dma_wait3A_1262, %add3A_1255, %dma_wait3A_1263] : memref<4x4096x1024xf32, #tpu.memory_space<hbm>> -> memref<4x8x1024xf32, #tpu.memory_space<hbm>>
    %dma_wait3A_1265 = arith.constant 0 : i32
    %dma_wait3A_1266 = arith.constant 0 : i32
    %dma_wait3A_1267 = tpu.memref_slice %arg4[%dma_wait3A_1265, %add3A_1255, %dma_wait3A_1266] : memref<4x4096x1024xf32, #tpu.memory_space<hbm>> -> memref<4x8x1024xf32, #tpu.memory_space<hbm>>
    %dma_wait3A_1268 = arith.constant 0 : i32
    %dma_wait3A_1269 = arith.constant 0 : i32
    %dma_wait3A_1270 = arith.constant 0 : i32
    %dma_wait3A_1271 = tpu.memref_slice %arg6[%dma_wait3A_1256, %dma_wait3A_1268, %dma_wait3A_1269, %dma_wait3A_1270] : memref<3x4x8x1024xf32, #tpu.memory_space<vmem>> -> memref<1x4x8x1024xf32, #tpu.memory_space<vmem>>
    %dma_wait3A_1272 = tpu.memref_squeeze %dma_wait3A_1271 : memref<1x4x8x1024xf32, #tpu.memory_space<vmem>> -> memref<4x8x1024xf32, #tpu.memory_space<vmem>>
    tpu.wait_dma2 semaphore(%arg11 : memref<!tpu.dma_semaphore, #tpu.memory_space<semaphore_mem>>) src(%dma_wait3A_1272 : memref<4x8x1024xf32, #tpu.memory_space<vmem>>) dst(%dma_wait3A_1267 : memref<4x8x1024xf32, #tpu.memory_space<hbm>>)
    %add3A_1273 = arith.constant 104 : i32
    %add3A_1274 = arith.addi %mul3A_2, %add3A_1273 : i32
    %dma_start3A_1275 = arith.constant 1 : i32
    %dma_start3A_1276 = arith.constant 0 : i32
    %dma_start3A_1277 = arith.constant 0 : i32
    %dma_start3A_1278 = tpu.memref_slice %arg5[%dma_start3A_1275, %dma_start3A_1276, %dma_start3A_1277] : memref<3x8x1024xf32, #tpu.memory_space<vmem>> -> memref<1x8x1024xf32, #tpu.memory_space<vmem>>
    %dma_start3A_1279 = tpu.memref_squeeze %dma_start3A_1278 : memref<1x8x1024xf32, #tpu.memory_space<vmem>> -> memref<8x1024xf32, #tpu.memory_space<vmem>>
    %dma_start3A_1280 = arith.constant 0 : i32
    %dma_start3A_1281 = tpu.memref_slice %arg3[%add3A_1274, %dma_start3A_1280] : memref<8192x1024xf32, #tpu.memory_space<hbm>> -> memref<8x1024xf32, #tpu.memory_space<hbm>>
    %dma_start3A_1282 = arith.constant 0 : i32
    %dma_start3A_1283 = arith.constant 0 : i32
    %dma_start3A_1284 = tpu.memref_slice %arg5[%dma_start3A_1275, %dma_start3A_1282, %dma_start3A_1283] : memref<3x8x1024xf32, #tpu.memory_space<vmem>> -> memref<1x8x1024xf32, #tpu.memory_space<vmem>>
    %dma_start3A_1285 = tpu.memref_squeeze %dma_start3A_1284 : memref<1x8x1024xf32, #tpu.memory_space<vmem>> -> memref<8x1024xf32, #tpu.memory_space<vmem>>
    %dma_start3A_1286 = arith.constant 0 : i32
    %dma_start3A_1287 = tpu.memref_slice %arg3[%add3A_1274, %dma_start3A_1286] : memref<8192x1024xf32, #tpu.memory_space<hbm>> -> memref<8x1024xf32, #tpu.memory_space<hbm>>
    tpu.enqueue_dma source(%dma_start3A_1287 : memref<8x1024xf32, #tpu.memory_space<hbm>>) target(%dma_start3A_1285 : memref<8x1024xf32, #tpu.memory_space<vmem>>) target_semaphore(%arg8 : memref<!tpu.dma_semaphore, #tpu.memory_space<semaphore_mem>>)
    %dma_start3A_1288 = arith.constant 1 : i32
    %dma_start3A_1289 = arith.constant 0 : i32
    %dma_start3A_1290 = arith.constant 0 : i32
    %dma_start3A_1291 = arith.constant 0 : i32
    %dma_start3A_1292 = tpu.memref_slice %arg6[%dma_start3A_1288, %dma_start3A_1289, %dma_start3A_1290, %dma_start3A_1291] : memref<3x4x8x1024xf32, #tpu.memory_space<vmem>> -> memref<1x4x8x1024xf32, #tpu.memory_space<vmem>>
    %dma_start3A_1293 = tpu.memref_squeeze %dma_start3A_1292 : memref<1x4x8x1024xf32, #tpu.memory_space<vmem>> -> memref<4x8x1024xf32, #tpu.memory_space<vmem>>
    %dma_start3A_1294 = arith.constant 0 : i32
    %dma_start3A_1295 = arith.constant 0 : i32
    %dma_start3A_1296 = tpu.memref_slice %arg2[%dma_start3A_1294, %add3A_1274, %dma_start3A_1295] : memref<4x4096x1024xf32, #tpu.memory_space<hbm>> -> memref<4x8x1024xf32, #tpu.memory_space<hbm>>
    %dma_start3A_1297 = arith.constant 0 : i32
    %dma_start3A_1298 = arith.constant 0 : i32
    %dma_start3A_1299 = arith.constant 0 : i32
    %dma_start3A_1300 = tpu.memref_slice %arg6[%dma_start3A_1288, %dma_start3A_1297, %dma_start3A_1298, %dma_start3A_1299] : memref<3x4x8x1024xf32, #tpu.memory_space<vmem>> -> memref<1x4x8x1024xf32, #tpu.memory_space<vmem>>
    %dma_start3A_1301 = tpu.memref_squeeze %dma_start3A_1300 : memref<1x4x8x1024xf32, #tpu.memory_space<vmem>> -> memref<4x8x1024xf32, #tpu.memory_space<vmem>>
    %dma_start3A_1302 = arith.constant 0 : i32
    %dma_start3A_1303 = arith.constant 0 : i32
    %dma_start3A_1304 = tpu.memref_slice %arg2[%dma_start3A_1302, %add3A_1274, %dma_start3A_1303] : memref<4x4096x1024xf32, #tpu.memory_space<hbm>> -> memref<4x8x1024xf32, #tpu.memory_space<hbm>>
    tpu.enqueue_dma source(%dma_start3A_1304 : memref<4x8x1024xf32, #tpu.memory_space<hbm>>) target(%dma_start3A_1301 : memref<4x8x1024xf32, #tpu.memory_space<vmem>>) target_semaphore(%arg8 : memref<!tpu.dma_semaphore, #tpu.memory_space<semaphore_mem>>)
    %add3A_1305 = arith.constant 96 : i32
    %add3A_1306 = arith.addi %mul3A_2, %add3A_1305 : i32
    %dma_wait3A_1307 = arith.constant 0 : i32
    %dma_wait3A_1308 = arith.constant 0 : i32
    %dma_wait3A_1309 = arith.constant 0 : i32
    %dma_wait3A_1310 = tpu.memref_slice %arg5[%dma_wait3A_1307, %dma_wait3A_1308, %dma_wait3A_1309] : memref<3x8x1024xf32, #tpu.memory_space<vmem>> -> memref<1x8x1024xf32, #tpu.memory_space<vmem>>
    %dma_wait3A_1311 = tpu.memref_squeeze %dma_wait3A_1310 : memref<1x8x1024xf32, #tpu.memory_space<vmem>> -> memref<8x1024xf32, #tpu.memory_space<vmem>>
    %dma_wait3A_1312 = arith.constant 0 : i32
    %dma_wait3A_1313 = tpu.memref_slice %arg3[%add3A_1306, %dma_wait3A_1312] : memref<8192x1024xf32, #tpu.memory_space<hbm>> -> memref<8x1024xf32, #tpu.memory_space<hbm>>
    %dma_wait3A_1314 = arith.constant 0 : i32
    %dma_wait3A_1315 = arith.constant 0 : i32
    %dma_wait3A_1316 = tpu.memref_slice %arg5[%dma_wait3A_1307, %dma_wait3A_1314, %dma_wait3A_1315] : memref<3x8x1024xf32, #tpu.memory_space<vmem>> -> memref<1x8x1024xf32, #tpu.memory_space<vmem>>
    %dma_wait3A_1317 = tpu.memref_squeeze %dma_wait3A_1316 : memref<1x8x1024xf32, #tpu.memory_space<vmem>> -> memref<8x1024xf32, #tpu.memory_space<vmem>>
    %dma_wait3A_1318 = arith.constant 0 : i32
    %dma_wait3A_1319 = tpu.memref_slice %arg3[%add3A_1306, %dma_wait3A_1318] : memref<8192x1024xf32, #tpu.memory_space<hbm>> -> memref<8x1024xf32, #tpu.memory_space<hbm>>
    tpu.wait_dma2 semaphore(%arg7 : memref<!tpu.dma_semaphore, #tpu.memory_space<semaphore_mem>>) src(%dma_wait3A_1319 : memref<8x1024xf32, #tpu.memory_space<hbm>>) dst(%dma_wait3A_1317 : memref<8x1024xf32, #tpu.memory_space<vmem>>)
    %dma_wait3A_1320 = arith.constant 0 : i32
    %dma_wait3A_1321 = arith.constant 0 : i32
    %dma_wait3A_1322 = arith.constant 0 : i32
    %dma_wait3A_1323 = arith.constant 0 : i32
    %dma_wait3A_1324 = tpu.memref_slice %arg6[%dma_wait3A_1320, %dma_wait3A_1321, %dma_wait3A_1322, %dma_wait3A_1323] : memref<3x4x8x1024xf32, #tpu.memory_space<vmem>> -> memref<1x4x8x1024xf32, #tpu.memory_space<vmem>>
    %dma_wait3A_1325 = tpu.memref_squeeze %dma_wait3A_1324 : memref<1x4x8x1024xf32, #tpu.memory_space<vmem>> -> memref<4x8x1024xf32, #tpu.memory_space<vmem>>
    %dma_wait3A_1326 = arith.constant 0 : i32
    %dma_wait3A_1327 = arith.constant 0 : i32
    %dma_wait3A_1328 = tpu.memref_slice %arg2[%dma_wait3A_1326, %add3A_1306, %dma_wait3A_1327] : memref<4x4096x1024xf32, #tpu.memory_space<hbm>> -> memref<4x8x1024xf32, #tpu.memory_space<hbm>>
    %dma_wait3A_1329 = arith.constant 0 : i32
    %dma_wait3A_1330 = arith.constant 0 : i32
    %dma_wait3A_1331 = arith.constant 0 : i32
    %dma_wait3A_1332 = tpu.memref_slice %arg6[%dma_wait3A_1320, %dma_wait3A_1329, %dma_wait3A_1330, %dma_wait3A_1331] : memref<3x4x8x1024xf32, #tpu.memory_space<vmem>> -> memref<1x4x8x1024xf32, #tpu.memory_space<vmem>>
    %dma_wait3A_1333 = tpu.memref_squeeze %dma_wait3A_1332 : memref<1x4x8x1024xf32, #tpu.memory_space<vmem>> -> memref<4x8x1024xf32, #tpu.memory_space<vmem>>
    %dma_wait3A_1334 = arith.constant 0 : i32
    %dma_wait3A_1335 = arith.constant 0 : i32
    %dma_wait3A_1336 = tpu.memref_slice %arg2[%dma_wait3A_1334, %add3A_1306, %dma_wait3A_1335] : memref<4x4096x1024xf32, #tpu.memory_space<hbm>> -> memref<4x8x1024xf32, #tpu.memory_space<hbm>>
    tpu.wait_dma2 semaphore(%arg7 : memref<!tpu.dma_semaphore, #tpu.memory_space<semaphore_mem>>) src(%dma_wait3A_1336 : memref<4x8x1024xf32, #tpu.memory_space<hbm>>) dst(%dma_wait3A_1333 : memref<4x8x1024xf32, #tpu.memory_space<vmem>>)
    %parallel_loop3A_1337 = arith.constant 0 : i32
    %parallel_loop3A_1338 = arith.constant 512 : i32
    %parallel_loop3A_1339 = arith.constant 1 : i32
    scf.for %parallel_loop3A_1680 = %parallel_loop3A_1337 to %parallel_loop3A_1338 step %parallel_loop3A_1339  : i32 {
      %parallel_loop3A_1681 = arith.constant 6 : i32
      %parallel_loop3A_1682 = arith.shrui %parallel_loop3A_1680, %parallel_loop3A_1681 : i32
      %parallel_loop3A_1683 = arith.constant 63 : i32
      %parallel_loop3A_1684 = arith.andi %parallel_loop3A_1680, %parallel_loop3A_1683 : i32
      %parallel_loop3A_1685 = arith.constant 16 : i32
      %parallel_loop3A_1686 = arith.muli %parallel_loop3A_1684, %parallel_loop3A_1685 : i32
      %parallel_loop3A_1687 = arith.constant 0 : i32
      %parallel_loop3A_1688 = arith.index_cast %parallel_loop3A_1687 : i32 to index
      %parallel_loop3A_1689 = arith.index_cast %parallel_loop3A_1682 : i32 to index
      %parallel_loop3A_1690 = arith.index_cast %parallel_loop3A_1686 : i32 to index
      %parallel_loop3A_1691 = tpu.vector_load %arg5[%parallel_loop3A_1688, %parallel_loop3A_1689, %parallel_loop3A_1690] {strides = array<i32>} : memref<3x8x1024xf32, #tpu.memory_space<vmem>>, vector<1x1x16xf32>,
      %parallel_loop3A_1692 = vector.shape_cast %parallel_loop3A_1691 : vector<1x1x16xf32> to vector<16xf32>
      %parallel_loop3A_1693 = arith.constant 0 : i32
      %parallel_loop3A_1694 = arith.constant 0 : i32
      %parallel_loop3A_1695 = arith.index_cast %parallel_loop3A_1693 : i32 to index
      %parallel_loop3A_1696 = arith.index_cast %parallel_loop3A_1694 : i32 to index
      %parallel_loop3A_1697 = arith.index_cast %parallel_loop3A_1682 : i32 to index
      %parallel_loop3A_1698 = arith.index_cast %parallel_loop3A_1686 : i32 to index
      %parallel_loop3A_1699 = tpu.vector_load %arg6[%parallel_loop3A_1695, %parallel_loop3A_1696, %parallel_loop3A_1697, %parallel_loop3A_1698] {strides = array<i32>} : memref<3x4x8x1024xf32, #tpu.memory_space<vmem>>, vector<1x1x1x16xf32>,
      %parallel_loop3A_1700 = vector.shape_cast %parallel_loop3A_1699 : vector<1x1x1x16xf32> to vector<16xf32>
      %parallel_loop3A_1701 = arith.addf %parallel_loop3A_1700, %parallel_loop3A_1692 : vector<16xf32>
      %parallel_loop3A_1702 = arith.constant 0 : i32
      %parallel_loop3A_1703 = arith.constant 0 : i32
      %parallel_loop3A_1704 = arith.index_cast %parallel_loop3A_1702 : i32 to index
      %parallel_loop3A_1705 = arith.index_cast %parallel_loop3A_1703 : i32 to index
      %parallel_loop3A_1706 = arith.index_cast %parallel_loop3A_1682 : i32 to index
      %parallel_loop3A_1707 = arith.index_cast %parallel_loop3A_1686 : i32 to index
      %parallel_loop3A_1708 = tpu.vector_load %arg6[%parallel_loop3A_1704, %parallel_loop3A_1705, %parallel_loop3A_1706, %parallel_loop3A_1707] {strides = array<i32>} : memref<3x4x8x1024xf32, #tpu.memory_space<vmem>>, vector<1x1x1x16xf32>,
      %parallel_loop3A_1709 = vector.shape_cast %parallel_loop3A_1708 : vector<1x1x1x16xf32> to vector<16xf32>
      %parallel_loop3A_1710 = vector.shape_cast %parallel_loop3A_1701 : vector<16xf32> to vector<1x1x1x16xf32>
      tpu.vector_store %arg6[%parallel_loop3A_1704, %parallel_loop3A_1705, %parallel_loop3A_1706, %parallel_loop3A_1707], %parallel_loop3A_1710 {strides = array<i32>} : memref<3x4x8x1024xf32, #tpu.memory_space<vmem>>, vector<1x1x1x16xf32>,
      %parallel_loop3A_1711 = arith.constant 0 : i32
      %parallel_loop3A_1712 = arith.constant 1 : i32
      %parallel_loop3A_1713 = arith.index_cast %parallel_loop3A_1711 : i32 to index
      %parallel_loop3A_1714 = arith.index_cast %parallel_loop3A_1712 : i32 to index
      %parallel_loop3A_1715 = arith.index_cast %parallel_loop3A_1682 : i32 to index
      %parallel_loop3A_1716 = arith.index_cast %parallel_loop3A_1686 : i32 to index
      %parallel_loop3A_1717 = tpu.vector_load %arg6[%parallel_loop3A_1713, %parallel_loop3A_1714, %parallel_loop3A_1715, %parallel_loop3A_1716] {strides = array<i32>} : memref<3x4x8x1024xf32, #tpu.memory_space<vmem>>, vector<1x1x1x16xf32>,
      %parallel_loop3A_1718 = vector.shape_cast %parallel_loop3A_1717 : vector<1x1x1x16xf32> to vector<16xf32>
      %parallel_loop3A_1719 = arith.addf %parallel_loop3A_1718, %parallel_loop3A_1692 : vector<16xf32>
      %parallel_loop3A_1720 = arith.constant 0 : i32
      %parallel_loop3A_1721 = arith.constant 1 : i32
      %parallel_loop3A_1722 = arith.index_cast %parallel_loop3A_1720 : i32 to index
      %parallel_loop3A_1723 = arith.index_cast %parallel_loop3A_1721 : i32 to index
      %parallel_loop3A_1724 = arith.index_cast %parallel_loop3A_1682 : i32 to index
      %parallel_loop3A_1725 = arith.index_cast %parallel_loop3A_1686 : i32 to index
      %parallel_loop3A_1726 = tpu.vector_load %arg6[%parallel_loop3A_1722, %parallel_loop3A_1723, %parallel_loop3A_1724, %parallel_loop3A_1725] {strides = array<i32>} : memref<3x4x8x1024xf32, #tpu.memory_space<vmem>>, vector<1x1x1x16xf32>,
      %parallel_loop3A_1727 = vector.shape_cast %parallel_loop3A_1726 : vector<1x1x1x16xf32> to vector<16xf32>
      %parallel_loop3A_1728 = vector.shape_cast %parallel_loop3A_1719 : vector<16xf32> to vector<1x1x1x16xf32>
      tpu.vector_store %arg6[%parallel_loop3A_1722, %parallel_loop3A_1723, %parallel_loop3A_1724, %parallel_loop3A_1725], %parallel_loop3A_1728 {strides = array<i32>} : memref<3x4x8x1024xf32, #tpu.memory_space<vmem>>, vector<1x1x1x16xf32>,
      %parallel_loop3A_1729 = arith.constant 0 : i32
      %parallel_loop3A_1730 = arith.constant 2 : i32
      %parallel_loop3A_1731 = arith.index_cast %parallel_loop3A_1729 : i32 to index
      %parallel_loop3A_1732 = arith.index_cast %parallel_loop3A_1730 : i32 to index
      %parallel_loop3A_1733 = arith.index_cast %parallel_loop3A_1682 : i32 to index
      %parallel_loop3A_1734 = arith.index_cast %parallel_loop3A_1686 : i32 to index
      %parallel_loop3A_1735 = tpu.vector_load %arg6[%parallel_loop3A_1731, %parallel_loop3A_1732, %parallel_loop3A_1733, %parallel_loop3A_1734] {strides = array<i32>} : memref<3x4x8x1024xf32, #tpu.memory_space<vmem>>, vector<1x1x1x16xf32>,
      %parallel_loop3A_1736 = vector.shape_cast %parallel_loop3A_1735 : vector<1x1x1x16xf32> to vector<16xf32>
      %parallel_loop3A_1737 = arith.addf %parallel_loop3A_1736, %parallel_loop3A_1692 : vector<16xf32>
      %parallel_loop3A_1738 = arith.constant 0 : i32
      %parallel_loop3A_1739 = arith.constant 2 : i32
      %parallel_loop3A_1740 = arith.index_cast %parallel_loop3A_1738 : i32 to index
      %parallel_loop3A_1741 = arith.index_cast %parallel_loop3A_1739 : i32 to index
      %parallel_loop3A_1742 = arith.index_cast %parallel_loop3A_1682 : i32 to index
      %parallel_loop3A_1743 = arith.index_cast %parallel_loop3A_1686 : i32 to index
      %parallel_loop3A_1744 = tpu.vector_load %arg6[%parallel_loop3A_1740, %parallel_loop3A_1741, %parallel_loop3A_1742, %parallel_loop3A_1743] {strides = array<i32>} : memref<3x4x8x1024xf32, #tpu.memory_space<vmem>>, vector<1x1x1x16xf32>,
      %parallel_loop3A_1745 = vector.shape_cast %parallel_loop3A_1744 : vector<1x1x1x16xf32> to vector<16xf32>
      %parallel_loop3A_1746 = vector.shape_cast %parallel_loop3A_1737 : vector<16xf32> to vector<1x1x1x16xf32>
      tpu.vector_store %arg6[%parallel_loop3A_1740, %parallel_loop3A_1741, %parallel_loop3A_1742, %parallel_loop3A_1743], %parallel_loop3A_1746 {strides = array<i32>} : memref<3x4x8x1024xf32, #tpu.memory_space<vmem>>, vector<1x1x1x16xf32>,
      %parallel_loop3A_1747 = arith.constant 0 : i32
      %parallel_loop3A_1748 = arith.constant 3 : i32
      %parallel_loop3A_1749 = arith.index_cast %parallel_loop3A_1747 : i32 to index
      %parallel_loop3A_1750 = arith.index_cast %parallel_loop3A_1748 : i32 to index
      %parallel_loop3A_1751 = arith.index_cast %parallel_loop3A_1682 : i32 to index
      %parallel_loop3A_1752 = arith.index_cast %parallel_loop3A_1686 : i32 to index
      %parallel_loop3A_1753 = tpu.vector_load %arg6[%parallel_loop3A_1749, %parallel_loop3A_1750, %parallel_loop3A_1751, %parallel_loop3A_1752] {strides = array<i32>} : memref<3x4x8x1024xf32, #tpu.memory_space<vmem>>, vector<1x1x1x16xf32>,
      %parallel_loop3A_1754 = vector.shape_cast %parallel_loop3A_1753 : vector<1x1x1x16xf32> to vector<16xf32>
      %parallel_loop3A_1755 = arith.addf %parallel_loop3A_1754, %parallel_loop3A_1692 : vector<16xf32>
      %parallel_loop3A_1756 = arith.constant 0 : i32
      %parallel_loop3A_1757 = arith.constant 3 : i32
      %parallel_loop3A_1758 = arith.index_cast %parallel_loop3A_1756 : i32 to index
      %parallel_loop3A_1759 = arith.index_cast %parallel_loop3A_1757 : i32 to index
      %parallel_loop3A_1760 = arith.index_cast %parallel_loop3A_1682 : i32 to index
      %parallel_loop3A_1761 = arith.index_cast %parallel_loop3A_1686 : i32 to index
      %parallel_loop3A_1762 = tpu.vector_load %arg6[%parallel_loop3A_1758, %parallel_loop3A_1759, %parallel_loop3A_1760, %parallel_loop3A_1761] {strides = array<i32>} : memref<3x4x8x1024xf32, #tpu.memory_space<vmem>>, vector<1x1x1x16xf32>,
      %parallel_loop3A_1763 = vector.shape_cast %parallel_loop3A_1762 : vector<1x1x1x16xf32> to vector<16xf32>
      %parallel_loop3A_1764 = vector.shape_cast %parallel_loop3A_1755 : vector<16xf32> to vector<1x1x1x16xf32>
      tpu.vector_store %arg6[%parallel_loop3A_1758, %parallel_loop3A_1759, %parallel_loop3A_1760, %parallel_loop3A_1761], %parallel_loop3A_1764 {strides = array<i32>} : memref<3x4x8x1024xf32, #tpu.memory_space<vmem>>, vector<1x1x1x16xf32>,
    } {sc.loop_unroll_factor = 8 : i64, sc.parallel_access}
    %add3A_1340 = arith.constant 96 : i32
    %add3A_1341 = arith.addi %mul3A_2, %add3A_1340 : i32
    %dma_start3A_1342 = arith.constant 0 : i32
    %dma_start3A_1343 = arith.constant 0 : i32
    %dma_start3A_1344 = arith.constant 0 : i32
    %dma_start3A_1345 = arith.constant 0 : i32
    %dma_start3A_1346 = tpu.memref_slice %arg6[%dma_start3A_1342, %dma_start3A_1343, %dma_start3A_1344, %dma_start3A_1345] : memref<3x4x8x1024xf32, #tpu.memory_space<vmem>> -> memref<1x4x8x1024xf32, #tpu.memory_space<vmem>>
    %dma_start3A_1347 = tpu.memref_squeeze %dma_start3A_1346 : memref<1x4x8x1024xf32, #tpu.memory_space<vmem>> -> memref<4x8x1024xf32, #tpu.memory_space<vmem>>
    %dma_start3A_1348 = arith.constant 0 : i32
    %dma_start3A_1349 = arith.constant 0 : i32
    %dma_start3A_1350 = tpu.memref_slice %arg4[%dma_start3A_1348, %add3A_1341, %dma_start3A_1349] : memref<4x4096x1024xf32, #tpu.memory_space<hbm>> -> memref<4x8x1024xf32, #tpu.memory_space<hbm>>
    %dma_start3A_1351 = arith.constant 0 : i32
    %dma_start3A_1352 = arith.constant 0 : i32
    %dma_start3A_1353 = tpu.memref_slice %arg4[%dma_start3A_1351, %add3A_1341, %dma_start3A_1352] : memref<4x4096x1024xf32, #tpu.memory_space<hbm>> -> memref<4x8x1024xf32, #tpu.memory_space<hbm>>
    %dma_start3A_1354 = arith.constant 0 : i32
    %dma_start3A_1355 = arith.constant 0 : i32
    %dma_start3A_1356 = arith.constant 0 : i32
    %dma_start3A_1357 = tpu.memref_slice %arg6[%dma_start3A_1342, %dma_start3A_1354, %dma_start3A_1355, %dma_start3A_1356] : memref<3x4x8x1024xf32, #tpu.memory_space<vmem>> -> memref<1x4x8x1024xf32, #tpu.memory_space<vmem>>
    %dma_start3A_1358 = tpu.memref_squeeze %dma_start3A_1357 : memref<1x4x8x1024xf32, #tpu.memory_space<vmem>> -> memref<4x8x1024xf32, #tpu.memory_space<vmem>>
    tpu.enqueue_dma source(%dma_start3A_1358 : memref<4x8x1024xf32, #tpu.memory_space<vmem>>) target(%dma_start3A_1353 : memref<4x8x1024xf32, #tpu.memory_space<hbm>>) target_semaphore(%arg10 : memref<!tpu.dma_semaphore, #tpu.memory_space<semaphore_mem>>)
    %add3A_1359 = arith.constant 88 : i32
    %add3A_1360 = arith.addi %mul3A_2, %add3A_1359 : i32
    %dma_wait3A_1361 = arith.constant 2 : i32
    %dma_wait3A_1362 = arith.constant 0 : i32
    %dma_wait3A_1363 = arith.constant 0 : i32
    %dma_wait3A_1364 = arith.constant 0 : i32
    %dma_wait3A_1365 = tpu.memref_slice %arg6[%dma_wait3A_1361, %dma_wait3A_1362, %dma_wait3A_1363, %dma_wait3A_1364] : memref<3x4x8x1024xf32, #tpu.memory_space<vmem>> -> memref<1x4x8x1024xf32, #tpu.memory_space<vmem>>
    %dma_wait3A_1366 = tpu.memref_squeeze %dma_wait3A_1365 : memref<1x4x8x1024xf32, #tpu.memory_space<vmem>> -> memref<4x8x1024xf32, #tpu.memory_space<vmem>>
    %dma_wait3A_1367 = arith.constant 0 : i32
    %dma_wait3A_1368 = arith.constant 0 : i32
    %dma_wait3A_1369 = tpu.memref_slice %arg4[%dma_wait3A_1367, %add3A_1360, %dma_wait3A_1368] : memref<4x4096x1024xf32, #tpu.memory_space<hbm>> -> memref<4x8x1024xf32, #tpu.memory_space<hbm>>
    %dma_wait3A_1370 = arith.constant 0 : i32
    %dma_wait3A_1371 = arith.constant 0 : i32
    %dma_wait3A_1372 = tpu.memref_slice %arg4[%dma_wait3A_1370, %add3A_1360, %dma_wait3A_1371] : memref<4x4096x1024xf32, #tpu.memory_space<hbm>> -> memref<4x8x1024xf32, #tpu.memory_space<hbm>>
    %dma_wait3A_1373 = arith.constant 0 : i32
    %dma_wait3A_1374 = arith.constant 0 : i32
    %dma_wait3A_1375 = arith.constant 0 : i32
    %dma_wait3A_1376 = tpu.memref_slice %arg6[%dma_wait3A_1361, %dma_wait3A_1373, %dma_wait3A_1374, %dma_wait3A_1375] : memref<3x4x8x1024xf32, #tpu.memory_space<vmem>> -> memref<1x4x8x1024xf32, #tpu.memory_space<vmem>>
    %dma_wait3A_1377 = tpu.memref_squeeze %dma_wait3A_1376 : memref<1x4x8x1024xf32, #tpu.memory_space<vmem>> -> memref<4x8x1024xf32, #tpu.memory_space<vmem>>
    tpu.wait_dma2 semaphore(%arg12 : memref<!tpu.dma_semaphore, #tpu.memory_space<semaphore_mem>>) src(%dma_wait3A_1377 : memref<4x8x1024xf32, #tpu.memory_space<vmem>>) dst(%dma_wait3A_1372 : memref<4x8x1024xf32, #tpu.memory_space<hbm>>)
    %add3A_1378 = arith.constant 112 : i32
    %add3A_1379 = arith.addi %mul3A_2, %add3A_1378 : i32
    %dma_start3A_1380 = arith.constant 2 : i32
    %dma_start3A_1381 = arith.constant 0 : i32
    %dma_start3A_1382 = arith.constant 0 : i32
    %dma_start3A_1383 = tpu.memref_slice %arg5[%dma_start3A_1380, %dma_start3A_1381, %dma_start3A_1382] : memref<3x8x1024xf32, #tpu.memory_space<vmem>> -> memref<1x8x1024xf32, #tpu.memory_space<vmem>>
    %dma_start3A_1384 = tpu.memref_squeeze %dma_start3A_1383 : memref<1x8x1024xf32, #tpu.memory_space<vmem>> -> memref<8x1024xf32, #tpu.memory_space<vmem>>
    %dma_start3A_1385 = arith.constant 0 : i32
    %dma_start3A_1386 = tpu.memref_slice %arg3[%add3A_1379, %dma_start3A_1385] : memref<8192x1024xf32, #tpu.memory_space<hbm>> -> memref<8x1024xf32, #tpu.memory_space<hbm>>
    %dma_start3A_1387 = arith.constant 0 : i32
    %dma_start3A_1388 = arith.constant 0 : i32
    %dma_start3A_1389 = tpu.memref_slice %arg5[%dma_start3A_1380, %dma_start3A_1387, %dma_start3A_1388] : memref<3x8x1024xf32, #tpu.memory_space<vmem>> -> memref<1x8x1024xf32, #tpu.memory_space<vmem>>
    %dma_start3A_1390 = tpu.memref_squeeze %dma_start3A_1389 : memref<1x8x1024xf32, #tpu.memory_space<vmem>> -> memref<8x1024xf32, #tpu.memory_space<vmem>>
    %dma_start3A_1391 = arith.constant 0 : i32
    %dma_start3A_1392 = tpu.memref_slice %arg3[%add3A_1379, %dma_start3A_1391] : memref<8192x1024xf32, #tpu.memory_space<hbm>> -> memref<8x1024xf32, #tpu.memory_space<hbm>>
    tpu.enqueue_dma source(%dma_start3A_1392 : memref<8x1024xf32, #tpu.memory_space<hbm>>) target(%dma_start3A_1390 : memref<8x1024xf32, #tpu.memory_space<vmem>>) target_semaphore(%arg9 : memref<!tpu.dma_semaphore, #tpu.memory_space<semaphore_mem>>)
    %dma_start3A_1393 = arith.constant 2 : i32
    %dma_start3A_1394 = arith.constant 0 : i32
    %dma_start3A_1395 = arith.constant 0 : i32
    %dma_start3A_1396 = arith.constant 0 : i32
    %dma_start3A_1397 = tpu.memref_slice %arg6[%dma_start3A_1393, %dma_start3A_1394, %dma_start3A_1395, %dma_start3A_1396] : memref<3x4x8x1024xf32, #tpu.memory_space<vmem>> -> memref<1x4x8x1024xf32, #tpu.memory_space<vmem>>
    %dma_start3A_1398 = tpu.memref_squeeze %dma_start3A_1397 : memref<1x4x8x1024xf32, #tpu.memory_space<vmem>> -> memref<4x8x1024xf32, #tpu.memory_space<vmem>>
    %dma_start3A_1399 = arith.constant 0 : i32
    %dma_start3A_1400 = arith.constant 0 : i32
    %dma_start3A_1401 = tpu.memref_slice %arg2[%dma_start3A_1399, %add3A_1379, %dma_start3A_1400] : memref<4x4096x1024xf32, #tpu.memory_space<hbm>> -> memref<4x8x1024xf32, #tpu.memory_space<hbm>>
    %dma_start3A_1402 = arith.constant 0 : i32
    %dma_start3A_1403 = arith.constant 0 : i32
    %dma_start3A_1404 = arith.constant 0 : i32
    %dma_start3A_1405 = tpu.memref_slice %arg6[%dma_start3A_1393, %dma_start3A_1402, %dma_start3A_1403, %dma_start3A_1404] : memref<3x4x8x1024xf32, #tpu.memory_space<vmem>> -> memref<1x4x8x1024xf32, #tpu.memory_space<vmem>>
    %dma_start3A_1406 = tpu.memref_squeeze %dma_start3A_1405 : memref<1x4x8x1024xf32, #tpu.memory_space<vmem>> -> memref<4x8x1024xf32, #tpu.memory_space<vmem>>
    %dma_start3A_1407 = arith.constant 0 : i32
    %dma_start3A_1408 = arith.constant 0 : i32
    %dma_start3A_1409 = tpu.memref_slice %arg2[%dma_start3A_1407, %add3A_1379, %dma_start3A_1408] : memref<4x4096x1024xf32, #tpu.memory_space<hbm>> -> memref<4x8x1024xf32, #tpu.memory_space<hbm>>
    tpu.enqueue_dma source(%dma_start3A_1409 : memref<4x8x1024xf32, #tpu.memory_space<hbm>>) target(%dma_start3A_1406 : memref<4x8x1024xf32, #tpu.memory_space<vmem>>) target_semaphore(%arg9 : memref<!tpu.dma_semaphore, #tpu.memory_space<semaphore_mem>>)
    %add3A_1410 = arith.constant 104 : i32
    %add3A_1411 = arith.addi %mul3A_2, %add3A_1410 : i32
    %dma_wait3A_1412 = arith.constant 1 : i32
    %dma_wait3A_1413 = arith.constant 0 : i32
    %dma_wait3A_1414 = arith.constant 0 : i32
    %dma_wait3A_1415 = tpu.memref_slice %arg5[%dma_wait3A_1412, %dma_wait3A_1413, %dma_wait3A_1414] : memref<3x8x1024xf32, #tpu.memory_space<vmem>> -> memref<1x8x1024xf32, #tpu.memory_space<vmem>>
    %dma_wait3A_1416 = tpu.memref_squeeze %dma_wait3A_1415 : memref<1x8x1024xf32, #tpu.memory_space<vmem>> -> memref<8x1024xf32, #tpu.memory_space<vmem>>
    %dma_wait3A_1417 = arith.constant 0 : i32
    %dma_wait3A_1418 = tpu.memref_slice %arg3[%add3A_1411, %dma_wait3A_1417] : memref<8192x1024xf32, #tpu.memory_space<hbm>> -> memref<8x1024xf32, #tpu.memory_space<hbm>>
    %dma_wait3A_1419 = arith.constant 0 : i32
    %dma_wait3A_1420 = arith.constant 0 : i32
    %dma_wait3A_1421 = tpu.memref_slice %arg5[%dma_wait3A_1412, %dma_wait3A_1419, %dma_wait3A_1420] : memref<3x8x1024xf32, #tpu.memory_space<vmem>> -> memref<1x8x1024xf32, #tpu.memory_space<vmem>>
    %dma_wait3A_1422 = tpu.memref_squeeze %dma_wait3A_1421 : memref<1x8x1024xf32, #tpu.memory_space<vmem>> -> memref<8x1024xf32, #tpu.memory_space<vmem>>
    %dma_wait3A_1423 = arith.constant 0 : i32
    %dma_wait3A_1424 = tpu.memref_slice %arg3[%add3A_1411, %dma_wait3A_1423] : memref<8192x1024xf32, #tpu.memory_space<hbm>> -> memref<8x1024xf32, #tpu.memory_space<hbm>>
    tpu.wait_dma2 semaphore(%arg8 : memref<!tpu.dma_semaphore, #tpu.memory_space<semaphore_mem>>) src(%dma_wait3A_1424 : memref<8x1024xf32, #tpu.memory_space<hbm>>) dst(%dma_wait3A_1422 : memref<8x1024xf32, #tpu.memory_space<vmem>>)
    %dma_wait3A_1425 = arith.constant 1 : i32
    %dma_wait3A_1426 = arith.constant 0 : i32
    %dma_wait3A_1427 = arith.constant 0 : i32
    %dma_wait3A_1428 = arith.constant 0 : i32
    %dma_wait3A_1429 = tpu.memref_slice %arg6[%dma_wait3A_1425, %dma_wait3A_1426, %dma_wait3A_1427, %dma_wait3A_1428] : memref<3x4x8x1024xf32, #tpu.memory_space<vmem>> -> memref<1x4x8x1024xf32, #tpu.memory_space<vmem>>
    %dma_wait3A_1430 = tpu.memref_squeeze %dma_wait3A_1429 : memref<1x4x8x1024xf32, #tpu.memory_space<vmem>> -> memref<4x8x1024xf32, #tpu.memory_space<vmem>>
    %dma_wait3A_1431 = arith.constant 0 : i32
    %dma_wait3A_1432 = arith.constant 0 : i32
    %dma_wait3A_1433 = tpu.memref_slice %arg2[%dma_wait3A_1431, %add3A_1411, %dma_wait3A_1432] : memref<4x4096x1024xf32, #tpu.memory_space<hbm>> -> memref<4x8x1024xf32, #tpu.memory_space<hbm>>
    %dma_wait3A_1434 = arith.constant 0 : i32
    %dma_wait3A_1435 = arith.constant 0 : i32
    %dma_wait3A_1436 = arith.constant 0 : i32
    %dma_wait3A_1437 = tpu.memref_slice %arg6[%dma_wait3A_1425, %dma_wait3A_1434, %dma_wait3A_1435, %dma_wait3A_1436] : memref<3x4x8x1024xf32, #tpu.memory_space<vmem>> -> memref<1x4x8x1024xf32, #tpu.memory_space<vmem>>
    %dma_wait3A_1438 = tpu.memref_squeeze %dma_wait3A_1437 : memref<1x4x8x1024xf32, #tpu.memory_space<vmem>> -> memref<4x8x1024xf32, #tpu.memory_space<vmem>>
    %dma_wait3A_1439 = arith.constant 0 : i32
    %dma_wait3A_1440 = arith.constant 0 : i32
    %dma_wait3A_1441 = tpu.memref_slice %arg2[%dma_wait3A_1439, %add3A_1411, %dma_wait3A_1440] : memref<4x4096x1024xf32, #tpu.memory_space<hbm>> -> memref<4x8x1024xf32, #tpu.memory_space<hbm>>
    tpu.wait_dma2 semaphore(%arg8 : memref<!tpu.dma_semaphore, #tpu.memory_space<semaphore_mem>>) src(%dma_wait3A_1441 : memref<4x8x1024xf32, #tpu.memory_space<hbm>>) dst(%dma_wait3A_1438 : memref<4x8x1024xf32, #tpu.memory_space<vmem>>)
    %parallel_loop3A_1442 = arith.constant 0 : i32
    %parallel_loop3A_1443 = arith.constant 512 : i32
    %parallel_loop3A_1444 = arith.constant 1 : i32
    scf.for %parallel_loop3A_1680 = %parallel_loop3A_1442 to %parallel_loop3A_1443 step %parallel_loop3A_1444  : i32 {
      %parallel_loop3A_1681 = arith.constant 6 : i32
      %parallel_loop3A_1682 = arith.shrui %parallel_loop3A_1680, %parallel_loop3A_1681 : i32
      %parallel_loop3A_1683 = arith.constant 63 : i32
      %parallel_loop3A_1684 = arith.andi %parallel_loop3A_1680, %parallel_loop3A_1683 : i32
      %parallel_loop3A_1685 = arith.constant 16 : i32
      %parallel_loop3A_1686 = arith.muli %parallel_loop3A_1684, %parallel_loop3A_1685 : i32
      %parallel_loop3A_1687 = arith.constant 1 : i32
      %parallel_loop3A_1688 = arith.index_cast %parallel_loop3A_1687 : i32 to index
      %parallel_loop3A_1689 = arith.index_cast %parallel_loop3A_1682 : i32 to index
      %parallel_loop3A_1690 = arith.index_cast %parallel_loop3A_1686 : i32 to index
      %parallel_loop3A_1691 = tpu.vector_load %arg5[%parallel_loop3A_1688, %parallel_loop3A_1689, %parallel_loop3A_1690] {strides = array<i32>} : memref<3x8x1024xf32, #tpu.memory_space<vmem>>, vector<1x1x16xf32>,
      %parallel_loop3A_1692 = vector.shape_cast %parallel_loop3A_1691 : vector<1x1x16xf32> to vector<16xf32>
      %parallel_loop3A_1693 = arith.constant 1 : i32
      %parallel_loop3A_1694 = arith.constant 0 : i32
      %parallel_loop3A_1695 = arith.index_cast %parallel_loop3A_1693 : i32 to index
      %parallel_loop3A_1696 = arith.index_cast %parallel_loop3A_1694 : i32 to index
      %parallel_loop3A_1697 = arith.index_cast %parallel_loop3A_1682 : i32 to index
      %parallel_loop3A_1698 = arith.index_cast %parallel_loop3A_1686 : i32 to index
      %parallel_loop3A_1699 = tpu.vector_load %arg6[%parallel_loop3A_1695, %parallel_loop3A_1696, %parallel_loop3A_1697, %parallel_loop3A_1698] {strides = array<i32>} : memref<3x4x8x1024xf32, #tpu.memory_space<vmem>>, vector<1x1x1x16xf32>,
      %parallel_loop3A_1700 = vector.shape_cast %parallel_loop3A_1699 : vector<1x1x1x16xf32> to vector<16xf32>
      %parallel_loop3A_1701 = arith.addf %parallel_loop3A_1700, %parallel_loop3A_1692 : vector<16xf32>
      %parallel_loop3A_1702 = arith.constant 1 : i32
      %parallel_loop3A_1703 = arith.constant 0 : i32
      %parallel_loop3A_1704 = arith.index_cast %parallel_loop3A_1702 : i32 to index
      %parallel_loop3A_1705 = arith.index_cast %parallel_loop3A_1703 : i32 to index
      %parallel_loop3A_1706 = arith.index_cast %parallel_loop3A_1682 : i32 to index
      %parallel_loop3A_1707 = arith.index_cast %parallel_loop3A_1686 : i32 to index
      %parallel_loop3A_1708 = tpu.vector_load %arg6[%parallel_loop3A_1704, %parallel_loop3A_1705, %parallel_loop3A_1706, %parallel_loop3A_1707] {strides = array<i32>} : memref<3x4x8x1024xf32, #tpu.memory_space<vmem>>, vector<1x1x1x16xf32>,
      %parallel_loop3A_1709 = vector.shape_cast %parallel_loop3A_1708 : vector<1x1x1x16xf32> to vector<16xf32>
      %parallel_loop3A_1710 = vector.shape_cast %parallel_loop3A_1701 : vector<16xf32> to vector<1x1x1x16xf32>
      tpu.vector_store %arg6[%parallel_loop3A_1704, %parallel_loop3A_1705, %parallel_loop3A_1706, %parallel_loop3A_1707], %parallel_loop3A_1710 {strides = array<i32>} : memref<3x4x8x1024xf32, #tpu.memory_space<vmem>>, vector<1x1x1x16xf32>,
      %parallel_loop3A_1711 = arith.constant 1 : i32
      %parallel_loop3A_1712 = arith.constant 1 : i32
      %parallel_loop3A_1713 = arith.index_cast %parallel_loop3A_1711 : i32 to index
      %parallel_loop3A_1714 = arith.index_cast %parallel_loop3A_1712 : i32 to index
      %parallel_loop3A_1715 = arith.index_cast %parallel_loop3A_1682 : i32 to index
      %parallel_loop3A_1716 = arith.index_cast %parallel_loop3A_1686 : i32 to index
      %parallel_loop3A_1717 = tpu.vector_load %arg6[%parallel_loop3A_1713, %parallel_loop3A_1714, %parallel_loop3A_1715, %parallel_loop3A_1716] {strides = array<i32>} : memref<3x4x8x1024xf32, #tpu.memory_space<vmem>>, vector<1x1x1x16xf32>,
      %parallel_loop3A_1718 = vector.shape_cast %parallel_loop3A_1717 : vector<1x1x1x16xf32> to vector<16xf32>
      %parallel_loop3A_1719 = arith.addf %parallel_loop3A_1718, %parallel_loop3A_1692 : vector<16xf32>
      %parallel_loop3A_1720 = arith.constant 1 : i32
      %parallel_loop3A_1721 = arith.constant 1 : i32
      %parallel_loop3A_1722 = arith.index_cast %parallel_loop3A_1720 : i32 to index
      %parallel_loop3A_1723 = arith.index_cast %parallel_loop3A_1721 : i32 to index
      %parallel_loop3A_1724 = arith.index_cast %parallel_loop3A_1682 : i32 to index
      %parallel_loop3A_1725 = arith.index_cast %parallel_loop3A_1686 : i32 to index
      %parallel_loop3A_1726 = tpu.vector_load %arg6[%parallel_loop3A_1722, %parallel_loop3A_1723, %parallel_loop3A_1724, %parallel_loop3A_1725] {strides = array<i32>} : memref<3x4x8x1024xf32, #tpu.memory_space<vmem>>, vector<1x1x1x16xf32>,
      %parallel_loop3A_1727 = vector.shape_cast %parallel_loop3A_1726 : vector<1x1x1x16xf32> to vector<16xf32>
      %parallel_loop3A_1728 = vector.shape_cast %parallel_loop3A_1719 : vector<16xf32> to vector<1x1x1x16xf32>
      tpu.vector_store %arg6[%parallel_loop3A_1722, %parallel_loop3A_1723, %parallel_loop3A_1724, %parallel_loop3A_1725], %parallel_loop3A_1728 {strides = array<i32>} : memref<3x4x8x1024xf32, #tpu.memory_space<vmem>>, vector<1x1x1x16xf32>,
      %parallel_loop3A_1729 = arith.constant 1 : i32
      %parallel_loop3A_1730 = arith.constant 2 : i32
      %parallel_loop3A_1731 = arith.index_cast %parallel_loop3A_1729 : i32 to index
      %parallel_loop3A_1732 = arith.index_cast %parallel_loop3A_1730 : i32 to index
      %parallel_loop3A_1733 = arith.index_cast %parallel_loop3A_1682 : i32 to index
      %parallel_loop3A_1734 = arith.index_cast %parallel_loop3A_1686 : i32 to index
      %parallel_loop3A_1735 = tpu.vector_load %arg6[%parallel_loop3A_1731, %parallel_loop3A_1732, %parallel_loop3A_1733, %parallel_loop3A_1734] {strides = array<i32>} : memref<3x4x8x1024xf32, #tpu.memory_space<vmem>>, vector<1x1x1x16xf32>,
      %parallel_loop3A_1736 = vector.shape_cast %parallel_loop3A_1735 : vector<1x1x1x16xf32> to vector<16xf32>
      %parallel_loop3A_1737 = arith.addf %parallel_loop3A_1736, %parallel_loop3A_1692 : vector<16xf32>
      %parallel_loop3A_1738 = arith.constant 1 : i32
      %parallel_loop3A_1739 = arith.constant 2 : i32
      %parallel_loop3A_1740 = arith.index_cast %parallel_loop3A_1738 : i32 to index
      %parallel_loop3A_1741 = arith.index_cast %parallel_loop3A_1739 : i32 to index
      %parallel_loop3A_1742 = arith.index_cast %parallel_loop3A_1682 : i32 to index
      %parallel_loop3A_1743 = arith.index_cast %parallel_loop3A_1686 : i32 to index
      %parallel_loop3A_1744 = tpu.vector_load %arg6[%parallel_loop3A_1740, %parallel_loop3A_1741, %parallel_loop3A_1742, %parallel_loop3A_1743] {strides = array<i32>} : memref<3x4x8x1024xf32, #tpu.memory_space<vmem>>, vector<1x1x1x16xf32>,
      %parallel_loop3A_1745 = vector.shape_cast %parallel_loop3A_1744 : vector<1x1x1x16xf32> to vector<16xf32>
      %parallel_loop3A_1746 = vector.shape_cast %parallel_loop3A_1737 : vector<16xf32> to vector<1x1x1x16xf32>
      tpu.vector_store %arg6[%parallel_loop3A_1740, %parallel_loop3A_1741, %parallel_loop3A_1742, %parallel_loop3A_1743], %parallel_loop3A_1746 {strides = array<i32>} : memref<3x4x8x1024xf32, #tpu.memory_space<vmem>>, vector<1x1x1x16xf32>,
      %parallel_loop3A_1747 = arith.constant 1 : i32
      %parallel_loop3A_1748 = arith.constant 3 : i32
      %parallel_loop3A_1749 = arith.index_cast %parallel_loop3A_1747 : i32 to index
      %parallel_loop3A_1750 = arith.index_cast %parallel_loop3A_1748 : i32 to index
      %parallel_loop3A_1751 = arith.index_cast %parallel_loop3A_1682 : i32 to index
      %parallel_loop3A_1752 = arith.index_cast %parallel_loop3A_1686 : i32 to index
      %parallel_loop3A_1753 = tpu.vector_load %arg6[%parallel_loop3A_1749, %parallel_loop3A_1750, %parallel_loop3A_1751, %parallel_loop3A_1752] {strides = array<i32>} : memref<3x4x8x1024xf32, #tpu.memory_space<vmem>>, vector<1x1x1x16xf32>,
      %parallel_loop3A_1754 = vector.shape_cast %parallel_loop3A_1753 : vector<1x1x1x16xf32> to vector<16xf32>
      %parallel_loop3A_1755 = arith.addf %parallel_loop3A_1754, %parallel_loop3A_1692 : vector<16xf32>
      %parallel_loop3A_1756 = arith.constant 1 : i32
      %parallel_loop3A_1757 = arith.constant 3 : i32
      %parallel_loop3A_1758 = arith.index_cast %parallel_loop3A_1756 : i32 to index
      %parallel_loop3A_1759 = arith.index_cast %parallel_loop3A_1757 : i32 to index
      %parallel_loop3A_1760 = arith.index_cast %parallel_loop3A_1682 : i32 to index
      %parallel_loop3A_1761 = arith.index_cast %parallel_loop3A_1686 : i32 to index
      %parallel_loop3A_1762 = tpu.vector_load %arg6[%parallel_loop3A_1758, %parallel_loop3A_1759, %parallel_loop3A_1760, %parallel_loop3A_1761] {strides = array<i32>} : memref<3x4x8x1024xf32, #tpu.memory_space<vmem>>, vector<1x1x1x16xf32>,
      %parallel_loop3A_1763 = vector.shape_cast %parallel_loop3A_1762 : vector<1x1x1x16xf32> to vector<16xf32>
      %parallel_loop3A_1764 = vector.shape_cast %parallel_loop3A_1755 : vector<16xf32> to vector<1x1x1x16xf32>
      tpu.vector_store %arg6[%parallel_loop3A_1758, %parallel_loop3A_1759, %parallel_loop3A_1760, %parallel_loop3A_1761], %parallel_loop3A_1764 {strides = array<i32>} : memref<3x4x8x1024xf32, #tpu.memory_space<vmem>>, vector<1x1x1x16xf32>,
    } {sc.loop_unroll_factor = 8 : i64, sc.parallel_access}
    %add3A_1445 = arith.constant 104 : i32
    %add3A_1446 = arith.addi %mul3A_2, %add3A_1445 : i32
    %dma_start3A_1447 = arith.constant 1 : i32
    %dma_start3A_1448 = arith.constant 0 : i32
    %dma_start3A_1449 = arith.constant 0 : i32
    %dma_start3A_1450 = arith.constant 0 : i32
    %dma_start3A_1451 = tpu.memref_slice %arg6[%dma_start3A_1447, %dma_start3A_1448, %dma_start3A_1449, %dma_start3A_1450] : memref<3x4x8x1024xf32, #tpu.memory_space<vmem>> -> memref<1x4x8x1024xf32, #tpu.memory_space<vmem>>
    %dma_start3A_1452 = tpu.memref_squeeze %dma_start3A_1451 : memref<1x4x8x1024xf32, #tpu.memory_space<vmem>> -> memref<4x8x1024xf32, #tpu.memory_space<vmem>>
    %dma_start3A_1453 = arith.constant 0 : i32
    %dma_start3A_1454 = arith.constant 0 : i32
    %dma_start3A_1455 = tpu.memref_slice %arg4[%dma_start3A_1453, %add3A_1446, %dma_start3A_1454] : memref<4x4096x1024xf32, #tpu.memory_space<hbm>> -> memref<4x8x1024xf32, #tpu.memory_space<hbm>>
    %dma_start3A_1456 = arith.constant 0 : i32
    %dma_start3A_1457 = arith.constant 0 : i32
    %dma_start3A_1458 = tpu.memref_slice %arg4[%dma_start3A_1456, %add3A_1446, %dma_start3A_1457] : memref<4x4096x1024xf32, #tpu.memory_space<hbm>> -> memref<4x8x1024xf32, #tpu.memory_space<hbm>>
    %dma_start3A_1459 = arith.constant 0 : i32
    %dma_start3A_1460 = arith.constant 0 : i32
    %dma_start3A_1461 = arith.constant 0 : i32
    %dma_start3A_1462 = tpu.memref_slice %arg6[%dma_start3A_1447, %dma_start3A_1459, %dma_start3A_1460, %dma_start3A_1461] : memref<3x4x8x1024xf32, #tpu.memory_space<vmem>> -> memref<1x4x8x1024xf32, #tpu.memory_space<vmem>>
    %dma_start3A_1463 = tpu.memref_squeeze %dma_start3A_1462 : memref<1x4x8x1024xf32, #tpu.memory_space<vmem>> -> memref<4x8x1024xf32, #tpu.memory_space<vmem>>
    tpu.enqueue_dma source(%dma_start3A_1463 : memref<4x8x1024xf32, #tpu.memory_space<vmem>>) target(%dma_start3A_1458 : memref<4x8x1024xf32, #tpu.memory_space<hbm>>) target_semaphore(%arg11 : memref<!tpu.dma_semaphore, #tpu.memory_space<semaphore_mem>>)
    %add3A_1464 = arith.constant 96 : i32
    %add3A_1465 = arith.addi %mul3A_2, %add3A_1464 : i32
    %dma_wait3A_1466 = arith.constant 0 : i32
    %dma_wait3A_1467 = arith.constant 0 : i32
    %dma_wait3A_1468 = arith.constant 0 : i32
    %dma_wait3A_1469 = arith.constant 0 : i32
    %dma_wait3A_1470 = tpu.memref_slice %arg6[%dma_wait3A_1466, %dma_wait3A_1467, %dma_wait3A_1468, %dma_wait3A_1469] : memref<3x4x8x1024xf32, #tpu.memory_space<vmem>> -> memref<1x4x8x1024xf32, #tpu.memory_space<vmem>>
    %dma_wait3A_1471 = tpu.memref_squeeze %dma_wait3A_1470 : memref<1x4x8x1024xf32, #tpu.memory_space<vmem>> -> memref<4x8x1024xf32, #tpu.memory_space<vmem>>
    %dma_wait3A_1472 = arith.constant 0 : i32
    %dma_wait3A_1473 = arith.constant 0 : i32
    %dma_wait3A_1474 = tpu.memref_slice %arg4[%dma_wait3A_1472, %add3A_1465, %dma_wait3A_1473] : memref<4x4096x1024xf32, #tpu.memory_space<hbm>> -> memref<4x8x1024xf32, #tpu.memory_space<hbm>>
    %dma_wait3A_1475 = arith.constant 0 : i32
    %dma_wait3A_1476 = arith.constant 0 : i32
    %dma_wait3A_1477 = tpu.memref_slice %arg4[%dma_wait3A_1475, %add3A_1465, %dma_wait3A_1476] : memref<4x4096x1024xf32, #tpu.memory_space<hbm>> -> memref<4x8x1024xf32, #tpu.memory_space<hbm>>
    %dma_wait3A_1478 = arith.constant 0 : i32
    %dma_wait3A_1479 = arith.constant 0 : i32
    %dma_wait3A_1480 = arith.constant 0 : i32
    %dma_wait3A_1481 = tpu.memref_slice %arg6[%dma_wait3A_1466, %dma_wait3A_1478, %dma_wait3A_1479, %dma_wait3A_1480] : memref<3x4x8x1024xf32, #tpu.memory_space<vmem>> -> memref<1x4x8x1024xf32, #tpu.memory_space<vmem>>
    %dma_wait3A_1482 = tpu.memref_squeeze %dma_wait3A_1481 : memref<1x4x8x1024xf32, #tpu.memory_space<vmem>> -> memref<4x8x1024xf32, #tpu.memory_space<vmem>>
    tpu.wait_dma2 semaphore(%arg10 : memref<!tpu.dma_semaphore, #tpu.memory_space<semaphore_mem>>) src(%dma_wait3A_1482 : memref<4x8x1024xf32, #tpu.memory_space<vmem>>) dst(%dma_wait3A_1477 : memref<4x8x1024xf32, #tpu.memory_space<hbm>>)
    %add3A_1483 = arith.constant 120 : i32
    %add3A_1484 = arith.addi %mul3A_2, %add3A_1483 : i32
    %dma_start3A_1485 = arith.constant 0 : i32
    %dma_start3A_1486 = arith.constant 0 : i32
    %dma_start3A_1487 = arith.constant 0 : i32
    %dma_start3A_1488 = tpu.memref_slice %arg5[%dma_start3A_1485, %dma_start3A_1486, %dma_start3A_1487] : memref<3x8x1024xf32, #tpu.memory_space<vmem>> -> memref<1x8x1024xf32, #tpu.memory_space<vmem>>
    %dma_start3A_1489 = tpu.memref_squeeze %dma_start3A_1488 : memref<1x8x1024xf32, #tpu.memory_space<vmem>> -> memref<8x1024xf32, #tpu.memory_space<vmem>>
    %dma_start3A_1490 = arith.constant 0 : i32
    %dma_start3A_1491 = tpu.memref_slice %arg3[%add3A_1484, %dma_start3A_1490] : memref<8192x1024xf32, #tpu.memory_space<hbm>> -> memref<8x1024xf32, #tpu.memory_space<hbm>>
    %dma_start3A_1492 = arith.constant 0 : i32
    %dma_start3A_1493 = arith.constant 0 : i32
    %dma_start3A_1494 = tpu.memref_slice %arg5[%dma_start3A_1485, %dma_start3A_1492, %dma_start3A_1493] : memref<3x8x1024xf32, #tpu.memory_space<vmem>> -> memref<1x8x1024xf32, #tpu.memory_space<vmem>>
    %dma_start3A_1495 = tpu.memref_squeeze %dma_start3A_1494 : memref<1x8x1024xf32, #tpu.memory_space<vmem>> -> memref<8x1024xf32, #tpu.memory_space<vmem>>
    %dma_start3A_1496 = arith.constant 0 : i32
    %dma_start3A_1497 = tpu.memref_slice %arg3[%add3A_1484, %dma_start3A_1496] : memref<8192x1024xf32, #tpu.memory_space<hbm>> -> memref<8x1024xf32, #tpu.memory_space<hbm>>
    tpu.enqueue_dma source(%dma_start3A_1497 : memref<8x1024xf32, #tpu.memory_space<hbm>>) target(%dma_start3A_1495 : memref<8x1024xf32, #tpu.memory_space<vmem>>) target_semaphore(%arg7 : memref<!tpu.dma_semaphore, #tpu.memory_space<semaphore_mem>>)
    %dma_start3A_1498 = arith.constant 0 : i32
    %dma_start3A_1499 = arith.constant 0 : i32
    %dma_start3A_1500 = arith.constant 0 : i32
    %dma_start3A_1501 = arith.constant 0 : i32
    %dma_start3A_1502 = tpu.memref_slice %arg6[%dma_start3A_1498, %dma_start3A_1499, %dma_start3A_1500, %dma_start3A_1501] : memref<3x4x8x1024xf32, #tpu.memory_space<vmem>> -> memref<1x4x8x1024xf32, #tpu.memory_space<vmem>>
    %dma_start3A_1503 = tpu.memref_squeeze %dma_start3A_1502 : memref<1x4x8x1024xf32, #tpu.memory_space<vmem>> -> memref<4x8x1024xf32, #tpu.memory_space<vmem>>
    %dma_start3A_1504 = arith.constant 0 : i32
    %dma_start3A_1505 = arith.constant 0 : i32
    %dma_start3A_1506 = tpu.memref_slice %arg2[%dma_start3A_1504, %add3A_1484, %dma_start3A_1505] : memref<4x4096x1024xf32, #tpu.memory_space<hbm>> -> memref<4x8x1024xf32, #tpu.memory_space<hbm>>
    %dma_start3A_1507 = arith.constant 0 : i32
    %dma_start3A_1508 = arith.constant 0 : i32
    %dma_start3A_1509 = arith.constant 0 : i32
    %dma_start3A_1510 = tpu.memref_slice %arg6[%dma_start3A_1498, %dma_start3A_1507, %dma_start3A_1508, %dma_start3A_1509] : memref<3x4x8x1024xf32, #tpu.memory_space<vmem>> -> memref<1x4x8x1024xf32, #tpu.memory_space<vmem>>
    %dma_start3A_1511 = tpu.memref_squeeze %dma_start3A_1510 : memref<1x4x8x1024xf32, #tpu.memory_space<vmem>> -> memref<4x8x1024xf32, #tpu.memory_space<vmem>>
    %dma_start3A_1512 = arith.constant 0 : i32
    %dma_start3A_1513 = arith.constant 0 : i32
    %dma_start3A_1514 = tpu.memref_slice %arg2[%dma_start3A_1512, %add3A_1484, %dma_start3A_1513] : memref<4x4096x1024xf32, #tpu.memory_space<hbm>> -> memref<4x8x1024xf32, #tpu.memory_space<hbm>>
    tpu.enqueue_dma source(%dma_start3A_1514 : memref<4x8x1024xf32, #tpu.memory_space<hbm>>) target(%dma_start3A_1511 : memref<4x8x1024xf32, #tpu.memory_space<vmem>>) target_semaphore(%arg7 : memref<!tpu.dma_semaphore, #tpu.memory_space<semaphore_mem>>)
    %add3A_1515 = arith.constant 112 : i32
    %add3A_1516 = arith.addi %mul3A_2, %add3A_1515 : i32
    %dma_wait3A_1517 = arith.constant 2 : i32
    %dma_wait3A_1518 = arith.constant 0 : i32
    %dma_wait3A_1519 = arith.constant 0 : i32
    %dma_wait3A_1520 = tpu.memref_slice %arg5[%dma_wait3A_1517, %dma_wait3A_1518, %dma_wait3A_1519] : memref<3x8x1024xf32, #tpu.memory_space<vmem>> -> memref<1x8x1024xf32, #tpu.memory_space<vmem>>
    %dma_wait3A_1521 = tpu.memref_squeeze %dma_wait3A_1520 : memref<1x8x1024xf32, #tpu.memory_space<vmem>> -> memref<8x1024xf32, #tpu.memory_space<vmem>>
    %dma_wait3A_1522 = arith.constant 0 : i32
    %dma_wait3A_1523 = tpu.memref_slice %arg3[%add3A_1516, %dma_wait3A_1522] : memref<8192x1024xf32, #tpu.memory_space<hbm>> -> memref<8x1024xf32, #tpu.memory_space<hbm>>
    %dma_wait3A_1524 = arith.constant 0 : i32
    %dma_wait3A_1525 = arith.constant 0 : i32
    %dma_wait3A_1526 = tpu.memref_slice %arg5[%dma_wait3A_1517, %dma_wait3A_1524, %dma_wait3A_1525] : memref<3x8x1024xf32, #tpu.memory_space<vmem>> -> memref<1x8x1024xf32, #tpu.memory_space<vmem>>
    %dma_wait3A_1527 = tpu.memref_squeeze %dma_wait3A_1526 : memref<1x8x1024xf32, #tpu.memory_space<vmem>> -> memref<8x1024xf32, #tpu.memory_space<vmem>>
    %dma_wait3A_1528 = arith.constant 0 : i32
    %dma_wait3A_1529 = tpu.memref_slice %arg3[%add3A_1516, %dma_wait3A_1528] : memref<8192x1024xf32, #tpu.memory_space<hbm>> -> memref<8x1024xf32, #tpu.memory_space<hbm>>
    tpu.wait_dma2 semaphore(%arg9 : memref<!tpu.dma_semaphore, #tpu.memory_space<semaphore_mem>>) src(%dma_wait3A_1529 : memref<8x1024xf32, #tpu.memory_space<hbm>>) dst(%dma_wait3A_1527 : memref<8x1024xf32, #tpu.memory_space<vmem>>)
    %dma_wait3A_1530 = arith.constant 2 : i32
    %dma_wait3A_1531 = arith.constant 0 : i32
    %dma_wait3A_1532 = arith.constant 0 : i32
    %dma_wait3A_1533 = arith.constant 0 : i32
    %dma_wait3A_1534 = tpu.memref_slice %arg6[%dma_wait3A_1530, %dma_wait3A_1531, %dma_wait3A_1532, %dma_wait3A_1533] : memref<3x4x8x1024xf32, #tpu.memory_space<vmem>> -> memref<1x4x8x1024xf32, #tpu.memory_space<vmem>>
    %dma_wait3A_1535 = tpu.memref_squeeze %dma_wait3A_1534 : memref<1x4x8x1024xf32, #tpu.memory_space<vmem>> -> memref<4x8x1024xf32, #tpu.memory_space<vmem>>
    %dma_wait3A_1536 = arith.constant 0 : i32
    %dma_wait3A_1537 = arith.constant 0 : i32
    %dma_wait3A_1538 = tpu.memref_slice %arg2[%dma_wait3A_1536, %add3A_1516, %dma_wait3A_1537] : memref<4x4096x1024xf32, #tpu.memory_space<hbm>> -> memref<4x8x1024xf32, #tpu.memory_space<hbm>>
    %dma_wait3A_1539 = arith.constant 0 : i32
    %dma_wait3A_1540 = arith.constant 0 : i32
    %dma_wait3A_1541 = arith.constant 0 : i32
    %dma_wait3A_1542 = tpu.memref_slice %arg6[%dma_wait3A_1530, %dma_wait3A_1539, %dma_wait3A_1540, %dma_wait3A_1541] : memref<3x4x8x1024xf32, #tpu.memory_space<vmem>> -> memref<1x4x8x1024xf32, #tpu.memory_space<vmem>>
    %dma_wait3A_1543 = tpu.memref_squeeze %dma_wait3A_1542 : memref<1x4x8x1024xf32, #tpu.memory_space<vmem>> -> memref<4x8x1024xf32, #tpu.memory_space<vmem>>
    %dma_wait3A_1544 = arith.constant 0 : i32
    %dma_wait3A_1545 = arith.constant 0 : i32
    %dma_wait3A_1546 = tpu.memref_slice %arg2[%dma_wait3A_1544, %add3A_1516, %dma_wait3A_1545] : memref<4x4096x1024xf32, #tpu.memory_space<hbm>> -> memref<4x8x1024xf32, #tpu.memory_space<hbm>>
    tpu.wait_dma2 semaphore(%arg9 : memref<!tpu.dma_semaphore, #tpu.memory_space<semaphore_mem>>) src(%dma_wait3A_1546 : memref<4x8x1024xf32, #tpu.memory_space<hbm>>) dst(%dma_wait3A_1543 : memref<4x8x1024xf32, #tpu.memory_space<vmem>>)
    %parallel_loop3A_1547 = arith.constant 0 : i32
    %parallel_loop3A_1548 = arith.constant 512 : i32
    %parallel_loop3A_1549 = arith.constant 1 : i32
    scf.for %parallel_loop3A_1680 = %parallel_loop3A_1547 to %parallel_loop3A_1548 step %parallel_loop3A_1549  : i32 {
      %parallel_loop3A_1681 = arith.constant 6 : i32
      %parallel_loop3A_1682 = arith.shrui %parallel_loop3A_1680, %parallel_loop3A_1681 : i32
      %parallel_loop3A_1683 = arith.constant 63 : i32
      %parallel_loop3A_1684 = arith.andi %parallel_loop3A_1680, %parallel_loop3A_1683 : i32
      %parallel_loop3A_1685 = arith.constant 16 : i32
      %parallel_loop3A_1686 = arith.muli %parallel_loop3A_1684, %parallel_loop3A_1685 : i32
      %parallel_loop3A_1687 = arith.constant 2 : i32
      %parallel_loop3A_1688 = arith.index_cast %parallel_loop3A_1687 : i32 to index
      %parallel_loop3A_1689 = arith.index_cast %parallel_loop3A_1682 : i32 to index
      %parallel_loop3A_1690 = arith.index_cast %parallel_loop3A_1686 : i32 to index
      %parallel_loop3A_1691 = tpu.vector_load %arg5[%parallel_loop3A_1688, %parallel_loop3A_1689, %parallel_loop3A_1690] {strides = array<i32>} : memref<3x8x1024xf32, #tpu.memory_space<vmem>>, vector<1x1x16xf32>,
      %parallel_loop3A_1692 = vector.shape_cast %parallel_loop3A_1691 : vector<1x1x16xf32> to vector<16xf32>
      %parallel_loop3A_1693 = arith.constant 2 : i32
      %parallel_loop3A_1694 = arith.constant 0 : i32
      %parallel_loop3A_1695 = arith.index_cast %parallel_loop3A_1693 : i32 to index
      %parallel_loop3A_1696 = arith.index_cast %parallel_loop3A_1694 : i32 to index
      %parallel_loop3A_1697 = arith.index_cast %parallel_loop3A_1682 : i32 to index
      %parallel_loop3A_1698 = arith.index_cast %parallel_loop3A_1686 : i32 to index
      %parallel_loop3A_1699 = tpu.vector_load %arg6[%parallel_loop3A_1695, %parallel_loop3A_1696, %parallel_loop3A_1697, %parallel_loop3A_1698] {strides = array<i32>} : memref<3x4x8x1024xf32, #tpu.memory_space<vmem>>, vector<1x1x1x16xf32>,
      %parallel_loop3A_1700 = vector.shape_cast %parallel_loop3A_1699 : vector<1x1x1x16xf32> to vector<16xf32>
      %parallel_loop3A_1701 = arith.addf %parallel_loop3A_1700, %parallel_loop3A_1692 : vector<16xf32>
      %parallel_loop3A_1702 = arith.constant 2 : i32
      %parallel_loop3A_1703 = arith.constant 0 : i32
      %parallel_loop3A_1704 = arith.index_cast %parallel_loop3A_1702 : i32 to index
      %parallel_loop3A_1705 = arith.index_cast %parallel_loop3A_1703 : i32 to index
      %parallel_loop3A_1706 = arith.index_cast %parallel_loop3A_1682 : i32 to index
      %parallel_loop3A_1707 = arith.index_cast %parallel_loop3A_1686 : i32 to index
      %parallel_loop3A_1708 = tpu.vector_load %arg6[%parallel_loop3A_1704, %parallel_loop3A_1705, %parallel_loop3A_1706, %parallel_loop3A_1707] {strides = array<i32>} : memref<3x4x8x1024xf32, #tpu.memory_space<vmem>>, vector<1x1x1x16xf32>,
      %parallel_loop3A_1709 = vector.shape_cast %parallel_loop3A_1708 : vector<1x1x1x16xf32> to vector<16xf32>
      %parallel_loop3A_1710 = vector.shape_cast %parallel_loop3A_1701 : vector<16xf32> to vector<1x1x1x16xf32>
      tpu.vector_store %arg6[%parallel_loop3A_1704, %parallel_loop3A_1705, %parallel_loop3A_1706, %parallel_loop3A_1707], %parallel_loop3A_1710 {strides = array<i32>} : memref<3x4x8x1024xf32, #tpu.memory_space<vmem>>, vector<1x1x1x16xf32>,
      %parallel_loop3A_1711 = arith.constant 2 : i32
      %parallel_loop3A_1712 = arith.constant 1 : i32
      %parallel_loop3A_1713 = arith.index_cast %parallel_loop3A_1711 : i32 to index
      %parallel_loop3A_1714 = arith.index_cast %parallel_loop3A_1712 : i32 to index
      %parallel_loop3A_1715 = arith.index_cast %parallel_loop3A_1682 : i32 to index
      %parallel_loop3A_1716 = arith.index_cast %parallel_loop3A_1686 : i32 to index
      %parallel_loop3A_1717 = tpu.vector_load %arg6[%parallel_loop3A_1713, %parallel_loop3A_1714, %parallel_loop3A_1715, %parallel_loop3A_1716] {strides = array<i32>} : memref<3x4x8x1024xf32, #tpu.memory_space<vmem>>, vector<1x1x1x16xf32>,
      %parallel_loop3A_1718 = vector.shape_cast %parallel_loop3A_1717 : vector<1x1x1x16xf32> to vector<16xf32>
      %parallel_loop3A_1719 = arith.addf %parallel_loop3A_1718, %parallel_loop3A_1692 : vector<16xf32>
      %parallel_loop3A_1720 = arith.constant 2 : i32
      %parallel_loop3A_1721 = arith.constant 1 : i32
      %parallel_loop3A_1722 = arith.index_cast %parallel_loop3A_1720 : i32 to index
      %parallel_loop3A_1723 = arith.index_cast %parallel_loop3A_1721 : i32 to index
      %parallel_loop3A_1724 = arith.index_cast %parallel_loop3A_1682 : i32 to index
      %parallel_loop3A_1725 = arith.index_cast %parallel_loop3A_1686 : i32 to index
      %parallel_loop3A_1726 = tpu.vector_load %arg6[%parallel_loop3A_1722, %parallel_loop3A_1723, %parallel_loop3A_1724, %parallel_loop3A_1725] {strides = array<i32>} : memref<3x4x8x1024xf32, #tpu.memory_space<vmem>>, vector<1x1x1x16xf32>,
      %parallel_loop3A_1727 = vector.shape_cast %parallel_loop3A_1726 : vector<1x1x1x16xf32> to vector<16xf32>
      %parallel_loop3A_1728 = vector.shape_cast %parallel_loop3A_1719 : vector<16xf32> to vector<1x1x1x16xf32>
      tpu.vector_store %arg6[%parallel_loop3A_1722, %parallel_loop3A_1723, %parallel_loop3A_1724, %parallel_loop3A_1725], %parallel_loop3A_1728 {strides = array<i32>} : memref<3x4x8x1024xf32, #tpu.memory_space<vmem>>, vector<1x1x1x16xf32>,
      %parallel_loop3A_1729 = arith.constant 2 : i32
      %parallel_loop3A_1730 = arith.constant 2 : i32
      %parallel_loop3A_1731 = arith.index_cast %parallel_loop3A_1729 : i32 to index
      %parallel_loop3A_1732 = arith.index_cast %parallel_loop3A_1730 : i32 to index
      %parallel_loop3A_1733 = arith.index_cast %parallel_loop3A_1682 : i32 to index
      %parallel_loop3A_1734 = arith.index_cast %parallel_loop3A_1686 : i32 to index
      %parallel_loop3A_1735 = tpu.vector_load %arg6[%parallel_loop3A_1731, %parallel_loop3A_1732, %parallel_loop3A_1733, %parallel_loop3A_1734] {strides = array<i32>} : memref<3x4x8x1024xf32, #tpu.memory_space<vmem>>, vector<1x1x1x16xf32>,
      %parallel_loop3A_1736 = vector.shape_cast %parallel_loop3A_1735 : vector<1x1x1x16xf32> to vector<16xf32>
      %parallel_loop3A_1737 = arith.addf %parallel_loop3A_1736, %parallel_loop3A_1692 : vector<16xf32>
      %parallel_loop3A_1738 = arith.constant 2 : i32
      %parallel_loop3A_1739 = arith.constant 2 : i32
      %parallel_loop3A_1740 = arith.index_cast %parallel_loop3A_1738 : i32 to index
      %parallel_loop3A_1741 = arith.index_cast %parallel_loop3A_1739 : i32 to index
      %parallel_loop3A_1742 = arith.index_cast %parallel_loop3A_1682 : i32 to index
      %parallel_loop3A_1743 = arith.index_cast %parallel_loop3A_1686 : i32 to index
      %parallel_loop3A_1744 = tpu.vector_load %arg6[%parallel_loop3A_1740, %parallel_loop3A_1741, %parallel_loop3A_1742, %parallel_loop3A_1743] {strides = array<i32>} : memref<3x4x8x1024xf32, #tpu.memory_space<vmem>>, vector<1x1x1x16xf32>,
      %parallel_loop3A_1745 = vector.shape_cast %parallel_loop3A_1744 : vector<1x1x1x16xf32> to vector<16xf32>
      %parallel_loop3A_1746 = vector.shape_cast %parallel_loop3A_1737 : vector<16xf32> to vector<1x1x1x16xf32>
      tpu.vector_store %arg6[%parallel_loop3A_1740, %parallel_loop3A_1741, %parallel_loop3A_1742, %parallel_loop3A_1743], %parallel_loop3A_1746 {strides = array<i32>} : memref<3x4x8x1024xf32, #tpu.memory_space<vmem>>, vector<1x1x1x16xf32>,
      %parallel_loop3A_1747 = arith.constant 2 : i32
      %parallel_loop3A_1748 = arith.constant 3 : i32
      %parallel_loop3A_1749 = arith.index_cast %parallel_loop3A_1747 : i32 to index
      %parallel_loop3A_1750 = arith.index_cast %parallel_loop3A_1748 : i32 to index
      %parallel_loop3A_1751 = arith.index_cast %parallel_loop3A_1682 : i32 to index
      %parallel_loop3A_1752 = arith.index_cast %parallel_loop3A_1686 : i32 to index
      %parallel_loop3A_1753 = tpu.vector_load %arg6[%parallel_loop3A_1749, %parallel_loop3A_1750, %parallel_loop3A_1751, %parallel_loop3A_1752] {strides = array<i32>} : memref<3x4x8x1024xf32, #tpu.memory_space<vmem>>, vector<1x1x1x16xf32>,
      %parallel_loop3A_1754 = vector.shape_cast %parallel_loop3A_1753 : vector<1x1x1x16xf32> to vector<16xf32>
      %parallel_loop3A_1755 = arith.addf %parallel_loop3A_1754, %parallel_loop3A_1692 : vector<16xf32>
      %parallel_loop3A_1756 = arith.constant 2 : i32
      %parallel_loop3A_1757 = arith.constant 3 : i32
      %parallel_loop3A_1758 = arith.index_cast %parallel_loop3A_1756 : i32 to index
      %parallel_loop3A_1759 = arith.index_cast %parallel_loop3A_1757 : i32 to index
      %parallel_loop3A_1760 = arith.index_cast %parallel_loop3A_1682 : i32 to index
      %parallel_loop3A_1761 = arith.index_cast %parallel_loop3A_1686 : i32 to index
      %parallel_loop3A_1762 = tpu.vector_load %arg6[%parallel_loop3A_1758, %parallel_loop3A_1759, %parallel_loop3A_1760, %parallel_loop3A_1761] {strides = array<i32>} : memref<3x4x8x1024xf32, #tpu.memory_space<vmem>>, vector<1x1x1x16xf32>,
      %parallel_loop3A_1763 = vector.shape_cast %parallel_loop3A_1762 : vector<1x1x1x16xf32> to vector<16xf32>
      %parallel_loop3A_1764 = vector.shape_cast %parallel_loop3A_1755 : vector<16xf32> to vector<1x1x1x16xf32>
      tpu.vector_store %arg6[%parallel_loop3A_1758, %parallel_loop3A_1759, %parallel_loop3A_1760, %parallel_loop3A_1761], %parallel_loop3A_1764 {strides = array<i32>} : memref<3x4x8x1024xf32, #tpu.memory_space<vmem>>, vector<1x1x1x16xf32>,
    } {sc.loop_unroll_factor = 8 : i64, sc.parallel_access}
    %add3A_1550 = arith.constant 112 : i32
    %add3A_1551 = arith.addi %mul3A_2, %add3A_1550 : i32
    %dma_start3A_1552 = arith.constant 2 : i32
    %dma_start3A_1553 = arith.constant 0 : i32
    %dma_start3A_1554 = arith.constant 0 : i32
    %dma_start3A_1555 = arith.constant 0 : i32
    %dma_start3A_1556 = tpu.memref_slice %arg6[%dma_start3A_1552, %dma_start3A_1553, %dma_start3A_1554, %dma_start3A_1555] : memref<3x4x8x1024xf32, #tpu.memory_space<vmem>> -> memref<1x4x8x1024xf32, #tpu.memory_space<vmem>>
    %dma_start3A_1557 = tpu.memref_squeeze %dma_start3A_1556 : memref<1x4x8x1024xf32, #tpu.memory_space<vmem>> -> memref<4x8x1024xf32, #tpu.memory_space<vmem>>
    %dma_start3A_1558 = arith.constant 0 : i32
    %dma_start3A_1559 = arith.constant 0 : i32
    %dma_start3A_1560 = tpu.memref_slice %arg4[%dma_start3A_1558, %add3A_1551, %dma_start3A_1559] : memref<4x4096x1024xf32, #tpu.memory_space<hbm>> -> memref<4x8x1024xf32, #tpu.memory_space<hbm>>
    %dma_start3A_1561 = arith.constant 0 : i32
    %dma_start3A_1562 = arith.constant 0 : i32
    %dma_start3A_1563 = tpu.memref_slice %arg4[%dma_start3A_1561, %add3A_1551, %dma_start3A_1562] : memref<4x4096x1024xf32, #tpu.memory_space<hbm>> -> memref<4x8x1024xf32, #tpu.memory_space<hbm>>
    %dma_start3A_1564 = arith.constant 0 : i32
    %dma_start3A_1565 = arith.constant 0 : i32
    %dma_start3A_1566 = arith.constant 0 : i32
    %dma_start3A_1567 = tpu.memref_slice %arg6[%dma_start3A_1552, %dma_start3A_1564, %dma_start3A_1565, %dma_start3A_1566] : memref<3x4x8x1024xf32, #tpu.memory_space<vmem>> -> memref<1x4x8x1024xf32, #tpu.memory_space<vmem>>
    %dma_start3A_1568 = tpu.memref_squeeze %dma_start3A_1567 : memref<1x4x8x1024xf32, #tpu.memory_space<vmem>> -> memref<4x8x1024xf32, #tpu.memory_space<vmem>>
    tpu.enqueue_dma source(%dma_start3A_1568 : memref<4x8x1024xf32, #tpu.memory_space<vmem>>) target(%dma_start3A_1563 : memref<4x8x1024xf32, #tpu.memory_space<hbm>>) target_semaphore(%arg12 : memref<!tpu.dma_semaphore, #tpu.memory_space<semaphore_mem>>)
    %add3A_1569 = arith.constant 120 : i32
    %add3A_1570 = arith.addi %mul3A_2, %add3A_1569 : i32
    %dma_wait3A_1571 = arith.constant 0 : i32
    %dma_wait3A_1572 = arith.constant 0 : i32
    %dma_wait3A_1573 = arith.constant 0 : i32
    %dma_wait3A_1574 = tpu.memref_slice %arg5[%dma_wait3A_1571, %dma_wait3A_1572, %dma_wait3A_1573] : memref<3x8x1024xf32, #tpu.memory_space<vmem>> -> memref<1x8x1024xf32, #tpu.memory_space<vmem>>
    %dma_wait3A_1575 = tpu.memref_squeeze %dma_wait3A_1574 : memref<1x8x1024xf32, #tpu.memory_space<vmem>> -> memref<8x1024xf32, #tpu.memory_space<vmem>>
    %dma_wait3A_1576 = arith.constant 0 : i32
    %dma_wait3A_1577 = tpu.memref_slice %arg3[%add3A_1570, %dma_wait3A_1576] : memref<8192x1024xf32, #tpu.memory_space<hbm>> -> memref<8x1024xf32, #tpu.memory_space<hbm>>
    %dma_wait3A_1578 = arith.constant 0 : i32
    %dma_wait3A_1579 = arith.constant 0 : i32
    %dma_wait3A_1580 = tpu.memref_slice %arg5[%dma_wait3A_1571, %dma_wait3A_1578, %dma_wait3A_1579] : memref<3x8x1024xf32, #tpu.memory_space<vmem>> -> memref<1x8x1024xf32, #tpu.memory_space<vmem>>
    %dma_wait3A_1581 = tpu.memref_squeeze %dma_wait3A_1580 : memref<1x8x1024xf32, #tpu.memory_space<vmem>> -> memref<8x1024xf32, #tpu.memory_space<vmem>>
    %dma_wait3A_1582 = arith.constant 0 : i32
    %dma_wait3A_1583 = tpu.memref_slice %arg3[%add3A_1570, %dma_wait3A_1582] : memref<8192x1024xf32, #tpu.memory_space<hbm>> -> memref<8x1024xf32, #tpu.memory_space<hbm>>
    tpu.wait_dma2 semaphore(%arg7 : memref<!tpu.dma_semaphore, #tpu.memory_space<semaphore_mem>>) src(%dma_wait3A_1583 : memref<8x1024xf32, #tpu.memory_space<hbm>>) dst(%dma_wait3A_1581 : memref<8x1024xf32, #tpu.memory_space<vmem>>)
    %dma_wait3A_1584 = arith.constant 0 : i32
    %dma_wait3A_1585 = arith.constant 0 : i32
    %dma_wait3A_1586 = arith.constant 0 : i32
    %dma_wait3A_1587 = arith.constant 0 : i32
    %dma_wait3A_1588 = tpu.memref_slice %arg6[%dma_wait3A_1584, %dma_wait3A_1585, %dma_wait3A_1586, %dma_wait3A_1587] : memref<3x4x8x1024xf32, #tpu.memory_space<vmem>> -> memref<1x4x8x1024xf32, #tpu.memory_space<vmem>>
    %dma_wait3A_1589 = tpu.memref_squeeze %dma_wait3A_1588 : memref<1x4x8x1024xf32, #tpu.memory_space<vmem>> -> memref<4x8x1024xf32, #tpu.memory_space<vmem>>
    %dma_wait3A_1590 = arith.constant 0 : i32
    %dma_wait3A_1591 = arith.constant 0 : i32
    %dma_wait3A_1592 = tpu.memref_slice %arg2[%dma_wait3A_1590, %add3A_1570, %dma_wait3A_1591] : memref<4x4096x1024xf32, #tpu.memory_space<hbm>> -> memref<4x8x1024xf32, #tpu.memory_space<hbm>>
    %dma_wait3A_1593 = arith.constant 0 : i32
    %dma_wait3A_1594 = arith.constant 0 : i32
    %dma_wait3A_1595 = arith.constant 0 : i32
    %dma_wait3A_1596 = tpu.memref_slice %arg6[%dma_wait3A_1584, %dma_wait3A_1593, %dma_wait3A_1594, %dma_wait3A_1595] : memref<3x4x8x1024xf32, #tpu.memory_space<vmem>> -> memref<1x4x8x1024xf32, #tpu.memory_space<vmem>>
    %dma_wait3A_1597 = tpu.memref_squeeze %dma_wait3A_1596 : memref<1x4x8x1024xf32, #tpu.memory_space<vmem>> -> memref<4x8x1024xf32, #tpu.memory_space<vmem>>
    %dma_wait3A_1598 = arith.constant 0 : i32
    %dma_wait3A_1599 = arith.constant 0 : i32
    %dma_wait3A_1600 = tpu.memref_slice %arg2[%dma_wait3A_1598, %add3A_1570, %dma_wait3A_1599] : memref<4x4096x1024xf32, #tpu.memory_space<hbm>> -> memref<4x8x1024xf32, #tpu.memory_space<hbm>>
    tpu.wait_dma2 semaphore(%arg7 : memref<!tpu.dma_semaphore, #tpu.memory_space<semaphore_mem>>) src(%dma_wait3A_1600 : memref<4x8x1024xf32, #tpu.memory_space<hbm>>) dst(%dma_wait3A_1597 : memref<4x8x1024xf32, #tpu.memory_space<vmem>>)
    %parallel_loop3A_1601 = arith.constant 0 : i32
    %parallel_loop3A_1602 = arith.constant 512 : i32
    %parallel_loop3A_1603 = arith.constant 1 : i32
    scf.for %parallel_loop3A_1680 = %parallel_loop3A_1601 to %parallel_loop3A_1602 step %parallel_loop3A_1603  : i32 {
      %parallel_loop3A_1681 = arith.constant 6 : i32
      %parallel_loop3A_1682 = arith.shrui %parallel_loop3A_1680, %parallel_loop3A_1681 : i32
      %parallel_loop3A_1683 = arith.constant 63 : i32
      %parallel_loop3A_1684 = arith.andi %parallel_loop3A_1680, %parallel_loop3A_1683 : i32
      %parallel_loop3A_1685 = arith.constant 16 : i32
      %parallel_loop3A_1686 = arith.muli %parallel_loop3A_1684, %parallel_loop3A_1685 : i32
      %parallel_loop3A_1687 = arith.constant 0 : i32
      %parallel_loop3A_1688 = arith.index_cast %parallel_loop3A_1687 : i32 to index
      %parallel_loop3A_1689 = arith.index_cast %parallel_loop3A_1682 : i32 to index
      %parallel_loop3A_1690 = arith.index_cast %parallel_loop3A_1686 : i32 to index
      %parallel_loop3A_1691 = tpu.vector_load %arg5[%parallel_loop3A_1688, %parallel_loop3A_1689, %parallel_loop3A_1690] {strides = array<i32>} : memref<3x8x1024xf32, #tpu.memory_space<vmem>>, vector<1x1x16xf32>,
      %parallel_loop3A_1692 = vector.shape_cast %parallel_loop3A_1691 : vector<1x1x16xf32> to vector<16xf32>
      %parallel_loop3A_1693 = arith.constant 0 : i32
      %parallel_loop3A_1694 = arith.constant 0 : i32
      %parallel_loop3A_1695 = arith.index_cast %parallel_loop3A_1693 : i32 to index
      %parallel_loop3A_1696 = arith.index_cast %parallel_loop3A_1694 : i32 to index
      %parallel_loop3A_1697 = arith.index_cast %parallel_loop3A_1682 : i32 to index
      %parallel_loop3A_1698 = arith.index_cast %parallel_loop3A_1686 : i32 to index
      %parallel_loop3A_1699 = tpu.vector_load %arg6[%parallel_loop3A_1695, %parallel_loop3A_1696, %parallel_loop3A_1697, %parallel_loop3A_1698] {strides = array<i32>} : memref<3x4x8x1024xf32, #tpu.memory_space<vmem>>, vector<1x1x1x16xf32>,
      %parallel_loop3A_1700 = vector.shape_cast %parallel_loop3A_1699 : vector<1x1x1x16xf32> to vector<16xf32>
      %parallel_loop3A_1701 = arith.addf %parallel_loop3A_1700, %parallel_loop3A_1692 : vector<16xf32>
      %parallel_loop3A_1702 = arith.constant 0 : i32
      %parallel_loop3A_1703 = arith.constant 0 : i32
      %parallel_loop3A_1704 = arith.index_cast %parallel_loop3A_1702 : i32 to index
      %parallel_loop3A_1705 = arith.index_cast %parallel_loop3A_1703 : i32 to index
      %parallel_loop3A_1706 = arith.index_cast %parallel_loop3A_1682 : i32 to index
      %parallel_loop3A_1707 = arith.index_cast %parallel_loop3A_1686 : i32 to index
      %parallel_loop3A_1708 = tpu.vector_load %arg6[%parallel_loop3A_1704, %parallel_loop3A_1705, %parallel_loop3A_1706, %parallel_loop3A_1707] {strides = array<i32>} : memref<3x4x8x1024xf32, #tpu.memory_space<vmem>>, vector<1x1x1x16xf32>,
      %parallel_loop3A_1709 = vector.shape_cast %parallel_loop3A_1708 : vector<1x1x1x16xf32> to vector<16xf32>
      %parallel_loop3A_1710 = vector.shape_cast %parallel_loop3A_1701 : vector<16xf32> to vector<1x1x1x16xf32>
      tpu.vector_store %arg6[%parallel_loop3A_1704, %parallel_loop3A_1705, %parallel_loop3A_1706, %parallel_loop3A_1707], %parallel_loop3A_1710 {strides = array<i32>} : memref<3x4x8x1024xf32, #tpu.memory_space<vmem>>, vector<1x1x1x16xf32>,
      %parallel_loop3A_1711 = arith.constant 0 : i32
      %parallel_loop3A_1712 = arith.constant 1 : i32
      %parallel_loop3A_1713 = arith.index_cast %parallel_loop3A_1711 : i32 to index
      %parallel_loop3A_1714 = arith.index_cast %parallel_loop3A_1712 : i32 to index
      %parallel_loop3A_1715 = arith.index_cast %parallel_loop3A_1682 : i32 to index
      %parallel_loop3A_1716 = arith.index_cast %parallel_loop3A_1686 : i32 to index
      %parallel_loop3A_1717 = tpu.vector_load %arg6[%parallel_loop3A_1713, %parallel_loop3A_1714, %parallel_loop3A_1715, %parallel_loop3A_1716] {strides = array<i32>} : memref<3x4x8x1024xf32, #tpu.memory_space<vmem>>, vector<1x1x1x16xf32>,
      %parallel_loop3A_1718 = vector.shape_cast %parallel_loop3A_1717 : vector<1x1x1x16xf32> to vector<16xf32>
      %parallel_loop3A_1719 = arith.addf %parallel_loop3A_1718, %parallel_loop3A_1692 : vector<16xf32>
      %parallel_loop3A_1720 = arith.constant 0 : i32
      %parallel_loop3A_1721 = arith.constant 1 : i32
      %parallel_loop3A_1722 = arith.index_cast %parallel_loop3A_1720 : i32 to index
      %parallel_loop3A_1723 = arith.index_cast %parallel_loop3A_1721 : i32 to index
      %parallel_loop3A_1724 = arith.index_cast %parallel_loop3A_1682 : i32 to index
      %parallel_loop3A_1725 = arith.index_cast %parallel_loop3A_1686 : i32 to index
      %parallel_loop3A_1726 = tpu.vector_load %arg6[%parallel_loop3A_1722, %parallel_loop3A_1723, %parallel_loop3A_1724, %parallel_loop3A_1725] {strides = array<i32>} : memref<3x4x8x1024xf32, #tpu.memory_space<vmem>>, vector<1x1x1x16xf32>,
      %parallel_loop3A_1727 = vector.shape_cast %parallel_loop3A_1726 : vector<1x1x1x16xf32> to vector<16xf32>
      %parallel_loop3A_1728 = vector.shape_cast %parallel_loop3A_1719 : vector<16xf32> to vector<1x1x1x16xf32>
      tpu.vector_store %arg6[%parallel_loop3A_1722, %parallel_loop3A_1723, %parallel_loop3A_1724, %parallel_loop3A_1725], %parallel_loop3A_1728 {strides = array<i32>} : memref<3x4x8x1024xf32, #tpu.memory_space<vmem>>, vector<1x1x1x16xf32>,
      %parallel_loop3A_1729 = arith.constant 0 : i32
      %parallel_loop3A_1730 = arith.constant 2 : i32
      %parallel_loop3A_1731 = arith.index_cast %parallel_loop3A_1729 : i32 to index
      %parallel_loop3A_1732 = arith.index_cast %parallel_loop3A_1730 : i32 to index
      %parallel_loop3A_1733 = arith.index_cast %parallel_loop3A_1682 : i32 to index
      %parallel_loop3A_1734 = arith.index_cast %parallel_loop3A_1686 : i32 to index
      %parallel_loop3A_1735 = tpu.vector_load %arg6[%parallel_loop3A_1731, %parallel_loop3A_1732, %parallel_loop3A_1733, %parallel_loop3A_1734] {strides = array<i32>} : memref<3x4x8x1024xf32, #tpu.memory_space<vmem>>, vector<1x1x1x16xf32>,
      %parallel_loop3A_1736 = vector.shape_cast %parallel_loop3A_1735 : vector<1x1x1x16xf32> to vector<16xf32>
      %parallel_loop3A_1737 = arith.addf %parallel_loop3A_1736, %parallel_loop3A_1692 : vector<16xf32>
      %parallel_loop3A_1738 = arith.constant 0 : i32
      %parallel_loop3A_1739 = arith.constant 2 : i32
      %parallel_loop3A_1740 = arith.index_cast %parallel_loop3A_1738 : i32 to index
      %parallel_loop3A_1741 = arith.index_cast %parallel_loop3A_1739 : i32 to index
      %parallel_loop3A_1742 = arith.index_cast %parallel_loop3A_1682 : i32 to index
      %parallel_loop3A_1743 = arith.index_cast %parallel_loop3A_1686 : i32 to index
      %parallel_loop3A_1744 = tpu.vector_load %arg6[%parallel_loop3A_1740, %parallel_loop3A_1741, %parallel_loop3A_1742, %parallel_loop3A_1743] {strides = array<i32>} : memref<3x4x8x1024xf32, #tpu.memory_space<vmem>>, vector<1x1x1x16xf32>,
      %parallel_loop3A_1745 = vector.shape_cast %parallel_loop3A_1744 : vector<1x1x1x16xf32> to vector<16xf32>
      %parallel_loop3A_1746 = vector.shape_cast %parallel_loop3A_1737 : vector<16xf32> to vector<1x1x1x16xf32>
      tpu.vector_store %arg6[%parallel_loop3A_1740, %parallel_loop3A_1741, %parallel_loop3A_1742, %parallel_loop3A_1743], %parallel_loop3A_1746 {strides = array<i32>} : memref<3x4x8x1024xf32, #tpu.memory_space<vmem>>, vector<1x1x1x16xf32>,
      %parallel_loop3A_1747 = arith.constant 0 : i32
      %parallel_loop3A_1748 = arith.constant 3 : i32
      %parallel_loop3A_1749 = arith.index_cast %parallel_loop3A_1747 : i32 to index
      %parallel_loop3A_1750 = arith.index_cast %parallel_loop3A_1748 : i32 to index
      %parallel_loop3A_1751 = arith.index_cast %parallel_loop3A_1682 : i32 to index
      %parallel_loop3A_1752 = arith.index_cast %parallel_loop3A_1686 : i32 to index
      %parallel_loop3A_1753 = tpu.vector_load %arg6[%parallel_loop3A_1749, %parallel_loop3A_1750, %parallel_loop3A_1751, %parallel_loop3A_1752] {strides = array<i32>} : memref<3x4x8x1024xf32, #tpu.memory_space<vmem>>, vector<1x1x1x16xf32>,
      %parallel_loop3A_1754 = vector.shape_cast %parallel_loop3A_1753 : vector<1x1x1x16xf32> to vector<16xf32>
      %parallel_loop3A_1755 = arith.addf %parallel_loop3A_1754, %parallel_loop3A_1692 : vector<16xf32>
      %parallel_loop3A_1756 = arith.constant 0 : i32
      %parallel_loop3A_1757 = arith.constant 3 : i32
      %parallel_loop3A_1758 = arith.index_cast %parallel_loop3A_1756 : i32 to index
      %parallel_loop3A_1759 = arith.index_cast %parallel_loop3A_1757 : i32 to index
      %parallel_loop3A_1760 = arith.index_cast %parallel_loop3A_1682 : i32 to index
      %parallel_loop3A_1761 = arith.index_cast %parallel_loop3A_1686 : i32 to index
      %parallel_loop3A_1762 = tpu.vector_load %arg6[%parallel_loop3A_1758, %parallel_loop3A_1759, %parallel_loop3A_1760, %parallel_loop3A_1761] {strides = array<i32>} : memref<3x4x8x1024xf32, #tpu.memory_space<vmem>>, vector<1x1x1x16xf32>,
      %parallel_loop3A_1763 = vector.shape_cast %parallel_loop3A_1762 : vector<1x1x1x16xf32> to vector<16xf32>
      %parallel_loop3A_1764 = vector.shape_cast %parallel_loop3A_1755 : vector<16xf32> to vector<1x1x1x16xf32>
      tpu.vector_store %arg6[%parallel_loop3A_1758, %parallel_loop3A_1759, %parallel_loop3A_1760, %parallel_loop3A_1761], %parallel_loop3A_1764 {strides = array<i32>} : memref<3x4x8x1024xf32, #tpu.memory_space<vmem>>, vector<1x1x1x16xf32>,
    } {sc.loop_unroll_factor = 8 : i64, sc.parallel_access}
    %add3A_1604 = arith.constant 120 : i32
    %add3A_1605 = arith.addi %mul3A_2, %add3A_1604 : i32
    %dma_start3A_1606 = arith.constant 0 : i32
    %dma_start3A_1607 = arith.constant 0 : i32
    %dma_start3A_1608 = arith.constant 0 : i32
    %dma_start3A_1609 = arith.constant 0 : i32
    %dma_start3A_1610 = tpu.memref_slice %arg6[%dma_start3A_1606, %dma_start3A_1607, %dma_start3A_1608, %dma_start3A_1609] : memref<3x4x8x1024xf32, #tpu.memory_space<vmem>> -> memref<1x4x8x1024xf32, #tpu.memory_space<vmem>>
    %dma_start3A_1611 = tpu.memref_squeeze %dma_start3A_1610 : memref<1x4x8x1024xf32, #tpu.memory_space<vmem>> -> memref<4x8x1024xf32, #tpu.memory_space<vmem>>
    %dma_start3A_1612 = arith.constant 0 : i32
    %dma_start3A_1613 = arith.constant 0 : i32
    %dma_start3A_1614 = tpu.memref_slice %arg4[%dma_start3A_1612, %add3A_1605, %dma_start3A_1613] : memref<4x4096x1024xf32, #tpu.memory_space<hbm>> -> memref<4x8x1024xf32, #tpu.memory_space<hbm>>
    %dma_start3A_1615 = arith.constant 0 : i32
    %dma_start3A_1616 = arith.constant 0 : i32
    %dma_start3A_1617 = tpu.memref_slice %arg4[%dma_start3A_1615, %add3A_1605, %dma_start3A_1616] : memref<4x4096x1024xf32, #tpu.memory_space<hbm>> -> memref<4x8x1024xf32, #tpu.memory_space<hbm>>
    %dma_start3A_1618 = arith.constant 0 : i32
    %dma_start3A_1619 = arith.constant 0 : i32
    %dma_start3A_1620 = arith.constant 0 : i32
    %dma_start3A_1621 = tpu.memref_slice %arg6[%dma_start3A_1606, %dma_start3A_1618, %dma_start3A_1619, %dma_start3A_1620] : memref<3x4x8x1024xf32, #tpu.memory_space<vmem>> -> memref<1x4x8x1024xf32, #tpu.memory_space<vmem>>
    %dma_start3A_1622 = tpu.memref_squeeze %dma_start3A_1621 : memref<1x4x8x1024xf32, #tpu.memory_space<vmem>> -> memref<4x8x1024xf32, #tpu.memory_space<vmem>>
    tpu.enqueue_dma source(%dma_start3A_1622 : memref<4x8x1024xf32, #tpu.memory_space<vmem>>) target(%dma_start3A_1617 : memref<4x8x1024xf32, #tpu.memory_space<hbm>>) target_semaphore(%arg10 : memref<!tpu.dma_semaphore, #tpu.memory_space<semaphore_mem>>)
    %add3A_1623 = arith.constant 104 : i32
    %add3A_1624 = arith.addi %mul3A_2, %add3A_1623 : i32
    %dma_wait3A_1625 = arith.constant 1 : i32
    %dma_wait3A_1626 = arith.constant 0 : i32
    %dma_wait3A_1627 = arith.constant 0 : i32
    %dma_wait3A_1628 = arith.constant 0 : i32
    %dma_wait3A_1629 = tpu.memref_slice %arg6[%dma_wait3A_1625, %dma_wait3A_1626, %dma_wait3A_1627, %dma_wait3A_1628] : memref<3x4x8x1024xf32, #tpu.memory_space<vmem>> -> memref<1x4x8x1024xf32, #tpu.memory_space<vmem>>
    %dma_wait3A_1630 = tpu.memref_squeeze %dma_wait3A_1629 : memref<1x4x8x1024xf32, #tpu.memory_space<vmem>> -> memref<4x8x1024xf32, #tpu.memory_space<vmem>>
    %dma_wait3A_1631 = arith.constant 0 : i32
    %dma_wait3A_1632 = arith.constant 0 : i32
    %dma_wait3A_1633 = tpu.memref_slice %arg4[%dma_wait3A_1631, %add3A_1624, %dma_wait3A_1632] : memref<4x4096x1024xf32, #tpu.memory_space<hbm>> -> memref<4x8x1024xf32, #tpu.memory_space<hbm>>
    %dma_wait3A_1634 = arith.constant 0 : i32
    %dma_wait3A_1635 = arith.constant 0 : i32
    %dma_wait3A_1636 = tpu.memref_slice %arg4[%dma_wait3A_1634, %add3A_1624, %dma_wait3A_1635] : memref<4x4096x1024xf32, #tpu.memory_space<hbm>> -> memref<4x8x1024xf32, #tpu.memory_space<hbm>>
    %dma_wait3A_1637 = arith.constant 0 : i32
    %dma_wait3A_1638 = arith.constant 0 : i32
    %dma_wait3A_1639 = arith.constant 0 : i32
    %dma_wait3A_1640 = tpu.memref_slice %arg6[%dma_wait3A_1625, %dma_wait3A_1637, %dma_wait3A_1638, %dma_wait3A_1639] : memref<3x4x8x1024xf32, #tpu.memory_space<vmem>> -> memref<1x4x8x1024xf32, #tpu.memory_space<vmem>>
    %dma_wait3A_1641 = tpu.memref_squeeze %dma_wait3A_1640 : memref<1x4x8x1024xf32, #tpu.memory_space<vmem>> -> memref<4x8x1024xf32, #tpu.memory_space<vmem>>
    tpu.wait_dma2 semaphore(%arg11 : memref<!tpu.dma_semaphore, #tpu.memory_space<semaphore_mem>>) src(%dma_wait3A_1641 : memref<4x8x1024xf32, #tpu.memory_space<vmem>>) dst(%dma_wait3A_1636 : memref<4x8x1024xf32, #tpu.memory_space<hbm>>)
    %add3A_1642 = arith.constant 112 : i32
    %add3A_1643 = arith.addi %mul3A_2, %add3A_1642 : i32
    %dma_wait3A_1644 = arith.constant 2 : i32
    %dma_wait3A_1645 = arith.constant 0 : i32
    %dma_wait3A_1646 = arith.constant 0 : i32
    %dma_wait3A_1647 = arith.constant 0 : i32
    %dma_wait3A_1648 = tpu.memref_slice %arg6[%dma_wait3A_1644, %dma_wait3A_1645, %dma_wait3A_1646, %dma_wait3A_1647] : memref<3x4x8x1024xf32, #tpu.memory_space<vmem>> -> memref<1x4x8x1024xf32, #tpu.memory_space<vmem>>
    %dma_wait3A_1649 = tpu.memref_squeeze %dma_wait3A_1648 : memref<1x4x8x1024xf32, #tpu.memory_space<vmem>> -> memref<4x8x1024xf32, #tpu.memory_space<vmem>>
    %dma_wait3A_1650 = arith.constant 0 : i32
    %dma_wait3A_1651 = arith.constant 0 : i32
    %dma_wait3A_1652 = tpu.memref_slice %arg4[%dma_wait3A_1650, %add3A_1643, %dma_wait3A_1651] : memref<4x4096x1024xf32, #tpu.memory_space<hbm>> -> memref<4x8x1024xf32, #tpu.memory_space<hbm>>
    %dma_wait3A_1653 = arith.constant 0 : i32
    %dma_wait3A_1654 = arith.constant 0 : i32
    %dma_wait3A_1655 = tpu.memref_slice %arg4[%dma_wait3A_1653, %add3A_1643, %dma_wait3A_1654] : memref<4x4096x1024xf32, #tpu.memory_space<hbm>> -> memref<4x8x1024xf32, #tpu.memory_space<hbm>>
    %dma_wait3A_1656 = arith.constant 0 : i32
    %dma_wait3A_1657 = arith.constant 0 : i32
    %dma_wait3A_1658 = arith.constant 0 : i32
    %dma_wait3A_1659 = tpu.memref_slice %arg6[%dma_wait3A_1644, %dma_wait3A_1656, %dma_wait3A_1657, %dma_wait3A_1658] : memref<3x4x8x1024xf32, #tpu.memory_space<vmem>> -> memref<1x4x8x1024xf32, #tpu.memory_space<vmem>>
    %dma_wait3A_1660 = tpu.memref_squeeze %dma_wait3A_1659 : memref<1x4x8x1024xf32, #tpu.memory_space<vmem>> -> memref<4x8x1024xf32, #tpu.memory_space<vmem>>
    tpu.wait_dma2 semaphore(%arg12 : memref<!tpu.dma_semaphore, #tpu.memory_space<semaphore_mem>>) src(%dma_wait3A_1660 : memref<4x8x1024xf32, #tpu.memory_space<vmem>>) dst(%dma_wait3A_1655 : memref<4x8x1024xf32, #tpu.memory_space<hbm>>)
    %add3A_1661 = arith.constant 120 : i32
    %add3A_1662 = arith.addi %mul3A_2, %add3A_1661 : i32
    %dma_wait3A_1663 = arith.constant 0 : i32
    %dma_wait3A_1664 = arith.constant 0 : i32
    %dma_wait3A_1665 = arith.constant 0 : i32
    %dma_wait3A_1666 = arith.constant 0 : i32
    %dma_wait3A_1667 = tpu.memref_slice %arg6[%dma_wait3A_1663, %dma_wait3A_1664, %dma_wait3A_1665, %dma_wait3A_1666] : memref<3x4x8x1024xf32, #tpu.memory_space<vmem>> -> memref<1x4x8x1024xf32, #tpu.memory_space<vmem>>
    %dma_wait3A_1668 = tpu.memref_squeeze %dma_wait3A_1667 : memref<1x4x8x1024xf32, #tpu.memory_space<vmem>> -> memref<4x8x1024xf32, #tpu.memory_space<vmem>>
    %dma_wait3A_1669 = arith.constant 0 : i32
    %dma_wait3A_1670 = arith.constant 0 : i32
    %dma_wait3A_1671 = tpu.memref_slice %arg4[%dma_wait3A_1669, %add3A_1662, %dma_wait3A_1670] : memref<4x4096x1024xf32, #tpu.memory_space<hbm>> -> memref<4x8x1024xf32, #tpu.memory_space<hbm>>
    %dma_wait3A_1672 = arith.constant 0 : i32
    %dma_wait3A_1673 = arith.constant 0 : i32
    %dma_wait3A_1674 = tpu.memref_slice %arg4[%dma_wait3A_1672, %add3A_1662, %dma_wait3A_1673] : memref<4x4096x1024xf32, #tpu.memory_space<hbm>> -> memref<4x8x1024xf32, #tpu.memory_space<hbm>>
    %dma_wait3A_1675 = arith.constant 0 : i32
    %dma_wait3A_1676 = arith.constant 0 : i32
    %dma_wait3A_1677 = arith.constant 0 : i32
    %dma_wait3A_1678 = tpu.memref_slice %arg6[%dma_wait3A_1663, %dma_wait3A_1675, %dma_wait3A_1676, %dma_wait3A_1677] : memref<3x4x8x1024xf32, #tpu.memory_space<vmem>> -> memref<1x4x8x1024xf32, #tpu.memory_space<vmem>>
    %dma_wait3A_1679 = tpu.memref_squeeze %dma_wait3A_1678 : memref<1x4x8x1024xf32, #tpu.memory_space<vmem>> -> memref<4x8x1024xf32, #tpu.memory_space<vmem>>
    tpu.wait_dma2 semaphore(%arg10 : memref<!tpu.dma_semaphore, #tpu.memory_space<semaphore_mem>>) src(%dma_wait3A_1679 : memref<4x8x1024xf32, #tpu.memory_space<vmem>>) dst(%dma_wait3A_1674 : memref<4x8x1024xf32, #tpu.memory_space<hbm>>)
    return
  }
}

</mosaic_0001>

<sc_bundles>
// kernel: kernel.3.cloned.1.call-start
scs
__scs_entry_jumppad:
0x0: {  	(pc) =	sbr.rel $0x88, $3  }
0x1: {  	(tag) =	ssettag $0x0;
	lr =	simm.s32 $0x1  }
0x2: {  	[smem:$0x3F9F] =	sst lr;
	_ =	strace $0xD0000000  }
0x3: {  	_ = 	snop  }
0x4: {  	_ = 	snop  }
0x5: {  	_ = 	snop  }
0x6: {  	_ = 	snop  }
0x7: {  	_ = 	snop  }
__scs_overlays_trampoline_lowered:
0x8: {  	[smem:$0x3FAE] =	sst s0  }
0x9: {  	[smem:$0x3FAF] =	sst s1  }
0xa: {  	[smem:$0x3FB0] =	sst s2  }
0xb: {  	[smem:$0x3FB1] =	sst s3  }
0xc: {  	[smem:$0x3FB2] =	sst s4  }
0xd: {  	[smem:$0x3FB3] =	sst s5  }
0xe: {  	[smem:$0x3FB4] =	sst s6  }
0xf: {  	[smem:$0x3FB5] =	sst s7  }
0x10: {  	[smem:$0x3FB6] =	sst s8  }
0x11: {  	[smem:$0x3FB7] =	sst s9;
	s0 =	simm.s32 @!p0 $0x0  }
0x12: {  	s1 =	sld [smem:$0x3F9D];
	s0 =	simm.s32 @p0 $0x1  }
0x13: {  	[smem:$0x3FB8] =	sst s0;
	s0 =	simm.s32 @!p1 $0x0  }
0x14: {  	s2 =	sld [smem:$0x3F9C];
	s0 =	simm.s32 @p1 $0x1  }
0x15: {  	[smem:$0x3FB9] =	sst s0;
	s0 =	simm.s32 @!p2 $0x0  }
0x16: {  	s3 =	sld [smem:$0x3FDB];
	s0 =	simm.s32 @p2 $0x1  }
0x17: {  	s4 =	simm.s32 $0x1BF5;
	[smem:$0x3FBB] =	sst s0  }
0x18: {  	s0 =	sld [smem:$0x3F9E];
	_ =	swait.ge [sflag:s4], $0x0  }
0x19: {  	s7 =	sld [smem:$0x3F9F]  }
0x1a: {  	s8 =	sadd.s32 $0xFFFFE003, lr  }
0x1b: {  	s9 =	sadd.s32 $0xFFFFFEF7, lr;
	s5 =	simm.s32 $0xFFFFFFFF;
	p2 =	slt.u32 s8, $0xFFFFF086  }
0x1c: {  	p1 =	slt.u32 s9, $0xF7A;
	s5 =	simm.s32 @!p2 $0x0  }
0x1d: {  	s5 =	simm.s32 @p1 $0x1;
	p0 =	seq.s32 s7, s2  }
0x1e: {  	s7 =	smul.u32 @!p0 $0xF7A, s2;
	p2 =	seq.s32 @!p0 s5, $0x0  }
0x1f: {  	s9 =	smul.u32 $0xF7A, s1;
	s8 =	simm.s32 @!p0 $0x1BF5;
	p2 =	por !p2, p0  }
0x20: {  	[sflag:s8] =	ssyncset.s32 @!p0 $0xFFFFF086;
	s6 =	sadd.s32 @!p0 s3, s7;
	s7 =	simm.s32 @!p0 $0x108  }
0x21: {  	s3 =	sadd.s32 s3, s9;
	s6 =	sadd.s32 @!p0 $0x88, s6;
	s7 =	simm.s32 @p2 $0x1082  }
0x22: {  	[simem:s7], [sflag:s8] =	dma.local @!p0 [hbm:s6], $0xF7A  }
0x23: {  	s9 =	sor.u32 $0xD0000000, s2;
	s6 =	simm.s32 $0x108;
	_ =	swait.ge @!p0 [sflag:s8], $0x0  }
0x24: {  	s3 =	sadd.s32 $0x88, s3;
	s6 =	simm.s32 @!p1 $0x1082;
	[sflag:s4] =	ssyncset.s32 $0xFFFFF086  }
0x25: {  	[simem:s6], [sflag:s4] =	dma.local [hbm:s3], $0xF7A  }
0x26: {  	[smem:$0x3F9F] =	sst s1;
	(tag) =	ssettag s2;
	_ =	strace s9  }
0x27: {  	s1 =	sld [smem:$0x3FAF]  }
0x28: {  	s2 =	sld [smem:$0x3FB0]  }
0x29: {  	s4 =	sld [smem:$0x3FB2]  }
0x2a: {  	p0 =	seq.s32 s5, $0x0;
	s5 =	sld [smem:$0x3FB3]  }
0x2b: {  	s6 =	sld [smem:$0x3FB4]  }
0x2c: {  	s7 =	sld [smem:$0x3FB5]  }
0x2d: {  	s3 =	simm.s32 $0x108;
	s8 =	sld [smem:$0x3FB6]  }
0x2e: {  	s3 =	simm.s32 @!p0 $0x1082;
	s9 =	sld [smem:$0x3FB7]  }
0x2f: {  	lr =	sadd.s32 s0, s3;
	s0 =	sld [smem:$0x3FAE]  }
0x30: {  	s3 =	sld [smem:$0x3FB1]  }
0x31: {  	[smem:$0x3FBA] =	sst s10  }
0x32: {  	s10 =	sld [smem:$0x3FB8];
	_ =	sdelay $0x3  }
0x33: {  	p0 =	seq.s32 s10, $0x1;
	s10 =	sld [smem:$0x3FBA];
	_ =	sdelay $0x3  }
0x34: {  	[smem:$0x3FBA] =	sst s10  }
0x35: {  	s10 =	sld [smem:$0x3FB9];
	_ =	sdelay $0x3  }
0x36: {  	p1 =	seq.s32 s10, $0x1;
	s10 =	sld [smem:$0x3FBA];
	_ =	sdelay $0x3  }
0x37: {  	[smem:$0x3FBA] =	sst s10  }
0x38: {  	s10 =	sld [smem:$0x3FBB]  }
0x39: {  	_ = 	snop;
	(pc) =	sbr.ind lr, $3  }
0x3a: {  	_ = 	snop  }
0x3b: {  	_ = 	snop  }
0x3c: {  	p2 =	seq.s32 s10, $0x1;
	s10 =	sld [smem:$0x3FBA]  }
0x3d: {  	_ =	shalt  }
0x3e: {  	_ =	shalt  }
0x3f: {  	_ =	shalt  }
0x40: {  	_ =	shalt  }
0x41: {  	_ =	shalt  }
0x42: {  	_ =	shalt  }
0x43: {  	_ =	shalt  }
0x44: {  	_ =	shalt  }
0x45: {  	_ =	shalt  }
0x46: {  	_ =	shalt  }
0x47: {  	_ =	shalt  }
0x48: {  	_ =	shalt  }
0x49: {  	_ =	shalt  }
0x4a: {  	_ =	shalt  }
0x4b: {  	_ =	shalt  }
0x4c: {  	_ =	shalt  }
0x4d: {  	_ =	shalt  }
0x4e: {  	_ =	shalt  }
0x4f: {  	_ =	shalt  }
0x50: {  	_ =	shalt  }
0x51: {  	_ =	shalt  }
0x52: {  	_ =	shalt  }
0x53: {  	_ =	shalt  }
0x54: {  	_ =	shalt  }
0x55: {  	_ =	shalt  }
0x56: {  	_ =	shalt  }
0x57: {  	_ =	shalt  }
0x58: {  	_ =	shalt  }
0x59: {  	_ =	shalt  }
0x5a: {  	_ =	shalt  }
0x5b: {  	_ =	shalt  }
0x5c: {  	_ =	shalt  }
0x5d: {  	_ =	shalt  }
0x5e: {  	_ =	shalt  }
0x5f: {  	_ =	shalt  }
0x60: {  	_ =	shalt  }
0x61: {  	_ =	shalt  }
0x62: {  	_ =	shalt  }
0x63: {  	_ =	shalt  }
0x64: {  	_ =	shalt  }
0x65: {  	_ =	shalt  }
0x66: {  	_ =	shalt  }
0x67: {  	_ =	shalt  }
0x68: {  	_ =	shalt  }
0x69: {  	_ =	shalt  }
0x6a: {  	_ =	shalt  }
0x6b: {  	_ =	shalt  }
0x6c: {  	_ =	shalt  }
0x6d: {  	_ =	shalt  }
0x6e: {  	_ =	shalt  }
0x6f: {  	_ =	shalt  }
0x70: {  	_ =	shalt  }
0x71: {  	_ =	shalt  }
0x72: {  	_ =	shalt  }
0x73: {  	_ =	shalt  }
0x74: {  	_ =	shalt  }
0x75: {  	_ =	shalt  }
0x76: {  	_ =	shalt  }
0x77: {  	_ =	shalt  }
0x78: {  	_ =	shalt  }
0x79: {  	_ =	shalt  }
0x7a: {  	_ =	shalt  }
0x7b: {  	_ =	shalt  }
0x7c: {  	_ =	shalt  }
0x7d: {  	_ =	shalt  }
0x7e: {  	_ =	shalt  }
0x7f: {  	_ =	shalt  }
0x80: {  	_ =	shalt  }
0x81: {  	_ =	shalt  }
0x82: {  	_ =	shalt  }
0x83: {  	_ =	shalt  }
0x84: {  	_ =	shalt  }
0x85: {  	_ =	shalt  }
0x86: {  	_ =	shalt  }
0x87: {  	_ =	shalt  }
.Lfunc_end0:
.L_simem_size_0:
called_computation_lowered:
.L_overlay_start_0:
0x88: {  	s2 =	sld [smem:$0x3FD9]  }
0x89: {  	s3 =	sld [smem:$0x3FFE];
	_ =	sdelay $0x1  }
0x8a: {  	s1 =	srdreg.scid  }
0x8b: {  	s0 =	sand.u32 $0x1, s1  }
0x8c: {  	s18 =	sshll.u32 s0, $0xA;
	s2 =	sadd.s32 s3, s2  }
0x8d: {  	s2 =	sadd.s32 s2, s18  }
0x8e: {  	[smem:$0x3FC6] =	sst s2  }
0x8f: {  	_ = 	snop  }
0x90: {  	s2 =	sld [smem:$0x3FC9]  }
0x91: {  	s19 =	sld [smem:$0x3FC8]  }
0x92: {  	s4 =	sld [smem:$0x3FD0];
	(tm) =	ssettm $0x1  }
0x93: {  	s5 =	sld [smem:$0x3FFB];
	_ =	sdelay $0x3  }
0x94: {  	_ =	strace s5  }
0x95: {  	s5 =	sld [smem:$0x3FFC];
	_ =	sdelay $0x3  }
0x96: {  	_ =	strace s5  }
0x97: {  	s5 =	sld [smem:$0x3FFD];
	_ =	sdelay $0x3  }
0x98: {  	_ =	strace s5  }
0x99: {  	_ =	strace $0x8FFFFFFF  }
0x9a: {  	s20 =	sld [smem:$0x3FDB];
	_ =	sdelay $0x1  }
0x9b: {  	s6 =	simm.s32 $_scs_section_size  }
0x9c: {  	s7 =	simm.s32 $_size__tile_overlayer_lowered;
	s8 =	simm.s32 $_tile_overlayer_lowered  }
0x9d: {  	s23 =	simm.s32 $0x1BFF;
	s22 =	sshll.u32 s8, $0x1;
	s5 =	sadd.s32 s6, s20  }
0x9e: {  	s9 =	simm.s32 $0x0;
	s21 =	sshll.u32 s7, $0x1;
	s7 =	sadd.s32 s22, s5  }
0x9f: {  	[timem:s9], [sflag:s23] =	dma.local [hbm:s7], s21  }
0xa0: {  	_ =	swait.ge [sflag:s23], s21  }
0xa1: {  	s6 =	ssub.s32 $0x0, s21;
	[sflag:s23] =	ssyncset.done $0x0  }
0xa2: {  	[sflag:s23] =	ssyncadd.s32 s6;
	_ =	sdelay $0x1  }
0xa3: {  	s24 =	simm.s32 $0x1B8B  }
0xa4: {  	_ =	swait.ge [sflag:s24], $0x1  }
0xa5: {  	[sflag:s24] =	ssyncset.done $0x0  }
0xa6: {  	s25 =	simm.s32 $0x1B8E;
	[sflag:s24] =	ssyncadd.s32 $0xFFFFFFFF  }
0xa7: {  	s26 =	simm.s32 $execute0_lowered;
	[smem:$0x3FD2] =	sst s25  }
0xa8: {  	s6 =	sshll.u32 s26, $0x1;
	_ =	strace $0x80000046;
	[dreg:$0x1] =	wrdreg $0xFFFFFFFF  }
0xa9: {  	s28 =	simm.s32 $_size_execute0_lowered;
	s5 =	sadd.s32 s5, s6;
	[dreg:$0x0] =	wrdreg $0x0  }
0xaa: {  	s6 =	sshll.u32 s28, $0x1;
	[dreg:$0x2] =	wrdreg s5  }
0xab: {  	[dreg:$0x3] =	wrdreg s6  }
0xac: {  	[dreg:$0x4] =	wrdreg $0xC0  }
0xad: {  	_ =	task [dreg:s9], $0x5FFFF  }
0xae: {  	[dreg:$0x1] =	wrdreg $0xFFFFFFFF  }
0xaf: {  	[dreg:$0x0] =	wrdreg $0x60  }
0xb0: {  	[dreg:$0x2] =	wrdreg s2  }
0xb1: {  	[dreg:$0x3] =	wrdreg s19  }
0xb2: {  	[dreg:$0x4] =	wrdreg s4  }
0xb3: {  	[dreg:$0x5] =	wrdreg $0x9  }
0xb4: {  	_ =	task.clear_ibuf [dreg:s9], $0x6FFFF;
	_ =	strace $0x90000046  }
0xb5: {  	s29 =	simm.s32 $0x9;
	_ =	strace $0x80000048  }
0xb6: {  	_ =	swait.ge [sflag:s29], $0x1  }
0xb7: {  	[sflag:s29] =	ssyncadd.s32 $0xFFFFFFFF  }
0xb8: {  	_ =	strace $0x90000048  }
0xb9: {  	_ =	sfence  }
0xba: {  	s30 =	sld [smem:$0x0];
	_ =	sdelay $0x2  }
0xbb: {  	s31 =	sshll.u32 s1, $0xD;
	s1 =	sshrl.u32 s1, $0x2  }
0xbc: {  	s3 =	sand.u32 $0x4000, s31;
	s1 =	sadd.s32 s1, s30  }
0xbd: {  	s0 =	sor.u32 s3, s0;
	s1 =	sshll.u32 s1, $0x11  }
0xbe: {  	s0 =	sor.u32 s1, s0  }
0xbf: {  	s0 =	sadd.s32 $0x8F2B, s0  }
0xc0: {  	[sflag:s0] =	ssyncadd.remote.s32 $0x1  }
0xc1: {  	_ =	sfence.sel $0xFFFF  }
0xc2: {  	[dreg:$0x0] =	wrdreg $0xFFFFFFFF;
	(pc) =	sbr.abs _section_cstart, $3  }
0xc3: {  	[dreg:$0x1] =	wrdreg $0xFFFFFFFF  }
0xc4: {  	_ =	task.clear_ibuf [dreg:s9], $0x2FFFF;
	_ =	strace $0x9FFFFFFF  }
0xc5: {  	(tm) =	ssettm $0x7FFFFFFF  }
tec
execute0_lowered:
.L_overlay_start_1:
0x0: {  	(tag) =	ssettag $0x1  }
0x1: {  	s1 =	srdreg.scid  }
0x2: {  	s0 =	rddreg [dreg:$0x0];
	s5 =	stileid.u32;
	s1 =	sand.u32 $0x1, s1  }
0x3: {  	s3 =	rddreg [dreg:$0x1];
	s5 =	sshll.u32 s5, $0xF;
	s6 =	sshll.u32 s1, $0xE  }
0x4: {  	s2 =	rddreg [dreg:$0x2];
	s5 =	sor.u32 s6, s5  }
0x5: {  	s4 =	ssub.s32 $0x2, s1;
	s1 =	simm.s32 $0x0;
	s6 =	sor.u32 $0x400, s5  }
0x6: {  	[smem:$0x7FF] =	sst s1;
	s22 =	sadd.s32 s3, s6  }
0x7: {  	s24 =	sor.u32 $0x800, s5;
	s23 =	sadd.s32 s0, s6;
	[dreg:$0x4] =	wrdreg s22  }
0x8: {  	s8 =	sadd.s32 s3, s24;
	[dreg:$0x5] =	wrdreg s23  }
0x9: {  	s25 =	sadd.s32 s0, s24;
	[dreg:$0x6] =	wrdreg s8  }
0xa: {  	s26 =	sor.u32 $0xC00, s5;
	s6 =	sadd.s32 s2, s6;
	[dreg:$0x7] =	wrdreg s25  }
0xb: {  	s7 =	sshrl.u32 s4, $0x1;
	s10 =	sadd.s32 s3, s26;
	[dreg:$0x8] =	wrdreg s6  }
0xc: {  	s4 =	ssub.s32 s4, s7;
	s9 =	sadd.s32 s0, s26;
	[dreg:$0x9] =	wrdreg s10  }
0xd: {  	s11 =	sor.u32 $0x1000, s5;
	s7 =	sadd.s32 s2, s24;
	[dreg:$0xa] =	wrdreg s9  }
0xe: {  	s12 =	sadd.s32 s3, s11;
	[dreg:$0xb] =	wrdreg s7  }
0xf: {  	s13 =	sadd.s32 s0, s11;
	[dreg:$0xc] =	wrdreg s12  }
0x10: {  	s15 =	sor.u32 $0x1400, s5;
	s14 =	sadd.s32 s2, s26;
	[dreg:$0xd] =	wrdreg s13  }
0x11: {  	s16 =	sadd.s32 s3, s15;
	[dreg:$0xe] =	wrdreg s14  }
0x12: {  	s18 =	sor.u32 $0x1800, s5;
	s17 =	sadd.s32 s0, s15;
	[dreg:$0xf] =	wrdreg s16  }
0x13: {  	s19 =	sadd.s32 s3, s18;
	[dreg:$0x10] =	wrdreg s17  }
0x14: {  	s20 =	sadd.s32 s0, s18;
	[dreg:$0x12] =	wrdreg s19  }
0x15: {  	s21 =	sadd.s32 s2, s15;
	[dreg:$0x13] =	wrdreg s20  }
0x16: {  	s6 =	sadd.s32 s2, s11;
	[dreg:$0x14] =	wrdreg s21  }
0x17: {  	s26 =	sor.u32 $0x2000, s5;
	s23 =	sadd.s32 s2, s18;
	[dreg:$0x11] =	wrdreg s6  }
0x18: {  	s9 =	sadd.s32 s3, s26;
	[dreg:$0x15] =	wrdreg s23  }
0x19: {  	s11 =	sadd.s32 s0, s26;
	[dreg:$0x19] =	wrdreg s9  }
0x1a: {  	s22 =	sor.u32 $0x1C00, s5;
	s7 =	sadd.s32 s2, s26;
	[dreg:$0x1a] =	wrdreg s11  }
0x1b: {  	s24 =	sadd.s32 s3, s22;
	[dreg:$0x1b] =	wrdreg s7  }
0x1c: {  	s28 =	simm.s32 $0x16000;
	s25 =	sadd.s32 s0, s22;
	[dreg:$0x16] =	wrdreg s24  }
0x1d: {  	s10 =	sor.u32 $0x2400, s5;
	s6 =	sadd.s32 s2, s22;
	[dreg:$0x17] =	wrdreg s25  }
0x1e: {  	s29 =	simm.s32 $0x2;
	s12 =	sadd.s32 s3, s10;
	[dreg:$0x18] =	wrdreg s6  }
0x1f: {  	s14 =	sor.u32 $0x2800, s5;
	s13 =	sadd.s32 s0, s10;
	[dreg:$0x1c] =	wrdreg s12  }
0x20: {  	s30 =	simm.s32 $0x4;
	s15 =	sadd.s32 s3, s14;
	[dreg:$0x1d] =	wrdreg s13  }
0x21: {  	s17 =	sor.u32 $0x2C00, s5;
	s16 =	sadd.s32 s0, s14;
	[dreg:$0x1f] =	wrdreg s15  }
0x22: {  	s31 =	simm.s32 $0x3;
	s18 =	sadd.s32 s3, s17;
	[smem:$0x7F3] =	sst s16  }
0x23: {  	s19 =	sor.u32 $0x3000, s5;
	s20 =	sadd.s32 s0, s17;
	[smem:$0x7F5] =	sst s18  }
0x24: {  	s26 =	sor.u32 $0x3800, s5;
	s7 =	sadd.s32 s2, s17;
	[smem:$0x7F6] =	sst s20  }
0x25: {  	s21 =	sadd.s32 s3, s19;
	s22 =	sadd.s32 s0, s19;
	[smem:$0x7F7] =	sst s7  }
0x26: {  	s23 =	sor.u32 $0x3400, s5;
	s11 =	sadd.s32 s3, s5;
	[smem:$0x7F8] =	sst s21  }
0x27: {  	s6 =	sadd.s32 s2, s10;
	[smem:$0x7F9] =	sst s22;
	s24 =	sadd.s32 s3, s23  }
0x28: {  	s25 =	sadd.s32 s0, s23;
	s12 =	sadd.s32 s0, s5;
	s13 =	sadd.s32 s2, s5  }
0x29: {  	s5 =	sor.u32 $0x3C00, s5;
	s16 =	sadd.s32 s0, s26;
	s18 =	sadd.s32 s2, s26  }
0x2a: {  	s20 =	smax.u32 s4, $0x1;
	s21 =	simm.s32 $0x2000;
	[dreg:$0x1e] =	wrdreg s6  }
0x2b: {  	s22 =	simm.s32 $0x400000;
	s6 =	sadd.s32 s2, s14;
	[smem:$0x7FB] =	sst s24  }
0x2c: {  	[smem:$0x7FC] =	sst s25;
	s14 =	sadd.s32 s3, s26;
	s15 =	sadd.s32 s3, s5  }
0x2d: {  	s17 =	sadd.s32 s0, s5;
	s24 =	simm.s32 $0xE000;
	s25 =	simm.s32 $0x1  }
0x2e: {  	s26 =	simm.s32 $0x4000;
	[smem:$0x7F4] =	sst s6;
	s6 =	sadd.s32 s2, s19  }
0x2f: {  	s0 =	simm.s32 $0x5;
	[smem:$0x7FA] =	sst s6;
	s6 =	sadd.s32 s2, s23  }
0x30: {  	s3 =	simm.s32 $0x0;
	s19 =	sadd.s32 s2, s5;
	[smem:$0x7FD] =	sst s6  }
0x31: {  	s23 =	simm.s32 $0x6000;
	s2 =	simm.s32 $0x6;
	_ =	strace $0x80000047  }
.LBB2_1:
0x32: {  	[tilespmem:s1], [sflag:$0x1] =	stream.linear.gather [hbm4b:s11+s1], $0x2000, $0x38;
	[tilespmem:$0x1E000] =	vst v63  }
0x33: {  	_ = 	snop  }
0x34: {  	[tilespmem:s23], [sflag:$0x1] =	stream.strided.gather [hbm4b:s12+s21], $0x8000, s22, s21, $0x38;
	[tilespmem:$0x1E000] =	vst v63  }
0x35: {  	s4 =	rddreg [dreg:$0x4]  }
0x36: {  	[tilespmem:s21], [sflag:$0x2] =	stream.linear.gather [hbm4b:s4+s1], $0x2000, $0x38;
	[tilespmem:$0x1E000] =	vst v63  }
0x37: {  	s9 =	rddreg [dreg:$0x5]  }
0x38: {  	[tilespmem:s24], [sflag:$0x2] =	stream.strided.gather [hbm4b:s9+s21], $0x8000, s22, s21, $0x38;
	[tilespmem:$0x1E000] =	vst v63  }
0x39: {  	_ =	swait.ge [sflag:s25], $0x2000  }
0x3a: {  	[sflag:s25] =	ssyncset.done $0x0  }
0x3b: {  	[sflag:s25] =	ssyncadd.s32 $0xFFFFE000  }
0x3c: {  	s10 =	sand.u32 $0x1C00, s1;
	_ =	swait.ge [sflag:s25], $0x8000  }
0x3d: {  	s5 =	sor.u32 s10, s1;
	[sflag:s25] =	ssyncset.done $0x0  }
0x3e: {  	s5 =	sor.u32 $0x70, s5;
	[sflag:s25] =	ssyncadd.s32 $0xFFFF8000  }
0x3f: {  	v0 =	vld [tilespmem:s5+$0x0]  }
0x40: {  	v1 =	vld [tilespmem:s5+$0x6000];
	_ =	sdelay $0x1  }
0x41: {  	s6 =	sand.u32 $0x380, s1  }
0x42: {  	s4 =	sor.u32 s6, s10  }
0x43: {  	v4 =	vld [tilespmem:s4+$0x0]  }
0x44: {  	v5 =	vld [tilespmem:s4+$0x6000];
	v1 =	vadd.f32 v1, v0  }
0x45: {  	v6 =	vld [tilespmem:s4+$0x8000]  }
0x46: {  	v7 =	vld [tilespmem:s4+$0xA000];
	[tilespmem:s5+$0x6000] =	vst v1  }
0x47: {  	v1 =	vld [tilespmem:s4+$0xC070]  }
0x48: {  	v2 =	vld [tilespmem:s4+$0x8070]  }
0x49: {  	v3 =	vld [tilespmem:s4+$0xA070]  }
0x4a: {  	v8 =	vld [tilespmem:s4+$0xC000]  }
0x4b: {  	v9 =	vld [tilespmem:s4+$0x10]  }
0x4c: {  	v10 =	vld [tilespmem:s4+$0x6010];
	v1 =	vadd.f32 v1, v0  }
0x4d: {  	v11 =	vld [tilespmem:s4+$0x8010];
	v2 =	vadd.f32 v2, v0  }
0x4e: {  	v63 =	vld [tilespmem:s4+$0x30];
	v0 =	vadd.f32 v3, v0;
	[tilespmem:s4+$0xC070] =	vst v1  }
0x4f: {  	v3 =	vld [tilespmem:s4+$0xC010];
	[tilespmem:s4+$0x8070] =	vst v2;
	v2 =	vadd.f32 v5, v4  }
0x50: {  	v1 =	vld [tilespmem:s4+$0xA010];
	[tilespmem:s4+$0xA070] =	vst v0;
	v0 =	vadd.f32 v6, v4  }
0x51: {  	v5 =	vld [tilespmem:s4+$0x20];
	[tilespmem:s4+$0x6000] =	vst v2;
	v2 =	vadd.f32 v7, v4  }
0x52: {  	v6 =	vld [tilespmem:s4+$0x6020];
	[tilespmem:s4+$0x8000] =	vst v0;
	v0 =	vadd.f32 v8, v4  }
0x53: {  	v4 =	vld [tilespmem:s4+$0x8020];
	[tilespmem:s4+$0xA000] =	vst v2;
	v2 =	vadd.f32 v10, v9  }
0x54: {  	v7 =	vld [tilespmem:s4+$0xA020];
	[tilespmem:s4+$0xC000] =	vst v0;
	v0 =	vadd.f32 v11, v9  }
0x55: {  	v8 =	vld [tilespmem:s4+$0xC020];
	v1 =	vadd.f32 v1, v9;
	[tilespmem:s4+$0x6010] =	vst v2  }
0x56: {  	[tilespmem:s4+$0x8010] =	vst v0;
	v0 =	vadd.f32 v3, v9;
	v2 =	vld [tilespmem:s4+$0x6030]  }
0x57: {  	v3 =	vld [tilespmem:s4+$0x8030];
	[tilespmem:s4+$0xA010] =	vst v1;
	v1 =	vadd.f32 v6, v5  }
0x58: {  	v6 =	vld [tilespmem:s4+$0xA030];
	[tilespmem:s4+$0xC010] =	vst v0;
	v0 =	vadd.f32 v4, v5  }
0x59: {  	[tilespmem:s4+$0x6020] =	vst v1;
	v1 =	vadd.f32 v7, v5;
	v7 =	vld [tilespmem:s4+$0xC030]  }
0x5a: {  	v4 =	vld [tilespmem:s4+$0x6040];
	v5 =	vadd.f32 v8, v5;
	[tilespmem:s4+$0x8020] =	vst v0  }
0x5b: {  	v0 =	vld [tilespmem:s4+$0x40];
	[tilespmem:s4+$0xA020] =	vst v1;
	v1 =	vadd.f32 v2, v63  }
0x5c: {  	[tilespmem:s4+$0xC020] =	vst v5;
	v3 =	vadd.f32 v3, v63;
	v2 =	vld [tilespmem:s4+$0x8040]  }
0x5d: {  	v6 =	vadd.f32 v6, v63;
	[tilespmem:s4+$0x6030] =	vst v1;
	v1 =	vld [tilespmem:s4+$0xA040]  }
0x5e: {  	s7 =	simm.s32 $0x0;
	s6 =	simm.s32 $0x400;
	s5 =	simm.s32 $0x0;
	[tilespmem:s4+$0x8030] =	vst v3;
	v3 =	vld [tilespmem:s4+$0xC040];
	v5 =	vadd.f32 v7, v63  }
.LBB2_2:
0x5f: {  	s8 =	sand.u32 $0x1C00, s6;
	[tilespmem:s4+$0xA030] =	vst v6;
	v6 =	vld [tilespmem:s4+$0x50];
	s7 =	sadd.s32 $0x10, s7  }
0x60: {  	s5 =	sadd.s32 $0x8, s5;
	s9 =	sor.u32 s8, s7;
	[tilespmem:s4+$0xC030] =	vst v5;
	v4 =	vadd.f32 v4, v0;
	v5 =	vld [tilespmem:s4+$0x6050]  }
0x61: {  	p0 =	slt.u32 s5, $0x1F8;
	s9 =	sor.u32 $0x70, s9;
	v2 =	vadd.f32 v2, v0;
	v7 =	vld [tilespmem:s4+$0x8050]  }
0x62: {  	v8 =	vld [tilespmem:s9+$0x0];
	[tilespmem:s4+$0x6040] =	vst v4;
	v1 =	vadd.f32 v1, v0  }
0x63: {  	v4 =	vld [tilespmem:s9+$0x6000];
	[tilespmem:s4+$0x8040] =	vst v2;
	v0 =	vadd.f32 v3, v0  }
0x64: {  	[tilespmem:s4+$0xA040] =	vst v1;
	v1 =	vld [tilespmem:s4+$0xA050]  }
0x65: {  	[tilespmem:s4+$0xC040] =	vst v0;
	v0 =	vadd.f32 v5, v6;
	v2 =	vld [tilespmem:s4+$0xC050]  }
0x66: {  	v3 =	vadd.f32 v7, v6;
	v5 =	vld [tilespmem:s4+$0x60]  }
0x67: {  	[tilespmem:s4+$0x6050] =	vst v0;
	v0 =	vld [tilespmem:s4+$0x6060]  }
0x68: {  	v4 =	vadd.f32 v4, v8;
	[tilespmem:s4+$0x8050] =	vst v3;
	v3 =	vld [tilespmem:s4+$0x8060]  }
0x69: {  	s10 =	sand.u32 $0x380, s7;
	v1 =	vadd.f32 v1, v6;
	v7 =	vld [tilespmem:s4+$0xA060]  }
0x6a: {  	s8 =	sor.u32 s10, s8;
	[tilespmem:s9+$0x6000] =	vst v4;
	v2 =	vadd.f32 v2, v6;
	v4 =	vld [tilespmem:s4+$0xC060]  }
0x6b: {  	v6 =	vld [tilespmem:s8+$0xC070];
	[tilespmem:s4+$0xA050] =	vst v1  }
0x6c: {  	v1 =	vld [tilespmem:s8+$0x8070];
	[tilespmem:s4+$0xC050] =	vst v2;
	v0 =	vadd.f32 v0, v5  }
0x6d: {  	v2 =	vld [tilespmem:s8+$0xA070];
	v3 =	vadd.f32 v3, v5  }
0x6e: {  	v9 =	vld [tilespmem:s8+$0x0];
	[tilespmem:s4+$0x6060] =	vst v0;
	v0 =	vadd.f32 v7, v5  }
0x6f: {  	v7 =	vld [tilespmem:s8+$0x6000];
	[tilespmem:s4+$0x8060] =	vst v3;
	v3 =	vadd.f32 v4, v5  }
0x70: {  	v4 =	vld [tilespmem:s8+$0x8000];
	v5 =	vadd.f32 v6, v8;
	[tilespmem:s4+$0xA060] =	vst v0  }
0x71: {  	v0 =	vld [tilespmem:s8+$0xA000];
	v1 =	vadd.f32 v1, v8;
	[tilespmem:s4+$0xC060] =	vst v3;
	s4 =	smov.u32 s8  }
0x72: {  	v3 =	vld [tilespmem:s4+$0xC000];
	v2 =	vadd.f32 v2, v8;
	[tilespmem:s4+$0xC070] =	vst v5  }
0x73: {  	v5 =	vld [tilespmem:s4+$0x10];
	[tilespmem:s4+$0x8070] =	vst v1  }
0x74: {  	v1 =	vadd.f32 v7, v9;
	v6 =	vld [tilespmem:s4+$0x6010];
	[tilespmem:s4+$0xA070] =	vst v2  }
0x75: {  	v2 =	vadd.f32 v4, v9;
	v4 =	vld [tilespmem:s4+$0x8010]  }
0x76: {  	[tilespmem:s4+$0x6000] =	vst v1;
	v0 =	vadd.f32 v0, v9;
	v1 =	vld [tilespmem:s4+$0xA010]  }
0x77: {  	[tilespmem:s4+$0x8000] =	vst v2;
	v2 =	vadd.f32 v3, v9;
	v3 =	vld [tilespmem:s4+$0xC010]  }
0x78: {  	[tilespmem:s4+$0xA000] =	vst v0;
	v0 =	vld [tilespmem:s4+$0x20]  }
0x79: {  	[tilespmem:s4+$0xC000] =	vst v2;
	v2 =	vadd.f32 v6, v5;
	v6 =	vld [tilespmem:s4+$0x6020]  }
0x7a: {  	v4 =	vadd.f32 v4, v5;
	v7 =	vld [tilespmem:s4+$0x8020]  }
0x7b: {  	[tilespmem:s4+$0x6010] =	vst v2;
	v1 =	vadd.f32 v1, v5;
	v2 =	vld [tilespmem:s4+$0xA020]  }
0x7c: {  	[tilespmem:s4+$0x8010] =	vst v4;
	v3 =	vadd.f32 v3, v5;
	v4 =	vld [tilespmem:s4+$0xC020]  }
0x7d: {  	[tilespmem:s4+$0xA010] =	vst v1;
	v5 =	vld [tilespmem:s4+$0x30]  }
0x7e: {  	[tilespmem:s4+$0xC010] =	vst v3;
	v1 =	vadd.f32 v6, v0;
	v3 =	vld [tilespmem:s4+$0x6030]  }
0x7f: {  	v6 =	vadd.f32 v7, v0;
	v7 =	vld [tilespmem:s4+$0x8030]  }
0x80: {  	[tilespmem:s4+$0x6020] =	vst v1;
	v1 =	vadd.f32 v2, v0;
	v8 =	vld [tilespmem:s4+$0xA030]  }
0x81: {  	[tilespmem:s4+$0x8020] =	vst v6;
	v2 =	vadd.f32 v4, v0;
	v9 =	vld [tilespmem:s4+$0xC030]  }
.Ltmp0:
0x82: {  	[tilespmem:s4+$0xA020] =	vst v1;
	v0 =	vld [tilespmem:s4+$0x40];
	(pc) =	sbr.rel @p0 .LBB2_2-.Ltmp0, $4  }
0x83: {  	[tilespmem:s4+$0xC020] =	vst v2;
	v1 =	vadd.f32 v3, v5;
	v4 =	vld [tilespmem:s4+$0x6040]  }
0x84: {  	v3 =	vadd.f32 v7, v5;
	v2 =	vld [tilespmem:s4+$0x8040]  }
0x85: {  	[tilespmem:s4+$0x6030] =	vst v1;
	v6 =	vadd.f32 v8, v5;
	v1 =	vld [tilespmem:s4+$0xA040]  }
0x86: {  	s6 =	sadd.s32 $0x400, s6;
	[tilespmem:s4+$0x8030] =	vst v3;
	v5 =	vadd.f32 v9, v5;
	v3 =	vld [tilespmem:s4+$0xC040]  }
0x87: {  	v7 =	vld [tilespmem:s4+$0x50]  }
0x88: {  	v8 =	vld [tilespmem:s4+$0x6050]  }
0x89: {  	v9 =	vld [tilespmem:s4+$0x8050]  }
0x8a: {  	[tilespmem:s4+$0xA030] =	vst v6;
	v6 =	vld [tilespmem:s4+$0xA050];
	v4 =	vadd.f32 v4, v0  }
0x8b: {  	[tilespmem:s4+$0xC030] =	vst v5;
	v5 =	vld [tilespmem:s4+$0xC050];
	v2 =	vadd.f32 v2, v0  }
0x8c: {  	[tilespmem:s4+$0x6040] =	vst v4;
	v1 =	vadd.f32 v1, v0;
	v4 =	vld [tilespmem:s4+$0x60]  }
0x8d: {  	[tilespmem:s4+$0x8040] =	vst v2;
	v0 =	vadd.f32 v3, v0;
	v2 =	vld [tilespmem:s4+$0x6060]  }
0x8e: {  	v3 =	vld [tilespmem:s4+$0x8060];
	[tilespmem:s4+$0xA040] =	vst v1;
	v1 =	vadd.f32 v8, v7  }
0x8f: {  	v8 =	vld [tilespmem:s4+$0xA060];
	[tilespmem:s4+$0xC040] =	vst v0;
	v0 =	vadd.f32 v9, v7  }
0x90: {  	[tilespmem:s4+$0x6050] =	vst v1;
	v1 =	vadd.f32 v6, v7;
	v6 =	vld [tilespmem:s4+$0xC060]  }
0x91: {  	[tilespmem:s4+$0x8050] =	vst v0;
	v0 =	vadd.f32 v5, v7  }
0x92: {  	[tilespmem:s4+$0xA050] =	vst v1;
	v1 =	vadd.f32 v2, v4  }
0x93: {  	[tilespmem:s4+$0xC050] =	vst v0;
	v0 =	vadd.f32 v3, v4  }
0x94: {  	[tilespmem:s4+$0x6060] =	vst v1;
	v1 =	vadd.f32 v8, v4  }
0x95: {  	[tilespmem:s4+$0x8060] =	vst v0;
	v0 =	vadd.f32 v6, v4  }
0x96: {  	[tilespmem:s4+$0xA060] =	vst v1  }
0x97: {  	[tilespmem:s4+$0xC060] =	vst v0  }
0x98: {  	[hbm4b:s13+s21] =	stream.strided.scatter [tilespmem:s23], [sflag:$0x4], $0x8000, s22, s21, $0x38;
	[tilespmem:$0x1E000] =	vst v63  }
0x99: {  	s8 =	simm.s32 $0x0;
	s5 =	rddreg [dreg:$0x6]  }
0x9a: {  	[tilespmem:s26], [sflag:$0x3] =	stream.linear.gather [hbm4b:s5+s8], $0x2000, $0x38;
	[tilespmem:$0x1E000] =	vst v63  }
0x9b: {  	s9 =	rddreg [dreg:$0x7]  }
0x9c: {  	[tilespmem:s28], [sflag:$0x3] =	stream.strided.gather [hbm4b:s9+s21], $0x8000, s22, s21, $0x38;
	[tilespmem:$0x1E000] =	vst v63  }
0x9d: {  	_ =	swait.ge [sflag:s29], $0x2000  }
0x9e: {  	[sflag:s29] =	ssyncset.done $0x0  }
0x9f: {  	[sflag:s29] =	ssyncadd.s32 $0xFFFFE000  }
0xa0: {  	_ =	swait.ge [sflag:s29], $0x8000  }
0xa1: {  	s10 =	sand.u32 $0x1C00, s8;
	s4 =	sand.u32 $0x380, s8;
	[sflag:s29] =	ssyncset.done $0x0  }
0xa2: {  	s4 =	sor.u32 s4, s10;
	[sflag:s29] =	ssyncadd.s32 $0xFFFF8000  }
0xa3: {  	v0 =	vld [tilespmem:s4+$0x2070]  }
0xa4: {  	v1 =	vld [tilespmem:s4+$0x14070]  }
0xa5: {  	v2 =	vld [tilespmem:s4+$0x2000]  }
0xa6: {  	v3 =	vld [tilespmem:s4+$0xE000]  }
0xa7: {  	v4 =	vld [tilespmem:s4+$0x10000]  }
0xa8: {  	v5 =	vld [tilespmem:s4+$0x12000]  }
0xa9: {  	v6 =	vld [tilespmem:s4+$0x14000]  }
0xaa: {  	v7 =	vld [tilespmem:s4+$0x2010]  }
0xab: {  	v8 =	vld [tilespmem:s4+$0xE010]  }
0xac: {  	v59 =	vld [tilespmem:s4+$0x10010]  }
0xad: {  	v10 =	vld [tilespmem:s4+$0x12010]  }
0xae: {  	v11 =	vld [tilespmem:s4+$0x14010]  }
0xaf: {  	v12 =	vld [tilespmem:s4+$0x2020];
	v1 =	vadd.f32 v1, v0  }
0xb0: {  	v13 =	vld [tilespmem:s4+$0xE020];
	v3 =	vadd.f32 v3, v2  }
0xb1: {  	v60 =	vld [tilespmem:s4+$0x10030];
	[tilespmem:s4+$0x14070] =	vst v1;
	v1 =	vadd.f32 v4, v2  }
0xb2: {  	v61 =	vld [tilespmem:s4+$0x14030];
	[tilespmem:s4+$0xE000] =	vst v3;
	v3 =	vadd.f32 v5, v2  }
0xb3: {  	v4 =	vld [tilespmem:s4+$0x10020];
	[tilespmem:s4+$0x10000] =	vst v1;
	v1 =	vadd.f32 v6, v2  }
0xb4: {  	v5 =	vld [tilespmem:s4+$0x12020];
	[tilespmem:s4+$0x12000] =	vst v3;
	v3 =	vadd.f32 v8, v7  }
0xb5: {  	v2 =	vld [tilespmem:s4+$0x14020];
	[tilespmem:s4+$0x14000] =	vst v1;
	v1 =	vadd.f32 v59, v7  }
0xb6: {  	v6 =	vld [tilespmem:s4+$0x2030];
	[tilespmem:s4+$0xE010] =	vst v3;
	v3 =	vadd.f32 v10, v7  }
0xb7: {  	v8 =	vld [tilespmem:s4+$0xE030];
	[tilespmem:s4+$0x10010] =	vst v1;
	v1 =	vadd.f32 v11, v7  }
0xb8: {  	v62 =	vld [tilespmem:s4+$0x14040];
	[tilespmem:s4+$0x12010] =	vst v3;
	v3 =	vadd.f32 v13, v12  }
0xb9: {  	v7 =	vld [tilespmem:s4+$0x12030];
	[tilespmem:s4+$0x14010] =	vst v1;
	v1 =	vadd.f32 v4, v12  }
0xba: {  	v4 =	vld [tilespmem:s4+$0x2040];
	[tilespmem:s4+$0xE020] =	vst v3;
	v3 =	vadd.f32 v5, v12  }
0xbb: {  	v5 =	vld [tilespmem:s4+$0xE040];
	[tilespmem:s4+$0x10020] =	vst v1;
	v1 =	vadd.f32 v2, v12  }
0xbc: {  	v2 =	vld [tilespmem:s4+$0x10040];
	[tilespmem:s4+$0x12020] =	vst v3;
	v3 =	vadd.f32 v8, v6  }
0xbd: {  	v8 =	vld [tilespmem:s4+$0x12040];
	[tilespmem:s4+$0x14020] =	vst v1;
	v1 =	vadd.f32 v60, v6  }
0xbe: {  	[tilespmem:s4+$0xE030] =	vst v3;
	v3 =	vadd.f32 v7, v6;
	v7 =	vld [tilespmem:s4+$0x2050]  }
0xbf: {  	[tilespmem:s4+$0x10030] =	vst v1;
	v1 =	vadd.f32 v61, v6;
	v6 =	vld [tilespmem:s4+$0xE050]  }
0xc0: {  	[tilespmem:s4+$0x12030] =	vst v3;
	v3 =	vadd.f32 v5, v4;
	v5 =	vld [tilespmem:s4+$0x10050]  }
0xc1: {  	[tilespmem:s4+$0x14030] =	vst v1;
	v1 =	vadd.f32 v2, v4;
	v2 =	vld [tilespmem:s4+$0x12050]  }
0xc2: {  	[tilespmem:s4+$0xE040] =	vst v3;
	v3 =	vadd.f32 v8, v4;
	v8 =	vld [tilespmem:s4+$0x14050]  }
0xc3: {  	v4 =	vadd.f32 v62, v4;
	[tilespmem:s4+$0x10040] =	vst v1;
	v1 =	vld [tilespmem:s4+$0x2060]  }
0xc4: {  	[tilespmem:s4+$0x12040] =	vst v3;
	v3 =	vadd.f32 v6, v7;
	v6 =	vld [tilespmem:s4+$0xE060]  }
0xc5: {  	[tilespmem:s4+$0x14040] =	vst v4;
	v4 =	vadd.f32 v5, v7;
	v5 =	vld [tilespmem:s4+$0x10060]  }
0xc6: {  	[tilespmem:s4+$0xE050] =	vst v3;
	v63 =	vadd.f32 v2, v7;
	v2 =	vld [tilespmem:s4+$0x12060]  }
0xc7: {  	[tilespmem:s4+$0x10050] =	vst v4;
	v3 =	vld [tilespmem:s4+$0x14060];
	v7 =	vadd.f32 v8, v7  }
0xc8: {  	s6 =	simm.s32 $0x10;
	s7 =	simm.s32 $0x400;
	s5 =	simm.s32 $0x0;
	v4 =	vld [tilespmem:s4+$0xE070];
	[tilespmem:s4+$0x12050] =	vst v63  }
.LBB2_4:
0xc9: {  	s8 =	sand.u32 $0x1C00, s7;
	s9 =	sand.u32 $0x380, s6;
	[tilespmem:s4+$0x14050] =	vst v7;
	v6 =	vadd.f32 v6, v1;
	v7 =	vld [tilespmem:s4+$0x10070]  }
0xca: {  	s5 =	sadd.s32 $0x8, s5;
	s8 =	sor.u32 s9, s8;
	v5 =	vadd.f32 v5, v1;
	v8 =	vld [tilespmem:s4+$0x12070]  }
0xcb: {  	p0 =	slt.u32 s5, $0x1F8;
	v9 =	vld [tilespmem:s8+$0x2070];
	[tilespmem:s4+$0xE060] =	vst v6;
	v2 =	vadd.f32 v2, v1  }
0xcc: {  	v6 =	vld [tilespmem:s8+$0x14070];
	[tilespmem:s4+$0x10060] =	vst v5;
	v1 =	vadd.f32 v3, v1  }
0xcd: {  	v3 =	vld [tilespmem:s8+$0x2000];
	[tilespmem:s4+$0x12060] =	vst v2;
	v2 =	vadd.f32 v4, v0  }
0xce: {  	v4 =	vld [tilespmem:s8+$0xE000];
	[tilespmem:s4+$0x14060] =	vst v1;
	v1 =	vadd.f32 v7, v0  }
0xcf: {  	v5 =	vld [tilespmem:s8+$0x10000];
	[tilespmem:s4+$0xE070] =	vst v2;
	v2 =	vadd.f32 v8, v0  }
0xd0: {  	v7 =	vld [tilespmem:s8+$0x12000];
	[tilespmem:s4+$0x10070] =	vst v1;
	v0 =	vmov v9  }
0xd1: {  	v1 =	vld [tilespmem:s8+$0x14000];
	v6 =	vadd.f32 v6, v0;
	[tilespmem:s4+$0x12070] =	vst v2;
	s4 =	smov.u32 s8  }
0xd2: {  	v2 =	vld [tilespmem:s4+$0x2010]  }
0xd3: {  	v4 =	vadd.f32 v4, v3;
	v8 =	vld [tilespmem:s4+$0xE010];
	[tilespmem:s4+$0x14070] =	vst v6  }
0xd4: {  	v5 =	vadd.f32 v5, v3;
	v6 =	vld [tilespmem:s4+$0x10010]  }
0xd5: {  	[tilespmem:s4+$0xE000] =	vst v4;
	v4 =	vadd.f32 v7, v3;
	v7 =	vld [tilespmem:s4+$0x12010]  }
0xd6: {  	[tilespmem:s4+$0x10000] =	vst v5;
	v1 =	vadd.f32 v1, v3;
	v3 =	vld [tilespmem:s4+$0x14010]  }
0xd7: {  	[tilespmem:s4+$0x12000] =	vst v4;
	v4 =	vld [tilespmem:s4+$0x2020]  }
0xd8: {  	[tilespmem:s4+$0x14000] =	vst v1;
	v1 =	vadd.f32 v8, v2;
	v5 =	vld [tilespmem:s4+$0xE020]  }
0xd9: {  	v6 =	vadd.f32 v6, v2;
	v8 =	vld [tilespmem:s4+$0x10020]  }
0xda: {  	[tilespmem:s4+$0xE010] =	vst v1;
	v1 =	vadd.f32 v7, v2;
	v7 =	vld [tilespmem:s4+$0x12020]  }
0xdb: {  	[tilespmem:s4+$0x10010] =	vst v6;
	v2 =	vadd.f32 v3, v2;
	v3 =	vld [tilespmem:s4+$0x14020]  }
0xdc: {  	[tilespmem:s4+$0x12010] =	vst v1;
	v1 =	vld [tilespmem:s4+$0x2030]  }
0xdd: {  	[tilespmem:s4+$0x14010] =	vst v2;
	v2 =	vadd.f32 v5, v4;
	v5 =	vld [tilespmem:s4+$0xE030]  }
0xde: {  	v6 =	vadd.f32 v8, v4;
	v8 =	vld [tilespmem:s4+$0x10030]  }
0xdf: {  	[tilespmem:s4+$0xE020] =	vst v2;
	v2 =	vadd.f32 v7, v4;
	v7 =	vld [tilespmem:s4+$0x12030]  }
0xe0: {  	[tilespmem:s4+$0x10020] =	vst v6;
	v3 =	vadd.f32 v3, v4;
	v4 =	vld [tilespmem:s4+$0x14030]  }
0xe1: {  	[tilespmem:s4+$0x12020] =	vst v2;
	v2 =	vld [tilespmem:s4+$0x2040]  }
0xe2: {  	[tilespmem:s4+$0x14020] =	vst v3;
	v3 =	vadd.f32 v5, v1;
	v5 =	vld [tilespmem:s4+$0xE040]  }
0xe3: {  	v6 =	vadd.f32 v8, v1;
	v8 =	vld [tilespmem:s4+$0x10040]  }
0xe4: {  	[tilespmem:s4+$0xE030] =	vst v3;
	v3 =	vadd.f32 v7, v1;
	v7 =	vld [tilespmem:s4+$0x12040]  }
0xe5: {  	[tilespmem:s4+$0x10030] =	vst v6;
	v1 =	vadd.f32 v4, v1;
	v4 =	vld [tilespmem:s4+$0x14040]  }
0xe6: {  	[tilespmem:s4+$0x12030] =	vst v3;
	v3 =	vld [tilespmem:s4+$0x2050]  }
0xe7: {  	[tilespmem:s4+$0x14030] =	vst v1;
	v1 =	vadd.f32 v5, v2;
	v5 =	vld [tilespmem:s4+$0xE050]  }
0xe8: {  	v6 =	vadd.f32 v8, v2;
	v8 =	vld [tilespmem:s4+$0x10050]  }
0xe9: {  	[tilespmem:s4+$0xE040] =	vst v1;
	v1 =	vadd.f32 v7, v2;
	v7 =	vld [tilespmem:s4+$0x12050]  }
0xea: {  	[tilespmem:s4+$0x10040] =	vst v6;
	v2 =	vadd.f32 v4, v2;
	v4 =	vld [tilespmem:s4+$0x14050]  }
0xeb: {  	[tilespmem:s4+$0x12040] =	vst v1;
	v1 =	vld [tilespmem:s4+$0x2060]  }
.Ltmp1:
0xec: {  	[tilespmem:s4+$0x14040] =	vst v2;
	v2 =	vadd.f32 v5, v3;
	v6 =	vld [tilespmem:s4+$0xE060];
	(pc) =	sbr.rel @p0 .LBB2_4-.Ltmp1, $4  }
0xed: {  	v8 =	vadd.f32 v8, v3;
	v5 =	vld [tilespmem:s4+$0x10060]  }
0xee: {  	[tilespmem:s4+$0xE050] =	vst v2;
	v9 =	vadd.f32 v7, v3;
	v2 =	vld [tilespmem:s4+$0x12060]  }
0xef: {  	[tilespmem:s4+$0x10050] =	vst v8;
	v7 =	vadd.f32 v4, v3;
	v3 =	vld [tilespmem:s4+$0x14060]  }
0xf0: {  	s6 =	sadd.s32 $0x10, s6;
	s7 =	sadd.s32 $0x400, s7;
	[tilespmem:s4+$0x12050] =	vst v9;
	v4 =	vld [tilespmem:s4+$0xE070]  }
0xf1: {  	v6 =	vadd.f32 v6, v1;
	v8 =	vld [tilespmem:s4+$0x10070]  }
0xf2: {  	[tilespmem:s4+$0x14050] =	vst v7;
	v7 =	vld [tilespmem:s4+$0x12070];
	v5 =	vadd.f32 v5, v1  }
0xf3: {  	[tilespmem:s4+$0xE060] =	vst v6;
	v2 =	vadd.f32 v2, v1  }
0xf4: {  	[tilespmem:s4+$0x10060] =	vst v5;
	v1 =	vadd.f32 v3, v1  }
0xf5: {  	[tilespmem:s4+$0x12060] =	vst v2;
	v2 =	vadd.f32 v4, v0  }
0xf6: {  	[tilespmem:s4+$0x14060] =	vst v1;
	v1 =	vadd.f32 v8, v0  }
0xf7: {  	v0 =	vadd.f32 v7, v0;
	[tilespmem:s4+$0xE070] =	vst v2  }
0xf8: {  	[tilespmem:s4+$0x10070] =	vst v1  }
0xf9: {  	[tilespmem:s4+$0x12070] =	vst v0  }
0xfa: {  	s4 =	rddreg [dreg:$0x8]  }
0xfb: {  	[hbm4b:s4+s21] =	stream.strided.scatter [tilespmem:s24], [sflag:$0x5], $0x8000, s22, s21, $0x38;
	[tilespmem:$0x1E000] =	vst v63  }
0xfc: {  	_ =	swait.ge [sflag:s30], $0x8000  }
0xfd: {  	[sflag:s30] =	ssyncset.done $0x0  }
0xfe: {  	s8 =	simm.s32 $0x0;
	s5 =	rddreg [dreg:$0x9];
	[sflag:s30] =	ssyncadd.s32 $0xFFFF8000  }
0xff: {  	[tilespmem:s8], [sflag:$0x1] =	stream.linear.gather [hbm4b:s5+s8], $0x2000, $0x38;
	[tilespmem:$0x1E000] =	vst v63  }
0x100: {  	s9 =	rddreg [dreg:$0xa]  }
0x101: {  	[tilespmem:s23], [sflag:$0x1] =	stream.strided.gather [hbm4b:s9+s21], $0x8000, s22, s21, $0x38;
	[tilespmem:$0x1E000] =	vst v63  }
0x102: {  	_ =	swait.ge [sflag:s31], $0x2000  }
0x103: {  	[sflag:s31] =	ssyncset.done $0x0  }
0x104: {  	[sflag:s31] =	ssyncadd.s32 $0xFFFFE000  }
0x105: {  	_ =	swait.ge [sflag:s31], $0x8000  }
0x106: {  	s10 =	sand.u32 $0x1C00, s8;
	s4 =	sand.u32 $0x380, s8;
	[sflag:s31] =	ssyncset.done $0x0  }
0x107: {  	s4 =	sor.u32 s4, s10;
	[sflag:s31] =	ssyncadd.s32 $0xFFFF8000  }
0x108: {  	v0 =	vld [tilespmem:s4+$0x4070]  }
0x109: {  	v1 =	vld [tilespmem:s4+$0x1C070]  }
0x10a: {  	v2 =	vld [tilespmem:s4+$0x4000]  }
0x10b: {  	v3 =	vld [tilespmem:s4+$0x16000]  }
0x10c: {  	v4 =	vld [tilespmem:s4+$0x18000]  }
0x10d: {  	v5 =	vld [tilespmem:s4+$0x1A000]  }
0x10e: {  	v6 =	vld [tilespmem:s4+$0x1C000]  }
0x10f: {  	v7 =	vld [tilespmem:s4+$0x4010]  }
0x110: {  	v8 =	vld [tilespmem:s4+$0x16010]  }
0x111: {  	v9 =	vld [tilespmem:s4+$0x18010]  }
0x112: {  	v10 =	vld [tilespmem:s4+$0x1A010]  }
0x113: {  	v11 =	vld [tilespmem:s4+$0x1C010]  }
0x114: {  	v12 =	vld [tilespmem:s4+$0x4020];
	v1 =	vadd.f32 v1, v0  }
0x115: {  	v13 =	vld [tilespmem:s4+$0x16020];
	v3 =	vadd.f32 v3, v2  }
0x116: {  	v60 =	vld [tilespmem:s4+$0x18030];
	[tilespmem:s4+$0x1C070] =	vst v1;
	v1 =	vadd.f32 v4, v2  }
0x117: {  	v61 =	vld [tilespmem:s4+$0x1C030];
	[tilespmem:s4+$0x16000] =	vst v3;
	v3 =	vadd.f32 v5, v2  }
0x118: {  	v4 =	vld [tilespmem:s4+$0x18020];
	[tilespmem:s4+$0x18000] =	vst v1;
	v1 =	vadd.f32 v6, v2  }
0x119: {  	v5 =	vld [tilespmem:s4+$0x1A020];
	[tilespmem:s4+$0x1A000] =	vst v3;
	v3 =	vadd.f32 v8, v7  }
0x11a: {  	v2 =	vld [tilespmem:s4+$0x1C020];
	[tilespmem:s4+$0x1C000] =	vst v1;
	v1 =	vadd.f32 v9, v7  }
0x11b: {  	v6 =	vld [tilespmem:s4+$0x4030];
	[tilespmem:s4+$0x16010] =	vst v3;
	v3 =	vadd.f32 v10, v7  }
0x11c: {  	v8 =	vld [tilespmem:s4+$0x16030];
	[tilespmem:s4+$0x18010] =	vst v1;
	v1 =	vadd.f32 v11, v7  }
0x11d: {  	v62 =	vld [tilespmem:s4+$0x1C040];
	[tilespmem:s4+$0x1A010] =	vst v3;
	v3 =	vadd.f32 v13, v12  }
0x11e: {  	v7 =	vld [tilespmem:s4+$0x1A030];
	[tilespmem:s4+$0x1C010] =	vst v1;
	v1 =	vadd.f32 v4, v12  }
0x11f: {  	v4 =	vld [tilespmem:s4+$0x4040];
	[tilespmem:s4+$0x16020] =	vst v3;
	v3 =	vadd.f32 v5, v12  }
0x120: {  	v5 =	vld [tilespmem:s4+$0x16040];
	[tilespmem:s4+$0x18020] =	vst v1;
	v1 =	vadd.f32 v2, v12  }
0x121: {  	v2 =	vld [tilespmem:s4+$0x18040];
	[tilespmem:s4+$0x1A020] =	vst v3;
	v3 =	vadd.f32 v8, v6  }
0x122: {  	v8 =	vld [tilespmem:s4+$0x1A040];
	[tilespmem:s4+$0x1C020] =	vst v1;
	v1 =	vadd.f32 v60, v6  }
0x123: {  	[tilespmem:s4+$0x16030] =	vst v3;
	v3 =	vadd.f32 v7, v6;
	v7 =	vld [tilespmem:s4+$0x4050]  }
0x124: {  	[tilespmem:s4+$0x18030] =	vst v1;
	v1 =	vadd.f32 v61, v6;
	v6 =	vld [tilespmem:s4+$0x16050]  }
0x125: {  	[tilespmem:s4+$0x1A030] =	vst v3;
	v3 =	vadd.f32 v5, v4;
	v5 =	vld [tilespmem:s4+$0x18050]  }
0x126: {  	[tilespmem:s4+$0x1C030] =	vst v1;
	v1 =	vadd.f32 v2, v4;
	v2 =	vld [tilespmem:s4+$0x1A050]  }
0x127: {  	[tilespmem:s4+$0x16040] =	vst v3;
	v3 =	vadd.f32 v8, v4;
	v8 =	vld [tilespmem:s4+$0x1C050]  }
0x128: {  	v4 =	vadd.f32 v62, v4;
	[tilespmem:s4+$0x18040] =	vst v1;
	v1 =	vld [tilespmem:s4+$0x4060]  }
0x129: {  	[tilespmem:s4+$0x1A040] =	vst v3;
	v3 =	vadd.f32 v6, v7;
	v6 =	vld [tilespmem:s4+$0x16060]  }
0x12a: {  	[tilespmem:s4+$0x1C040] =	vst v4;
	v4 =	vadd.f32 v5, v7;
	v5 =	vld [tilespmem:s4+$0x18060]  }
0x12b: {  	[tilespmem:s4+$0x16050] =	vst v3;
	v63 =	vadd.f32 v2, v7;
	v2 =	vld [tilespmem:s4+$0x1A060]  }
0x12c: {  	[tilespmem:s4+$0x18050] =	vst v4;
	v3 =	vld [tilespmem:s4+$0x1C060];
	v7 =	vadd.f32 v8, v7  }
0x12d: {  	s6 =	simm.s32 $0x10;
	s7 =	simm.s32 $0x400;
	s5 =	simm.s32 $0x0;
	v4 =	vld [tilespmem:s4+$0x16070];
	[tilespmem:s4+$0x1A050] =	vst v63  }
.LBB2_6:
0x12e: {  	s8 =	sand.u32 $0x1C00, s7;
	s9 =	sand.u32 $0x380, s6;
	[tilespmem:s4+$0x1C050] =	vst v7;
	v6 =	vadd.f32 v6, v1;
	v7 =	vld [tilespmem:s4+$0x18070]  }
0x12f: {  	s5 =	sadd.s32 $0x8, s5;
	s8 =	sor.u32 s9, s8;
	v5 =	vadd.f32 v5, v1;
	v8 =	vld [tilespmem:s4+$0x1A070]  }
0x130: {  	p0 =	slt.u32 s5, $0x1F8;
	v9 =	vld [tilespmem:s8+$0x4070];
	[tilespmem:s4+$0x16060] =	vst v6;
	v2 =	vadd.f32 v2, v1  }
0x131: {  	v6 =	vld [tilespmem:s8+$0x1C070];
	[tilespmem:s4+$0x18060] =	vst v5;
	v1 =	vadd.f32 v3, v1  }
0x132: {  	v3 =	vld [tilespmem:s8+$0x4000];
	[tilespmem:s4+$0x1A060] =	vst v2;
	v2 =	vadd.f32 v4, v0  }
0x133: {  	v4 =	vld [tilespmem:s8+$0x16000];
	[tilespmem:s4+$0x1C060] =	vst v1;
	v1 =	vadd.f32 v7, v0  }
0x134: {  	v5 =	vld [tilespmem:s8+$0x18000];
	[tilespmem:s4+$0x16070] =	vst v2;
	v2 =	vadd.f32 v8, v0  }
0x135: {  	v7 =	vld [tilespmem:s8+$0x1A000];
	[tilespmem:s4+$0x18070] =	vst v1;
	v0 =	vmov v9  }
0x136: {  	v1 =	vld [tilespmem:s8+$0x1C000];
	v6 =	vadd.f32 v6, v0;
	[tilespmem:s4+$0x1A070] =	vst v2;
	s4 =	smov.u32 s8  }
0x137: {  	v2 =	vld [tilespmem:s4+$0x4010]  }
0x138: {  	v4 =	vadd.f32 v4, v3;
	v8 =	vld [tilespmem:s4+$0x16010];
	[tilespmem:s4+$0x1C070] =	vst v6  }
0x139: {  	v5 =	vadd.f32 v5, v3;
	v6 =	vld [tilespmem:s4+$0x18010]  }
0x13a: {  	[tilespmem:s4+$0x16000] =	vst v4;
	v4 =	vadd.f32 v7, v3;
	v7 =	vld [tilespmem:s4+$0x1A010]  }
0x13b: {  	[tilespmem:s4+$0x18000] =	vst v5;
	v1 =	vadd.f32 v1, v3;
	v3 =	vld [tilespmem:s4+$0x1C010]  }
0x13c: {  	[tilespmem:s4+$0x1A000] =	vst v4;
	v4 =	vld [tilespmem:s4+$0x4020]  }
0x13d: {  	[tilespmem:s4+$0x1C000] =	vst v1;
	v1 =	vadd.f32 v8, v2;
	v5 =	vld [tilespmem:s4+$0x16020]  }
0x13e: {  	v6 =	vadd.f32 v6, v2;
	v8 =	vld [tilespmem:s4+$0x18020]  }
0x13f: {  	[tilespmem:s4+$0x16010] =	vst v1;
	v1 =	vadd.f32 v7, v2;
	v7 =	vld [tilespmem:s4+$0x1A020]  }
0x140: {  	[tilespmem:s4+$0x18010] =	vst v6;
	v2 =	vadd.f32 v3, v2;
	v3 =	vld [tilespmem:s4+$0x1C020]  }
0x141: {  	[tilespmem:s4+$0x1A010] =	vst v1;
	v1 =	vld [tilespmem:s4+$0x4030]  }
0x142: {  	[tilespmem:s4+$0x1C010] =	vst v2;
	v2 =	vadd.f32 v5, v4;
	v5 =	vld [tilespmem:s4+$0x16030]  }
0x143: {  	v6 =	vadd.f32 v8, v4;
	v8 =	vld [tilespmem:s4+$0x18030]  }
0x144: {  	[tilespmem:s4+$0x16020] =	vst v2;
	v2 =	vadd.f32 v7, v4;
	v7 =	vld [tilespmem:s4+$0x1A030]  }
0x145: {  	[tilespmem:s4+$0x18020] =	vst v6;
	v3 =	vadd.f32 v3, v4;
	v4 =	vld [tilespmem:s4+$0x1C030]  }
0x146: {  	[tilespmem:s4+$0x1A020] =	vst v2;
	v2 =	vld [tilespmem:s4+$0x4040]  }
0x147: {  	[tilespmem:s4+$0x1C020] =	vst v3;
	v3 =	vadd.f32 v5, v1;
	v5 =	vld [tilespmem:s4+$0x16040]  }
0x148: {  	v6 =	vadd.f32 v8, v1;
	v8 =	vld [tilespmem:s4+$0x18040]  }
0x149: {  	[tilespmem:s4+$0x16030] =	vst v3;
	v3 =	vadd.f32 v7, v1;
	v7 =	vld [tilespmem:s4+$0x1A040]  }
0x14a: {  	[tilespmem:s4+$0x18030] =	vst v6;
	v1 =	vadd.f32 v4, v1;
	v4 =	vld [tilespmem:s4+$0x1C040]  }
0x14b: {  	[tilespmem:s4+$0x1A030] =	vst v3;
	v3 =	vld [tilespmem:s4+$0x4050]  }
0x14c: {  	[tilespmem:s4+$0x1C030] =	vst v1;
	v1 =	vadd.f32 v5, v2;
	v5 =	vld [tilespmem:s4+$0x16050]  }
0x14d: {  	v6 =	vadd.f32 v8, v2;
	v8 =	vld [tilespmem:s4+$0x18050]  }
0x14e: {  	[tilespmem:s4+$0x16040] =	vst v1;
	v1 =	vadd.f32 v7, v2;
	v7 =	vld [tilespmem:s4+$0x1A050]  }
0x14f: {  	[tilespmem:s4+$0x18040] =	vst v6;
	v2 =	vadd.f32 v4, v2;
	v4 =	vld [tilespmem:s4+$0x1C050]  }
0x150: {  	[tilespmem:s4+$0x1A040] =	vst v1;
	v1 =	vld [tilespmem:s4+$0x4060]  }
.Ltmp2:
0x151: {  	[tilespmem:s4+$0x1C040] =	vst v2;
	v2 =	vadd.f32 v5, v3;
	v6 =	vld [tilespmem:s4+$0x16060];
	(pc) =	sbr.rel @p0 .LBB2_6-.Ltmp2, $4  }
0x152: {  	v8 =	vadd.f32 v8, v3;
	v5 =	vld [tilespmem:s4+$0x18060]  }
0x153: {  	[tilespmem:s4+$0x16050] =	vst v2;
	v9 =	vadd.f32 v7, v3;
	v2 =	vld [tilespmem:s4+$0x1A060]  }
0x154: {  	[tilespmem:s4+$0x18050] =	vst v8;
	v7 =	vadd.f32 v4, v3;
	v3 =	vld [tilespmem:s4+$0x1C060]  }
0x155: {  	s6 =	sadd.s32 $0x10, s6;
	s7 =	sadd.s32 $0x400, s7;
	[tilespmem:s4+$0x1A050] =	vst v9;
	v4 =	vld [tilespmem:s4+$0x16070]  }
0x156: {  	v6 =	vadd.f32 v6, v1;
	v8 =	vld [tilespmem:s4+$0x18070]  }
0x157: {  	[tilespmem:s4+$0x1C050] =	vst v7;
	v7 =	vld [tilespmem:s4+$0x1A070];
	v5 =	vadd.f32 v5, v1  }
0x158: {  	[tilespmem:s4+$0x16060] =	vst v6;
	v2 =	vadd.f32 v2, v1  }
0x159: {  	[tilespmem:s4+$0x18060] =	vst v5;
	v1 =	vadd.f32 v3, v1  }
0x15a: {  	[tilespmem:s4+$0x1A060] =	vst v2;
	v2 =	vadd.f32 v4, v0  }
0x15b: {  	[tilespmem:s4+$0x1C060] =	vst v1;
	v1 =	vadd.f32 v8, v0  }
0x15c: {  	v0 =	vadd.f32 v7, v0;
	[tilespmem:s4+$0x16070] =	vst v2  }
0x15d: {  	[tilespmem:s4+$0x18070] =	vst v1  }
0x15e: {  	[tilespmem:s4+$0x1A070] =	vst v0  }
0x15f: {  	s4 =	rddreg [dreg:$0xb]  }
0x160: {  	[hbm4b:s4+s21] =	stream.strided.scatter [tilespmem:s28], [sflag:$0x6], $0x8000, s22, s21, $0x38;
	[tilespmem:$0x1E000] =	vst v63  }
0x161: {  	_ =	swait.ge [sflag:s0], $0x8000  }
0x162: {  	[sflag:s0] =	ssyncset.done $0x0  }
0x163: {  	s5 =	simm.s32 $0x0;
	s8 =	rddreg [dreg:$0xc];
	[sflag:s0] =	ssyncadd.s32 $0xFFFF8000  }
0x164: {  	[tilespmem:s21], [sflag:$0x2] =	stream.linear.gather [hbm4b:s8+s5], $0x2000, $0x38;
	[tilespmem:$0x1E000] =	vst v63  }
0x165: {  	s9 =	rddreg [dreg:$0xd]  }
0x166: {  	[tilespmem:s24], [sflag:$0x2] =	stream.strided.gather [hbm4b:s9+s21], $0x8000, s22, s21, $0x38;
	[tilespmem:$0x1E000] =	vst v63  }
0x167: {  	_ =	swait.ge [sflag:s25], $0x2000  }
0x168: {  	[sflag:s25] =	ssyncset.done $0x0  }
0x169: {  	[sflag:s25] =	ssyncadd.s32 $0xFFFFE000  }
0x16a: {  	s10 =	sand.u32 $0x1C00, s5;
	_ =	swait.ge [sflag:s25], $0x8000  }
0x16b: {  	s6 =	sor.u32 s10, s5;
	[sflag:s25] =	ssyncset.done $0x0  }
0x16c: {  	s6 =	sor.u32 $0x70, s6;
	[sflag:s25] =	ssyncadd.s32 $0xFFFF8000  }
0x16d: {  	v0 =	vld [tilespmem:s6+$0x0]  }
0x16e: {  	v1 =	vld [tilespmem:s6+$0x6000];
	_ =	sdelay $0x1  }
0x16f: {  	s7 =	sand.u32 $0x380, s5  }
0x170: {  	s4 =	sor.u32 s7, s10  }
0x171: {  	v4 =	vld [tilespmem:s4+$0x0]  }
0x172: {  	v5 =	vld [tilespmem:s4+$0x6000];
	v1 =	vadd.f32 v1, v0  }
0x173: {  	v6 =	vld [tilespmem:s4+$0x8000]  }
0x174: {  	v7 =	vld [tilespmem:s4+$0xA000];
	[tilespmem:s6+$0x6000] =	vst v1  }
0x175: {  	v1 =	vld [tilespmem:s4+$0xC070]  }
0x176: {  	v2 =	vld [tilespmem:s4+$0x8070]  }
0x177: {  	v3 =	vld [tilespmem:s4+$0xA070]  }
0x178: {  	v8 =	vld [tilespmem:s4+$0xC000]  }
0x179: {  	v9 =	vld [tilespmem:s4+$0x10]  }
0x17a: {  	v10 =	vld [tilespmem:s4+$0x6010];
	v1 =	vadd.f32 v1, v0  }
0x17b: {  	v11 =	vld [tilespmem:s4+$0x8010];
	v2 =	vadd.f32 v2, v0  }
0x17c: {  	v63 =	vld [tilespmem:s4+$0x30];
	v0 =	vadd.f32 v3, v0;
	[tilespmem:s4+$0xC070] =	vst v1  }
0x17d: {  	v3 =	vld [tilespmem:s4+$0xC010];
	[tilespmem:s4+$0x8070] =	vst v2;
	v2 =	vadd.f32 v5, v4  }
0x17e: {  	v1 =	vld [tilespmem:s4+$0xA010];
	[tilespmem:s4+$0xA070] =	vst v0;
	v0 =	vadd.f32 v6, v4  }
0x17f: {  	v5 =	vld [tilespmem:s4+$0x20];
	[tilespmem:s4+$0x6000] =	vst v2;
	v2 =	vadd.f32 v7, v4  }
0x180: {  	v6 =	vld [tilespmem:s4+$0x6020];
	[tilespmem:s4+$0x8000] =	vst v0;
	v0 =	vadd.f32 v8, v4  }
0x181: {  	v4 =	vld [tilespmem:s4+$0x8020];
	[tilespmem:s4+$0xA000] =	vst v2;
	v2 =	vadd.f32 v10, v9  }
0x182: {  	v7 =	vld [tilespmem:s4+$0xA020];
	[tilespmem:s4+$0xC000] =	vst v0;
	v0 =	vadd.f32 v11, v9  }
0x183: {  	v8 =	vld [tilespmem:s4+$0xC020];
	v1 =	vadd.f32 v1, v9;
	[tilespmem:s4+$0x6010] =	vst v2  }
0x184: {  	[tilespmem:s4+$0x8010] =	vst v0;
	v0 =	vadd.f32 v3, v9;
	v2 =	vld [tilespmem:s4+$0x6030]  }
0x185: {  	v3 =	vld [tilespmem:s4+$0x8030];
	[tilespmem:s4+$0xA010] =	vst v1;
	v1 =	vadd.f32 v6, v5  }
0x186: {  	v6 =	vld [tilespmem:s4+$0xA030];
	[tilespmem:s4+$0xC010] =	vst v0;
	v0 =	vadd.f32 v4, v5  }
0x187: {  	[tilespmem:s4+$0x6020] =	vst v1;
	v1 =	vadd.f32 v7, v5;
	v7 =	vld [tilespmem:s4+$0xC030]  }
0x188: {  	v4 =	vld [tilespmem:s4+$0x6040];
	v5 =	vadd.f32 v8, v5;
	[tilespmem:s4+$0x8020] =	vst v0  }
0x189: {  	v0 =	vld [tilespmem:s4+$0x40];
	[tilespmem:s4+$0xA020] =	vst v1;
	v1 =	vadd.f32 v2, v63  }
0x18a: {  	[tilespmem:s4+$0xC020] =	vst v5;
	v3 =	vadd.f32 v3, v63;
	v2 =	vld [tilespmem:s4+$0x8040]  }
0x18b: {  	v6 =	vadd.f32 v6, v63;
	[tilespmem:s4+$0x6030] =	vst v1;
	v1 =	vld [tilespmem:s4+$0xA040]  }
0x18c: {  	s7 =	simm.s32 $0x400;
	s6 =	simm.s32 $0x0;
	[tilespmem:s4+$0x8030] =	vst v3;
	v3 =	vld [tilespmem:s4+$0xC040];
	v5 =	vadd.f32 v7, v63  }
.LBB2_8:
0x18d: {  	s8 =	sand.u32 $0x1C00, s7;
	[tilespmem:s4+$0xA030] =	vst v6;
	v6 =	vld [tilespmem:s4+$0x50];
	s5 =	sadd.s32 $0x10, s5  }
0x18e: {  	s6 =	sadd.s32 $0x8, s6;
	s9 =	sor.u32 s8, s5;
	[tilespmem:s4+$0xC030] =	vst v5;
	v4 =	vadd.f32 v4, v0;
	v5 =	vld [tilespmem:s4+$0x6050]  }
0x18f: {  	p0 =	slt.u32 s6, $0x1F8;
	s9 =	sor.u32 $0x70, s9;
	v2 =	vadd.f32 v2, v0;
	v7 =	vld [tilespmem:s4+$0x8050]  }
0x190: {  	v8 =	vld [tilespmem:s9+$0x0];
	[tilespmem:s4+$0x6040] =	vst v4;
	v1 =	vadd.f32 v1, v0  }
0x191: {  	v4 =	vld [tilespmem:s9+$0x6000];
	[tilespmem:s4+$0x8040] =	vst v2;
	v0 =	vadd.f32 v3, v0  }
0x192: {  	[tilespmem:s4+$0xA040] =	vst v1;
	v1 =	vld [tilespmem:s4+$0xA050]  }
0x193: {  	[tilespmem:s4+$0xC040] =	vst v0;
	v0 =	vadd.f32 v5, v6;
	v2 =	vld [tilespmem:s4+$0xC050]  }
0x194: {  	v3 =	vadd.f32 v7, v6;
	v5 =	vld [tilespmem:s4+$0x60]  }
0x195: {  	[tilespmem:s4+$0x6050] =	vst v0;
	v0 =	vld [tilespmem:s4+$0x6060]  }
0x196: {  	v4 =	vadd.f32 v4, v8;
	[tilespmem:s4+$0x8050] =	vst v3;
	v3 =	vld [tilespmem:s4+$0x8060]  }
0x197: {  	s10 =	sand.u32 $0x380, s5;
	v1 =	vadd.f32 v1, v6;
	v7 =	vld [tilespmem:s4+$0xA060]  }
0x198: {  	s8 =	sor.u32 s10, s8;
	[tilespmem:s9+$0x6000] =	vst v4;
	v2 =	vadd.f32 v2, v6;
	v4 =	vld [tilespmem:s4+$0xC060]  }
0x199: {  	v6 =	vld [tilespmem:s8+$0xC070];
	[tilespmem:s4+$0xA050] =	vst v1  }
0x19a: {  	v1 =	vld [tilespmem:s8+$0x8070];
	[tilespmem:s4+$0xC050] =	vst v2;
	v0 =	vadd.f32 v0, v5  }
0x19b: {  	v2 =	vld [tilespmem:s8+$0xA070];
	v3 =	vadd.f32 v3, v5  }
0x19c: {  	v9 =	vld [tilespmem:s8+$0x0];
	[tilespmem:s4+$0x6060] =	vst v0;
	v0 =	vadd.f32 v7, v5  }
0x19d: {  	v7 =	vld [tilespmem:s8+$0x6000];
	[tilespmem:s4+$0x8060] =	vst v3;
	v3 =	vadd.f32 v4, v5  }
0x19e: {  	v4 =	vld [tilespmem:s8+$0x8000];
	v5 =	vadd.f32 v6, v8;
	[tilespmem:s4+$0xA060] =	vst v0  }
0x19f: {  	v0 =	vld [tilespmem:s8+$0xA000];
	v1 =	vadd.f32 v1, v8;
	[tilespmem:s4+$0xC060] =	vst v3;
	s4 =	smov.u32 s8  }
0x1a0: {  	v3 =	vld [tilespmem:s4+$0xC000];
	v2 =	vadd.f32 v2, v8;
	[tilespmem:s4+$0xC070] =	vst v5  }
0x1a1: {  	v5 =	vld [tilespmem:s4+$0x10];
	[tilespmem:s4+$0x8070] =	vst v1  }
0x1a2: {  	v1 =	vadd.f32 v7, v9;
	v6 =	vld [tilespmem:s4+$0x6010];
	[tilespmem:s4+$0xA070] =	vst v2  }
0x1a3: {  	v2 =	vadd.f32 v4, v9;
	v4 =	vld [tilespmem:s4+$0x8010]  }
0x1a4: {  	[tilespmem:s4+$0x6000] =	vst v1;
	v0 =	vadd.f32 v0, v9;
	v1 =	vld [tilespmem:s4+$0xA010]  }
0x1a5: {  	[tilespmem:s4+$0x8000] =	vst v2;
	v2 =	vadd.f32 v3, v9;
	v3 =	vld [tilespmem:s4+$0xC010]  }
0x1a6: {  	[tilespmem:s4+$0xA000] =	vst v0;
	v0 =	vld [tilespmem:s4+$0x20]  }
0x1a7: {  	[tilespmem:s4+$0xC000] =	vst v2;
	v2 =	vadd.f32 v6, v5;
	v6 =	vld [tilespmem:s4+$0x6020]  }
0x1a8: {  	v4 =	vadd.f32 v4, v5;
	v7 =	vld [tilespmem:s4+$0x8020]  }
0x1a9: {  	[tilespmem:s4+$0x6010] =	vst v2;
	v1 =	vadd.f32 v1, v5;
	v2 =	vld [tilespmem:s4+$0xA020]  }
0x1aa: {  	[tilespmem:s4+$0x8010] =	vst v4;
	v3 =	vadd.f32 v3, v5;
	v4 =	vld [tilespmem:s4+$0xC020]  }
0x1ab: {  	[tilespmem:s4+$0xA010] =	vst v1;
	v5 =	vld [tilespmem:s4+$0x30]  }
0x1ac: {  	[tilespmem:s4+$0xC010] =	vst v3;
	v1 =	vadd.f32 v6, v0;
	v3 =	vld [tilespmem:s4+$0x6030]  }
0x1ad: {  	v6 =	vadd.f32 v7, v0;
	v7 =	vld [tilespmem:s4+$0x8030]  }
0x1ae: {  	[tilespmem:s4+$0x6020] =	vst v1;
	v1 =	vadd.f32 v2, v0;
	v8 =	vld [tilespmem:s4+$0xA030]  }
0x1af: {  	[tilespmem:s4+$0x8020] =	vst v6;
	v2 =	vadd.f32 v4, v0;
	v9 =	vld [tilespmem:s4+$0xC030]  }
.Ltmp3:
0x1b0: {  	[tilespmem:s4+$0xA020] =	vst v1;
	v0 =	vld [tilespmem:s4+$0x40];
	(pc) =	sbr.rel @p0 .LBB2_8-.Ltmp3, $4  }
0x1b1: {  	[tilespmem:s4+$0xC020] =	vst v2;
	v1 =	vadd.f32 v3, v5;
	v4 =	vld [tilespmem:s4+$0x6040]  }
0x1b2: {  	v3 =	vadd.f32 v7, v5;
	v2 =	vld [tilespmem:s4+$0x8040]  }
0x1b3: {  	[tilespmem:s4+$0x6030] =	vst v1;
	v6 =	vadd.f32 v8, v5;
	v1 =	vld [tilespmem:s4+$0xA040]  }
0x1b4: {  	s7 =	sadd.s32 $0x400, s7;
	[tilespmem:s4+$0x8030] =	vst v3;
	v5 =	vadd.f32 v9, v5;
	v3 =	vld [tilespmem:s4+$0xC040]  }
0x1b5: {  	v7 =	vld [tilespmem:s4+$0x50]  }
0x1b6: {  	v8 =	vld [tilespmem:s4+$0x6050]  }
0x1b7: {  	v9 =	vld [tilespmem:s4+$0x8050]  }
0x1b8: {  	[tilespmem:s4+$0xA030] =	vst v6;
	v6 =	vld [tilespmem:s4+$0xA050];
	v4 =	vadd.f32 v4, v0  }
0x1b9: {  	[tilespmem:s4+$0xC030] =	vst v5;
	v5 =	vld [tilespmem:s4+$0xC050];
	v2 =	vadd.f32 v2, v0  }
0x1ba: {  	[tilespmem:s4+$0x6040] =	vst v4;
	v1 =	vadd.f32 v1, v0;
	v4 =	vld [tilespmem:s4+$0x60]  }
0x1bb: {  	[tilespmem:s4+$0x8040] =	vst v2;
	v0 =	vadd.f32 v3, v0;
	v2 =	vld [tilespmem:s4+$0x6060]  }
0x1bc: {  	v3 =	vld [tilespmem:s4+$0x8060];
	[tilespmem:s4+$0xA040] =	vst v1;
	v1 =	vadd.f32 v8, v7  }
0x1bd: {  	v8 =	vld [tilespmem:s4+$0xA060];
	[tilespmem:s4+$0xC040] =	vst v0;
	v0 =	vadd.f32 v9, v7  }
0x1be: {  	[tilespmem:s4+$0x6050] =	vst v1;
	v1 =	vadd.f32 v6, v7;
	v6 =	vld [tilespmem:s4+$0xC060]  }
0x1bf: {  	[tilespmem:s4+$0x8050] =	vst v0;
	v0 =	vadd.f32 v5, v7  }
0x1c0: {  	[tilespmem:s4+$0xA050] =	vst v1;
	v1 =	vadd.f32 v2, v4  }
0x1c1: {  	[tilespmem:s4+$0xC050] =	vst v0;
	v0 =	vadd.f32 v3, v4  }
0x1c2: {  	[tilespmem:s4+$0x6060] =	vst v1;
	v1 =	vadd.f32 v8, v4  }
0x1c3: {  	[tilespmem:s4+$0x8060] =	vst v0;
	v0 =	vadd.f32 v6, v4  }
0x1c4: {  	[tilespmem:s4+$0xA060] =	vst v1  }
0x1c5: {  	[tilespmem:s4+$0xC060] =	vst v0  }
0x1c6: {  	s4 =	rddreg [dreg:$0xe]  }
0x1c7: {  	[hbm4b:s4+s21] =	stream.strided.scatter [tilespmem:s23], [sflag:$0x4], $0x8000, s22, s21, $0x38;
	[tilespmem:$0x1E000] =	vst v63  }
0x1c8: {  	_ =	swait.ge [sflag:s2], $0x8000  }
0x1c9: {  	[sflag:s2] =	ssyncset.done $0x0  }
0x1ca: {  	s8 =	simm.s32 $0x0;
	s5 =	rddreg [dreg:$0xf];
	[sflag:s2] =	ssyncadd.s32 $0xFFFF8000  }
0x1cb: {  	[tilespmem:s26], [sflag:$0x3] =	stream.linear.gather [hbm4b:s5+s8], $0x2000, $0x38;
	[tilespmem:$0x1E000] =	vst v63  }
0x1cc: {  	s9 =	rddreg [dreg:$0x10]  }
0x1cd: {  	[tilespmem:s28], [sflag:$0x3] =	stream.strided.gather [hbm4b:s9+s21], $0x8000, s22, s21, $0x38;
	[tilespmem:$0x1E000] =	vst v63  }
0x1ce: {  	_ =	swait.ge [sflag:s29], $0x2000  }
0x1cf: {  	[sflag:s29] =	ssyncset.done $0x0  }
0x1d0: {  	[sflag:s29] =	ssyncadd.s32 $0xFFFFE000  }
0x1d1: {  	_ =	swait.ge [sflag:s29], $0x8000  }
0x1d2: {  	s10 =	sand.u32 $0x1C00, s8;
	s4 =	sand.u32 $0x380, s8;
	[sflag:s29] =	ssyncset.done $0x0  }
0x1d3: {  	s4 =	sor.u32 s4, s10;
	[sflag:s29] =	ssyncadd.s32 $0xFFFF8000  }
0x1d4: {  	v0 =	vld [tilespmem:s4+$0x2070]  }
0x1d5: {  	v1 =	vld [tilespmem:s4+$0x14070]  }
0x1d6: {  	v2 =	vld [tilespmem:s4+$0x2000]  }
0x1d7: {  	v3 =	vld [tilespmem:s4+$0xE000]  }
0x1d8: {  	v4 =	vld [tilespmem:s4+$0x10000]  }
0x1d9: {  	v5 =	vld [tilespmem:s4+$0x12000]  }
0x1da: {  	v6 =	vld [tilespmem:s4+$0x14000]  }
0x1db: {  	v7 =	vld [tilespmem:s4+$0x2010]  }
0x1dc: {  	v8 =	vld [tilespmem:s4+$0xE010]  }
0x1dd: {  	v59 =	vld [tilespmem:s4+$0x10010]  }
0x1de: {  	v10 =	vld [tilespmem:s4+$0x12010]  }
0x1df: {  	v11 =	vld [tilespmem:s4+$0x14010]  }
0x1e0: {  	v12 =	vld [tilespmem:s4+$0x2020];
	v1 =	vadd.f32 v1, v0  }
0x1e1: {  	v13 =	vld [tilespmem:s4+$0xE020];
	v3 =	vadd.f32 v3, v2  }
0x1e2: {  	v60 =	vld [tilespmem:s4+$0x10030];
	[tilespmem:s4+$0x14070] =	vst v1;
	v1 =	vadd.f32 v4, v2  }
0x1e3: {  	v61 =	vld [tilespmem:s4+$0x14030];
	[tilespmem:s4+$0xE000] =	vst v3;
	v3 =	vadd.f32 v5, v2  }
0x1e4: {  	v4 =	vld [tilespmem:s4+$0x10020];
	[tilespmem:s4+$0x10000] =	vst v1;
	v1 =	vadd.f32 v6, v2  }
0x1e5: {  	v5 =	vld [tilespmem:s4+$0x12020];
	[tilespmem:s4+$0x12000] =	vst v3;
	v3 =	vadd.f32 v8, v7  }
0x1e6: {  	v2 =	vld [tilespmem:s4+$0x14020];
	[tilespmem:s4+$0x14000] =	vst v1;
	v1 =	vadd.f32 v59, v7  }
0x1e7: {  	v6 =	vld [tilespmem:s4+$0x2030];
	[tilespmem:s4+$0xE010] =	vst v3;
	v3 =	vadd.f32 v10, v7  }
0x1e8: {  	v8 =	vld [tilespmem:s4+$0xE030];
	[tilespmem:s4+$0x10010] =	vst v1;
	v1 =	vadd.f32 v11, v7  }
0x1e9: {  	v62 =	vld [tilespmem:s4+$0x14040];
	[tilespmem:s4+$0x12010] =	vst v3;
	v3 =	vadd.f32 v13, v12  }
0x1ea: {  	v7 =	vld [tilespmem:s4+$0x12030];
	[tilespmem:s4+$0x14010] =	vst v1;
	v1 =	vadd.f32 v4, v12  }
0x1eb: {  	v4 =	vld [tilespmem:s4+$0x2040];
	[tilespmem:s4+$0xE020] =	vst v3;
	v3 =	vadd.f32 v5, v12  }
0x1ec: {  	v5 =	vld [tilespmem:s4+$0xE040];
	[tilespmem:s4+$0x10020] =	vst v1;
	v1 =	vadd.f32 v2, v12  }
0x1ed: {  	v2 =	vld [tilespmem:s4+$0x10040];
	[tilespmem:s4+$0x12020] =	vst v3;
	v3 =	vadd.f32 v8, v6  }
0x1ee: {  	v8 =	vld [tilespmem:s4+$0x12040];
	[tilespmem:s4+$0x14020] =	vst v1;
	v1 =	vadd.f32 v60, v6  }
0x1ef: {  	[tilespmem:s4+$0xE030] =	vst v3;
	v3 =	vadd.f32 v7, v6;
	v7 =	vld [tilespmem:s4+$0x2050]  }
0x1f0: {  	[tilespmem:s4+$0x10030] =	vst v1;
	v1 =	vadd.f32 v61, v6;
	v6 =	vld [tilespmem:s4+$0xE050]  }
0x1f1: {  	[tilespmem:s4+$0x12030] =	vst v3;
	v3 =	vadd.f32 v5, v4;
	v5 =	vld [tilespmem:s4+$0x10050]  }
0x1f2: {  	[tilespmem:s4+$0x14030] =	vst v1;
	v1 =	vadd.f32 v2, v4;
	v2 =	vld [tilespmem:s4+$0x12050]  }
0x1f3: {  	[tilespmem:s4+$0xE040] =	vst v3;
	v3 =	vadd.f32 v8, v4;
	v8 =	vld [tilespmem:s4+$0x14050]  }
0x1f4: {  	v4 =	vadd.f32 v62, v4;
	[tilespmem:s4+$0x10040] =	vst v1;
	v1 =	vld [tilespmem:s4+$0x2060]  }
0x1f5: {  	[tilespmem:s4+$0x12040] =	vst v3;
	v3 =	vadd.f32 v6, v7;
	v6 =	vld [tilespmem:s4+$0xE060]  }
0x1f6: {  	[tilespmem:s4+$0x14040] =	vst v4;
	v4 =	vadd.f32 v5, v7;
	v5 =	vld [tilespmem:s4+$0x10060]  }
0x1f7: {  	[tilespmem:s4+$0xE050] =	vst v3;
	v63 =	vadd.f32 v2, v7;
	v2 =	vld [tilespmem:s4+$0x12060]  }
0x1f8: {  	[tilespmem:s4+$0x10050] =	vst v4;
	v3 =	vld [tilespmem:s4+$0x14060];
	v7 =	vadd.f32 v8, v7  }
0x1f9: {  	s6 =	simm.s32 $0x10;
	s7 =	simm.s32 $0x400;
	s5 =	simm.s32 $0x0;
	v4 =	vld [tilespmem:s4+$0xE070];
	[tilespmem:s4+$0x12050] =	vst v63  }
.LBB2_10:
0x1fa: {  	s8 =	sand.u32 $0x1C00, s7;
	s9 =	sand.u32 $0x380, s6;
	[tilespmem:s4+$0x14050] =	vst v7;
	v6 =	vadd.f32 v6, v1;
	v7 =	vld [tilespmem:s4+$0x10070]  }
0x1fb: {  	s5 =	sadd.s32 $0x8, s5;
	s8 =	sor.u32 s9, s8;
	v5 =	vadd.f32 v5, v1;
	v8 =	vld [tilespmem:s4+$0x12070]  }
0x1fc: {  	p0 =	slt.u32 s5, $0x1F8;
	v9 =	vld [tilespmem:s8+$0x2070];
	[tilespmem:s4+$0xE060] =	vst v6;
	v2 =	vadd.f32 v2, v1  }
0x1fd: {  	v6 =	vld [tilespmem:s8+$0x14070];
	[tilespmem:s4+$0x10060] =	vst v5;
	v1 =	vadd.f32 v3, v1  }
0x1fe: {  	v3 =	vld [tilespmem:s8+$0x2000];
	[tilespmem:s4+$0x12060] =	vst v2;
	v2 =	vadd.f32 v4, v0  }
0x1ff: {  	v4 =	vld [tilespmem:s8+$0xE000];
	[tilespmem:s4+$0x14060] =	vst v1;
	v1 =	vadd.f32 v7, v0  }
0x200: {  	v5 =	vld [tilespmem:s8+$0x10000];
	[tilespmem:s4+$0xE070] =	vst v2;
	v2 =	vadd.f32 v8, v0  }
0x201: {  	v7 =	vld [tilespmem:s8+$0x12000];
	[tilespmem:s4+$0x10070] =	vst v1;
	v0 =	vmov v9  }
0x202: {  	v1 =	vld [tilespmem:s8+$0x14000];
	v6 =	vadd.f32 v6, v0;
	[tilespmem:s4+$0x12070] =	vst v2;
	s4 =	smov.u32 s8  }
0x203: {  	v2 =	vld [tilespmem:s4+$0x2010]  }
0x204: {  	v4 =	vadd.f32 v4, v3;
	v8 =	vld [tilespmem:s4+$0xE010];
	[tilespmem:s4+$0x14070] =	vst v6  }
0x205: {  	v5 =	vadd.f32 v5, v3;
	v6 =	vld [tilespmem:s4+$0x10010]  }
0x206: {  	[tilespmem:s4+$0xE000] =	vst v4;
	v4 =	vadd.f32 v7, v3;
	v7 =	vld [tilespmem:s4+$0x12010]  }
0x207: {  	[tilespmem:s4+$0x10000] =	vst v5;
	v1 =	vadd.f32 v1, v3;
	v3 =	vld [tilespmem:s4+$0x14010]  }
0x208: {  	[tilespmem:s4+$0x12000] =	vst v4;
	v4 =	vld [tilespmem:s4+$0x2020]  }
0x209: {  	[tilespmem:s4+$0x14000] =	vst v1;
	v1 =	vadd.f32 v8, v2;
	v5 =	vld [tilespmem:s4+$0xE020]  }
0x20a: {  	v6 =	vadd.f32 v6, v2;
	v8 =	vld [tilespmem:s4+$0x10020]  }
0x20b: {  	[tilespmem:s4+$0xE010] =	vst v1;
	v1 =	vadd.f32 v7, v2;
	v7 =	vld [tilespmem:s4+$0x12020]  }
0x20c: {  	[tilespmem:s4+$0x10010] =	vst v6;
	v2 =	vadd.f32 v3, v2;
	v3 =	vld [tilespmem:s4+$0x14020]  }
0x20d: {  	[tilespmem:s4+$0x12010] =	vst v1;
	v1 =	vld [tilespmem:s4+$0x2030]  }
0x20e: {  	[tilespmem:s4+$0x14010] =	vst v2;
	v2 =	vadd.f32 v5, v4;
	v5 =	vld [tilespmem:s4+$0xE030]  }
0x20f: {  	v6 =	vadd.f32 v8, v4;
	v8 =	vld [tilespmem:s4+$0x10030]  }
0x210: {  	[tilespmem:s4+$0xE020] =	vst v2;
	v2 =	vadd.f32 v7, v4;
	v7 =	vld [tilespmem:s4+$0x12030]  }
0x211: {  	[tilespmem:s4+$0x10020] =	vst v6;
	v3 =	vadd.f32 v3, v4;
	v4 =	vld [tilespmem:s4+$0x14030]  }
0x212: {  	[tilespmem:s4+$0x12020] =	vst v2;
	v2 =	vld [tilespmem:s4+$0x2040]  }
0x213: {  	[tilespmem:s4+$0x14020] =	vst v3;
	v3 =	vadd.f32 v5, v1;
	v5 =	vld [tilespmem:s4+$0xE040]  }
0x214: {  	v6 =	vadd.f32 v8, v1;
	v8 =	vld [tilespmem:s4+$0x10040]  }
0x215: {  	[tilespmem:s4+$0xE030] =	vst v3;
	v3 =	vadd.f32 v7, v1;
	v7 =	vld [tilespmem:s4+$0x12040]  }
0x216: {  	[tilespmem:s4+$0x10030] =	vst v6;
	v1 =	vadd.f32 v4, v1;
	v4 =	vld [tilespmem:s4+$0x14040]  }
0x217: {  	[tilespmem:s4+$0x12030] =	vst v3;
	v3 =	vld [tilespmem:s4+$0x2050]  }
0x218: {  	[tilespmem:s4+$0x14030] =	vst v1;
	v1 =	vadd.f32 v5, v2;
	v5 =	vld [tilespmem:s4+$0xE050]  }
0x219: {  	v6 =	vadd.f32 v8, v2;
	v8 =	vld [tilespmem:s4+$0x10050]  }
0x21a: {  	[tilespmem:s4+$0xE040] =	vst v1;
	v1 =	vadd.f32 v7, v2;
	v7 =	vld [tilespmem:s4+$0x12050]  }
0x21b: {  	[tilespmem:s4+$0x10040] =	vst v6;
	v2 =	vadd.f32 v4, v2;
	v4 =	vld [tilespmem:s4+$0x14050]  }
0x21c: {  	[tilespmem:s4+$0x12040] =	vst v1;
	v1 =	vld [tilespmem:s4+$0x2060]  }
.Ltmp4:
0x21d: {  	[tilespmem:s4+$0x14040] =	vst v2;
	v2 =	vadd.f32 v5, v3;
	v6 =	vld [tilespmem:s4+$0xE060];
	(pc) =	sbr.rel @p0 .LBB2_10-.Ltmp4, $4  }
0x21e: {  	v8 =	vadd.f32 v8, v3;
	v5 =	vld [tilespmem:s4+$0x10060]  }
0x21f: {  	[tilespmem:s4+$0xE050] =	vst v2;
	v9 =	vadd.f32 v7, v3;
	v2 =	vld [tilespmem:s4+$0x12060]  }
0x220: {  	[tilespmem:s4+$0x10050] =	vst v8;
	v7 =	vadd.f32 v4, v3;
	v3 =	vld [tilespmem:s4+$0x14060]  }
0x221: {  	s6 =	sadd.s32 $0x10, s6;
	s7 =	sadd.s32 $0x400, s7;
	[tilespmem:s4+$0x12050] =	vst v9;
	v4 =	vld [tilespmem:s4+$0xE070]  }
0x222: {  	v6 =	vadd.f32 v6, v1;
	v8 =	vld [tilespmem:s4+$0x10070]  }
0x223: {  	[tilespmem:s4+$0x14050] =	vst v7;
	v7 =	vld [tilespmem:s4+$0x12070];
	v5 =	vadd.f32 v5, v1  }
0x224: {  	[tilespmem:s4+$0xE060] =	vst v6;
	v2 =	vadd.f32 v2, v1  }
0x225: {  	[tilespmem:s4+$0x10060] =	vst v5;
	v1 =	vadd.f32 v3, v1  }
0x226: {  	[tilespmem:s4+$0x12060] =	vst v2;
	v2 =	vadd.f32 v4, v0  }
0x227: {  	[tilespmem:s4+$0x14060] =	vst v1;
	v1 =	vadd.f32 v8, v0  }
0x228: {  	v0 =	vadd.f32 v7, v0;
	[tilespmem:s4+$0xE070] =	vst v2  }
0x229: {  	[tilespmem:s4+$0x10070] =	vst v1  }
0x22a: {  	[tilespmem:s4+$0x12070] =	vst v0  }
0x22b: {  	s4 =	rddreg [dreg:$0x11]  }
0x22c: {  	[hbm4b:s4+s21] =	stream.strided.scatter [tilespmem:s24], [sflag:$0x5], $0x8000, s22, s21, $0x38;
	[tilespmem:$0x1E000] =	vst v63  }
0x22d: {  	_ =	swait.ge [sflag:s30], $0x8000  }
0x22e: {  	[sflag:s30] =	ssyncset.done $0x0  }
0x22f: {  	s8 =	simm.s32 $0x0;
	s5 =	rddreg [dreg:$0x12];
	[sflag:s30] =	ssyncadd.s32 $0xFFFF8000  }
0x230: {  	[tilespmem:s8], [sflag:$0x1] =	stream.linear.gather [hbm4b:s5+s8], $0x2000, $0x38;
	[tilespmem:$0x1E000] =	vst v63  }
0x231: {  	s9 =	rddreg [dreg:$0x13]  }
0x232: {  	[tilespmem:s23], [sflag:$0x1] =	stream.strided.gather [hbm4b:s9+s21], $0x8000, s22, s21, $0x38;
	[tilespmem:$0x1E000] =	vst v63  }
0x233: {  	_ =	swait.ge [sflag:s31], $0x2000  }
0x234: {  	[sflag:s31] =	ssyncset.done $0x0  }
0x235: {  	[sflag:s31] =	ssyncadd.s32 $0xFFFFE000  }
0x236: {  	_ =	swait.ge [sflag:s31], $0x8000  }
0x237: {  	s10 =	sand.u32 $0x1C00, s8;
	s4 =	sand.u32 $0x380, s8;
	[sflag:s31] =	ssyncset.done $0x0  }
0x238: {  	s4 =	sor.u32 s4, s10;
	[sflag:s31] =	ssyncadd.s32 $0xFFFF8000  }
0x239: {  	v0 =	vld [tilespmem:s4+$0x4070]  }
0x23a: {  	v1 =	vld [tilespmem:s4+$0x1C070]  }
0x23b: {  	v2 =	vld [tilespmem:s4+$0x4000]  }
0x23c: {  	v3 =	vld [tilespmem:s4+$0x16000]  }
0x23d: {  	v4 =	vld [tilespmem:s4+$0x18000]  }
0x23e: {  	v5 =	vld [tilespmem:s4+$0x1A000]  }
0x23f: {  	v6 =	vld [tilespmem:s4+$0x1C000]  }
0x240: {  	v7 =	vld [tilespmem:s4+$0x4010]  }
0x241: {  	v8 =	vld [tilespmem:s4+$0x16010]  }
0x242: {  	v9 =	vld [tilespmem:s4+$0x18010]  }
0x243: {  	v10 =	vld [tilespmem:s4+$0x1A010]  }
0x244: {  	v11 =	vld [tilespmem:s4+$0x1C010]  }
0x245: {  	v12 =	vld [tilespmem:s4+$0x4020];
	v1 =	vadd.f32 v1, v0  }
0x246: {  	v13 =	vld [tilespmem:s4+$0x16020];
	v3 =	vadd.f32 v3, v2  }
0x247: {  	v60 =	vld [tilespmem:s4+$0x18030];
	[tilespmem:s4+$0x1C070] =	vst v1;
	v1 =	vadd.f32 v4, v2  }
0x248: {  	v61 =	vld [tilespmem:s4+$0x1C030];
	[tilespmem:s4+$0x16000] =	vst v3;
	v3 =	vadd.f32 v5, v2  }
0x249: {  	v4 =	vld [tilespmem:s4+$0x18020];
	[tilespmem:s4+$0x18000] =	vst v1;
	v1 =	vadd.f32 v6, v2  }
0x24a: {  	v5 =	vld [tilespmem:s4+$0x1A020];
	[tilespmem:s4+$0x1A000] =	vst v3;
	v3 =	vadd.f32 v8, v7  }
0x24b: {  	v2 =	vld [tilespmem:s4+$0x1C020];
	[tilespmem:s4+$0x1C000] =	vst v1;
	v1 =	vadd.f32 v9, v7  }
0x24c: {  	v6 =	vld [tilespmem:s4+$0x4030];
	[tilespmem:s4+$0x16010] =	vst v3;
	v3 =	vadd.f32 v10, v7  }
0x24d: {  	v8 =	vld [tilespmem:s4+$0x16030];
	[tilespmem:s4+$0x18010] =	vst v1;
	v1 =	vadd.f32 v11, v7  }
0x24e: {  	v62 =	vld [tilespmem:s4+$0x1C040];
	[tilespmem:s4+$0x1A010] =	vst v3;
	v3 =	vadd.f32 v13, v12  }
0x24f: {  	v7 =	vld [tilespmem:s4+$0x1A030];
	[tilespmem:s4+$0x1C010] =	vst v1;
	v1 =	vadd.f32 v4, v12  }
0x250: {  	v4 =	vld [tilespmem:s4+$0x4040];
	[tilespmem:s4+$0x16020] =	vst v3;
	v3 =	vadd.f32 v5, v12  }
0x251: {  	v5 =	vld [tilespmem:s4+$0x16040];
	[tilespmem:s4+$0x18020] =	vst v1;
	v1 =	vadd.f32 v2, v12  }
0x252: {  	v2 =	vld [tilespmem:s4+$0x18040];
	[tilespmem:s4+$0x1A020] =	vst v3;
	v3 =	vadd.f32 v8, v6  }
0x253: {  	v8 =	vld [tilespmem:s4+$0x1A040];
	[tilespmem:s4+$0x1C020] =	vst v1;
	v1 =	vadd.f32 v60, v6  }
0x254: {  	[tilespmem:s4+$0x16030] =	vst v3;
	v3 =	vadd.f32 v7, v6;
	v7 =	vld [tilespmem:s4+$0x4050]  }
0x255: {  	[tilespmem:s4+$0x18030] =	vst v1;
	v1 =	vadd.f32 v61, v6;
	v6 =	vld [tilespmem:s4+$0x16050]  }
0x256: {  	[tilespmem:s4+$0x1A030] =	vst v3;
	v3 =	vadd.f32 v5, v4;
	v5 =	vld [tilespmem:s4+$0x18050]  }
0x257: {  	[tilespmem:s4+$0x1C030] =	vst v1;
	v1 =	vadd.f32 v2, v4;
	v2 =	vld [tilespmem:s4+$0x1A050]  }
0x258: {  	[tilespmem:s4+$0x16040] =	vst v3;
	v3 =	vadd.f32 v8, v4;
	v8 =	vld [tilespmem:s4+$0x1C050]  }
0x259: {  	v4 =	vadd.f32 v62, v4;
	[tilespmem:s4+$0x18040] =	vst v1;
	v1 =	vld [tilespmem:s4+$0x4060]  }
0x25a: {  	[tilespmem:s4+$0x1A040] =	vst v3;
	v3 =	vadd.f32 v6, v7;
	v6 =	vld [tilespmem:s4+$0x16060]  }
0x25b: {  	[tilespmem:s4+$0x1C040] =	vst v4;
	v4 =	vadd.f32 v5, v7;
	v5 =	vld [tilespmem:s4+$0x18060]  }
0x25c: {  	[tilespmem:s4+$0x16050] =	vst v3;
	v63 =	vadd.f32 v2, v7;
	v2 =	vld [tilespmem:s4+$0x1A060]  }
0x25d: {  	[tilespmem:s4+$0x18050] =	vst v4;
	v3 =	vld [tilespmem:s4+$0x1C060];
	v7 =	vadd.f32 v8, v7  }
0x25e: {  	s6 =	simm.s32 $0x10;
	s7 =	simm.s32 $0x400;
	s5 =	simm.s32 $0x0;
	v4 =	vld [tilespmem:s4+$0x16070];
	[tilespmem:s4+$0x1A050] =	vst v63  }
.LBB2_12:
0x25f: {  	s8 =	sand.u32 $0x1C00, s7;
	s9 =	sand.u32 $0x380, s6;
	[tilespmem:s4+$0x1C050] =	vst v7;
	v6 =	vadd.f32 v6, v1;
	v7 =	vld [tilespmem:s4+$0x18070]  }
0x260: {  	s5 =	sadd.s32 $0x8, s5;
	s8 =	sor.u32 s9, s8;
	v5 =	vadd.f32 v5, v1;
	v8 =	vld [tilespmem:s4+$0x1A070]  }
0x261: {  	p0 =	slt.u32 s5, $0x1F8;
	v9 =	vld [tilespmem:s8+$0x4070];
	[tilespmem:s4+$0x16060] =	vst v6;
	v2 =	vadd.f32 v2, v1  }
0x262: {  	v6 =	vld [tilespmem:s8+$0x1C070];
	[tilespmem:s4+$0x18060] =	vst v5;
	v1 =	vadd.f32 v3, v1  }
0x263: {  	v3 =	vld [tilespmem:s8+$0x4000];
	[tilespmem:s4+$0x1A060] =	vst v2;
	v2 =	vadd.f32 v4, v0  }
0x264: {  	v4 =	vld [tilespmem:s8+$0x16000];
	[tilespmem:s4+$0x1C060] =	vst v1;
	v1 =	vadd.f32 v7, v0  }
0x265: {  	v5 =	vld [tilespmem:s8+$0x18000];
	[tilespmem:s4+$0x16070] =	vst v2;
	v2 =	vadd.f32 v8, v0  }
0x266: {  	v7 =	vld [tilespmem:s8+$0x1A000];
	[tilespmem:s4+$0x18070] =	vst v1;
	v0 =	vmov v9  }
0x267: {  	v1 =	vld [tilespmem:s8+$0x1C000];
	v6 =	vadd.f32 v6, v0;
	[tilespmem:s4+$0x1A070] =	vst v2;
	s4 =	smov.u32 s8  }
0x268: {  	v2 =	vld [tilespmem:s4+$0x4010]  }
0x269: {  	v4 =	vadd.f32 v4, v3;
	v8 =	vld [tilespmem:s4+$0x16010];
	[tilespmem:s4+$0x1C070] =	vst v6  }
0x26a: {  	v5 =	vadd.f32 v5, v3;
	v6 =	vld [tilespmem:s4+$0x18010]  }
0x26b: {  	[tilespmem:s4+$0x16000] =	vst v4;
	v4 =	vadd.f32 v7, v3;
	v7 =	vld [tilespmem:s4+$0x1A010]  }
0x26c: {  	[tilespmem:s4+$0x18000] =	vst v5;
	v1 =	vadd.f32 v1, v3;
	v3 =	vld [tilespmem:s4+$0x1C010]  }
0x26d: {  	[tilespmem:s4+$0x1A000] =	vst v4;
	v4 =	vld [tilespmem:s4+$0x4020]  }
0x26e: {  	[tilespmem:s4+$0x1C000] =	vst v1;
	v1 =	vadd.f32 v8, v2;
	v5 =	vld [tilespmem:s4+$0x16020]  }
0x26f: {  	v6 =	vadd.f32 v6, v2;
	v8 =	vld [tilespmem:s4+$0x18020]  }
0x270: {  	[tilespmem:s4+$0x16010] =	vst v1;
	v1 =	vadd.f32 v7, v2;
	v7 =	vld [tilespmem:s4+$0x1A020]  }
0x271: {  	[tilespmem:s4+$0x18010] =	vst v6;
	v2 =	vadd.f32 v3, v2;
	v3 =	vld [tilespmem:s4+$0x1C020]  }
0x272: {  	[tilespmem:s4+$0x1A010] =	vst v1;
	v1 =	vld [tilespmem:s4+$0x4030]  }
0x273: {  	[tilespmem:s4+$0x1C010] =	vst v2;
	v2 =	vadd.f32 v5, v4;
	v5 =	vld [tilespmem:s4+$0x16030]  }
0x274: {  	v6 =	vadd.f32 v8, v4;
	v8 =	vld [tilespmem:s4+$0x18030]  }
0x275: {  	[tilespmem:s4+$0x16020] =	vst v2;
	v2 =	vadd.f32 v7, v4;
	v7 =	vld [tilespmem:s4+$0x1A030]  }
0x276: {  	[tilespmem:s4+$0x18020] =	vst v6;
	v3 =	vadd.f32 v3, v4;
	v4 =	vld [tilespmem:s4+$0x1C030]  }
0x277: {  	[tilespmem:s4+$0x1A020] =	vst v2;
	v2 =	vld [tilespmem:s4+$0x4040]  }
0x278: {  	[tilespmem:s4+$0x1C020] =	vst v3;
	v3 =	vadd.f32 v5, v1;
	v5 =	vld [tilespmem:s4+$0x16040]  }
0x279: {  	v6 =	vadd.f32 v8, v1;
	v8 =	vld [tilespmem:s4+$0x18040]  }
0x27a: {  	[tilespmem:s4+$0x16030] =	vst v3;
	v3 =	vadd.f32 v7, v1;
	v7 =	vld [tilespmem:s4+$0x1A040]  }
0x27b: {  	[tilespmem:s4+$0x18030] =	vst v6;
	v1 =	vadd.f32 v4, v1;
	v4 =	vld [tilespmem:s4+$0x1C040]  }
0x27c: {  	[tilespmem:s4+$0x1A030] =	vst v3;
	v3 =	vld [tilespmem:s4+$0x4050]  }
0x27d: {  	[tilespmem:s4+$0x1C030] =	vst v1;
	v1 =	vadd.f32 v5, v2;
	v5 =	vld [tilespmem:s4+$0x16050]  }
0x27e: {  	v6 =	vadd.f32 v8, v2;
	v8 =	vld [tilespmem:s4+$0x18050]  }
0x27f: {  	[tilespmem:s4+$0x16040] =	vst v1;
	v1 =	vadd.f32 v7, v2;
	v7 =	vld [tilespmem:s4+$0x1A050]  }
0x280: {  	[tilespmem:s4+$0x18040] =	vst v6;
	v2 =	vadd.f32 v4, v2;
	v4 =	vld [tilespmem:s4+$0x1C050]  }
0x281: {  	[tilespmem:s4+$0x1A040] =	vst v1;
	v1 =	vld [tilespmem:s4+$0x4060]  }
.Ltmp5:
0x282: {  	[tilespmem:s4+$0x1C040] =	vst v2;
	v2 =	vadd.f32 v5, v3;
	v6 =	vld [tilespmem:s4+$0x16060];
	(pc) =	sbr.rel @p0 .LBB2_12-.Ltmp5, $4  }
0x283: {  	v8 =	vadd.f32 v8, v3;
	v5 =	vld [tilespmem:s4+$0x18060]  }
0x284: {  	[tilespmem:s4+$0x16050] =	vst v2;
	v9 =	vadd.f32 v7, v3;
	v2 =	vld [tilespmem:s4+$0x1A060]  }
0x285: {  	[tilespmem:s4+$0x18050] =	vst v8;
	v7 =	vadd.f32 v4, v3;
	v3 =	vld [tilespmem:s4+$0x1C060]  }
0x286: {  	s6 =	sadd.s32 $0x10, s6;
	s7 =	sadd.s32 $0x400, s7;
	[tilespmem:s4+$0x1A050] =	vst v9;
	v4 =	vld [tilespmem:s4+$0x16070]  }
0x287: {  	v6 =	vadd.f32 v6, v1;
	v8 =	vld [tilespmem:s4+$0x18070]  }
0x288: {  	[tilespmem:s4+$0x1C050] =	vst v7;
	v7 =	vld [tilespmem:s4+$0x1A070];
	v5 =	vadd.f32 v5, v1  }
0x289: {  	[tilespmem:s4+$0x16060] =	vst v6;
	v2 =	vadd.f32 v2, v1  }
0x28a: {  	[tilespmem:s4+$0x18060] =	vst v5;
	v1 =	vadd.f32 v3, v1  }
0x28b: {  	[tilespmem:s4+$0x1A060] =	vst v2;
	v2 =	vadd.f32 v4, v0  }
0x28c: {  	[tilespmem:s4+$0x1C060] =	vst v1;
	v1 =	vadd.f32 v8, v0  }
0x28d: {  	v0 =	vadd.f32 v7, v0;
	[tilespmem:s4+$0x16070] =	vst v2  }
0x28e: {  	[tilespmem:s4+$0x18070] =	vst v1  }
0x28f: {  	[tilespmem:s4+$0x1A070] =	vst v0  }
0x290: {  	s4 =	rddreg [dreg:$0x14]  }
0x291: {  	[hbm4b:s4+s21] =	stream.strided.scatter [tilespmem:s28], [sflag:$0x6], $0x8000, s22, s21, $0x38;
	[tilespmem:$0x1E000] =	vst v63  }
0x292: {  	_ =	swait.ge [sflag:s0], $0x8000  }
0x293: {  	[sflag:s0] =	ssyncset.done $0x0  }
0x294: {  	s5 =	simm.s32 $0x0;
	s8 =	rddreg [dreg:$0x16];
	[sflag:s0] =	ssyncadd.s32 $0xFFFF8000  }
0x295: {  	[tilespmem:s21], [sflag:$0x2] =	stream.linear.gather [hbm4b:s8+s5], $0x2000, $0x38;
	[tilespmem:$0x1E000] =	vst v63  }
0x296: {  	s9 =	rddreg [dreg:$0x17]  }
0x297: {  	[tilespmem:s24], [sflag:$0x2] =	stream.strided.gather [hbm4b:s9+s21], $0x8000, s22, s21, $0x38;
	[tilespmem:$0x1E000] =	vst v63  }
0x298: {  	_ =	swait.ge [sflag:s25], $0x2000  }
0x299: {  	[sflag:s25] =	ssyncset.done $0x0  }
0x29a: {  	[sflag:s25] =	ssyncadd.s32 $0xFFFFE000  }
0x29b: {  	s10 =	sand.u32 $0x1C00, s5;
	_ =	swait.ge [sflag:s25], $0x8000  }
0x29c: {  	s6 =	sor.u32 s10, s5;
	[sflag:s25] =	ssyncset.done $0x0  }
0x29d: {  	s6 =	sor.u32 $0x70, s6;
	[sflag:s25] =	ssyncadd.s32 $0xFFFF8000  }
0x29e: {  	v0 =	vld [tilespmem:s6+$0x0]  }
0x29f: {  	v1 =	vld [tilespmem:s6+$0x6000];
	_ =	sdelay $0x1  }
0x2a0: {  	s7 =	sand.u32 $0x380, s5  }
0x2a1: {  	s4 =	sor.u32 s7, s10  }
0x2a2: {  	v4 =	vld [tilespmem:s4+$0x0]  }
0x2a3: {  	v5 =	vld [tilespmem:s4+$0x6000];
	v1 =	vadd.f32 v1, v0  }
0x2a4: {  	v6 =	vld [tilespmem:s4+$0x8000]  }
0x2a5: {  	v7 =	vld [tilespmem:s4+$0xA000];
	[tilespmem:s6+$0x6000] =	vst v1  }
0x2a6: {  	v1 =	vld [tilespmem:s4+$0xC070]  }
0x2a7: {  	v2 =	vld [tilespmem:s4+$0x8070]  }
0x2a8: {  	v3 =	vld [tilespmem:s4+$0xA070]  }
0x2a9: {  	v8 =	vld [tilespmem:s4+$0xC000]  }
0x2aa: {  	v9 =	vld [tilespmem:s4+$0x10]  }
0x2ab: {  	v10 =	vld [tilespmem:s4+$0x6010];
	v1 =	vadd.f32 v1, v0  }
0x2ac: {  	v11 =	vld [tilespmem:s4+$0x8010];
	v2 =	vadd.f32 v2, v0  }
0x2ad: {  	v63 =	vld [tilespmem:s4+$0x30];
	v0 =	vadd.f32 v3, v0;
	[tilespmem:s4+$0xC070] =	vst v1  }
0x2ae: {  	v3 =	vld [tilespmem:s4+$0xC010];
	[tilespmem:s4+$0x8070] =	vst v2;
	v2 =	vadd.f32 v5, v4  }
0x2af: {  	v1 =	vld [tilespmem:s4+$0xA010];
	[tilespmem:s4+$0xA070] =	vst v0;
	v0 =	vadd.f32 v6, v4  }
0x2b0: {  	v5 =	vld [tilespmem:s4+$0x20];
	[tilespmem:s4+$0x6000] =	vst v2;
	v2 =	vadd.f32 v7, v4  }
0x2b1: {  	v6 =	vld [tilespmem:s4+$0x6020];
	[tilespmem:s4+$0x8000] =	vst v0;
	v0 =	vadd.f32 v8, v4  }
0x2b2: {  	v4 =	vld [tilespmem:s4+$0x8020];
	[tilespmem:s4+$0xA000] =	vst v2;
	v2 =	vadd.f32 v10, v9  }
0x2b3: {  	v7 =	vld [tilespmem:s4+$0xA020];
	[tilespmem:s4+$0xC000] =	vst v0;
	v0 =	vadd.f32 v11, v9  }
0x2b4: {  	v8 =	vld [tilespmem:s4+$0xC020];
	v1 =	vadd.f32 v1, v9;
	[tilespmem:s4+$0x6010] =	vst v2  }
0x2b5: {  	[tilespmem:s4+$0x8010] =	vst v0;
	v0 =	vadd.f32 v3, v9;
	v2 =	vld [tilespmem:s4+$0x6030]  }
0x2b6: {  	v3 =	vld [tilespmem:s4+$0x8030];
	[tilespmem:s4+$0xA010] =	vst v1;
	v1 =	vadd.f32 v6, v5  }
0x2b7: {  	v6 =	vld [tilespmem:s4+$0xA030];
	[tilespmem:s4+$0xC010] =	vst v0;
	v0 =	vadd.f32 v4, v5  }
0x2b8: {  	[tilespmem:s4+$0x6020] =	vst v1;
	v1 =	vadd.f32 v7, v5;
	v7 =	vld [tilespmem:s4+$0xC030]  }
0x2b9: {  	v4 =	vld [tilespmem:s4+$0x6040];
	v5 =	vadd.f32 v8, v5;
	[tilespmem:s4+$0x8020] =	vst v0  }
0x2ba: {  	v0 =	vld [tilespmem:s4+$0x40];
	[tilespmem:s4+$0xA020] =	vst v1;
	v1 =	vadd.f32 v2, v63  }
0x2bb: {  	[tilespmem:s4+$0xC020] =	vst v5;
	v3 =	vadd.f32 v3, v63;
	v2 =	vld [tilespmem:s4+$0x8040]  }
0x2bc: {  	v6 =	vadd.f32 v6, v63;
	[tilespmem:s4+$0x6030] =	vst v1;
	v1 =	vld [tilespmem:s4+$0xA040]  }
0x2bd: {  	s7 =	simm.s32 $0x400;
	s6 =	simm.s32 $0x0;
	[tilespmem:s4+$0x8030] =	vst v3;
	v3 =	vld [tilespmem:s4+$0xC040];
	v5 =	vadd.f32 v7, v63  }
.LBB2_14:
0x2be: {  	s8 =	sand.u32 $0x1C00, s7;
	[tilespmem:s4+$0xA030] =	vst v6;
	v6 =	vld [tilespmem:s4+$0x50];
	s5 =	sadd.s32 $0x10, s5  }
0x2bf: {  	s6 =	sadd.s32 $0x8, s6;
	s9 =	sor.u32 s8, s5;
	[tilespmem:s4+$0xC030] =	vst v5;
	v4 =	vadd.f32 v4, v0;
	v5 =	vld [tilespmem:s4+$0x6050]  }
0x2c0: {  	p0 =	slt.u32 s6, $0x1F8;
	s9 =	sor.u32 $0x70, s9;
	v2 =	vadd.f32 v2, v0;
	v7 =	vld [tilespmem:s4+$0x8050]  }
0x2c1: {  	v8 =	vld [tilespmem:s9+$0x0];
	[tilespmem:s4+$0x6040] =	vst v4;
	v1 =	vadd.f32 v1, v0  }
0x2c2: {  	v4 =	vld [tilespmem:s9+$0x6000];
	[tilespmem:s4+$0x8040] =	vst v2;
	v0 =	vadd.f32 v3, v0  }
0x2c3: {  	[tilespmem:s4+$0xA040] =	vst v1;
	v1 =	vld [tilespmem:s4+$0xA050]  }
0x2c4: {  	[tilespmem:s4+$0xC040] =	vst v0;
	v0 =	vadd.f32 v5, v6;
	v2 =	vld [tilespmem:s4+$0xC050]  }
0x2c5: {  	v3 =	vadd.f32 v7, v6;
	v5 =	vld [tilespmem:s4+$0x60]  }
0x2c6: {  	[tilespmem:s4+$0x6050] =	vst v0;
	v0 =	vld [tilespmem:s4+$0x6060]  }
0x2c7: {  	v4 =	vadd.f32 v4, v8;
	[tilespmem:s4+$0x8050] =	vst v3;
	v3 =	vld [tilespmem:s4+$0x8060]  }
0x2c8: {  	s10 =	sand.u32 $0x380, s5;
	v1 =	vadd.f32 v1, v6;
	v7 =	vld [tilespmem:s4+$0xA060]  }
0x2c9: {  	s8 =	sor.u32 s10, s8;
	[tilespmem:s9+$0x6000] =	vst v4;
	v2 =	vadd.f32 v2, v6;
	v4 =	vld [tilespmem:s4+$0xC060]  }
0x2ca: {  	v6 =	vld [tilespmem:s8+$0xC070];
	[tilespmem:s4+$0xA050] =	vst v1  }
0x2cb: {  	v1 =	vld [tilespmem:s8+$0x8070];
	[tilespmem:s4+$0xC050] =	vst v2;
	v0 =	vadd.f32 v0, v5  }
0x2cc: {  	v2 =	vld [tilespmem:s8+$0xA070];
	v3 =	vadd.f32 v3, v5  }
0x2cd: {  	v9 =	vld [tilespmem:s8+$0x0];
	[tilespmem:s4+$0x6060] =	vst v0;
	v0 =	vadd.f32 v7, v5  }
0x2ce: {  	v7 =	vld [tilespmem:s8+$0x6000];
	[tilespmem:s4+$0x8060] =	vst v3;
	v3 =	vadd.f32 v4, v5  }
0x2cf: {  	v4 =	vld [tilespmem:s8+$0x8000];
	v5 =	vadd.f32 v6, v8;
	[tilespmem:s4+$0xA060] =	vst v0  }
0x2d0: {  	v0 =	vld [tilespmem:s8+$0xA000];
	v1 =	vadd.f32 v1, v8;
	[tilespmem:s4+$0xC060] =	vst v3;
	s4 =	smov.u32 s8  }
0x2d1: {  	v3 =	vld [tilespmem:s4+$0xC000];
	v2 =	vadd.f32 v2, v8;
	[tilespmem:s4+$0xC070] =	vst v5  }
0x2d2: {  	v5 =	vld [tilespmem:s4+$0x10];
	[tilespmem:s4+$0x8070] =	vst v1  }
0x2d3: {  	v1 =	vadd.f32 v7, v9;
	v6 =	vld [tilespmem:s4+$0x6010];
	[tilespmem:s4+$0xA070] =	vst v2  }
0x2d4: {  	v2 =	vadd.f32 v4, v9;
	v4 =	vld [tilespmem:s4+$0x8010]  }
0x2d5: {  	[tilespmem:s4+$0x6000] =	vst v1;
	v0 =	vadd.f32 v0, v9;
	v1 =	vld [tilespmem:s4+$0xA010]  }
0x2d6: {  	[tilespmem:s4+$0x8000] =	vst v2;
	v2 =	vadd.f32 v3, v9;
	v3 =	vld [tilespmem:s4+$0xC010]  }
0x2d7: {  	[tilespmem:s4+$0xA000] =	vst v0;
	v0 =	vld [tilespmem:s4+$0x20]  }
0x2d8: {  	[tilespmem:s4+$0xC000] =	vst v2;
	v2 =	vadd.f32 v6, v5;
	v6 =	vld [tilespmem:s4+$0x6020]  }
0x2d9: {  	v4 =	vadd.f32 v4, v5;
	v7 =	vld [tilespmem:s4+$0x8020]  }
0x2da: {  	[tilespmem:s4+$0x6010] =	vst v2;
	v1 =	vadd.f32 v1, v5;
	v2 =	vld [tilespmem:s4+$0xA020]  }
0x2db: {  	[tilespmem:s4+$0x8010] =	vst v4;
	v3 =	vadd.f32 v3, v5;
	v4 =	vld [tilespmem:s4+$0xC020]  }
0x2dc: {  	[tilespmem:s4+$0xA010] =	vst v1;
	v5 =	vld [tilespmem:s4+$0x30]  }
0x2dd: {  	[tilespmem:s4+$0xC010] =	vst v3;
	v1 =	vadd.f32 v6, v0;
	v3 =	vld [tilespmem:s4+$0x6030]  }
0x2de: {  	v6 =	vadd.f32 v7, v0;
	v7 =	vld [tilespmem:s4+$0x8030]  }
0x2df: {  	[tilespmem:s4+$0x6020] =	vst v1;
	v1 =	vadd.f32 v2, v0;
	v8 =	vld [tilespmem:s4+$0xA030]  }
0x2e0: {  	[tilespmem:s4+$0x8020] =	vst v6;
	v2 =	vadd.f32 v4, v0;
	v9 =	vld [tilespmem:s4+$0xC030]  }
.Ltmp6:
0x2e1: {  	[tilespmem:s4+$0xA020] =	vst v1;
	v0 =	vld [tilespmem:s4+$0x40];
	(pc) =	sbr.rel @p0 .LBB2_14-.Ltmp6, $4  }
0x2e2: {  	[tilespmem:s4+$0xC020] =	vst v2;
	v1 =	vadd.f32 v3, v5;
	v4 =	vld [tilespmem:s4+$0x6040]  }
0x2e3: {  	v3 =	vadd.f32 v7, v5;
	v2 =	vld [tilespmem:s4+$0x8040]  }
0x2e4: {  	[tilespmem:s4+$0x6030] =	vst v1;
	v6 =	vadd.f32 v8, v5;
	v1 =	vld [tilespmem:s4+$0xA040]  }
0x2e5: {  	s7 =	sadd.s32 $0x400, s7;
	[tilespmem:s4+$0x8030] =	vst v3;
	v5 =	vadd.f32 v9, v5;
	v3 =	vld [tilespmem:s4+$0xC040]  }
0x2e6: {  	v7 =	vld [tilespmem:s4+$0x50]  }
0x2e7: {  	v8 =	vld [tilespmem:s4+$0x6050]  }
0x2e8: {  	v9 =	vld [tilespmem:s4+$0x8050]  }
0x2e9: {  	[tilespmem:s4+$0xA030] =	vst v6;
	v6 =	vld [tilespmem:s4+$0xA050];
	v4 =	vadd.f32 v4, v0  }
0x2ea: {  	[tilespmem:s4+$0xC030] =	vst v5;
	v5 =	vld [tilespmem:s4+$0xC050];
	v2 =	vadd.f32 v2, v0  }
0x2eb: {  	[tilespmem:s4+$0x6040] =	vst v4;
	v1 =	vadd.f32 v1, v0;
	v4 =	vld [tilespmem:s4+$0x60]  }
0x2ec: {  	[tilespmem:s4+$0x8040] =	vst v2;
	v0 =	vadd.f32 v3, v0;
	v2 =	vld [tilespmem:s4+$0x6060]  }
0x2ed: {  	v3 =	vld [tilespmem:s4+$0x8060];
	[tilespmem:s4+$0xA040] =	vst v1;
	v1 =	vadd.f32 v8, v7  }
0x2ee: {  	v8 =	vld [tilespmem:s4+$0xA060];
	[tilespmem:s4+$0xC040] =	vst v0;
	v0 =	vadd.f32 v9, v7  }
0x2ef: {  	[tilespmem:s4+$0x6050] =	vst v1;
	v1 =	vadd.f32 v6, v7;
	v6 =	vld [tilespmem:s4+$0xC060]  }
0x2f0: {  	[tilespmem:s4+$0x8050] =	vst v0;
	v0 =	vadd.f32 v5, v7  }
0x2f1: {  	[tilespmem:s4+$0xA050] =	vst v1;
	v1 =	vadd.f32 v2, v4  }
0x2f2: {  	[tilespmem:s4+$0xC050] =	vst v0;
	v0 =	vadd.f32 v3, v4  }
0x2f3: {  	[tilespmem:s4+$0x6060] =	vst v1;
	v1 =	vadd.f32 v8, v4  }
0x2f4: {  	[tilespmem:s4+$0x8060] =	vst v0;
	v0 =	vadd.f32 v6, v4  }
0x2f5: {  	[tilespmem:s4+$0xA060] =	vst v1  }
0x2f6: {  	[tilespmem:s4+$0xC060] =	vst v0  }
0x2f7: {  	s4 =	rddreg [dreg:$0x15]  }
0x2f8: {  	[hbm4b:s4+s21] =	stream.strided.scatter [tilespmem:s23], [sflag:$0x4], $0x8000, s22, s21, $0x38;
	[tilespmem:$0x1E000] =	vst v63  }
0x2f9: {  	_ =	swait.ge [sflag:s2], $0x8000  }
0x2fa: {  	[sflag:s2] =	ssyncset.done $0x0  }
0x2fb: {  	s8 =	simm.s32 $0x0;
	s5 =	rddreg [dreg:$0x19];
	[sflag:s2] =	ssyncadd.s32 $0xFFFF8000  }
0x2fc: {  	[tilespmem:s26], [sflag:$0x3] =	stream.linear.gather [hbm4b:s5+s8], $0x2000, $0x38;
	[tilespmem:$0x1E000] =	vst v63  }
0x2fd: {  	s9 =	rddreg [dreg:$0x1a]  }
0x2fe: {  	[tilespmem:s28], [sflag:$0x3] =	stream.strided.gather [hbm4b:s9+s21], $0x8000, s22, s21, $0x38;
	[tilespmem:$0x1E000] =	vst v63  }
0x2ff: {  	_ =	swait.ge [sflag:s29], $0x2000  }
0x300: {  	[sflag:s29] =	ssyncset.done $0x0  }
0x301: {  	[sflag:s29] =	ssyncadd.s32 $0xFFFFE000  }
0x302: {  	_ =	swait.ge [sflag:s29], $0x8000  }
0x303: {  	s10 =	sand.u32 $0x1C00, s8;
	s4 =	sand.u32 $0x380, s8;
	[sflag:s29] =	ssyncset.done $0x0  }
0x304: {  	s4 =	sor.u32 s4, s10;
	[sflag:s29] =	ssyncadd.s32 $0xFFFF8000  }
0x305: {  	v0 =	vld [tilespmem:s4+$0x2070]  }
0x306: {  	v1 =	vld [tilespmem:s4+$0x14070]  }
0x307: {  	v2 =	vld [tilespmem:s4+$0x2000]  }
0x308: {  	v3 =	vld [tilespmem:s4+$0xE000]  }
0x309: {  	v4 =	vld [tilespmem:s4+$0x10000]  }
0x30a: {  	v5 =	vld [tilespmem:s4+$0x12000]  }
0x30b: {  	v6 =	vld [tilespmem:s4+$0x14000]  }
0x30c: {  	v7 =	vld [tilespmem:s4+$0x2010]  }
0x30d: {  	v8 =	vld [tilespmem:s4+$0xE010]  }
0x30e: {  	v59 =	vld [tilespmem:s4+$0x10010]  }
0x30f: {  	v10 =	vld [tilespmem:s4+$0x12010]  }
0x310: {  	v11 =	vld [tilespmem:s4+$0x14010]  }
0x311: {  	v12 =	vld [tilespmem:s4+$0x2020];
	v1 =	vadd.f32 v1, v0  }
0x312: {  	v13 =	vld [tilespmem:s4+$0xE020];
	v3 =	vadd.f32 v3, v2  }
0x313: {  	v60 =	vld [tilespmem:s4+$0x10030];
	[tilespmem:s4+$0x14070] =	vst v1;
	v1 =	vadd.f32 v4, v2  }
0x314: {  	v61 =	vld [tilespmem:s4+$0x14030];
	[tilespmem:s4+$0xE000] =	vst v3;
	v3 =	vadd.f32 v5, v2  }
0x315: {  	v4 =	vld [tilespmem:s4+$0x10020];
	[tilespmem:s4+$0x10000] =	vst v1;
	v1 =	vadd.f32 v6, v2  }
0x316: {  	v5 =	vld [tilespmem:s4+$0x12020];
	[tilespmem:s4+$0x12000] =	vst v3;
	v3 =	vadd.f32 v8, v7  }
0x317: {  	v2 =	vld [tilespmem:s4+$0x14020];
	[tilespmem:s4+$0x14000] =	vst v1;
	v1 =	vadd.f32 v59, v7  }
0x318: {  	v6 =	vld [tilespmem:s4+$0x2030];
	[tilespmem:s4+$0xE010] =	vst v3;
	v3 =	vadd.f32 v10, v7  }
0x319: {  	v8 =	vld [tilespmem:s4+$0xE030];
	[tilespmem:s4+$0x10010] =	vst v1;
	v1 =	vadd.f32 v11, v7  }
0x31a: {  	v62 =	vld [tilespmem:s4+$0x14040];
	[tilespmem:s4+$0x12010] =	vst v3;
	v3 =	vadd.f32 v13, v12  }
0x31b: {  	v7 =	vld [tilespmem:s4+$0x12030];
	[tilespmem:s4+$0x14010] =	vst v1;
	v1 =	vadd.f32 v4, v12  }
0x31c: {  	v4 =	vld [tilespmem:s4+$0x2040];
	[tilespmem:s4+$0xE020] =	vst v3;
	v3 =	vadd.f32 v5, v12  }
0x31d: {  	v5 =	vld [tilespmem:s4+$0xE040];
	[tilespmem:s4+$0x10020] =	vst v1;
	v1 =	vadd.f32 v2, v12  }
0x31e: {  	v2 =	vld [tilespmem:s4+$0x10040];
	[tilespmem:s4+$0x12020] =	vst v3;
	v3 =	vadd.f32 v8, v6  }
0x31f: {  	v8 =	vld [tilespmem:s4+$0x12040];
	[tilespmem:s4+$0x14020] =	vst v1;
	v1 =	vadd.f32 v60, v6  }
0x320: {  	[tilespmem:s4+$0xE030] =	vst v3;
	v3 =	vadd.f32 v7, v6;
	v7 =	vld [tilespmem:s4+$0x2050]  }
0x321: {  	[tilespmem:s4+$0x10030] =	vst v1;
	v1 =	vadd.f32 v61, v6;
	v6 =	vld [tilespmem:s4+$0xE050]  }
0x322: {  	[tilespmem:s4+$0x12030] =	vst v3;
	v3 =	vadd.f32 v5, v4;
	v5 =	vld [tilespmem:s4+$0x10050]  }
0x323: {  	[tilespmem:s4+$0x14030] =	vst v1;
	v1 =	vadd.f32 v2, v4;
	v2 =	vld [tilespmem:s4+$0x12050]  }
0x324: {  	[tilespmem:s4+$0xE040] =	vst v3;
	v3 =	vadd.f32 v8, v4;
	v8 =	vld [tilespmem:s4+$0x14050]  }
0x325: {  	v4 =	vadd.f32 v62, v4;
	[tilespmem:s4+$0x10040] =	vst v1;
	v1 =	vld [tilespmem:s4+$0x2060]  }
0x326: {  	[tilespmem:s4+$0x12040] =	vst v3;
	v3 =	vadd.f32 v6, v7;
	v6 =	vld [tilespmem:s4+$0xE060]  }
0x327: {  	[tilespmem:s4+$0x14040] =	vst v4;
	v4 =	vadd.f32 v5, v7;
	v5 =	vld [tilespmem:s4+$0x10060]  }
0x328: {  	[tilespmem:s4+$0xE050] =	vst v3;
	v63 =	vadd.f32 v2, v7;
	v2 =	vld [tilespmem:s4+$0x12060]  }
0x329: {  	[tilespmem:s4+$0x10050] =	vst v4;
	v3 =	vld [tilespmem:s4+$0x14060];
	v7 =	vadd.f32 v8, v7  }
0x32a: {  	s6 =	simm.s32 $0x10;
	s7 =	simm.s32 $0x400;
	s5 =	simm.s32 $0x0;
	v4 =	vld [tilespmem:s4+$0xE070];
	[tilespmem:s4+$0x12050] =	vst v63  }
.LBB2_16:
0x32b: {  	s8 =	sand.u32 $0x1C00, s7;
	s9 =	sand.u32 $0x380, s6;
	[tilespmem:s4+$0x14050] =	vst v7;
	v6 =	vadd.f32 v6, v1;
	v7 =	vld [tilespmem:s4+$0x10070]  }
0x32c: {  	s5 =	sadd.s32 $0x8, s5;
	s8 =	sor.u32 s9, s8;
	v5 =	vadd.f32 v5, v1;
	v8 =	vld [tilespmem:s4+$0x12070]  }
0x32d: {  	p0 =	slt.u32 s5, $0x1F8;
	v9 =	vld [tilespmem:s8+$0x2070];
	[tilespmem:s4+$0xE060] =	vst v6;
	v2 =	vadd.f32 v2, v1  }
0x32e: {  	v6 =	vld [tilespmem:s8+$0x14070];
	[tilespmem:s4+$0x10060] =	vst v5;
	v1 =	vadd.f32 v3, v1  }
0x32f: {  	v3 =	vld [tilespmem:s8+$0x2000];
	[tilespmem:s4+$0x12060] =	vst v2;
	v2 =	vadd.f32 v4, v0  }
0x330: {  	v4 =	vld [tilespmem:s8+$0xE000];
	[tilespmem:s4+$0x14060] =	vst v1;
	v1 =	vadd.f32 v7, v0  }
0x331: {  	v5 =	vld [tilespmem:s8+$0x10000];
	[tilespmem:s4+$0xE070] =	vst v2;
	v2 =	vadd.f32 v8, v0  }
0x332: {  	v7 =	vld [tilespmem:s8+$0x12000];
	[tilespmem:s4+$0x10070] =	vst v1;
	v0 =	vmov v9  }
0x333: {  	v1 =	vld [tilespmem:s8+$0x14000];
	v6 =	vadd.f32 v6, v0;
	[tilespmem:s4+$0x12070] =	vst v2;
	s4 =	smov.u32 s8  }
0x334: {  	v2 =	vld [tilespmem:s4+$0x2010]  }
0x335: {  	v4 =	vadd.f32 v4, v3;
	v8 =	vld [tilespmem:s4+$0xE010];
	[tilespmem:s4+$0x14070] =	vst v6  }
0x336: {  	v5 =	vadd.f32 v5, v3;
	v6 =	vld [tilespmem:s4+$0x10010]  }
0x337: {  	[tilespmem:s4+$0xE000] =	vst v4;
	v4 =	vadd.f32 v7, v3;
	v7 =	vld [tilespmem:s4+$0x12010]  }
0x338: {  	[tilespmem:s4+$0x10000] =	vst v5;
	v1 =	vadd.f32 v1, v3;
	v3 =	vld [tilespmem:s4+$0x14010]  }
0x339: {  	[tilespmem:s4+$0x12000] =	vst v4;
	v4 =	vld [tilespmem:s4+$0x2020]  }
0x33a: {  	[tilespmem:s4+$0x14000] =	vst v1;
	v1 =	vadd.f32 v8, v2;
	v5 =	vld [tilespmem:s4+$0xE020]  }
0x33b: {  	v6 =	vadd.f32 v6, v2;
	v8 =	vld [tilespmem:s4+$0x10020]  }
0x33c: {  	[tilespmem:s4+$0xE010] =	vst v1;
	v1 =	vadd.f32 v7, v2;
	v7 =	vld [tilespmem:s4+$0x12020]  }
0x33d: {  	[tilespmem:s4+$0x10010] =	vst v6;
	v2 =	vadd.f32 v3, v2;
	v3 =	vld [tilespmem:s4+$0x14020]  }
0x33e: {  	[tilespmem:s4+$0x12010] =	vst v1;
	v1 =	vld [tilespmem:s4+$0x2030]  }
0x33f: {  	[tilespmem:s4+$0x14010] =	vst v2;
	v2 =	vadd.f32 v5, v4;
	v5 =	vld [tilespmem:s4+$0xE030]  }
0x340: {  	v6 =	vadd.f32 v8, v4;
	v8 =	vld [tilespmem:s4+$0x10030]  }
0x341: {  	[tilespmem:s4+$0xE020] =	vst v2;
	v2 =	vadd.f32 v7, v4;
	v7 =	vld [tilespmem:s4+$0x12030]  }
0x342: {  	[tilespmem:s4+$0x10020] =	vst v6;
	v3 =	vadd.f32 v3, v4;
	v4 =	vld [tilespmem:s4+$0x14030]  }
0x343: {  	[tilespmem:s4+$0x12020] =	vst v2;
	v2 =	vld [tilespmem:s4+$0x2040]  }
0x344: {  	[tilespmem:s4+$0x14020] =	vst v3;
	v3 =	vadd.f32 v5, v1;
	v5 =	vld [tilespmem:s4+$0xE040]  }
0x345: {  	v6 =	vadd.f32 v8, v1;
	v8 =	vld [tilespmem:s4+$0x10040]  }
0x346: {  	[tilespmem:s4+$0xE030] =	vst v3;
	v3 =	vadd.f32 v7, v1;
	v7 =	vld [tilespmem:s4+$0x12040]  }
0x347: {  	[tilespmem:s4+$0x10030] =	vst v6;
	v1 =	vadd.f32 v4, v1;
	v4 =	vld [tilespmem:s4+$0x14040]  }
0x348: {  	[tilespmem:s4+$0x12030] =	vst v3;
	v3 =	vld [tilespmem:s4+$0x2050]  }
0x349: {  	[tilespmem:s4+$0x14030] =	vst v1;
	v1 =	vadd.f32 v5, v2;
	v5 =	vld [tilespmem:s4+$0xE050]  }
0x34a: {  	v6 =	vadd.f32 v8, v2;
	v8 =	vld [tilespmem:s4+$0x10050]  }
0x34b: {  	[tilespmem:s4+$0xE040] =	vst v1;
	v1 =	vadd.f32 v7, v2;
	v7 =	vld [tilespmem:s4+$0x12050]  }
0x34c: {  	[tilespmem:s4+$0x10040] =	vst v6;
	v2 =	vadd.f32 v4, v2;
	v4 =	vld [tilespmem:s4+$0x14050]  }
0x34d: {  	[tilespmem:s4+$0x12040] =	vst v1;
	v1 =	vld [tilespmem:s4+$0x2060]  }
.Ltmp7:
0x34e: {  	[tilespmem:s4+$0x14040] =	vst v2;
	v2 =	vadd.f32 v5, v3;
	v6 =	vld [tilespmem:s4+$0xE060];
	(pc) =	sbr.rel @p0 .LBB2_16-.Ltmp7, $4  }
0x34f: {  	v8 =	vadd.f32 v8, v3;
	v5 =	vld [tilespmem:s4+$0x10060]  }
0x350: {  	[tilespmem:s4+$0xE050] =	vst v2;
	v9 =	vadd.f32 v7, v3;
	v2 =	vld [tilespmem:s4+$0x12060]  }
0x351: {  	[tilespmem:s4+$0x10050] =	vst v8;
	v7 =	vadd.f32 v4, v3;
	v3 =	vld [tilespmem:s4+$0x14060]  }
0x352: {  	s6 =	sadd.s32 $0x10, s6;
	s7 =	sadd.s32 $0x400, s7;
	[tilespmem:s4+$0x12050] =	vst v9;
	v4 =	vld [tilespmem:s4+$0xE070]  }
0x353: {  	v6 =	vadd.f32 v6, v1;
	v8 =	vld [tilespmem:s4+$0x10070]  }
0x354: {  	[tilespmem:s4+$0x14050] =	vst v7;
	v7 =	vld [tilespmem:s4+$0x12070];
	v5 =	vadd.f32 v5, v1  }
0x355: {  	[tilespmem:s4+$0xE060] =	vst v6;
	v2 =	vadd.f32 v2, v1  }
0x356: {  	[tilespmem:s4+$0x10060] =	vst v5;
	v1 =	vadd.f32 v3, v1  }
0x357: {  	[tilespmem:s4+$0x12060] =	vst v2;
	v2 =	vadd.f32 v4, v0  }
0x358: {  	[tilespmem:s4+$0x14060] =	vst v1;
	v1 =	vadd.f32 v8, v0  }
0x359: {  	v0 =	vadd.f32 v7, v0;
	[tilespmem:s4+$0xE070] =	vst v2  }
0x35a: {  	[tilespmem:s4+$0x10070] =	vst v1  }
0x35b: {  	[tilespmem:s4+$0x12070] =	vst v0  }
0x35c: {  	s4 =	rddreg [dreg:$0x18]  }
0x35d: {  	[hbm4b:s4+s21] =	stream.strided.scatter [tilespmem:s24], [sflag:$0x5], $0x8000, s22, s21, $0x38;
	[tilespmem:$0x1E000] =	vst v63  }
0x35e: {  	_ =	swait.ge [sflag:s30], $0x8000  }
0x35f: {  	[sflag:s30] =	ssyncset.done $0x0  }
0x360: {  	s8 =	simm.s32 $0x0;
	s5 =	rddreg [dreg:$0x1c];
	[sflag:s30] =	ssyncadd.s32 $0xFFFF8000  }
0x361: {  	[tilespmem:s8], [sflag:$0x1] =	stream.linear.gather [hbm4b:s5+s8], $0x2000, $0x38;
	[tilespmem:$0x1E000] =	vst v63  }
0x362: {  	s9 =	rddreg [dreg:$0x1d]  }
0x363: {  	[tilespmem:s23], [sflag:$0x1] =	stream.strided.gather [hbm4b:s9+s21], $0x8000, s22, s21, $0x38;
	[tilespmem:$0x1E000] =	vst v63  }
0x364: {  	_ =	swait.ge [sflag:s31], $0x2000  }
0x365: {  	[sflag:s31] =	ssyncset.done $0x0  }
0x366: {  	[sflag:s31] =	ssyncadd.s32 $0xFFFFE000  }
0x367: {  	_ =	swait.ge [sflag:s31], $0x8000  }
0x368: {  	s10 =	sand.u32 $0x1C00, s8;
	s4 =	sand.u32 $0x380, s8;
	[sflag:s31] =	ssyncset.done $0x0  }
0x369: {  	s4 =	sor.u32 s4, s10;
	[sflag:s31] =	ssyncadd.s32 $0xFFFF8000  }
0x36a: {  	v0 =	vld [tilespmem:s4+$0x4070]  }
0x36b: {  	v1 =	vld [tilespmem:s4+$0x1C070]  }
0x36c: {  	v2 =	vld [tilespmem:s4+$0x4000]  }
0x36d: {  	v3 =	vld [tilespmem:s4+$0x16000]  }
0x36e: {  	v4 =	vld [tilespmem:s4+$0x18000]  }
0x36f: {  	v5 =	vld [tilespmem:s4+$0x1A000]  }
0x370: {  	v6 =	vld [tilespmem:s4+$0x1C000]  }
0x371: {  	v7 =	vld [tilespmem:s4+$0x4010]  }
0x372: {  	v8 =	vld [tilespmem:s4+$0x16010]  }
0x373: {  	v9 =	vld [tilespmem:s4+$0x18010]  }
0x374: {  	v10 =	vld [tilespmem:s4+$0x1A010]  }
0x375: {  	v11 =	vld [tilespmem:s4+$0x1C010]  }
0x376: {  	v12 =	vld [tilespmem:s4+$0x4020];
	v1 =	vadd.f32 v1, v0  }
0x377: {  	v13 =	vld [tilespmem:s4+$0x16020];
	v3 =	vadd.f32 v3, v2  }
0x378: {  	v60 =	vld [tilespmem:s4+$0x18030];
	[tilespmem:s4+$0x1C070] =	vst v1;
	v1 =	vadd.f32 v4, v2  }
0x379: {  	v61 =	vld [tilespmem:s4+$0x1C030];
	[tilespmem:s4+$0x16000] =	vst v3;
	v3 =	vadd.f32 v5, v2  }
0x37a: {  	v4 =	vld [tilespmem:s4+$0x18020];
	[tilespmem:s4+$0x18000] =	vst v1;
	v1 =	vadd.f32 v6, v2  }
0x37b: {  	v5 =	vld [tilespmem:s4+$0x1A020];
	[tilespmem:s4+$0x1A000] =	vst v3;
	v3 =	vadd.f32 v8, v7  }
0x37c: {  	v2 =	vld [tilespmem:s4+$0x1C020];
	[tilespmem:s4+$0x1C000] =	vst v1;
	v1 =	vadd.f32 v9, v7  }
0x37d: {  	v6 =	vld [tilespmem:s4+$0x4030];
	[tilespmem:s4+$0x16010] =	vst v3;
	v3 =	vadd.f32 v10, v7  }
0x37e: {  	v8 =	vld [tilespmem:s4+$0x16030];
	[tilespmem:s4+$0x18010] =	vst v1;
	v1 =	vadd.f32 v11, v7  }
0x37f: {  	v62 =	vld [tilespmem:s4+$0x1C040];
	[tilespmem:s4+$0x1A010] =	vst v3;
	v3 =	vadd.f32 v13, v12  }
0x380: {  	v7 =	vld [tilespmem:s4+$0x1A030];
	[tilespmem:s4+$0x1C010] =	vst v1;
	v1 =	vadd.f32 v4, v12  }
0x381: {  	v4 =	vld [tilespmem:s4+$0x4040];
	[tilespmem:s4+$0x16020] =	vst v3;
	v3 =	vadd.f32 v5, v12  }
0x382: {  	v5 =	vld [tilespmem:s4+$0x16040];
	[tilespmem:s4+$0x18020] =	vst v1;
	v1 =	vadd.f32 v2, v12  }
0x383: {  	v2 =	vld [tilespmem:s4+$0x18040];
	[tilespmem:s4+$0x1A020] =	vst v3;
	v3 =	vadd.f32 v8, v6  }
0x384: {  	v8 =	vld [tilespmem:s4+$0x1A040];
	[tilespmem:s4+$0x1C020] =	vst v1;
	v1 =	vadd.f32 v60, v6  }
0x385: {  	[tilespmem:s4+$0x16030] =	vst v3;
	v3 =	vadd.f32 v7, v6;
	v7 =	vld [tilespmem:s4+$0x4050]  }
0x386: {  	[tilespmem:s4+$0x18030] =	vst v1;
	v1 =	vadd.f32 v61, v6;
	v6 =	vld [tilespmem:s4+$0x16050]  }
0x387: {  	[tilespmem:s4+$0x1A030] =	vst v3;
	v3 =	vadd.f32 v5, v4;
	v5 =	vld [tilespmem:s4+$0x18050]  }
0x388: {  	[tilespmem:s4+$0x1C030] =	vst v1;
	v1 =	vadd.f32 v2, v4;
	v2 =	vld [tilespmem:s4+$0x1A050]  }
0x389: {  	[tilespmem:s4+$0x16040] =	vst v3;
	v3 =	vadd.f32 v8, v4;
	v8 =	vld [tilespmem:s4+$0x1C050]  }
0x38a: {  	v4 =	vadd.f32 v62, v4;
	[tilespmem:s4+$0x18040] =	vst v1;
	v1 =	vld [tilespmem:s4+$0x4060]  }
0x38b: {  	[tilespmem:s4+$0x1A040] =	vst v3;
	v3 =	vadd.f32 v6, v7;
	v6 =	vld [tilespmem:s4+$0x16060]  }
0x38c: {  	[tilespmem:s4+$0x1C040] =	vst v4;
	v4 =	vadd.f32 v5, v7;
	v5 =	vld [tilespmem:s4+$0x18060]  }
0x38d: {  	[tilespmem:s4+$0x16050] =	vst v3;
	v63 =	vadd.f32 v2, v7;
	v2 =	vld [tilespmem:s4+$0x1A060]  }
0x38e: {  	[tilespmem:s4+$0x18050] =	vst v4;
	v3 =	vld [tilespmem:s4+$0x1C060];
	v7 =	vadd.f32 v8, v7  }
0x38f: {  	s6 =	simm.s32 $0x10;
	s7 =	simm.s32 $0x400;
	s5 =	simm.s32 $0x0;
	v4 =	vld [tilespmem:s4+$0x16070];
	[tilespmem:s4+$0x1A050] =	vst v63  }
.LBB2_18:
0x390: {  	s8 =	sand.u32 $0x1C00, s7;
	s9 =	sand.u32 $0x380, s6;
	[tilespmem:s4+$0x1C050] =	vst v7;
	v6 =	vadd.f32 v6, v1;
	v7 =	vld [tilespmem:s4+$0x18070]  }
0x391: {  	s5 =	sadd.s32 $0x8, s5;
	s8 =	sor.u32 s9, s8;
	v5 =	vadd.f32 v5, v1;
	v8 =	vld [tilespmem:s4+$0x1A070]  }
0x392: {  	p0 =	slt.u32 s5, $0x1F8;
	v9 =	vld [tilespmem:s8+$0x4070];
	[tilespmem:s4+$0x16060] =	vst v6;
	v2 =	vadd.f32 v2, v1  }
0x393: {  	v6 =	vld [tilespmem:s8+$0x1C070];
	[tilespmem:s4+$0x18060] =	vst v5;
	v1 =	vadd.f32 v3, v1  }
0x394: {  	v3 =	vld [tilespmem:s8+$0x4000];
	[tilespmem:s4+$0x1A060] =	vst v2;
	v2 =	vadd.f32 v4, v0  }
0x395: {  	v4 =	vld [tilespmem:s8+$0x16000];
	[tilespmem:s4+$0x1C060] =	vst v1;
	v1 =	vadd.f32 v7, v0  }
0x396: {  	v5 =	vld [tilespmem:s8+$0x18000];
	[tilespmem:s4+$0x16070] =	vst v2;
	v2 =	vadd.f32 v8, v0  }
0x397: {  	v7 =	vld [tilespmem:s8+$0x1A000];
	[tilespmem:s4+$0x18070] =	vst v1;
	v0 =	vmov v9  }
0x398: {  	v1 =	vld [tilespmem:s8+$0x1C000];
	v6 =	vadd.f32 v6, v0;
	[tilespmem:s4+$0x1A070] =	vst v2;
	s4 =	smov.u32 s8  }
0x399: {  	v2 =	vld [tilespmem:s4+$0x4010]  }
0x39a: {  	v4 =	vadd.f32 v4, v3;
	v8 =	vld [tilespmem:s4+$0x16010];
	[tilespmem:s4+$0x1C070] =	vst v6  }
0x39b: {  	v5 =	vadd.f32 v5, v3;
	v6 =	vld [tilespmem:s4+$0x18010]  }
0x39c: {  	[tilespmem:s4+$0x16000] =	vst v4;
	v4 =	vadd.f32 v7, v3;
	v7 =	vld [tilespmem:s4+$0x1A010]  }
0x39d: {  	[tilespmem:s4+$0x18000] =	vst v5;
	v1 =	vadd.f32 v1, v3;
	v3 =	vld [tilespmem:s4+$0x1C010]  }
0x39e: {  	[tilespmem:s4+$0x1A000] =	vst v4;
	v4 =	vld [tilespmem:s4+$0x4020]  }
0x39f: {  	[tilespmem:s4+$0x1C000] =	vst v1;
	v1 =	vadd.f32 v8, v2;
	v5 =	vld [tilespmem:s4+$0x16020]  }
0x3a0: {  	v6 =	vadd.f32 v6, v2;
	v8 =	vld [tilespmem:s4+$0x18020]  }
0x3a1: {  	[tilespmem:s4+$0x16010] =	vst v1;
	v1 =	vadd.f32 v7, v2;
	v7 =	vld [tilespmem:s4+$0x1A020]  }
0x3a2: {  	[tilespmem:s4+$0x18010] =	vst v6;
	v2 =	vadd.f32 v3, v2;
	v3 =	vld [tilespmem:s4+$0x1C020]  }
0x3a3: {  	[tilespmem:s4+$0x1A010] =	vst v1;
	v1 =	vld [tilespmem:s4+$0x4030]  }
0x3a4: {  	[tilespmem:s4+$0x1C010] =	vst v2;
	v2 =	vadd.f32 v5, v4;
	v5 =	vld [tilespmem:s4+$0x16030]  }
0x3a5: {  	v6 =	vadd.f32 v8, v4;
	v8 =	vld [tilespmem:s4+$0x18030]  }
0x3a6: {  	[tilespmem:s4+$0x16020] =	vst v2;
	v2 =	vadd.f32 v7, v4;
	v7 =	vld [tilespmem:s4+$0x1A030]  }
0x3a7: {  	[tilespmem:s4+$0x18020] =	vst v6;
	v3 =	vadd.f32 v3, v4;
	v4 =	vld [tilespmem:s4+$0x1C030]  }
0x3a8: {  	[tilespmem:s4+$0x1A020] =	vst v2;
	v2 =	vld [tilespmem:s4+$0x4040]  }
0x3a9: {  	[tilespmem:s4+$0x1C020] =	vst v3;
	v3 =	vadd.f32 v5, v1;
	v5 =	vld [tilespmem:s4+$0x16040]  }
0x3aa: {  	v6 =	vadd.f32 v8, v1;
	v8 =	vld [tilespmem:s4+$0x18040]  }
0x3ab: {  	[tilespmem:s4+$0x16030] =	vst v3;
	v3 =	vadd.f32 v7, v1;
	v7 =	vld [tilespmem:s4+$0x1A040]  }
0x3ac: {  	[tilespmem:s4+$0x18030] =	vst v6;
	v1 =	vadd.f32 v4, v1;
	v4 =	vld [tilespmem:s4+$0x1C040]  }
0x3ad: {  	[tilespmem:s4+$0x1A030] =	vst v3;
	v3 =	vld [tilespmem:s4+$0x4050]  }
0x3ae: {  	[tilespmem:s4+$0x1C030] =	vst v1;
	v1 =	vadd.f32 v5, v2;
	v5 =	vld [tilespmem:s4+$0x16050]  }
0x3af: {  	v6 =	vadd.f32 v8, v2;
	v8 =	vld [tilespmem:s4+$0x18050]  }
0x3b0: {  	[tilespmem:s4+$0x16040] =	vst v1;
	v1 =	vadd.f32 v7, v2;
	v7 =	vld [tilespmem:s4+$0x1A050]  }
0x3b1: {  	[tilespmem:s4+$0x18040] =	vst v6;
	v2 =	vadd.f32 v4, v2;
	v4 =	vld [tilespmem:s4+$0x1C050]  }
0x3b2: {  	[tilespmem:s4+$0x1A040] =	vst v1;
	v1 =	vld [tilespmem:s4+$0x4060]  }
.Ltmp8:
0x3b3: {  	[tilespmem:s4+$0x1C040] =	vst v2;
	v2 =	vadd.f32 v5, v3;
	v6 =	vld [tilespmem:s4+$0x16060];
	(pc) =	sbr.rel @p0 .LBB2_18-.Ltmp8, $4  }
0x3b4: {  	v8 =	vadd.f32 v8, v3;
	v5 =	vld [tilespmem:s4+$0x18060]  }
0x3b5: {  	[tilespmem:s4+$0x16050] =	vst v2;
	v9 =	vadd.f32 v7, v3;
	v2 =	vld [tilespmem:s4+$0x1A060]  }
0x3b6: {  	[tilespmem:s4+$0x18050] =	vst v8;
	v7 =	vadd.f32 v4, v3;
	v3 =	vld [tilespmem:s4+$0x1C060]  }
0x3b7: {  	s6 =	sadd.s32 $0x10, s6;
	s7 =	sadd.s32 $0x400, s7;
	[tilespmem:s4+$0x1A050] =	vst v9;
	v4 =	vld [tilespmem:s4+$0x16070]  }
0x3b8: {  	v6 =	vadd.f32 v6, v1;
	v8 =	vld [tilespmem:s4+$0x18070]  }
0x3b9: {  	[tilespmem:s4+$0x1C050] =	vst v7;
	v7 =	vld [tilespmem:s4+$0x1A070];
	v5 =	vadd.f32 v5, v1  }
0x3ba: {  	[tilespmem:s4+$0x16060] =	vst v6;
	v2 =	vadd.f32 v2, v1  }
0x3bb: {  	[tilespmem:s4+$0x18060] =	vst v5;
	v1 =	vadd.f32 v3, v1  }
0x3bc: {  	[tilespmem:s4+$0x1A060] =	vst v2;
	v2 =	vadd.f32 v4, v0  }
0x3bd: {  	[tilespmem:s4+$0x1C060] =	vst v1;
	v1 =	vadd.f32 v8, v0  }
0x3be: {  	v0 =	vadd.f32 v7, v0;
	[tilespmem:s4+$0x16070] =	vst v2  }
0x3bf: {  	[tilespmem:s4+$0x18070] =	vst v1  }
0x3c0: {  	[tilespmem:s4+$0x1A070] =	vst v0  }
0x3c1: {  	s4 =	rddreg [dreg:$0x1b]  }
0x3c2: {  	[hbm4b:s4+s21] =	stream.strided.scatter [tilespmem:s28], [sflag:$0x6], $0x8000, s22, s21, $0x38;
	[tilespmem:$0x1E000] =	vst v63  }
0x3c3: {  	_ =	swait.ge [sflag:s0], $0x8000  }
0x3c4: {  	[sflag:s0] =	ssyncset.done $0x0;
	s8 =	rddreg [dreg:$0x1f]  }
0x3c5: {  	s5 =	simm.s32 $0x0;
	s9 =	sld [smem:$0x7F3];
	[sflag:s0] =	ssyncadd.s32 $0xFFFF8000  }
0x3c6: {  	[tilespmem:s21], [sflag:$0x2] =	stream.linear.gather [hbm4b:s8+s5], $0x2000, $0x38;
	[tilespmem:$0x1E000] =	vst v63  }
0x3c7: {  	_ = 	snop  }
0x3c8: {  	[tilespmem:s24], [sflag:$0x2] =	stream.strided.gather [hbm4b:s9+s21], $0x8000, s22, s21, $0x38;
	[tilespmem:$0x1E000] =	vst v63  }
0x3c9: {  	_ =	swait.ge [sflag:s25], $0x2000  }
0x3ca: {  	[sflag:s25] =	ssyncset.done $0x0  }
0x3cb: {  	[sflag:s25] =	ssyncadd.s32 $0xFFFFE000  }
0x3cc: {  	s10 =	sand.u32 $0x1C00, s5;
	_ =	swait.ge [sflag:s25], $0x8000  }
0x3cd: {  	s6 =	sor.u32 s10, s5;
	[sflag:s25] =	ssyncset.done $0x0  }
0x3ce: {  	s6 =	sor.u32 $0x70, s6;
	[sflag:s25] =	ssyncadd.s32 $0xFFFF8000  }
0x3cf: {  	v0 =	vld [tilespmem:s6+$0x0]  }
0x3d0: {  	v1 =	vld [tilespmem:s6+$0x6000];
	_ =	sdelay $0x1  }
0x3d1: {  	s7 =	sand.u32 $0x380, s5  }
0x3d2: {  	s4 =	sor.u32 s7, s10  }
0x3d3: {  	v4 =	vld [tilespmem:s4+$0x0]  }
0x3d4: {  	v5 =	vld [tilespmem:s4+$0x6000];
	v1 =	vadd.f32 v1, v0  }
0x3d5: {  	v6 =	vld [tilespmem:s4+$0x8000]  }
0x3d6: {  	v7 =	vld [tilespmem:s4+$0xA000];
	[tilespmem:s6+$0x6000] =	vst v1  }
0x3d7: {  	v1 =	vld [tilespmem:s4+$0xC070]  }
0x3d8: {  	v2 =	vld [tilespmem:s4+$0x8070]  }
0x3d9: {  	v3 =	vld [tilespmem:s4+$0xA070]  }
0x3da: {  	v8 =	vld [tilespmem:s4+$0xC000]  }
0x3db: {  	v9 =	vld [tilespmem:s4+$0x10]  }
0x3dc: {  	v10 =	vld [tilespmem:s4+$0x6010];
	v1 =	vadd.f32 v1, v0  }
0x3dd: {  	v11 =	vld [tilespmem:s4+$0x8010];
	v2 =	vadd.f32 v2, v0  }
0x3de: {  	v63 =	vld [tilespmem:s4+$0x30];
	v0 =	vadd.f32 v3, v0;
	[tilespmem:s4+$0xC070] =	vst v1  }
0x3df: {  	v3 =	vld [tilespmem:s4+$0xC010];
	[tilespmem:s4+$0x8070] =	vst v2;
	v2 =	vadd.f32 v5, v4  }
0x3e0: {  	v1 =	vld [tilespmem:s4+$0xA010];
	[tilespmem:s4+$0xA070] =	vst v0;
	v0 =	vadd.f32 v6, v4  }
0x3e1: {  	v5 =	vld [tilespmem:s4+$0x20];
	[tilespmem:s4+$0x6000] =	vst v2;
	v2 =	vadd.f32 v7, v4  }
0x3e2: {  	v6 =	vld [tilespmem:s4+$0x6020];
	[tilespmem:s4+$0x8000] =	vst v0;
	v0 =	vadd.f32 v8, v4  }
0x3e3: {  	v4 =	vld [tilespmem:s4+$0x8020];
	[tilespmem:s4+$0xA000] =	vst v2;
	v2 =	vadd.f32 v10, v9  }
0x3e4: {  	v7 =	vld [tilespmem:s4+$0xA020];
	[tilespmem:s4+$0xC000] =	vst v0;
	v0 =	vadd.f32 v11, v9  }
0x3e5: {  	v8 =	vld [tilespmem:s4+$0xC020];
	v1 =	vadd.f32 v1, v9;
	[tilespmem:s4+$0x6010] =	vst v2  }
0x3e6: {  	[tilespmem:s4+$0x8010] =	vst v0;
	v0 =	vadd.f32 v3, v9;
	v2 =	vld [tilespmem:s4+$0x6030]  }
0x3e7: {  	v3 =	vld [tilespmem:s4+$0x8030];
	[tilespmem:s4+$0xA010] =	vst v1;
	v1 =	vadd.f32 v6, v5  }
0x3e8: {  	v6 =	vld [tilespmem:s4+$0xA030];
	[tilespmem:s4+$0xC010] =	vst v0;
	v0 =	vadd.f32 v4, v5  }
0x3e9: {  	[tilespmem:s4+$0x6020] =	vst v1;
	v1 =	vadd.f32 v7, v5;
	v7 =	vld [tilespmem:s4+$0xC030]  }
0x3ea: {  	v4 =	vld [tilespmem:s4+$0x6040];
	v5 =	vadd.f32 v8, v5;
	[tilespmem:s4+$0x8020] =	vst v0  }
0x3eb: {  	v0 =	vld [tilespmem:s4+$0x40];
	[tilespmem:s4+$0xA020] =	vst v1;
	v1 =	vadd.f32 v2, v63  }
0x3ec: {  	[tilespmem:s4+$0xC020] =	vst v5;
	v3 =	vadd.f32 v3, v63;
	v2 =	vld [tilespmem:s4+$0x8040]  }
0x3ed: {  	v6 =	vadd.f32 v6, v63;
	[tilespmem:s4+$0x6030] =	vst v1;
	v1 =	vld [tilespmem:s4+$0xA040]  }
0x3ee: {  	s7 =	simm.s32 $0x400;
	s6 =	simm.s32 $0x0;
	[tilespmem:s4+$0x8030] =	vst v3;
	v3 =	vld [tilespmem:s4+$0xC040];
	v5 =	vadd.f32 v7, v63  }
.LBB2_20:
0x3ef: {  	s8 =	sand.u32 $0x1C00, s7;
	[tilespmem:s4+$0xA030] =	vst v6;
	v6 =	vld [tilespmem:s4+$0x50];
	s5 =	sadd.s32 $0x10, s5  }
0x3f0: {  	s6 =	sadd.s32 $0x8, s6;
	s9 =	sor.u32 s8, s5;
	[tilespmem:s4+$0xC030] =	vst v5;
	v4 =	vadd.f32 v4, v0;
	v5 =	vld [tilespmem:s4+$0x6050]  }
0x3f1: {  	p0 =	slt.u32 s6, $0x1F8;
	s9 =	sor.u32 $0x70, s9;
	v2 =	vadd.f32 v2, v0;
	v7 =	vld [tilespmem:s4+$0x8050]  }
0x3f2: {  	v8 =	vld [tilespmem:s9+$0x0];
	[tilespmem:s4+$0x6040] =	vst v4;
	v1 =	vadd.f32 v1, v0  }
0x3f3: {  	v4 =	vld [tilespmem:s9+$0x6000];
	[tilespmem:s4+$0x8040] =	vst v2;
	v0 =	vadd.f32 v3, v0  }
0x3f4: {  	[tilespmem:s4+$0xA040] =	vst v1;
	v1 =	vld [tilespmem:s4+$0xA050]  }
0x3f5: {  	[tilespmem:s4+$0xC040] =	vst v0;
	v0 =	vadd.f32 v5, v6;
	v2 =	vld [tilespmem:s4+$0xC050]  }
0x3f6: {  	v3 =	vadd.f32 v7, v6;
	v5 =	vld [tilespmem:s4+$0x60]  }
0x3f7: {  	[tilespmem:s4+$0x6050] =	vst v0;
	v0 =	vld [tilespmem:s4+$0x6060]  }
0x3f8: {  	v4 =	vadd.f32 v4, v8;
	[tilespmem:s4+$0x8050] =	vst v3;
	v3 =	vld [tilespmem:s4+$0x8060]  }
0x3f9: {  	s10 =	sand.u32 $0x380, s5;
	v1 =	vadd.f32 v1, v6;
	v7 =	vld [tilespmem:s4+$0xA060]  }
0x3fa: {  	s8 =	sor.u32 s10, s8;
	[tilespmem:s9+$0x6000] =	vst v4;
	v2 =	vadd.f32 v2, v6;
	v4 =	vld [tilespmem:s4+$0xC060]  }
0x3fb: {  	v6 =	vld [tilespmem:s8+$0xC070];
	[tilespmem:s4+$0xA050] =	vst v1  }
0x3fc: {  	v1 =	vld [tilespmem:s8+$0x8070];
	[tilespmem:s4+$0xC050] =	vst v2;
	v0 =	vadd.f32 v0, v5  }
0x3fd: {  	v2 =	vld [tilespmem:s8+$0xA070];
	v3 =	vadd.f32 v3, v5  }
0x3fe: {  	v9 =	vld [tilespmem:s8+$0x0];
	[tilespmem:s4+$0x6060] =	vst v0;
	v0 =	vadd.f32 v7, v5  }
0x3ff: {  	v7 =	vld [tilespmem:s8+$0x6000];
	[tilespmem:s4+$0x8060] =	vst v3;
	v3 =	vadd.f32 v4, v5  }
0x400: {  	v4 =	vld [tilespmem:s8+$0x8000];
	v5 =	vadd.f32 v6, v8;
	[tilespmem:s4+$0xA060] =	vst v0  }
0x401: {  	v0 =	vld [tilespmem:s8+$0xA000];
	v1 =	vadd.f32 v1, v8;
	[tilespmem:s4+$0xC060] =	vst v3;
	s4 =	smov.u32 s8  }
0x402: {  	v3 =	vld [tilespmem:s4+$0xC000];
	v2 =	vadd.f32 v2, v8;
	[tilespmem:s4+$0xC070] =	vst v5  }
0x403: {  	v5 =	vld [tilespmem:s4+$0x10];
	[tilespmem:s4+$0x8070] =	vst v1  }
0x404: {  	v1 =	vadd.f32 v7, v9;
	v6 =	vld [tilespmem:s4+$0x6010];
	[tilespmem:s4+$0xA070] =	vst v2  }
0x405: {  	v2 =	vadd.f32 v4, v9;
	v4 =	vld [tilespmem:s4+$0x8010]  }
0x406: {  	[tilespmem:s4+$0x6000] =	vst v1;
	v0 =	vadd.f32 v0, v9;
	v1 =	vld [tilespmem:s4+$0xA010]  }
0x407: {  	[tilespmem:s4+$0x8000] =	vst v2;
	v2 =	vadd.f32 v3, v9;
	v3 =	vld [tilespmem:s4+$0xC010]  }
0x408: {  	[tilespmem:s4+$0xA000] =	vst v0;
	v0 =	vld [tilespmem:s4+$0x20]  }
0x409: {  	[tilespmem:s4+$0xC000] =	vst v2;
	v2 =	vadd.f32 v6, v5;
	v6 =	vld [tilespmem:s4+$0x6020]  }
0x40a: {  	v4 =	vadd.f32 v4, v5;
	v7 =	vld [tilespmem:s4+$0x8020]  }
0x40b: {  	[tilespmem:s4+$0x6010] =	vst v2;
	v1 =	vadd.f32 v1, v5;
	v2 =	vld [tilespmem:s4+$0xA020]  }
0x40c: {  	[tilespmem:s4+$0x8010] =	vst v4;
	v3 =	vadd.f32 v3, v5;
	v4 =	vld [tilespmem:s4+$0xC020]  }
0x40d: {  	[tilespmem:s4+$0xA010] =	vst v1;
	v5 =	vld [tilespmem:s4+$0x30]  }
0x40e: {  	[tilespmem:s4+$0xC010] =	vst v3;
	v1 =	vadd.f32 v6, v0;
	v3 =	vld [tilespmem:s4+$0x6030]  }
0x40f: {  	v6 =	vadd.f32 v7, v0;
	v7 =	vld [tilespmem:s4+$0x8030]  }
0x410: {  	[tilespmem:s4+$0x6020] =	vst v1;
	v1 =	vadd.f32 v2, v0;
	v8 =	vld [tilespmem:s4+$0xA030]  }
0x411: {  	[tilespmem:s4+$0x8020] =	vst v6;
	v2 =	vadd.f32 v4, v0;
	v9 =	vld [tilespmem:s4+$0xC030]  }
.Ltmp9:
0x412: {  	[tilespmem:s4+$0xA020] =	vst v1;
	v0 =	vld [tilespmem:s4+$0x40];
	(pc) =	sbr.rel @p0 .LBB2_20-.Ltmp9, $4  }
0x413: {  	[tilespmem:s4+$0xC020] =	vst v2;
	v1 =	vadd.f32 v3, v5;
	v4 =	vld [tilespmem:s4+$0x6040]  }
0x414: {  	v3 =	vadd.f32 v7, v5;
	v2 =	vld [tilespmem:s4+$0x8040]  }
0x415: {  	[tilespmem:s4+$0x6030] =	vst v1;
	v6 =	vadd.f32 v8, v5;
	v1 =	vld [tilespmem:s4+$0xA040]  }
0x416: {  	s7 =	sadd.s32 $0x400, s7;
	[tilespmem:s4+$0x8030] =	vst v3;
	v5 =	vadd.f32 v9, v5;
	v3 =	vld [tilespmem:s4+$0xC040]  }
0x417: {  	v7 =	vld [tilespmem:s4+$0x50]  }
0x418: {  	v8 =	vld [tilespmem:s4+$0x6050]  }
0x419: {  	v9 =	vld [tilespmem:s4+$0x8050]  }
0x41a: {  	[tilespmem:s4+$0xA030] =	vst v6;
	v6 =	vld [tilespmem:s4+$0xA050];
	v4 =	vadd.f32 v4, v0  }
0x41b: {  	[tilespmem:s4+$0xC030] =	vst v5;
	v5 =	vld [tilespmem:s4+$0xC050];
	v2 =	vadd.f32 v2, v0  }
0x41c: {  	[tilespmem:s4+$0x6040] =	vst v4;
	v1 =	vadd.f32 v1, v0;
	v4 =	vld [tilespmem:s4+$0x60]  }
0x41d: {  	[tilespmem:s4+$0x8040] =	vst v2;
	v0 =	vadd.f32 v3, v0;
	v2 =	vld [tilespmem:s4+$0x6060]  }
0x41e: {  	v3 =	vld [tilespmem:s4+$0x8060];
	[tilespmem:s4+$0xA040] =	vst v1;
	v1 =	vadd.f32 v8, v7  }
0x41f: {  	v8 =	vld [tilespmem:s4+$0xA060];
	[tilespmem:s4+$0xC040] =	vst v0;
	v0 =	vadd.f32 v9, v7  }
0x420: {  	[tilespmem:s4+$0x6050] =	vst v1;
	v1 =	vadd.f32 v6, v7;
	v6 =	vld [tilespmem:s4+$0xC060]  }
0x421: {  	[tilespmem:s4+$0x8050] =	vst v0;
	v0 =	vadd.f32 v5, v7  }
0x422: {  	[tilespmem:s4+$0xA050] =	vst v1;
	v1 =	vadd.f32 v2, v4  }
0x423: {  	[tilespmem:s4+$0xC050] =	vst v0;
	v0 =	vadd.f32 v3, v4  }
0x424: {  	[tilespmem:s4+$0x6060] =	vst v1;
	v1 =	vadd.f32 v8, v4  }
0x425: {  	[tilespmem:s4+$0x8060] =	vst v0;
	v0 =	vadd.f32 v6, v4  }
0x426: {  	[tilespmem:s4+$0xA060] =	vst v1  }
0x427: {  	[tilespmem:s4+$0xC060] =	vst v0  }
0x428: {  	s4 =	rddreg [dreg:$0x1e]  }
0x429: {  	[hbm4b:s4+s21] =	stream.strided.scatter [tilespmem:s23], [sflag:$0x4], $0x8000, s22, s21, $0x38;
	[tilespmem:$0x1E000] =	vst v63  }
0x42a: {  	_ =	swait.ge [sflag:s2], $0x8000  }
0x42b: {  	s5 =	sld [smem:$0x7F5]  }
0x42c: {  	[sflag:s2] =	ssyncset.done $0x0  }
0x42d: {  	s8 =	simm.s32 $0x0;
	s9 =	sld [smem:$0x7F6];
	[sflag:s2] =	ssyncadd.s32 $0xFFFF8000  }
0x42e: {  	[tilespmem:s26], [sflag:$0x3] =	stream.linear.gather [hbm4b:s5+s8], $0x2000, $0x38;
	[tilespmem:$0x1E000] =	vst v63  }
0x42f: {  	_ = 	snop  }
0x430: {  	[tilespmem:s28], [sflag:$0x3] =	stream.strided.gather [hbm4b:s9+s21], $0x8000, s22, s21, $0x38;
	[tilespmem:$0x1E000] =	vst v63  }
0x431: {  	_ =	swait.ge [sflag:s29], $0x2000  }
0x432: {  	[sflag:s29] =	ssyncset.done $0x0  }
0x433: {  	[sflag:s29] =	ssyncadd.s32 $0xFFFFE000  }
0x434: {  	_ =	swait.ge [sflag:s29], $0x8000  }
0x435: {  	s10 =	sand.u32 $0x1C00, s8;
	s4 =	sand.u32 $0x380, s8;
	[sflag:s29] =	ssyncset.done $0x0  }
0x436: {  	s4 =	sor.u32 s4, s10;
	[sflag:s29] =	ssyncadd.s32 $0xFFFF8000  }
0x437: {  	v0 =	vld [tilespmem:s4+$0x2070]  }
0x438: {  	v1 =	vld [tilespmem:s4+$0x14070]  }
0x439: {  	v2 =	vld [tilespmem:s4+$0x2000]  }
0x43a: {  	v3 =	vld [tilespmem:s4+$0xE000]  }
0x43b: {  	v4 =	vld [tilespmem:s4+$0x10000]  }
0x43c: {  	v5 =	vld [tilespmem:s4+$0x12000]  }
0x43d: {  	v6 =	vld [tilespmem:s4+$0x14000]  }
0x43e: {  	v7 =	vld [tilespmem:s4+$0x2010]  }
0x43f: {  	v8 =	vld [tilespmem:s4+$0xE010]  }
0x440: {  	v59 =	vld [tilespmem:s4+$0x10010]  }
0x441: {  	v10 =	vld [tilespmem:s4+$0x12010]  }
0x442: {  	v11 =	vld [tilespmem:s4+$0x14010]  }
0x443: {  	v12 =	vld [tilespmem:s4+$0x2020];
	v1 =	vadd.f32 v1, v0  }
0x444: {  	v13 =	vld [tilespmem:s4+$0xE020];
	v3 =	vadd.f32 v3, v2  }
0x445: {  	v60 =	vld [tilespmem:s4+$0x10030];
	[tilespmem:s4+$0x14070] =	vst v1;
	v1 =	vadd.f32 v4, v2  }
0x446: {  	v61 =	vld [tilespmem:s4+$0x14030];
	[tilespmem:s4+$0xE000] =	vst v3;
	v3 =	vadd.f32 v5, v2  }
0x447: {  	v4 =	vld [tilespmem:s4+$0x10020];
	[tilespmem:s4+$0x10000] =	vst v1;
	v1 =	vadd.f32 v6, v2  }
0x448: {  	v5 =	vld [tilespmem:s4+$0x12020];
	[tilespmem:s4+$0x12000] =	vst v3;
	v3 =	vadd.f32 v8, v7  }
0x449: {  	v2 =	vld [tilespmem:s4+$0x14020];
	[tilespmem:s4+$0x14000] =	vst v1;
	v1 =	vadd.f32 v59, v7  }
0x44a: {  	v6 =	vld [tilespmem:s4+$0x2030];
	[tilespmem:s4+$0xE010] =	vst v3;
	v3 =	vadd.f32 v10, v7  }
0x44b: {  	v8 =	vld [tilespmem:s4+$0xE030];
	[tilespmem:s4+$0x10010] =	vst v1;
	v1 =	vadd.f32 v11, v7  }
0x44c: {  	v62 =	vld [tilespmem:s4+$0x14040];
	[tilespmem:s4+$0x12010] =	vst v3;
	v3 =	vadd.f32 v13, v12  }
0x44d: {  	v7 =	vld [tilespmem:s4+$0x12030];
	[tilespmem:s4+$0x14010] =	vst v1;
	v1 =	vadd.f32 v4, v12  }
0x44e: {  	v4 =	vld [tilespmem:s4+$0x2040];
	[tilespmem:s4+$0xE020] =	vst v3;
	v3 =	vadd.f32 v5, v12  }
0x44f: {  	v5 =	vld [tilespmem:s4+$0xE040];
	[tilespmem:s4+$0x10020] =	vst v1;
	v1 =	vadd.f32 v2, v12  }
0x450: {  	v2 =	vld [tilespmem:s4+$0x10040];
	[tilespmem:s4+$0x12020] =	vst v3;
	v3 =	vadd.f32 v8, v6  }
0x451: {  	v8 =	vld [tilespmem:s4+$0x12040];
	[tilespmem:s4+$0x14020] =	vst v1;
	v1 =	vadd.f32 v60, v6  }
0x452: {  	[tilespmem:s4+$0xE030] =	vst v3;
	v3 =	vadd.f32 v7, v6;
	v7 =	vld [tilespmem:s4+$0x2050]  }
0x453: {  	[tilespmem:s4+$0x10030] =	vst v1;
	v1 =	vadd.f32 v61, v6;
	v6 =	vld [tilespmem:s4+$0xE050]  }
0x454: {  	[tilespmem:s4+$0x12030] =	vst v3;
	v3 =	vadd.f32 v5, v4;
	v5 =	vld [tilespmem:s4+$0x10050]  }
0x455: {  	[tilespmem:s4+$0x14030] =	vst v1;
	v1 =	vadd.f32 v2, v4;
	v2 =	vld [tilespmem:s4+$0x12050]  }
0x456: {  	[tilespmem:s4+$0xE040] =	vst v3;
	v3 =	vadd.f32 v8, v4;
	v8 =	vld [tilespmem:s4+$0x14050]  }
0x457: {  	v4 =	vadd.f32 v62, v4;
	[tilespmem:s4+$0x10040] =	vst v1;
	v1 =	vld [tilespmem:s4+$0x2060]  }
0x458: {  	[tilespmem:s4+$0x12040] =	vst v3;
	v3 =	vadd.f32 v6, v7;
	v6 =	vld [tilespmem:s4+$0xE060]  }
0x459: {  	[tilespmem:s4+$0x14040] =	vst v4;
	v4 =	vadd.f32 v5, v7;
	v5 =	vld [tilespmem:s4+$0x10060]  }
0x45a: {  	[tilespmem:s4+$0xE050] =	vst v3;
	v63 =	vadd.f32 v2, v7;
	v2 =	vld [tilespmem:s4+$0x12060]  }
0x45b: {  	[tilespmem:s4+$0x10050] =	vst v4;
	v3 =	vld [tilespmem:s4+$0x14060];
	v7 =	vadd.f32 v8, v7  }
0x45c: {  	s6 =	simm.s32 $0x10;
	s7 =	simm.s32 $0x400;
	s5 =	simm.s32 $0x0;
	v4 =	vld [tilespmem:s4+$0xE070];
	[tilespmem:s4+$0x12050] =	vst v63  }
.LBB2_22:
0x45d: {  	s8 =	sand.u32 $0x1C00, s7;
	s9 =	sand.u32 $0x380, s6;
	[tilespmem:s4+$0x14050] =	vst v7;
	v6 =	vadd.f32 v6, v1;
	v7 =	vld [tilespmem:s4+$0x10070]  }
0x45e: {  	s5 =	sadd.s32 $0x8, s5;
	s8 =	sor.u32 s9, s8;
	v5 =	vadd.f32 v5, v1;
	v8 =	vld [tilespmem:s4+$0x12070]  }
0x45f: {  	p0 =	slt.u32 s5, $0x1F8;
	v9 =	vld [tilespmem:s8+$0x2070];
	[tilespmem:s4+$0xE060] =	vst v6;
	v2 =	vadd.f32 v2, v1  }
0x460: {  	v6 =	vld [tilespmem:s8+$0x14070];
	[tilespmem:s4+$0x10060] =	vst v5;
	v1 =	vadd.f32 v3, v1  }
0x461: {  	v3 =	vld [tilespmem:s8+$0x2000];
	[tilespmem:s4+$0x12060] =	vst v2;
	v2 =	vadd.f32 v4, v0  }
0x462: {  	v4 =	vld [tilespmem:s8+$0xE000];
	[tilespmem:s4+$0x14060] =	vst v1;
	v1 =	vadd.f32 v7, v0  }
0x463: {  	v5 =	vld [tilespmem:s8+$0x10000];
	[tilespmem:s4+$0xE070] =	vst v2;
	v2 =	vadd.f32 v8, v0  }
0x464: {  	v7 =	vld [tilespmem:s8+$0x12000];
	[tilespmem:s4+$0x10070] =	vst v1;
	v0 =	vmov v9  }
0x465: {  	v1 =	vld [tilespmem:s8+$0x14000];
	v6 =	vadd.f32 v6, v0;
	[tilespmem:s4+$0x12070] =	vst v2;
	s4 =	smov.u32 s8  }
0x466: {  	v2 =	vld [tilespmem:s4+$0x2010]  }
0x467: {  	v4 =	vadd.f32 v4, v3;
	v8 =	vld [tilespmem:s4+$0xE010];
	[tilespmem:s4+$0x14070] =	vst v6  }
0x468: {  	v5 =	vadd.f32 v5, v3;
	v6 =	vld [tilespmem:s4+$0x10010]  }
0x469: {  	[tilespmem:s4+$0xE000] =	vst v4;
	v4 =	vadd.f32 v7, v3;
	v7 =	vld [tilespmem:s4+$0x12010]  }
0x46a: {  	[tilespmem:s4+$0x10000] =	vst v5;
	v1 =	vadd.f32 v1, v3;
	v3 =	vld [tilespmem:s4+$0x14010]  }
0x46b: {  	[tilespmem:s4+$0x12000] =	vst v4;
	v4 =	vld [tilespmem:s4+$0x2020]  }
0x46c: {  	[tilespmem:s4+$0x14000] =	vst v1;
	v1 =	vadd.f32 v8, v2;
	v5 =	vld [tilespmem:s4+$0xE020]  }
0x46d: {  	v6 =	vadd.f32 v6, v2;
	v8 =	vld [tilespmem:s4+$0x10020]  }
0x46e: {  	[tilespmem:s4+$0xE010] =	vst v1;
	v1 =	vadd.f32 v7, v2;
	v7 =	vld [tilespmem:s4+$0x12020]  }
0x46f: {  	[tilespmem:s4+$0x10010] =	vst v6;
	v2 =	vadd.f32 v3, v2;
	v3 =	vld [tilespmem:s4+$0x14020]  }
0x470: {  	[tilespmem:s4+$0x12010] =	vst v1;
	v1 =	vld [tilespmem:s4+$0x2030]  }
0x471: {  	[tilespmem:s4+$0x14010] =	vst v2;
	v2 =	vadd.f32 v5, v4;
	v5 =	vld [tilespmem:s4+$0xE030]  }
0x472: {  	v6 =	vadd.f32 v8, v4;
	v8 =	vld [tilespmem:s4+$0x10030]  }
0x473: {  	[tilespmem:s4+$0xE020] =	vst v2;
	v2 =	vadd.f32 v7, v4;
	v7 =	vld [tilespmem:s4+$0x12030]  }
0x474: {  	[tilespmem:s4+$0x10020] =	vst v6;
	v3 =	vadd.f32 v3, v4;
	v4 =	vld [tilespmem:s4+$0x14030]  }
0x475: {  	[tilespmem:s4+$0x12020] =	vst v2;
	v2 =	vld [tilespmem:s4+$0x2040]  }
0x476: {  	[tilespmem:s4+$0x14020] =	vst v3;
	v3 =	vadd.f32 v5, v1;
	v5 =	vld [tilespmem:s4+$0xE040]  }
0x477: {  	v6 =	vadd.f32 v8, v1;
	v8 =	vld [tilespmem:s4+$0x10040]  }
0x478: {  	[tilespmem:s4+$0xE030] =	vst v3;
	v3 =	vadd.f32 v7, v1;
	v7 =	vld [tilespmem:s4+$0x12040]  }
0x479: {  	[tilespmem:s4+$0x10030] =	vst v6;
	v1 =	vadd.f32 v4, v1;
	v4 =	vld [tilespmem:s4+$0x14040]  }
0x47a: {  	[tilespmem:s4+$0x12030] =	vst v3;
	v3 =	vld [tilespmem:s4+$0x2050]  }
0x47b: {  	[tilespmem:s4+$0x14030] =	vst v1;
	v1 =	vadd.f32 v5, v2;
	v5 =	vld [tilespmem:s4+$0xE050]  }
0x47c: {  	v6 =	vadd.f32 v8, v2;
	v8 =	vld [tilespmem:s4+$0x10050]  }
0x47d: {  	[tilespmem:s4+$0xE040] =	vst v1;
	v1 =	vadd.f32 v7, v2;
	v7 =	vld [tilespmem:s4+$0x12050]  }
0x47e: {  	[tilespmem:s4+$0x10040] =	vst v6;
	v2 =	vadd.f32 v4, v2;
	v4 =	vld [tilespmem:s4+$0x14050]  }
0x47f: {  	[tilespmem:s4+$0x12040] =	vst v1;
	v1 =	vld [tilespmem:s4+$0x2060]  }
.Ltmp10:
0x480: {  	[tilespmem:s4+$0x14040] =	vst v2;
	v2 =	vadd.f32 v5, v3;
	v6 =	vld [tilespmem:s4+$0xE060];
	(pc) =	sbr.rel @p0 .LBB2_22-.Ltmp10, $4  }
0x481: {  	v8 =	vadd.f32 v8, v3;
	v5 =	vld [tilespmem:s4+$0x10060]  }
0x482: {  	[tilespmem:s4+$0xE050] =	vst v2;
	v9 =	vadd.f32 v7, v3;
	v2 =	vld [tilespmem:s4+$0x12060]  }
0x483: {  	[tilespmem:s4+$0x10050] =	vst v8;
	v7 =	vadd.f32 v4, v3;
	v3 =	vld [tilespmem:s4+$0x14060]  }
0x484: {  	s6 =	sadd.s32 $0x10, s6;
	s7 =	sadd.s32 $0x400, s7;
	[tilespmem:s4+$0x12050] =	vst v9;
	v4 =	vld [tilespmem:s4+$0xE070]  }
0x485: {  	v6 =	vadd.f32 v6, v1;
	v8 =	vld [tilespmem:s4+$0x10070]  }
0x486: {  	[tilespmem:s4+$0x14050] =	vst v7;
	v7 =	vld [tilespmem:s4+$0x12070];
	v5 =	vadd.f32 v5, v1  }
0x487: {  	[tilespmem:s4+$0xE060] =	vst v6;
	v2 =	vadd.f32 v2, v1  }
0x488: {  	[tilespmem:s4+$0x10060] =	vst v5;
	v1 =	vadd.f32 v3, v1  }
0x489: {  	[tilespmem:s4+$0x12060] =	vst v2;
	v2 =	vadd.f32 v4, v0  }
0x48a: {  	[tilespmem:s4+$0x14060] =	vst v1;
	v1 =	vadd.f32 v8, v0  }
0x48b: {  	v0 =	vadd.f32 v7, v0;
	[tilespmem:s4+$0xE070] =	vst v2  }
0x48c: {  	[tilespmem:s4+$0x10070] =	vst v1  }
0x48d: {  	[tilespmem:s4+$0x12070] =	vst v0  }
0x48e: {  	s4 =	sld [smem:$0x7F4];
	_ =	sdelay $0x2  }
0x48f: {  	[hbm4b:s4+s21] =	stream.strided.scatter [tilespmem:s24], [sflag:$0x5], $0x8000, s22, s21, $0x38;
	[tilespmem:$0x1E000] =	vst v63  }
0x490: {  	_ =	swait.ge [sflag:s30], $0x8000  }
0x491: {  	s5 =	sld [smem:$0x7F8]  }
0x492: {  	[sflag:s30] =	ssyncset.done $0x0  }
0x493: {  	s8 =	simm.s32 $0x0;
	s9 =	sld [smem:$0x7F9];
	[sflag:s30] =	ssyncadd.s32 $0xFFFF8000  }
0x494: {  	[tilespmem:s8], [sflag:$0x1] =	stream.linear.gather [hbm4b:s5+s8], $0x2000, $0x38;
	[tilespmem:$0x1E000] =	vst v63  }
0x495: {  	_ = 	snop  }
0x496: {  	[tilespmem:s23], [sflag:$0x1] =	stream.strided.gather [hbm4b:s9+s21], $0x8000, s22, s21, $0x38;
	[tilespmem:$0x1E000] =	vst v63  }
0x497: {  	_ =	swait.ge [sflag:s31], $0x2000  }
0x498: {  	[sflag:s31] =	ssyncset.done $0x0  }
0x499: {  	[sflag:s31] =	ssyncadd.s32 $0xFFFFE000  }
0x49a: {  	_ =	swait.ge [sflag:s31], $0x8000  }
0x49b: {  	s10 =	sand.u32 $0x1C00, s8;
	s4 =	sand.u32 $0x380, s8;
	[sflag:s31] =	ssyncset.done $0x0  }
0x49c: {  	s4 =	sor.u32 s4, s10;
	[sflag:s31] =	ssyncadd.s32 $0xFFFF8000  }
0x49d: {  	v0 =	vld [tilespmem:s4+$0x4070]  }
0x49e: {  	v1 =	vld [tilespmem:s4+$0x1C070]  }
0x49f: {  	v2 =	vld [tilespmem:s4+$0x4000]  }
0x4a0: {  	v3 =	vld [tilespmem:s4+$0x16000]  }
0x4a1: {  	v4 =	vld [tilespmem:s4+$0x18000]  }
0x4a2: {  	v5 =	vld [tilespmem:s4+$0x1A000]  }
0x4a3: {  	v6 =	vld [tilespmem:s4+$0x1C000]  }
0x4a4: {  	v7 =	vld [tilespmem:s4+$0x4010]  }
0x4a5: {  	v8 =	vld [tilespmem:s4+$0x16010]  }
0x4a6: {  	v9 =	vld [tilespmem:s4+$0x18010]  }
0x4a7: {  	v10 =	vld [tilespmem:s4+$0x1A010]  }
0x4a8: {  	v11 =	vld [tilespmem:s4+$0x1C010]  }
0x4a9: {  	v12 =	vld [tilespmem:s4+$0x4020];
	v1 =	vadd.f32 v1, v0  }
0x4aa: {  	v13 =	vld [tilespmem:s4+$0x16020];
	v3 =	vadd.f32 v3, v2  }
0x4ab: {  	v60 =	vld [tilespmem:s4+$0x18030];
	[tilespmem:s4+$0x1C070] =	vst v1;
	v1 =	vadd.f32 v4, v2  }
0x4ac: {  	v61 =	vld [tilespmem:s4+$0x1C030];
	[tilespmem:s4+$0x16000] =	vst v3;
	v3 =	vadd.f32 v5, v2  }
0x4ad: {  	v4 =	vld [tilespmem:s4+$0x18020];
	[tilespmem:s4+$0x18000] =	vst v1;
	v1 =	vadd.f32 v6, v2  }
0x4ae: {  	v5 =	vld [tilespmem:s4+$0x1A020];
	[tilespmem:s4+$0x1A000] =	vst v3;
	v3 =	vadd.f32 v8, v7  }
0x4af: {  	v2 =	vld [tilespmem:s4+$0x1C020];
	[tilespmem:s4+$0x1C000] =	vst v1;
	v1 =	vadd.f32 v9, v7  }
0x4b0: {  	v6 =	vld [tilespmem:s4+$0x4030];
	[tilespmem:s4+$0x16010] =	vst v3;
	v3 =	vadd.f32 v10, v7  }
0x4b1: {  	v8 =	vld [tilespmem:s4+$0x16030];
	[tilespmem:s4+$0x18010] =	vst v1;
	v1 =	vadd.f32 v11, v7  }
0x4b2: {  	v62 =	vld [tilespmem:s4+$0x1C040];
	[tilespmem:s4+$0x1A010] =	vst v3;
	v3 =	vadd.f32 v13, v12  }
0x4b3: {  	v7 =	vld [tilespmem:s4+$0x1A030];
	[tilespmem:s4+$0x1C010] =	vst v1;
	v1 =	vadd.f32 v4, v12  }
0x4b4: {  	v4 =	vld [tilespmem:s4+$0x4040];
	[tilespmem:s4+$0x16020] =	vst v3;
	v3 =	vadd.f32 v5, v12  }
0x4b5: {  	v5 =	vld [tilespmem:s4+$0x16040];
	[tilespmem:s4+$0x18020] =	vst v1;
	v1 =	vadd.f32 v2, v12  }
0x4b6: {  	v2 =	vld [tilespmem:s4+$0x18040];
	[tilespmem:s4+$0x1A020] =	vst v3;
	v3 =	vadd.f32 v8, v6  }
0x4b7: {  	v8 =	vld [tilespmem:s4+$0x1A040];
	[tilespmem:s4+$0x1C020] =	vst v1;
	v1 =	vadd.f32 v60, v6  }
0x4b8: {  	[tilespmem:s4+$0x16030] =	vst v3;
	v3 =	vadd.f32 v7, v6;
	v7 =	vld [tilespmem:s4+$0x4050]  }
0x4b9: {  	[tilespmem:s4+$0x18030] =	vst v1;
	v1 =	vadd.f32 v61, v6;
	v6 =	vld [tilespmem:s4+$0x16050]  }
0x4ba: {  	[tilespmem:s4+$0x1A030] =	vst v3;
	v3 =	vadd.f32 v5, v4;
	v5 =	vld [tilespmem:s4+$0x18050]  }
0x4bb: {  	[tilespmem:s4+$0x1C030] =	vst v1;
	v1 =	vadd.f32 v2, v4;
	v2 =	vld [tilespmem:s4+$0x1A050]  }
0x4bc: {  	[tilespmem:s4+$0x16040] =	vst v3;
	v3 =	vadd.f32 v8, v4;
	v8 =	vld [tilespmem:s4+$0x1C050]  }
0x4bd: {  	v4 =	vadd.f32 v62, v4;
	[tilespmem:s4+$0x18040] =	vst v1;
	v1 =	vld [tilespmem:s4+$0x4060]  }
0x4be: {  	[tilespmem:s4+$0x1A040] =	vst v3;
	v3 =	vadd.f32 v6, v7;
	v6 =	vld [tilespmem:s4+$0x16060]  }
0x4bf: {  	[tilespmem:s4+$0x1C040] =	vst v4;
	v4 =	vadd.f32 v5, v7;
	v5 =	vld [tilespmem:s4+$0x18060]  }
0x4c0: {  	[tilespmem:s4+$0x16050] =	vst v3;
	v63 =	vadd.f32 v2, v7;
	v2 =	vld [tilespmem:s4+$0x1A060]  }
0x4c1: {  	[tilespmem:s4+$0x18050] =	vst v4;
	v3 =	vld [tilespmem:s4+$0x1C060];
	v7 =	vadd.f32 v8, v7  }
0x4c2: {  	s6 =	simm.s32 $0x10;
	s7 =	simm.s32 $0x400;
	s5 =	simm.s32 $0x0;
	v4 =	vld [tilespmem:s4+$0x16070];
	[tilespmem:s4+$0x1A050] =	vst v63  }
.LBB2_24:
0x4c3: {  	s8 =	sand.u32 $0x1C00, s7;
	s9 =	sand.u32 $0x380, s6;
	[tilespmem:s4+$0x1C050] =	vst v7;
	v6 =	vadd.f32 v6, v1;
	v7 =	vld [tilespmem:s4+$0x18070]  }
0x4c4: {  	s5 =	sadd.s32 $0x8, s5;
	s8 =	sor.u32 s9, s8;
	v5 =	vadd.f32 v5, v1;
	v8 =	vld [tilespmem:s4+$0x1A070]  }
0x4c5: {  	p0 =	slt.u32 s5, $0x1F8;
	v9 =	vld [tilespmem:s8+$0x4070];
	[tilespmem:s4+$0x16060] =	vst v6;
	v2 =	vadd.f32 v2, v1  }
0x4c6: {  	v6 =	vld [tilespmem:s8+$0x1C070];
	[tilespmem:s4+$0x18060] =	vst v5;
	v1 =	vadd.f32 v3, v1  }
0x4c7: {  	v3 =	vld [tilespmem:s8+$0x4000];
	[tilespmem:s4+$0x1A060] =	vst v2;
	v2 =	vadd.f32 v4, v0  }
0x4c8: {  	v4 =	vld [tilespmem:s8+$0x16000];
	[tilespmem:s4+$0x1C060] =	vst v1;
	v1 =	vadd.f32 v7, v0  }
0x4c9: {  	v5 =	vld [tilespmem:s8+$0x18000];
	[tilespmem:s4+$0x16070] =	vst v2;
	v2 =	vadd.f32 v8, v0  }
0x4ca: {  	v7 =	vld [tilespmem:s8+$0x1A000];
	[tilespmem:s4+$0x18070] =	vst v1;
	v0 =	vmov v9  }
0x4cb: {  	v1 =	vld [tilespmem:s8+$0x1C000];
	v6 =	vadd.f32 v6, v0;
	[tilespmem:s4+$0x1A070] =	vst v2;
	s4 =	smov.u32 s8  }
0x4cc: {  	v2 =	vld [tilespmem:s4+$0x4010]  }
0x4cd: {  	v4 =	vadd.f32 v4, v3;
	v8 =	vld [tilespmem:s4+$0x16010];
	[tilespmem:s4+$0x1C070] =	vst v6  }
0x4ce: {  	v5 =	vadd.f32 v5, v3;
	v6 =	vld [tilespmem:s4+$0x18010]  }
0x4cf: {  	[tilespmem:s4+$0x16000] =	vst v4;
	v4 =	vadd.f32 v7, v3;
	v7 =	vld [tilespmem:s4+$0x1A010]  }
0x4d0: {  	[tilespmem:s4+$0x18000] =	vst v5;
	v1 =	vadd.f32 v1, v3;
	v3 =	vld [tilespmem:s4+$0x1C010]  }
0x4d1: {  	[tilespmem:s4+$0x1A000] =	vst v4;
	v4 =	vld [tilespmem:s4+$0x4020]  }
0x4d2: {  	[tilespmem:s4+$0x1C000] =	vst v1;
	v1 =	vadd.f32 v8, v2;
	v5 =	vld [tilespmem:s4+$0x16020]  }
0x4d3: {  	v6 =	vadd.f32 v6, v2;
	v8 =	vld [tilespmem:s4+$0x18020]  }
0x4d4: {  	[tilespmem:s4+$0x16010] =	vst v1;
	v1 =	vadd.f32 v7, v2;
	v7 =	vld [tilespmem:s4+$0x1A020]  }
0x4d5: {  	[tilespmem:s4+$0x18010] =	vst v6;
	v2 =	vadd.f32 v3, v2;
	v3 =	vld [tilespmem:s4+$0x1C020]  }
0x4d6: {  	[tilespmem:s4+$0x1A010] =	vst v1;
	v1 =	vld [tilespmem:s4+$0x4030]  }
0x4d7: {  	[tilespmem:s4+$0x1C010] =	vst v2;
	v2 =	vadd.f32 v5, v4;
	v5 =	vld [tilespmem:s4+$0x16030]  }
0x4d8: {  	v6 =	vadd.f32 v8, v4;
	v8 =	vld [tilespmem:s4+$0x18030]  }
0x4d9: {  	[tilespmem:s4+$0x16020] =	vst v2;
	v2 =	vadd.f32 v7, v4;
	v7 =	vld [tilespmem:s4+$0x1A030]  }
0x4da: {  	[tilespmem:s4+$0x18020] =	vst v6;
	v3 =	vadd.f32 v3, v4;
	v4 =	vld [tilespmem:s4+$0x1C030]  }
0x4db: {  	[tilespmem:s4+$0x1A020] =	vst v2;
	v2 =	vld [tilespmem:s4+$0x4040]  }
0x4dc: {  	[tilespmem:s4+$0x1C020] =	vst v3;
	v3 =	vadd.f32 v5, v1;
	v5 =	vld [tilespmem:s4+$0x16040]  }
0x4dd: {  	v6 =	vadd.f32 v8, v1;
	v8 =	vld [tilespmem:s4+$0x18040]  }
0x4de: {  	[tilespmem:s4+$0x16030] =	vst v3;
	v3 =	vadd.f32 v7, v1;
	v7 =	vld [tilespmem:s4+$0x1A040]  }
0x4df: {  	[tilespmem:s4+$0x18030] =	vst v6;
	v1 =	vadd.f32 v4, v1;
	v4 =	vld [tilespmem:s4+$0x1C040]  }
0x4e0: {  	[tilespmem:s4+$0x1A030] =	vst v3;
	v3 =	vld [tilespmem:s4+$0x4050]  }
0x4e1: {  	[tilespmem:s4+$0x1C030] =	vst v1;
	v1 =	vadd.f32 v5, v2;
	v5 =	vld [tilespmem:s4+$0x16050]  }
0x4e2: {  	v6 =	vadd.f32 v8, v2;
	v8 =	vld [tilespmem:s4+$0x18050]  }
0x4e3: {  	[tilespmem:s4+$0x16040] =	vst v1;
	v1 =	vadd.f32 v7, v2;
	v7 =	vld [tilespmem:s4+$0x1A050]  }
0x4e4: {  	[tilespmem:s4+$0x18040] =	vst v6;
	v2 =	vadd.f32 v4, v2;
	v4 =	vld [tilespmem:s4+$0x1C050]  }
0x4e5: {  	[tilespmem:s4+$0x1A040] =	vst v1;
	v1 =	vld [tilespmem:s4+$0x4060]  }
.Ltmp11:
0x4e6: {  	[tilespmem:s4+$0x1C040] =	vst v2;
	v2 =	vadd.f32 v5, v3;
	v6 =	vld [tilespmem:s4+$0x16060];
	(pc) =	sbr.rel @p0 .LBB2_24-.Ltmp11, $4  }
0x4e7: {  	v8 =	vadd.f32 v8, v3;
	v5 =	vld [tilespmem:s4+$0x18060]  }
0x4e8: {  	[tilespmem:s4+$0x16050] =	vst v2;
	v9 =	vadd.f32 v7, v3;
	v2 =	vld [tilespmem:s4+$0x1A060]  }
0x4e9: {  	[tilespmem:s4+$0x18050] =	vst v8;
	v7 =	vadd.f32 v4, v3;
	v3 =	vld [tilespmem:s4+$0x1C060]  }
0x4ea: {  	s6 =	sadd.s32 $0x10, s6;
	s7 =	sadd.s32 $0x400, s7;
	[tilespmem:s4+$0x1A050] =	vst v9;
	v4 =	vld [tilespmem:s4+$0x16070]  }
0x4eb: {  	v6 =	vadd.f32 v6, v1;
	v8 =	vld [tilespmem:s4+$0x18070]  }
0x4ec: {  	[tilespmem:s4+$0x1C050] =	vst v7;
	v7 =	vld [tilespmem:s4+$0x1A070];
	v5 =	vadd.f32 v5, v1  }
0x4ed: {  	[tilespmem:s4+$0x16060] =	vst v6;
	v2 =	vadd.f32 v2, v1  }
0x4ee: {  	[tilespmem:s4+$0x18060] =	vst v5;
	v1 =	vadd.f32 v3, v1  }
0x4ef: {  	[tilespmem:s4+$0x1A060] =	vst v2;
	v2 =	vadd.f32 v4, v0  }
0x4f0: {  	[tilespmem:s4+$0x1C060] =	vst v1;
	v1 =	vadd.f32 v8, v0  }
0x4f1: {  	v0 =	vadd.f32 v7, v0;
	[tilespmem:s4+$0x16070] =	vst v2  }
0x4f2: {  	[tilespmem:s4+$0x18070] =	vst v1  }
0x4f3: {  	[tilespmem:s4+$0x1A070] =	vst v0  }
0x4f4: {  	s4 =	sld [smem:$0x7F7];
	_ =	sdelay $0x2  }
0x4f5: {  	[hbm4b:s4+s21] =	stream.strided.scatter [tilespmem:s28], [sflag:$0x6], $0x8000, s22, s21, $0x38;
	[tilespmem:$0x1E000] =	vst v63  }
0x4f6: {  	_ =	swait.ge [sflag:s0], $0x8000  }
0x4f7: {  	s8 =	sld [smem:$0x7FB]  }
0x4f8: {  	[sflag:s0] =	ssyncset.done $0x0  }
0x4f9: {  	s5 =	simm.s32 $0x0;
	s9 =	sld [smem:$0x7FC];
	[sflag:s0] =	ssyncadd.s32 $0xFFFF8000  }
0x4fa: {  	[tilespmem:s21], [sflag:$0x2] =	stream.linear.gather [hbm4b:s8+s5], $0x2000, $0x38;
	[tilespmem:$0x1E000] =	vst v63  }
0x4fb: {  	_ = 	snop  }
0x4fc: {  	[tilespmem:s24], [sflag:$0x2] =	stream.strided.gather [hbm4b:s9+s21], $0x8000, s22, s21, $0x38;
	[tilespmem:$0x1E000] =	vst v63  }
0x4fd: {  	_ =	swait.ge [sflag:s25], $0x2000  }
0x4fe: {  	[sflag:s25] =	ssyncset.done $0x0  }
0x4ff: {  	[sflag:s25] =	ssyncadd.s32 $0xFFFFE000  }
0x500: {  	s10 =	sand.u32 $0x1C00, s5;
	_ =	swait.ge [sflag:s25], $0x8000  }
0x501: {  	s6 =	sor.u32 s10, s5;
	[sflag:s25] =	ssyncset.done $0x0  }
0x502: {  	s6 =	sor.u32 $0x70, s6;
	[sflag:s25] =	ssyncadd.s32 $0xFFFF8000  }
0x503: {  	v0 =	vld [tilespmem:s6+$0x0]  }
0x504: {  	v1 =	vld [tilespmem:s6+$0x6000];
	_ =	sdelay $0x1  }
0x505: {  	s7 =	sand.u32 $0x380, s5  }
0x506: {  	s4 =	sor.u32 s7, s10  }
0x507: {  	v4 =	vld [tilespmem:s4+$0x0]  }
0x508: {  	v5 =	vld [tilespmem:s4+$0x6000];
	v1 =	vadd.f32 v1, v0  }
0x509: {  	v6 =	vld [tilespmem:s4+$0x8000]  }
0x50a: {  	v7 =	vld [tilespmem:s4+$0xA000];
	[tilespmem:s6+$0x6000] =	vst v1  }
0x50b: {  	v1 =	vld [tilespmem:s4+$0xC070]  }
0x50c: {  	v2 =	vld [tilespmem:s4+$0x8070]  }
0x50d: {  	v3 =	vld [tilespmem:s4+$0xA070]  }
0x50e: {  	v8 =	vld [tilespmem:s4+$0xC000]  }
0x50f: {  	v9 =	vld [tilespmem:s4+$0x10]  }
0x510: {  	v10 =	vld [tilespmem:s4+$0x6010];
	v1 =	vadd.f32 v1, v0  }
0x511: {  	v11 =	vld [tilespmem:s4+$0x8010];
	v2 =	vadd.f32 v2, v0  }
0x512: {  	v63 =	vld [tilespmem:s4+$0x30];
	v0 =	vadd.f32 v3, v0;
	[tilespmem:s4+$0xC070] =	vst v1  }
0x513: {  	v3 =	vld [tilespmem:s4+$0xC010];
	[tilespmem:s4+$0x8070] =	vst v2;
	v2 =	vadd.f32 v5, v4  }
0x514: {  	v1 =	vld [tilespmem:s4+$0xA010];
	[tilespmem:s4+$0xA070] =	vst v0;
	v0 =	vadd.f32 v6, v4  }
0x515: {  	v5 =	vld [tilespmem:s4+$0x20];
	[tilespmem:s4+$0x6000] =	vst v2;
	v2 =	vadd.f32 v7, v4  }
0x516: {  	v6 =	vld [tilespmem:s4+$0x6020];
	[tilespmem:s4+$0x8000] =	vst v0;
	v0 =	vadd.f32 v8, v4  }
0x517: {  	v4 =	vld [tilespmem:s4+$0x8020];
	[tilespmem:s4+$0xA000] =	vst v2;
	v2 =	vadd.f32 v10, v9  }
0x518: {  	v7 =	vld [tilespmem:s4+$0xA020];
	[tilespmem:s4+$0xC000] =	vst v0;
	v0 =	vadd.f32 v11, v9  }
0x519: {  	v8 =	vld [tilespmem:s4+$0xC020];
	v1 =	vadd.f32 v1, v9;
	[tilespmem:s4+$0x6010] =	vst v2  }
0x51a: {  	[tilespmem:s4+$0x8010] =	vst v0;
	v0 =	vadd.f32 v3, v9;
	v2 =	vld [tilespmem:s4+$0x6030]  }
0x51b: {  	v3 =	vld [tilespmem:s4+$0x8030];
	[tilespmem:s4+$0xA010] =	vst v1;
	v1 =	vadd.f32 v6, v5  }
0x51c: {  	v6 =	vld [tilespmem:s4+$0xA030];
	[tilespmem:s4+$0xC010] =	vst v0;
	v0 =	vadd.f32 v4, v5  }
0x51d: {  	[tilespmem:s4+$0x6020] =	vst v1;
	v1 =	vadd.f32 v7, v5;
	v7 =	vld [tilespmem:s4+$0xC030]  }
0x51e: {  	v4 =	vld [tilespmem:s4+$0x6040];
	v5 =	vadd.f32 v8, v5;
	[tilespmem:s4+$0x8020] =	vst v0  }
0x51f: {  	v0 =	vld [tilespmem:s4+$0x40];
	[tilespmem:s4+$0xA020] =	vst v1;
	v1 =	vadd.f32 v2, v63  }
0x520: {  	[tilespmem:s4+$0xC020] =	vst v5;
	v3 =	vadd.f32 v3, v63;
	v2 =	vld [tilespmem:s4+$0x8040]  }
0x521: {  	v6 =	vadd.f32 v6, v63;
	[tilespmem:s4+$0x6030] =	vst v1;
	v1 =	vld [tilespmem:s4+$0xA040]  }
0x522: {  	s7 =	simm.s32 $0x400;
	s6 =	simm.s32 $0x0;
	[tilespmem:s4+$0x8030] =	vst v3;
	v3 =	vld [tilespmem:s4+$0xC040];
	v5 =	vadd.f32 v7, v63  }
.LBB2_26:
0x523: {  	s8 =	sand.u32 $0x1C00, s7;
	[tilespmem:s4+$0xA030] =	vst v6;
	v6 =	vld [tilespmem:s4+$0x50];
	s5 =	sadd.s32 $0x10, s5  }
0x524: {  	s6 =	sadd.s32 $0x8, s6;
	s9 =	sor.u32 s8, s5;
	[tilespmem:s4+$0xC030] =	vst v5;
	v4 =	vadd.f32 v4, v0;
	v5 =	vld [tilespmem:s4+$0x6050]  }
0x525: {  	p0 =	slt.u32 s6, $0x1F8;
	s9 =	sor.u32 $0x70, s9;
	v2 =	vadd.f32 v2, v0;
	v7 =	vld [tilespmem:s4+$0x8050]  }
0x526: {  	v8 =	vld [tilespmem:s9+$0x0];
	[tilespmem:s4+$0x6040] =	vst v4;
	v1 =	vadd.f32 v1, v0  }
0x527: {  	v4 =	vld [tilespmem:s9+$0x6000];
	[tilespmem:s4+$0x8040] =	vst v2;
	v0 =	vadd.f32 v3, v0  }
0x528: {  	[tilespmem:s4+$0xA040] =	vst v1;
	v1 =	vld [tilespmem:s4+$0xA050]  }
0x529: {  	[tilespmem:s4+$0xC040] =	vst v0;
	v0 =	vadd.f32 v5, v6;
	v2 =	vld [tilespmem:s4+$0xC050]  }
0x52a: {  	v3 =	vadd.f32 v7, v6;
	v5 =	vld [tilespmem:s4+$0x60]  }
0x52b: {  	[tilespmem:s4+$0x6050] =	vst v0;
	v0 =	vld [tilespmem:s4+$0x6060]  }
0x52c: {  	v4 =	vadd.f32 v4, v8;
	[tilespmem:s4+$0x8050] =	vst v3;
	v3 =	vld [tilespmem:s4+$0x8060]  }
0x52d: {  	s10 =	sand.u32 $0x380, s5;
	v1 =	vadd.f32 v1, v6;
	v7 =	vld [tilespmem:s4+$0xA060]  }
0x52e: {  	s8 =	sor.u32 s10, s8;
	[tilespmem:s9+$0x6000] =	vst v4;
	v2 =	vadd.f32 v2, v6;
	v4 =	vld [tilespmem:s4+$0xC060]  }
0x52f: {  	v6 =	vld [tilespmem:s8+$0xC070];
	[tilespmem:s4+$0xA050] =	vst v1  }
0x530: {  	v1 =	vld [tilespmem:s8+$0x8070];
	[tilespmem:s4+$0xC050] =	vst v2;
	v0 =	vadd.f32 v0, v5  }
0x531: {  	v2 =	vld [tilespmem:s8+$0xA070];
	v3 =	vadd.f32 v3, v5  }
0x532: {  	v9 =	vld [tilespmem:s8+$0x0];
	[tilespmem:s4+$0x6060] =	vst v0;
	v0 =	vadd.f32 v7, v5  }
0x533: {  	v7 =	vld [tilespmem:s8+$0x6000];
	[tilespmem:s4+$0x8060] =	vst v3;
	v3 =	vadd.f32 v4, v5  }
0x534: {  	v4 =	vld [tilespmem:s8+$0x8000];
	v5 =	vadd.f32 v6, v8;
	[tilespmem:s4+$0xA060] =	vst v0  }
0x535: {  	v0 =	vld [tilespmem:s8+$0xA000];
	v1 =	vadd.f32 v1, v8;
	[tilespmem:s4+$0xC060] =	vst v3;
	s4 =	smov.u32 s8  }
0x536: {  	v3 =	vld [tilespmem:s4+$0xC000];
	v2 =	vadd.f32 v2, v8;
	[tilespmem:s4+$0xC070] =	vst v5  }
0x537: {  	v5 =	vld [tilespmem:s4+$0x10];
	[tilespmem:s4+$0x8070] =	vst v1  }
0x538: {  	v1 =	vadd.f32 v7, v9;
	v6 =	vld [tilespmem:s4+$0x6010];
	[tilespmem:s4+$0xA070] =	vst v2  }
0x539: {  	v2 =	vadd.f32 v4, v9;
	v4 =	vld [tilespmem:s4+$0x8010]  }
0x53a: {  	[tilespmem:s4+$0x6000] =	vst v1;
	v0 =	vadd.f32 v0, v9;
	v1 =	vld [tilespmem:s4+$0xA010]  }
0x53b: {  	[tilespmem:s4+$0x8000] =	vst v2;
	v2 =	vadd.f32 v3, v9;
	v3 =	vld [tilespmem:s4+$0xC010]  }
0x53c: {  	[tilespmem:s4+$0xA000] =	vst v0;
	v0 =	vld [tilespmem:s4+$0x20]  }
0x53d: {  	[tilespmem:s4+$0xC000] =	vst v2;
	v2 =	vadd.f32 v6, v5;
	v6 =	vld [tilespmem:s4+$0x6020]  }
0x53e: {  	v4 =	vadd.f32 v4, v5;
	v7 =	vld [tilespmem:s4+$0x8020]  }
0x53f: {  	[tilespmem:s4+$0x6010] =	vst v2;
	v1 =	vadd.f32 v1, v5;
	v2 =	vld [tilespmem:s4+$0xA020]  }
0x540: {  	[tilespmem:s4+$0x8010] =	vst v4;
	v3 =	vadd.f32 v3, v5;
	v4 =	vld [tilespmem:s4+$0xC020]  }
0x541: {  	[tilespmem:s4+$0xA010] =	vst v1;
	v5 =	vld [tilespmem:s4+$0x30]  }
0x542: {  	[tilespmem:s4+$0xC010] =	vst v3;
	v1 =	vadd.f32 v6, v0;
	v3 =	vld [tilespmem:s4+$0x6030]  }
0x543: {  	v6 =	vadd.f32 v7, v0;
	v7 =	vld [tilespmem:s4+$0x8030]  }
0x544: {  	[tilespmem:s4+$0x6020] =	vst v1;
	v1 =	vadd.f32 v2, v0;
	v8 =	vld [tilespmem:s4+$0xA030]  }
0x545: {  	[tilespmem:s4+$0x8020] =	vst v6;
	v2 =	vadd.f32 v4, v0;
	v9 =	vld [tilespmem:s4+$0xC030]  }
.Ltmp12:
0x546: {  	[tilespmem:s4+$0xA020] =	vst v1;
	v0 =	vld [tilespmem:s4+$0x40];
	(pc) =	sbr.rel @p0 .LBB2_26-.Ltmp12, $4  }
0x547: {  	[tilespmem:s4+$0xC020] =	vst v2;
	v1 =	vadd.f32 v3, v5;
	v4 =	vld [tilespmem:s4+$0x6040]  }
0x548: {  	v3 =	vadd.f32 v7, v5;
	v2 =	vld [tilespmem:s4+$0x8040]  }
0x549: {  	[tilespmem:s4+$0x6030] =	vst v1;
	v6 =	vadd.f32 v8, v5;
	v1 =	vld [tilespmem:s4+$0xA040]  }
0x54a: {  	s7 =	sadd.s32 $0x400, s7;
	[tilespmem:s4+$0x8030] =	vst v3;
	v5 =	vadd.f32 v9, v5;
	v3 =	vld [tilespmem:s4+$0xC040]  }
0x54b: {  	v7 =	vld [tilespmem:s4+$0x50]  }
0x54c: {  	v8 =	vld [tilespmem:s4+$0x6050]  }
0x54d: {  	v9 =	vld [tilespmem:s4+$0x8050]  }
0x54e: {  	[tilespmem:s4+$0xA030] =	vst v6;
	v6 =	vld [tilespmem:s4+$0xA050];
	v4 =	vadd.f32 v4, v0  }
0x54f: {  	[tilespmem:s4+$0xC030] =	vst v5;
	v5 =	vld [tilespmem:s4+$0xC050];
	v2 =	vadd.f32 v2, v0  }
0x550: {  	[tilespmem:s4+$0x6040] =	vst v4;
	v1 =	vadd.f32 v1, v0;
	v4 =	vld [tilespmem:s4+$0x60]  }
0x551: {  	[tilespmem:s4+$0x8040] =	vst v2;
	v0 =	vadd.f32 v3, v0;
	v2 =	vld [tilespmem:s4+$0x6060]  }
0x552: {  	v3 =	vld [tilespmem:s4+$0x8060];
	[tilespmem:s4+$0xA040] =	vst v1;
	v1 =	vadd.f32 v8, v7  }
0x553: {  	v8 =	vld [tilespmem:s4+$0xA060];
	[tilespmem:s4+$0xC040] =	vst v0;
	v0 =	vadd.f32 v9, v7  }
0x554: {  	[tilespmem:s4+$0x6050] =	vst v1;
	v1 =	vadd.f32 v6, v7;
	v6 =	vld [tilespmem:s4+$0xC060]  }
0x555: {  	[tilespmem:s4+$0x8050] =	vst v0;
	v0 =	vadd.f32 v5, v7  }
0x556: {  	[tilespmem:s4+$0xA050] =	vst v1;
	v1 =	vadd.f32 v2, v4  }
0x557: {  	[tilespmem:s4+$0xC050] =	vst v0;
	v0 =	vadd.f32 v3, v4  }
0x558: {  	[tilespmem:s4+$0x6060] =	vst v1;
	v1 =	vadd.f32 v8, v4  }
0x559: {  	[tilespmem:s4+$0x8060] =	vst v0;
	v0 =	vadd.f32 v6, v4  }
0x55a: {  	[tilespmem:s4+$0xA060] =	vst v1  }
0x55b: {  	[tilespmem:s4+$0xC060] =	vst v0  }
0x55c: {  	s4 =	sld [smem:$0x7FA];
	_ =	sdelay $0x2  }
0x55d: {  	[hbm4b:s4+s21] =	stream.strided.scatter [tilespmem:s23], [sflag:$0x4], $0x8000, s22, s21, $0x38;
	[tilespmem:$0x1E000] =	vst v63  }
0x55e: {  	_ =	swait.ge [sflag:s2], $0x8000  }
0x55f: {  	[sflag:s2] =	ssyncset.done $0x0  }
0x560: {  	s10 =	simm.s32 $0x0;
	[sflag:s2] =	ssyncadd.s32 $0xFFFF8000  }
0x561: {  	[tilespmem:s26], [sflag:$0x3] =	stream.linear.gather [hbm4b:s14+s10], $0x2000, $0x38;
	[tilespmem:$0x1E000] =	vst v63  }
0x562: {  	_ = 	snop  }
0x563: {  	[tilespmem:s28], [sflag:$0x3] =	stream.strided.gather [hbm4b:s16+s21], $0x8000, s22, s21, $0x38;
	[tilespmem:$0x1E000] =	vst v63  }
0x564: {  	_ =	swait.ge [sflag:s29], $0x2000  }
0x565: {  	[sflag:s29] =	ssyncset.done $0x0  }
0x566: {  	[sflag:s29] =	ssyncadd.s32 $0xFFFFE000  }
0x567: {  	_ =	swait.ge [sflag:s29], $0x8000  }
0x568: {  	s5 =	sand.u32 $0x1C00, s10;
	s4 =	sand.u32 $0x380, s10;
	[sflag:s29] =	ssyncset.done $0x0  }
0x569: {  	s4 =	sor.u32 s4, s5;
	[sflag:s29] =	ssyncadd.s32 $0xFFFF8000  }
0x56a: {  	v0 =	vld [tilespmem:s4+$0x2070]  }
0x56b: {  	v1 =	vld [tilespmem:s4+$0x14070]  }
0x56c: {  	v2 =	vld [tilespmem:s4+$0x2000]  }
0x56d: {  	v3 =	vld [tilespmem:s4+$0xE000]  }
0x56e: {  	v4 =	vld [tilespmem:s4+$0x10000]  }
0x56f: {  	v5 =	vld [tilespmem:s4+$0x12000]  }
0x570: {  	v6 =	vld [tilespmem:s4+$0x14000]  }
0x571: {  	v7 =	vld [tilespmem:s4+$0x2010]  }
0x572: {  	v8 =	vld [tilespmem:s4+$0xE010]  }
0x573: {  	v59 =	vld [tilespmem:s4+$0x10010]  }
0x574: {  	v10 =	vld [tilespmem:s4+$0x12010]  }
0x575: {  	v11 =	vld [tilespmem:s4+$0x14010]  }
0x576: {  	v12 =	vld [tilespmem:s4+$0x2020];
	v1 =	vadd.f32 v1, v0  }
0x577: {  	v13 =	vld [tilespmem:s4+$0xE020];
	v3 =	vadd.f32 v3, v2  }
0x578: {  	v60 =	vld [tilespmem:s4+$0x10030];
	[tilespmem:s4+$0x14070] =	vst v1;
	v1 =	vadd.f32 v4, v2  }
0x579: {  	v61 =	vld [tilespmem:s4+$0x14030];
	[tilespmem:s4+$0xE000] =	vst v3;
	v3 =	vadd.f32 v5, v2  }
0x57a: {  	v4 =	vld [tilespmem:s4+$0x10020];
	[tilespmem:s4+$0x10000] =	vst v1;
	v1 =	vadd.f32 v6, v2  }
0x57b: {  	v5 =	vld [tilespmem:s4+$0x12020];
	[tilespmem:s4+$0x12000] =	vst v3;
	v3 =	vadd.f32 v8, v7  }
0x57c: {  	v2 =	vld [tilespmem:s4+$0x14020];
	[tilespmem:s4+$0x14000] =	vst v1;
	v1 =	vadd.f32 v59, v7  }
0x57d: {  	v6 =	vld [tilespmem:s4+$0x2030];
	[tilespmem:s4+$0xE010] =	vst v3;
	v3 =	vadd.f32 v10, v7  }
0x57e: {  	v8 =	vld [tilespmem:s4+$0xE030];
	[tilespmem:s4+$0x10010] =	vst v1;
	v1 =	vadd.f32 v11, v7  }
0x57f: {  	v62 =	vld [tilespmem:s4+$0x14040];
	[tilespmem:s4+$0x12010] =	vst v3;
	v3 =	vadd.f32 v13, v12  }
0x580: {  	v7 =	vld [tilespmem:s4+$0x12030];
	[tilespmem:s4+$0x14010] =	vst v1;
	v1 =	vadd.f32 v4, v12  }
0x581: {  	v4 =	vld [tilespmem:s4+$0x2040];
	[tilespmem:s4+$0xE020] =	vst v3;
	v3 =	vadd.f32 v5, v12  }
0x582: {  	v5 =	vld [tilespmem:s4+$0xE040];
	[tilespmem:s4+$0x10020] =	vst v1;
	v1 =	vadd.f32 v2, v12  }
0x583: {  	v2 =	vld [tilespmem:s4+$0x10040];
	[tilespmem:s4+$0x12020] =	vst v3;
	v3 =	vadd.f32 v8, v6  }
0x584: {  	v8 =	vld [tilespmem:s4+$0x12040];
	[tilespmem:s4+$0x14020] =	vst v1;
	v1 =	vadd.f32 v60, v6  }
0x585: {  	[tilespmem:s4+$0xE030] =	vst v3;
	v3 =	vadd.f32 v7, v6;
	v7 =	vld [tilespmem:s4+$0x2050]  }
0x586: {  	[tilespmem:s4+$0x10030] =	vst v1;
	v1 =	vadd.f32 v61, v6;
	v6 =	vld [tilespmem:s4+$0xE050]  }
0x587: {  	[tilespmem:s4+$0x12030] =	vst v3;
	v3 =	vadd.f32 v5, v4;
	v5 =	vld [tilespmem:s4+$0x10050]  }
0x588: {  	[tilespmem:s4+$0x14030] =	vst v1;
	v1 =	vadd.f32 v2, v4;
	v2 =	vld [tilespmem:s4+$0x12050]  }
0x589: {  	[tilespmem:s4+$0xE040] =	vst v3;
	v3 =	vadd.f32 v8, v4;
	v8 =	vld [tilespmem:s4+$0x14050]  }
0x58a: {  	v4 =	vadd.f32 v62, v4;
	[tilespmem:s4+$0x10040] =	vst v1;
	v1 =	vld [tilespmem:s4+$0x2060]  }
0x58b: {  	[tilespmem:s4+$0x12040] =	vst v3;
	v3 =	vadd.f32 v6, v7;
	v6 =	vld [tilespmem:s4+$0xE060]  }
0x58c: {  	[tilespmem:s4+$0x14040] =	vst v4;
	v4 =	vadd.f32 v5, v7;
	v5 =	vld [tilespmem:s4+$0x10060]  }
0x58d: {  	[tilespmem:s4+$0xE050] =	vst v3;
	v63 =	vadd.f32 v2, v7;
	v2 =	vld [tilespmem:s4+$0x12060]  }
0x58e: {  	[tilespmem:s4+$0x10050] =	vst v4;
	v3 =	vld [tilespmem:s4+$0x14060];
	v7 =	vadd.f32 v8, v7  }
0x58f: {  	s6 =	simm.s32 $0x10;
	s7 =	simm.s32 $0x400;
	s5 =	simm.s32 $0x0;
	v4 =	vld [tilespmem:s4+$0xE070];
	[tilespmem:s4+$0x12050] =	vst v63  }
.LBB2_28:
0x590: {  	s8 =	sand.u32 $0x1C00, s7;
	s9 =	sand.u32 $0x380, s6;
	[tilespmem:s4+$0x14050] =	vst v7;
	v6 =	vadd.f32 v6, v1;
	v7 =	vld [tilespmem:s4+$0x10070]  }
0x591: {  	s5 =	sadd.s32 $0x8, s5;
	s8 =	sor.u32 s9, s8;
	v5 =	vadd.f32 v5, v1;
	v8 =	vld [tilespmem:s4+$0x12070]  }
0x592: {  	p0 =	slt.u32 s5, $0x1F8;
	v9 =	vld [tilespmem:s8+$0x2070];
	[tilespmem:s4+$0xE060] =	vst v6;
	v2 =	vadd.f32 v2, v1  }
0x593: {  	v6 =	vld [tilespmem:s8+$0x14070];
	[tilespmem:s4+$0x10060] =	vst v5;
	v1 =	vadd.f32 v3, v1  }
0x594: {  	v3 =	vld [tilespmem:s8+$0x2000];
	[tilespmem:s4+$0x12060] =	vst v2;
	v2 =	vadd.f32 v4, v0  }
0x595: {  	v4 =	vld [tilespmem:s8+$0xE000];
	[tilespmem:s4+$0x14060] =	vst v1;
	v1 =	vadd.f32 v7, v0  }
0x596: {  	v5 =	vld [tilespmem:s8+$0x10000];
	[tilespmem:s4+$0xE070] =	vst v2;
	v2 =	vadd.f32 v8, v0  }
0x597: {  	v7 =	vld [tilespmem:s8+$0x12000];
	[tilespmem:s4+$0x10070] =	vst v1;
	v0 =	vmov v9  }
0x598: {  	v1 =	vld [tilespmem:s8+$0x14000];
	v6 =	vadd.f32 v6, v0;
	[tilespmem:s4+$0x12070] =	vst v2;
	s4 =	smov.u32 s8  }
0x599: {  	v2 =	vld [tilespmem:s4+$0x2010]  }
0x59a: {  	v4 =	vadd.f32 v4, v3;
	v8 =	vld [tilespmem:s4+$0xE010];
	[tilespmem:s4+$0x14070] =	vst v6  }
0x59b: {  	v5 =	vadd.f32 v5, v3;
	v6 =	vld [tilespmem:s4+$0x10010]  }
0x59c: {  	[tilespmem:s4+$0xE000] =	vst v4;
	v4 =	vadd.f32 v7, v3;
	v7 =	vld [tilespmem:s4+$0x12010]  }
0x59d: {  	[tilespmem:s4+$0x10000] =	vst v5;
	v1 =	vadd.f32 v1, v3;
	v3 =	vld [tilespmem:s4+$0x14010]  }
0x59e: {  	[tilespmem:s4+$0x12000] =	vst v4;
	v4 =	vld [tilespmem:s4+$0x2020]  }
0x59f: {  	[tilespmem:s4+$0x14000] =	vst v1;
	v1 =	vadd.f32 v8, v2;
	v5 =	vld [tilespmem:s4+$0xE020]  }
0x5a0: {  	v6 =	vadd.f32 v6, v2;
	v8 =	vld [tilespmem:s4+$0x10020]  }
0x5a1: {  	[tilespmem:s4+$0xE010] =	vst v1;
	v1 =	vadd.f32 v7, v2;
	v7 =	vld [tilespmem:s4+$0x12020]  }
0x5a2: {  	[tilespmem:s4+$0x10010] =	vst v6;
	v2 =	vadd.f32 v3, v2;
	v3 =	vld [tilespmem:s4+$0x14020]  }
0x5a3: {  	[tilespmem:s4+$0x12010] =	vst v1;
	v1 =	vld [tilespmem:s4+$0x2030]  }
0x5a4: {  	[tilespmem:s4+$0x14010] =	vst v2;
	v2 =	vadd.f32 v5, v4;
	v5 =	vld [tilespmem:s4+$0xE030]  }
0x5a5: {  	v6 =	vadd.f32 v8, v4;
	v8 =	vld [tilespmem:s4+$0x10030]  }
0x5a6: {  	[tilespmem:s4+$0xE020] =	vst v2;
	v2 =	vadd.f32 v7, v4;
	v7 =	vld [tilespmem:s4+$0x12030]  }
0x5a7: {  	[tilespmem:s4+$0x10020] =	vst v6;
	v3 =	vadd.f32 v3, v4;
	v4 =	vld [tilespmem:s4+$0x14030]  }
0x5a8: {  	[tilespmem:s4+$0x12020] =	vst v2;
	v2 =	vld [tilespmem:s4+$0x2040]  }
0x5a9: {  	[tilespmem:s4+$0x14020] =	vst v3;
	v3 =	vadd.f32 v5, v1;
	v5 =	vld [tilespmem:s4+$0xE040]  }
0x5aa: {  	v6 =	vadd.f32 v8, v1;
	v8 =	vld [tilespmem:s4+$0x10040]  }
0x5ab: {  	[tilespmem:s4+$0xE030] =	vst v3;
	v3 =	vadd.f32 v7, v1;
	v7 =	vld [tilespmem:s4+$0x12040]  }
0x5ac: {  	[tilespmem:s4+$0x10030] =	vst v6;
	v1 =	vadd.f32 v4, v1;
	v4 =	vld [tilespmem:s4+$0x14040]  }
0x5ad: {  	[tilespmem:s4+$0x12030] =	vst v3;
	v3 =	vld [tilespmem:s4+$0x2050]  }
0x5ae: {  	[tilespmem:s4+$0x14030] =	vst v1;
	v1 =	vadd.f32 v5, v2;
	v5 =	vld [tilespmem:s4+$0xE050]  }
0x5af: {  	v6 =	vadd.f32 v8, v2;
	v8 =	vld [tilespmem:s4+$0x10050]  }
0x5b0: {  	[tilespmem:s4+$0xE040] =	vst v1;
	v1 =	vadd.f32 v7, v2;
	v7 =	vld [tilespmem:s4+$0x12050]  }
0x5b1: {  	[tilespmem:s4+$0x10040] =	vst v6;
	v2 =	vadd.f32 v4, v2;
	v4 =	vld [tilespmem:s4+$0x14050]  }
0x5b2: {  	[tilespmem:s4+$0x12040] =	vst v1;
	v1 =	vld [tilespmem:s4+$0x2060]  }
.Ltmp13:
0x5b3: {  	[tilespmem:s4+$0x14040] =	vst v2;
	v2 =	vadd.f32 v5, v3;
	v6 =	vld [tilespmem:s4+$0xE060];
	(pc) =	sbr.rel @p0 .LBB2_28-.Ltmp13, $4  }
0x5b4: {  	v8 =	vadd.f32 v8, v3;
	v5 =	vld [tilespmem:s4+$0x10060]  }
0x5b5: {  	[tilespmem:s4+$0xE050] =	vst v2;
	v9 =	vadd.f32 v7, v3;
	v2 =	vld [tilespmem:s4+$0x12060]  }
0x5b6: {  	[tilespmem:s4+$0x10050] =	vst v8;
	v7 =	vadd.f32 v4, v3;
	v3 =	vld [tilespmem:s4+$0x14060]  }
0x5b7: {  	s6 =	sadd.s32 $0x10, s6;
	s7 =	sadd.s32 $0x400, s7;
	[tilespmem:s4+$0x12050] =	vst v9;
	v4 =	vld [tilespmem:s4+$0xE070]  }
0x5b8: {  	v6 =	vadd.f32 v6, v1;
	v8 =	vld [tilespmem:s4+$0x10070]  }
0x5b9: {  	[tilespmem:s4+$0x14050] =	vst v7;
	v7 =	vld [tilespmem:s4+$0x12070];
	v5 =	vadd.f32 v5, v1  }
0x5ba: {  	[tilespmem:s4+$0xE060] =	vst v6;
	v2 =	vadd.f32 v2, v1  }
0x5bb: {  	[tilespmem:s4+$0x10060] =	vst v5;
	v1 =	vadd.f32 v3, v1  }
0x5bc: {  	[tilespmem:s4+$0x12060] =	vst v2;
	v2 =	vadd.f32 v4, v0  }
0x5bd: {  	[tilespmem:s4+$0x14060] =	vst v1;
	v1 =	vadd.f32 v8, v0  }
0x5be: {  	v0 =	vadd.f32 v7, v0;
	[tilespmem:s4+$0xE070] =	vst v2  }
0x5bf: {  	[tilespmem:s4+$0x10070] =	vst v1  }
0x5c0: {  	[tilespmem:s4+$0x12070] =	vst v0  }
0x5c1: {  	s4 =	sld [smem:$0x7FD];
	_ =	sdelay $0x2  }
0x5c2: {  	[hbm4b:s4+s21] =	stream.strided.scatter [tilespmem:s24], [sflag:$0x5], $0x8000, s22, s21, $0x38;
	[tilespmem:$0x1E000] =	vst v63  }
0x5c3: {  	_ =	swait.ge [sflag:s30], $0x8000  }
0x5c4: {  	[sflag:s30] =	ssyncset.done $0x0  }
0x5c5: {  	s10 =	simm.s32 $0x0;
	[sflag:s30] =	ssyncadd.s32 $0xFFFF8000  }
0x5c6: {  	[tilespmem:s10], [sflag:$0x1] =	stream.linear.gather [hbm4b:s15+s10], $0x2000, $0x38;
	[tilespmem:$0x1E000] =	vst v63  }
0x5c7: {  	_ = 	snop  }
0x5c8: {  	[tilespmem:s23], [sflag:$0x1] =	stream.strided.gather [hbm4b:s17+s21], $0x8000, s22, s21, $0x38;
	[tilespmem:$0x1E000] =	vst v63  }
0x5c9: {  	_ =	swait.ge [sflag:s31], $0x2000  }
0x5ca: {  	[sflag:s31] =	ssyncset.done $0x0  }
0x5cb: {  	[sflag:s31] =	ssyncadd.s32 $0xFFFFE000  }
0x5cc: {  	_ =	swait.ge [sflag:s31], $0x8000  }
0x5cd: {  	s5 =	sand.u32 $0x1C00, s10;
	s4 =	sand.u32 $0x380, s10;
	[sflag:s31] =	ssyncset.done $0x0  }
0x5ce: {  	s4 =	sor.u32 s4, s5;
	[sflag:s31] =	ssyncadd.s32 $0xFFFF8000  }
0x5cf: {  	v0 =	vld [tilespmem:s4+$0x4070]  }
0x5d0: {  	v1 =	vld [tilespmem:s4+$0x1C070]  }
0x5d1: {  	v2 =	vld [tilespmem:s4+$0x4000]  }
0x5d2: {  	v3 =	vld [tilespmem:s4+$0x16000]  }
0x5d3: {  	v4 =	vld [tilespmem:s4+$0x18000]  }
0x5d4: {  	v5 =	vld [tilespmem:s4+$0x1A000]  }
0x5d5: {  	v6 =	vld [tilespmem:s4+$0x1C000]  }
0x5d6: {  	v7 =	vld [tilespmem:s4+$0x4010]  }
0x5d7: {  	v8 =	vld [tilespmem:s4+$0x16010]  }
0x5d8: {  	v9 =	vld [tilespmem:s4+$0x18010]  }
0x5d9: {  	v10 =	vld [tilespmem:s4+$0x1A010]  }
0x5da: {  	v11 =	vld [tilespmem:s4+$0x1C010]  }
0x5db: {  	v12 =	vld [tilespmem:s4+$0x4020];
	v1 =	vadd.f32 v1, v0  }
0x5dc: {  	v13 =	vld [tilespmem:s4+$0x16020];
	v3 =	vadd.f32 v3, v2  }
0x5dd: {  	v60 =	vld [tilespmem:s4+$0x18030];
	[tilespmem:s4+$0x1C070] =	vst v1;
	v1 =	vadd.f32 v4, v2  }
0x5de: {  	v61 =	vld [tilespmem:s4+$0x1C030];
	[tilespmem:s4+$0x16000] =	vst v3;
	v3 =	vadd.f32 v5, v2  }
0x5df: {  	v4 =	vld [tilespmem:s4+$0x18020];
	[tilespmem:s4+$0x18000] =	vst v1;
	v1 =	vadd.f32 v6, v2  }
0x5e0: {  	v5 =	vld [tilespmem:s4+$0x1A020];
	[tilespmem:s4+$0x1A000] =	vst v3;
	v3 =	vadd.f32 v8, v7  }
0x5e1: {  	v2 =	vld [tilespmem:s4+$0x1C020];
	[tilespmem:s4+$0x1C000] =	vst v1;
	v1 =	vadd.f32 v9, v7  }
0x5e2: {  	v6 =	vld [tilespmem:s4+$0x4030];
	[tilespmem:s4+$0x16010] =	vst v3;
	v3 =	vadd.f32 v10, v7  }
0x5e3: {  	v8 =	vld [tilespmem:s4+$0x16030];
	[tilespmem:s4+$0x18010] =	vst v1;
	v1 =	vadd.f32 v11, v7  }
0x5e4: {  	v62 =	vld [tilespmem:s4+$0x1C040];
	[tilespmem:s4+$0x1A010] =	vst v3;
	v3 =	vadd.f32 v13, v12  }
0x5e5: {  	v7 =	vld [tilespmem:s4+$0x1A030];
	[tilespmem:s4+$0x1C010] =	vst v1;
	v1 =	vadd.f32 v4, v12  }
0x5e6: {  	v4 =	vld [tilespmem:s4+$0x4040];
	[tilespmem:s4+$0x16020] =	vst v3;
	v3 =	vadd.f32 v5, v12  }
0x5e7: {  	v5 =	vld [tilespmem:s4+$0x16040];
	[tilespmem:s4+$0x18020] =	vst v1;
	v1 =	vadd.f32 v2, v12  }
0x5e8: {  	v2 =	vld [tilespmem:s4+$0x18040];
	[tilespmem:s4+$0x1A020] =	vst v3;
	v3 =	vadd.f32 v8, v6  }
0x5e9: {  	v8 =	vld [tilespmem:s4+$0x1A040];
	[tilespmem:s4+$0x1C020] =	vst v1;
	v1 =	vadd.f32 v60, v6  }
0x5ea: {  	[tilespmem:s4+$0x16030] =	vst v3;
	v3 =	vadd.f32 v7, v6;
	v7 =	vld [tilespmem:s4+$0x4050]  }
0x5eb: {  	[tilespmem:s4+$0x18030] =	vst v1;
	v1 =	vadd.f32 v61, v6;
	v6 =	vld [tilespmem:s4+$0x16050]  }
0x5ec: {  	[tilespmem:s4+$0x1A030] =	vst v3;
	v3 =	vadd.f32 v5, v4;
	v5 =	vld [tilespmem:s4+$0x18050]  }
0x5ed: {  	[tilespmem:s4+$0x1C030] =	vst v1;
	v1 =	vadd.f32 v2, v4;
	v2 =	vld [tilespmem:s4+$0x1A050]  }
0x5ee: {  	[tilespmem:s4+$0x16040] =	vst v3;
	v3 =	vadd.f32 v8, v4;
	v8 =	vld [tilespmem:s4+$0x1C050]  }
0x5ef: {  	v4 =	vadd.f32 v62, v4;
	[tilespmem:s4+$0x18040] =	vst v1;
	v1 =	vld [tilespmem:s4+$0x4060]  }
0x5f0: {  	[tilespmem:s4+$0x1A040] =	vst v3;
	v3 =	vadd.f32 v6, v7;
	v6 =	vld [tilespmem:s4+$0x16060]  }
0x5f1: {  	[tilespmem:s4+$0x1C040] =	vst v4;
	v4 =	vadd.f32 v5, v7;
	v5 =	vld [tilespmem:s4+$0x18060]  }
0x5f2: {  	[tilespmem:s4+$0x16050] =	vst v3;
	v63 =	vadd.f32 v2, v7;
	v2 =	vld [tilespmem:s4+$0x1A060]  }
0x5f3: {  	[tilespmem:s4+$0x18050] =	vst v4;
	v3 =	vld [tilespmem:s4+$0x1C060];
	v7 =	vadd.f32 v8, v7  }
0x5f4: {  	s6 =	simm.s32 $0x10;
	s7 =	simm.s32 $0x400;
	s5 =	simm.s32 $0x0;
	v4 =	vld [tilespmem:s4+$0x16070];
	[tilespmem:s4+$0x1A050] =	vst v63  }
.LBB2_30:
0x5f5: {  	s8 =	sand.u32 $0x1C00, s7;
	s9 =	sand.u32 $0x380, s6;
	[tilespmem:s4+$0x1C050] =	vst v7;
	v6 =	vadd.f32 v6, v1;
	v7 =	vld [tilespmem:s4+$0x18070]  }
0x5f6: {  	s5 =	sadd.s32 $0x8, s5;
	s8 =	sor.u32 s9, s8;
	v5 =	vadd.f32 v5, v1;
	v8 =	vld [tilespmem:s4+$0x1A070]  }
0x5f7: {  	p0 =	slt.u32 s5, $0x1F8;
	v9 =	vld [tilespmem:s8+$0x4070];
	[tilespmem:s4+$0x16060] =	vst v6;
	v2 =	vadd.f32 v2, v1  }
0x5f8: {  	v6 =	vld [tilespmem:s8+$0x1C070];
	[tilespmem:s4+$0x18060] =	vst v5;
	v1 =	vadd.f32 v3, v1  }
0x5f9: {  	v3 =	vld [tilespmem:s8+$0x4000];
	[tilespmem:s4+$0x1A060] =	vst v2;
	v2 =	vadd.f32 v4, v0  }
0x5fa: {  	v4 =	vld [tilespmem:s8+$0x16000];
	[tilespmem:s4+$0x1C060] =	vst v1;
	v1 =	vadd.f32 v7, v0  }
0x5fb: {  	v5 =	vld [tilespmem:s8+$0x18000];
	[tilespmem:s4+$0x16070] =	vst v2;
	v2 =	vadd.f32 v8, v0  }
0x5fc: {  	v7 =	vld [tilespmem:s8+$0x1A000];
	[tilespmem:s4+$0x18070] =	vst v1;
	v0 =	vmov v9  }
0x5fd: {  	v1 =	vld [tilespmem:s8+$0x1C000];
	v6 =	vadd.f32 v6, v0;
	[tilespmem:s4+$0x1A070] =	vst v2;
	s4 =	smov.u32 s8  }
0x5fe: {  	v2 =	vld [tilespmem:s4+$0x4010]  }
0x5ff: {  	v4 =	vadd.f32 v4, v3;
	v8 =	vld [tilespmem:s4+$0x16010];
	[tilespmem:s4+$0x1C070] =	vst v6  }
0x600: {  	v5 =	vadd.f32 v5, v3;
	v6 =	vld [tilespmem:s4+$0x18010]  }
0x601: {  	[tilespmem:s4+$0x16000] =	vst v4;
	v4 =	vadd.f32 v7, v3;
	v7 =	vld [tilespmem:s4+$0x1A010]  }
0x602: {  	[tilespmem:s4+$0x18000] =	vst v5;
	v1 =	vadd.f32 v1, v3;
	v3 =	vld [tilespmem:s4+$0x1C010]  }
0x603: {  	[tilespmem:s4+$0x1A000] =	vst v4;
	v4 =	vld [tilespmem:s4+$0x4020]  }
0x604: {  	[tilespmem:s4+$0x1C000] =	vst v1;
	v1 =	vadd.f32 v8, v2;
	v5 =	vld [tilespmem:s4+$0x16020]  }
0x605: {  	v6 =	vadd.f32 v6, v2;
	v8 =	vld [tilespmem:s4+$0x18020]  }
0x606: {  	[tilespmem:s4+$0x16010] =	vst v1;
	v1 =	vadd.f32 v7, v2;
	v7 =	vld [tilespmem:s4+$0x1A020]  }
0x607: {  	[tilespmem:s4+$0x18010] =	vst v6;
	v2 =	vadd.f32 v3, v2;
	v3 =	vld [tilespmem:s4+$0x1C020]  }
0x608: {  	[tilespmem:s4+$0x1A010] =	vst v1;
	v1 =	vld [tilespmem:s4+$0x4030]  }
0x609: {  	[tilespmem:s4+$0x1C010] =	vst v2;
	v2 =	vadd.f32 v5, v4;
	v5 =	vld [tilespmem:s4+$0x16030]  }
0x60a: {  	v6 =	vadd.f32 v8, v4;
	v8 =	vld [tilespmem:s4+$0x18030]  }
0x60b: {  	[tilespmem:s4+$0x16020] =	vst v2;
	v2 =	vadd.f32 v7, v4;
	v7 =	vld [tilespmem:s4+$0x1A030]  }
0x60c: {  	[tilespmem:s4+$0x18020] =	vst v6;
	v3 =	vadd.f32 v3, v4;
	v4 =	vld [tilespmem:s4+$0x1C030]  }
0x60d: {  	[tilespmem:s4+$0x1A020] =	vst v2;
	v2 =	vld [tilespmem:s4+$0x4040]  }
0x60e: {  	[tilespmem:s4+$0x1C020] =	vst v3;
	v3 =	vadd.f32 v5, v1;
	v5 =	vld [tilespmem:s4+$0x16040]  }
0x60f: {  	v6 =	vadd.f32 v8, v1;
	v8 =	vld [tilespmem:s4+$0x18040]  }
0x610: {  	[tilespmem:s4+$0x16030] =	vst v3;
	v3 =	vadd.f32 v7, v1;
	v7 =	vld [tilespmem:s4+$0x1A040]  }
0x611: {  	[tilespmem:s4+$0x18030] =	vst v6;
	v1 =	vadd.f32 v4, v1;
	v4 =	vld [tilespmem:s4+$0x1C040]  }
0x612: {  	[tilespmem:s4+$0x1A030] =	vst v3;
	v3 =	vld [tilespmem:s4+$0x4050]  }
0x613: {  	[tilespmem:s4+$0x1C030] =	vst v1;
	v1 =	vadd.f32 v5, v2;
	v5 =	vld [tilespmem:s4+$0x16050]  }
0x614: {  	v6 =	vadd.f32 v8, v2;
	v8 =	vld [tilespmem:s4+$0x18050]  }
0x615: {  	[tilespmem:s4+$0x16040] =	vst v1;
	v1 =	vadd.f32 v7, v2;
	v7 =	vld [tilespmem:s4+$0x1A050]  }
0x616: {  	[tilespmem:s4+$0x18040] =	vst v6;
	v2 =	vadd.f32 v4, v2;
	v4 =	vld [tilespmem:s4+$0x1C050]  }
0x617: {  	[tilespmem:s4+$0x1A040] =	vst v1;
	v1 =	vld [tilespmem:s4+$0x4060]  }
.Ltmp14:
0x618: {  	[tilespmem:s4+$0x1C040] =	vst v2;
	v2 =	vadd.f32 v5, v3;
	v6 =	vld [tilespmem:s4+$0x16060];
	(pc) =	sbr.rel @p0 .LBB2_30-.Ltmp14, $4  }
0x619: {  	v8 =	vadd.f32 v8, v3;
	v5 =	vld [tilespmem:s4+$0x18060]  }
0x61a: {  	[tilespmem:s4+$0x16050] =	vst v2;
	v9 =	vadd.f32 v7, v3;
	v2 =	vld [tilespmem:s4+$0x1A060]  }
0x61b: {  	[tilespmem:s4+$0x18050] =	vst v8;
	v7 =	vadd.f32 v4, v3;
	v3 =	vld [tilespmem:s4+$0x1C060]  }
0x61c: {  	s6 =	sadd.s32 $0x10, s6;
	s7 =	sadd.s32 $0x400, s7;
	[tilespmem:s4+$0x1A050] =	vst v9;
	v4 =	vld [tilespmem:s4+$0x16070]  }
0x61d: {  	v6 =	vadd.f32 v6, v1;
	v8 =	vld [tilespmem:s4+$0x18070]  }
0x61e: {  	[tilespmem:s4+$0x1C050] =	vst v7;
	v7 =	vld [tilespmem:s4+$0x1A070];
	v5 =	vadd.f32 v5, v1  }
0x61f: {  	[tilespmem:s4+$0x16060] =	vst v6;
	v2 =	vadd.f32 v2, v1  }
0x620: {  	[tilespmem:s4+$0x18060] =	vst v5;
	v1 =	vadd.f32 v3, v1  }
0x621: {  	[tilespmem:s4+$0x1A060] =	vst v2;
	v2 =	vadd.f32 v4, v0  }
0x622: {  	[tilespmem:s4+$0x1C060] =	vst v1;
	v1 =	vadd.f32 v8, v0  }
0x623: {  	v0 =	vadd.f32 v7, v0;
	[tilespmem:s4+$0x16070] =	vst v2  }
0x624: {  	[tilespmem:s4+$0x18070] =	vst v1  }
0x625: {  	[tilespmem:s4+$0x1A070] =	vst v0  }
0x626: {  	[hbm4b:s18+s21] =	stream.strided.scatter [tilespmem:s28], [sflag:$0x6], $0x8000, s22, s21, $0x38;
	[tilespmem:$0x1E000] =	vst v63  }
0x627: {  	_ =	swait.ge [sflag:s25], $0x2000  }
0x628: {  	[sflag:s25] =	ssyncset.done $0x0  }
0x629: {  	s5 =	simm.s32 $0x0;
	[sflag:s25] =	ssyncadd.s32 $0xFFFFE000  }
0x62a: {  	s10 =	sand.u32 $0x1C00, s5;
	_ =	swait.ge [sflag:s25], $0x8000  }
0x62b: {  	s6 =	sor.u32 s10, s5;
	[sflag:s25] =	ssyncset.done $0x0  }
0x62c: {  	s6 =	sor.u32 $0x70, s6;
	[sflag:s25] =	ssyncadd.s32 $0xFFFF8000  }
0x62d: {  	v0 =	vld [tilespmem:s6+$0x0]  }
0x62e: {  	v1 =	vld [tilespmem:s6+$0x6000];
	_ =	sdelay $0x1  }
0x62f: {  	s7 =	sand.u32 $0x380, s5  }
0x630: {  	s4 =	sor.u32 s7, s10  }
0x631: {  	v4 =	vld [tilespmem:s4+$0x0]  }
0x632: {  	v5 =	vld [tilespmem:s4+$0x6000];
	v1 =	vadd.f32 v1, v0  }
0x633: {  	v6 =	vld [tilespmem:s4+$0x8000]  }
0x634: {  	v7 =	vld [tilespmem:s4+$0xA000];
	[tilespmem:s6+$0x6000] =	vst v1  }
0x635: {  	v1 =	vld [tilespmem:s4+$0xC070]  }
0x636: {  	v2 =	vld [tilespmem:s4+$0x8070]  }
0x637: {  	v3 =	vld [tilespmem:s4+$0xA070]  }
0x638: {  	v8 =	vld [tilespmem:s4+$0xC000]  }
0x639: {  	v9 =	vld [tilespmem:s4+$0x10]  }
0x63a: {  	v10 =	vld [tilespmem:s4+$0x6010];
	v1 =	vadd.f32 v1, v0  }
0x63b: {  	v11 =	vld [tilespmem:s4+$0x8010];
	v2 =	vadd.f32 v2, v0  }
0x63c: {  	v63 =	vld [tilespmem:s4+$0x30];
	v0 =	vadd.f32 v3, v0;
	[tilespmem:s4+$0xC070] =	vst v1  }
0x63d: {  	v3 =	vld [tilespmem:s4+$0xC010];
	[tilespmem:s4+$0x8070] =	vst v2;
	v2 =	vadd.f32 v5, v4  }
0x63e: {  	v1 =	vld [tilespmem:s4+$0xA010];
	[tilespmem:s4+$0xA070] =	vst v0;
	v0 =	vadd.f32 v6, v4  }
0x63f: {  	v5 =	vld [tilespmem:s4+$0x20];
	[tilespmem:s4+$0x6000] =	vst v2;
	v2 =	vadd.f32 v7, v4  }
0x640: {  	v6 =	vld [tilespmem:s4+$0x6020];
	[tilespmem:s4+$0x8000] =	vst v0;
	v0 =	vadd.f32 v8, v4  }
0x641: {  	v4 =	vld [tilespmem:s4+$0x8020];
	[tilespmem:s4+$0xA000] =	vst v2;
	v2 =	vadd.f32 v10, v9  }
0x642: {  	v7 =	vld [tilespmem:s4+$0xA020];
	[tilespmem:s4+$0xC000] =	vst v0;
	v0 =	vadd.f32 v11, v9  }
0x643: {  	v8 =	vld [tilespmem:s4+$0xC020];
	v1 =	vadd.f32 v1, v9;
	[tilespmem:s4+$0x6010] =	vst v2  }
0x644: {  	[tilespmem:s4+$0x8010] =	vst v0;
	v0 =	vadd.f32 v3, v9;
	v2 =	vld [tilespmem:s4+$0x6030]  }
0x645: {  	v3 =	vld [tilespmem:s4+$0x8030];
	[tilespmem:s4+$0xA010] =	vst v1;
	v1 =	vadd.f32 v6, v5  }
0x646: {  	v6 =	vld [tilespmem:s4+$0xA030];
	[tilespmem:s4+$0xC010] =	vst v0;
	v0 =	vadd.f32 v4, v5  }
0x647: {  	[tilespmem:s4+$0x6020] =	vst v1;
	v1 =	vadd.f32 v7, v5;
	v7 =	vld [tilespmem:s4+$0xC030]  }
0x648: {  	v4 =	vld [tilespmem:s4+$0x6040];
	v5 =	vadd.f32 v8, v5;
	[tilespmem:s4+$0x8020] =	vst v0  }
0x649: {  	v0 =	vld [tilespmem:s4+$0x40];
	[tilespmem:s4+$0xA020] =	vst v1;
	v1 =	vadd.f32 v2, v63  }
0x64a: {  	[tilespmem:s4+$0xC020] =	vst v5;
	v3 =	vadd.f32 v3, v63;
	v2 =	vld [tilespmem:s4+$0x8040]  }
0x64b: {  	v6 =	vadd.f32 v6, v63;
	[tilespmem:s4+$0x6030] =	vst v1;
	v1 =	vld [tilespmem:s4+$0xA040]  }
0x64c: {  	s7 =	simm.s32 $0x400;
	s6 =	simm.s32 $0x0;
	[tilespmem:s4+$0x8030] =	vst v3;
	v3 =	vld [tilespmem:s4+$0xC040];
	v5 =	vadd.f32 v7, v63  }
.LBB2_32:
0x64d: {  	s8 =	sand.u32 $0x1C00, s7;
	[tilespmem:s4+$0xA030] =	vst v6;
	v6 =	vld [tilespmem:s4+$0x50];
	s5 =	sadd.s32 $0x10, s5  }
0x64e: {  	s6 =	sadd.s32 $0x8, s6;
	s9 =	sor.u32 s8, s5;
	[tilespmem:s4+$0xC030] =	vst v5;
	v4 =	vadd.f32 v4, v0;
	v5 =	vld [tilespmem:s4+$0x6050]  }
0x64f: {  	p0 =	slt.u32 s6, $0x1F8;
	s9 =	sor.u32 $0x70, s9;
	v2 =	vadd.f32 v2, v0;
	v7 =	vld [tilespmem:s4+$0x8050]  }
0x650: {  	v8 =	vld [tilespmem:s9+$0x0];
	[tilespmem:s4+$0x6040] =	vst v4;
	v1 =	vadd.f32 v1, v0  }
0x651: {  	v4 =	vld [tilespmem:s9+$0x6000];
	[tilespmem:s4+$0x8040] =	vst v2;
	v0 =	vadd.f32 v3, v0  }
0x652: {  	[tilespmem:s4+$0xA040] =	vst v1;
	v1 =	vld [tilespmem:s4+$0xA050]  }
0x653: {  	[tilespmem:s4+$0xC040] =	vst v0;
	v0 =	vadd.f32 v5, v6;
	v2 =	vld [tilespmem:s4+$0xC050]  }
0x654: {  	v3 =	vadd.f32 v7, v6;
	v5 =	vld [tilespmem:s4+$0x60]  }
0x655: {  	[tilespmem:s4+$0x6050] =	vst v0;
	v0 =	vld [tilespmem:s4+$0x6060]  }
0x656: {  	v4 =	vadd.f32 v4, v8;
	[tilespmem:s4+$0x8050] =	vst v3;
	v3 =	vld [tilespmem:s4+$0x8060]  }
0x657: {  	s10 =	sand.u32 $0x380, s5;
	v1 =	vadd.f32 v1, v6;
	v7 =	vld [tilespmem:s4+$0xA060]  }
0x658: {  	s8 =	sor.u32 s10, s8;
	[tilespmem:s9+$0x6000] =	vst v4;
	v2 =	vadd.f32 v2, v6;
	v4 =	vld [tilespmem:s4+$0xC060]  }
0x659: {  	v6 =	vld [tilespmem:s8+$0xC070];
	[tilespmem:s4+$0xA050] =	vst v1  }
0x65a: {  	v1 =	vld [tilespmem:s8+$0x8070];
	[tilespmem:s4+$0xC050] =	vst v2;
	v0 =	vadd.f32 v0, v5  }
0x65b: {  	v2 =	vld [tilespmem:s8+$0xA070];
	v3 =	vadd.f32 v3, v5  }
0x65c: {  	v9 =	vld [tilespmem:s8+$0x0];
	[tilespmem:s4+$0x6060] =	vst v0;
	v0 =	vadd.f32 v7, v5  }
0x65d: {  	v7 =	vld [tilespmem:s8+$0x6000];
	[tilespmem:s4+$0x8060] =	vst v3;
	v3 =	vadd.f32 v4, v5  }
0x65e: {  	v4 =	vld [tilespmem:s8+$0x8000];
	v5 =	vadd.f32 v6, v8;
	[tilespmem:s4+$0xA060] =	vst v0  }
0x65f: {  	v0 =	vld [tilespmem:s8+$0xA000];
	v1 =	vadd.f32 v1, v8;
	[tilespmem:s4+$0xC060] =	vst v3;
	s4 =	smov.u32 s8  }
0x660: {  	v3 =	vld [tilespmem:s4+$0xC000];
	v2 =	vadd.f32 v2, v8;
	[tilespmem:s4+$0xC070] =	vst v5  }
0x661: {  	v5 =	vld [tilespmem:s4+$0x10];
	[tilespmem:s4+$0x8070] =	vst v1  }
0x662: {  	v1 =	vadd.f32 v7, v9;
	v6 =	vld [tilespmem:s4+$0x6010];
	[tilespmem:s4+$0xA070] =	vst v2  }
0x663: {  	v2 =	vadd.f32 v4, v9;
	v4 =	vld [tilespmem:s4+$0x8010]  }
0x664: {  	[tilespmem:s4+$0x6000] =	vst v1;
	v0 =	vadd.f32 v0, v9;
	v1 =	vld [tilespmem:s4+$0xA010]  }
0x665: {  	[tilespmem:s4+$0x8000] =	vst v2;
	v2 =	vadd.f32 v3, v9;
	v3 =	vld [tilespmem:s4+$0xC010]  }
0x666: {  	[tilespmem:s4+$0xA000] =	vst v0;
	v0 =	vld [tilespmem:s4+$0x20]  }
0x667: {  	[tilespmem:s4+$0xC000] =	vst v2;
	v2 =	vadd.f32 v6, v5;
	v6 =	vld [tilespmem:s4+$0x6020]  }
0x668: {  	v4 =	vadd.f32 v4, v5;
	v7 =	vld [tilespmem:s4+$0x8020]  }
0x669: {  	[tilespmem:s4+$0x6010] =	vst v2;
	v1 =	vadd.f32 v1, v5;
	v2 =	vld [tilespmem:s4+$0xA020]  }
0x66a: {  	[tilespmem:s4+$0x8010] =	vst v4;
	v3 =	vadd.f32 v3, v5;
	v4 =	vld [tilespmem:s4+$0xC020]  }
0x66b: {  	[tilespmem:s4+$0xA010] =	vst v1;
	v5 =	vld [tilespmem:s4+$0x30]  }
0x66c: {  	[tilespmem:s4+$0xC010] =	vst v3;
	v1 =	vadd.f32 v6, v0;
	v3 =	vld [tilespmem:s4+$0x6030]  }
0x66d: {  	v6 =	vadd.f32 v7, v0;
	v7 =	vld [tilespmem:s4+$0x8030]  }
0x66e: {  	[tilespmem:s4+$0x6020] =	vst v1;
	v1 =	vadd.f32 v2, v0;
	v8 =	vld [tilespmem:s4+$0xA030]  }
0x66f: {  	[tilespmem:s4+$0x8020] =	vst v6;
	v2 =	vadd.f32 v4, v0;
	v9 =	vld [tilespmem:s4+$0xC030]  }
.Ltmp15:
0x670: {  	[tilespmem:s4+$0xA020] =	vst v1;
	v0 =	vld [tilespmem:s4+$0x40];
	(pc) =	sbr.rel @p0 .LBB2_32-.Ltmp15, $4  }
0x671: {  	[tilespmem:s4+$0xC020] =	vst v2;
	v1 =	vadd.f32 v3, v5;
	v4 =	vld [tilespmem:s4+$0x6040]  }
0x672: {  	v3 =	vadd.f32 v7, v5;
	v2 =	vld [tilespmem:s4+$0x8040]  }
0x673: {  	[tilespmem:s4+$0x6030] =	vst v1;
	v6 =	vadd.f32 v8, v5;
	v1 =	vld [tilespmem:s4+$0xA040]  }
0x674: {  	s7 =	sadd.s32 $0x400, s7;
	[tilespmem:s4+$0x8030] =	vst v3;
	v5 =	vadd.f32 v9, v5;
	v3 =	vld [tilespmem:s4+$0xC040]  }
0x675: {  	v7 =	vld [tilespmem:s4+$0x50]  }
0x676: {  	v8 =	vld [tilespmem:s4+$0x6050]  }
0x677: {  	v9 =	vld [tilespmem:s4+$0x8050]  }
0x678: {  	[tilespmem:s4+$0xA030] =	vst v6;
	v48 =	vld [tilespmem:s4+$0xA050];
	v4 =	vadd.f32 v4, v0  }
0x679: {  	v49 =	vld [tilespmem:s4+$0xC050];
	[tilespmem:s4+$0xC030] =	vst v5;
	v2 =	vadd.f32 v2, v0  }
0x67a: {  	v50 =	vld [tilespmem:s4+$0x60];
	[tilespmem:s4+$0x6040] =	vst v4;
	v1 =	vadd.f32 v1, v0  }
0x67b: {  	v52 =	vld [tilespmem:s4+$0x6060];
	[tilespmem:s4+$0x8040] =	vst v2;
	v51 =	vadd.f32 v3, v0  }
0x67c: {  	v54 =	vld [tilespmem:s4+$0x8060];
	[tilespmem:s4+$0xA040] =	vst v1;
	v53 =	vadd.f32 v8, v7  }
0x67d: {  	v56 =	vld [tilespmem:s4+$0xA060];
	v55 =	vadd.f32 v9, v7;
	[tilespmem:s4+$0xC040] =	vst v51  }
0x67e: {  	v58 =	vld [tilespmem:s4+$0xC060];
	v57 =	vadd.f32 v48, v7;
	[tilespmem:s4+$0x6050] =	vst v53  }
0x67f: {  	v59 =	vadd.f32 v49, v7;
	[tilespmem:s4+$0x8050] =	vst v55  }
0x680: {  	v60 =	vadd.f32 v52, v50;
	[tilespmem:s4+$0xA050] =	vst v57  }
0x681: {  	v61 =	vadd.f32 v54, v50;
	[tilespmem:s4+$0xC050] =	vst v59  }
0x682: {  	v62 =	vadd.f32 v56, v50;
	[tilespmem:s4+$0x6060] =	vst v60  }
0x683: {  	v63 =	vadd.f32 v58, v50;
	[tilespmem:s4+$0x8060] =	vst v61  }
0x684: {  	[tilespmem:s4+$0xA060] =	vst v62  }
0x685: {  	[tilespmem:s4+$0xC060] =	vst v63  }
0x686: {  	[hbm4b:s19+s21] =	stream.strided.scatter [tilespmem:s23], [sflag:$0x4], $0x8000, s22, s21, $0x38;
	[tilespmem:$0x1E000] =	vst v63  }
0x687: {  	_ =	swait.ge [sflag:s0], $0x8000  }
0x688: {  	[sflag:s0] =	ssyncset.done $0x0  }
0x689: {  	s3 =	sadd.s32 $0x1, s3;
	[sflag:s0] =	ssyncadd.s32 $0xFFFF8000  }
0x68a: {  	p0 =	sne.s32 s3, s20;
	_ =	swait.ge [sflag:s2], $0x8000  }
.Ltmp16:
0x68b: {  	[sflag:s2] =	ssyncset.done $0x0;
	(pc) =	sbr.rel @p0 .LBB2_1-.Ltmp16, $4  }
0x68c: {  	[sflag:s2] =	ssyncadd.s32 $0xFFFF8000  }
0x68d: {  	_ =	swait.ge [sflag:s30], $0x8000  }
0x68e: {  	[sflag:s30] =	ssyncset.done $0x0  }
0x68f: {  	[sflag:s30] =	ssyncadd.s32 $0xFFFF8000  }
0x690: {  	_ =	sfence.sel $0x180000  }
0x691: {  	[bflag:$0x0] =	sbarrier.arrive $0xFFFF  }
0x692: {  	_ =	strace $0x90000047  }
0x693: {  	s0 =	stileid.u32;
	[bflag:$0x2] =	sbarrier.arrive $0xFFFF  }
0x694: {  	p0 =	sne.s32 s0, $0x0;
	s0 =	rddreg [dreg:$0x3]  }
0x695: {  	s0 =	sadd.s32 @!p0 $0x100000, s0  }
0x696: {  	[sflag:s0] =	ssyncadd.tile.s32 @!p0 $0x1;
	_ =	shalt  }
.Lfunc_end2:
_tile_overlayer_lowered:
.L_overlay_start_2:
0x697: {  	(tag) =	ssettag $0x2  }
0x698: {  	s0 =	rddreg [dreg:$0x0];
	s2 =	stileid.u32  }
0x699: {  	s1 =	rddreg [dreg:$0x1];
	p0 =	sne.s32 s2, $0x0  }
0x69a: {  	s3 =	rddreg [dreg:$0x2];
	[bflag:$0x3] =	sbarrier.arrive $0xFFFF;
	s2 =	simm.s32 @!p0 $0x1C07  }
0x69b: {  	[timem:s3], [sflag:s2] =	dma.local @!p0 [hbm:s0], s1  }
0x69c: {  	s0 =	simm.s32 @!p0 $0x7  }
0x69d: {  	_ =	swait.ge @!p0 [sflag:s0], s1  }
0x69e: {  	s1 =	ssub.s32 @!p0 $0x0, s1;
	[sflag:s0] =	ssyncset.done @!p0 $0x0  }
0x69f: {  	[sflag:s0] =	ssyncadd.s32 @!p0 s1  }
0x6a0: {  	[bflag:$0x3] =	sbarrier.arrive $0xFFFF  }
0x6a1: {  	_ =	shalt  }

</sc_bundles>
